<compile_context>
chip_gen: v7x
topology: tpu7x:2x2x1
jax: 0.10.2.dev20260603
libtpu: 0.0.44.dev20260713+nightly
codegen_flags: <defaults>
</compile_context>

<pallas_src>
import functools

import jax
import jax.numpy as jnp
from jax import lax
from jax.experimental import pallas as pl
from jax.experimental.pallas import tpu as pltpu
from jax.experimental.pallas import tpu_sc as plsc

K = 10
N = 8192
C = 256
TN = 512
TN1 = 1024
TM = 512
SEG = 128
NSEG = N // SEG
SPB = TM // SEG

NC, NS = 2, 16
NW = NC * NS
IDXW3 = (N * K) // NW
CH3 = 128
IDXW5 = (N * K * 2) // NW
CH5 = 256


def _p1_kernel(x_ref, y_ref, sx_ref, sy_ref, s3_ref, flat_ref, g_ref):
    x = x_ref[...]
    y = y_ref[...]
    ab = lax.dot_general(x, y, (((1,), (1,)), ((), ())),
                         preferred_element_type=jnp.float32)
    sx = sx_ref[...]
    sy = sy_ref[...]
    sab = lax.dot_general(sx, sy, (((1,), (1,)), ((), ())),
                          preferred_element_type=jnp.float32)
    a2 = jnp.sum(x * x, axis=1, keepdims=True)
    b2 = jnp.sum(y * y, axis=1)[None, :]
    sa2 = jnp.sum(sx * sx, axis=1, keepdims=True)
    sb2 = jnp.sum(sy * sy, axis=1)[None, :]
    s = -((a2 + b2 - 2.0 * ab) + (sa2 + sb2 - 2.0 * sab))
    j = pl.program_id(1)
    for t in range(SPB):
        blk = s[:, t * SEG:(t + 1) * SEG]
        s3_ref[t] = blk
        g_ref[pl.ds(j, 1), :, t:t + 1] = jnp.max(blk, axis=1,
                                                 keepdims=True)[None]

    @pl.when(j == N // TM - 1)
    def _():
        g = jnp.concatenate([g_ref[jj] for jj in range(N // TM)],
                            axis=1)
        iota = lax.broadcasted_iota(jnp.int32, (TN1, NSEG), 1)
        rows = (pl.program_id(0) * TN1
                + lax.broadcasted_iota(jnp.int32, (TN1, 1), 0))
        for k in range(K):
            m = jnp.max(g, axis=1, keepdims=True)
            p = jnp.min(jnp.where(g == m, iota, NSEG), axis=1, keepdims=True)
            flat_ref[:, k:k + 1] = p * N + rows
            g = jnp.where(iota == p, -jnp.inf, g)


def _p3_body(tab_ref, idx_ref, perm_ref, out_ref, idx_v, *rest):
    nch = IDXW3 // CH3
    perm_vs = rest[:nch]
    buf0, buf1, sem0, sem1, sems0, sems1 = rest[nch:]
    wid = lax.axis_index("s") * NC + lax.axis_index("c")
    base = wid * IDXW3
    pltpu.sync_copy(idx_ref.at[pl.ds(base, IDXW3)], idx_v)
    for ci in range(nch):
        pltpu.sync_copy(perm_ref.at[wid, ci], perm_vs[ci])
    bufs = (buf0, buf1)
    sems = (sem0, sem1)
    ssems = (sems0, sems1)
    copies = [None] * nch
    scats = [None] * nch
    copies[0] = pltpu.async_copy(tab_ref.at[idx_v.at[pl.ds(0, CH3)]],
                                 buf0, sem0)
    for ci in range(nch):
        if ci + 1 < nch:
            if ci >= 1:
                scats[ci - 1].wait()
            copies[ci + 1] = pltpu.async_copy(
                tab_ref.at[idx_v.at[pl.ds((ci + 1) * CH3, CH3)]],
                bufs[(ci + 1) % 2], sems[(ci + 1) % 2])
        copies[ci].wait()
        scats[ci] = pltpu.async_copy(bufs[ci % 2],
                                     out_ref.at[perm_vs[ci]],
                                     ssems[ci % 2])
    scats[nch - 2].wait()
    scats[nch - 1].wait()


def _p3(tab, idx, perm):
    nch = IDXW3 // CH3
    return pl.kernel(
        _p3_body,
        out_type=jax.ShapeDtypeStruct((N * K, SEG), jnp.float32),
        mesh=plsc.VectorSubcoreMesh(core_axis_name="c", subcore_axis_name="s"),
        scratch_types=(
            [pltpu.VMEM((IDXW3,), jnp.int32)]
            + [pltpu.VMEM((CH3,), jnp.int32) for _ in range(nch)]
            + [
                pltpu.VMEM((CH3, SEG), jnp.float32),
                pltpu.VMEM((CH3, SEG), jnp.float32),
                pltpu.SemaphoreType.DMA,
                pltpu.SemaphoreType.DMA,
                pltpu.SemaphoreType.DMA,
                pltpu.SemaphoreType.DMA,
            ]
        ),
    )(tab, idx, perm)


def _p4_kernel(c_ref, flat_ref, score_ref, idx_ref, idx2_ref):
    flat = flat_ref[...]
    segs = flat // N
    iota_k = lax.broadcasted_iota(jnp.int32, (TN, K), 1)
    W = K * SEG
    cw = jnp.concatenate(
        [c_ref[:, 8 * t:8 * (t + 1), :].reshape(TN, SEG) for t in range(K)],
        axis=1)
    iota_w = lax.broadcasted_iota(jnp.int32, (TN, W), 1)
    for k in range(K):
        m = jnp.max(cw, axis=1, keepdims=True)
        pos = jnp.min(jnp.where(cw == m, iota_w, W), axis=1, keepdims=True)
        tstar = pos // SEG
        offstar = pos % SEG
        segstar = jnp.sum(jnp.where(iota_k == tstar, segs, 0), axis=1,
                          keepdims=True)
        gid = segstar * SEG + offstar
        score_ref[:, k:k + 1] = m
        idx_ref[:, k:k + 1] = gid
        idx2_ref[:, 2 * k:2 * k + 1] = gid
        idx2_ref[:, 2 * k + 1:2 * k + 2] = gid + N
        cw = jnp.where(iota_w == pos, -jnp.inf, cw)


def _p5_body(y_ref, idx_ref, out_ref, idx_v, buf0, buf1, sem0, sem1):
    wid = lax.axis_index("s") * NC + lax.axis_index("c")
    base = wid * IDXW5
    pltpu.sync_copy(idx_ref.at[pl.ds(base, IDXW5)], idx_v)
    bufs = (buf0, buf1)
    sems = (sem0, sem1)
    nch = IDXW5 // CH5
    copies = [None] * nch
    copies[0] = pltpu.async_copy(y_ref.at[idx_v.at[pl.ds(0, CH5)]],
                                 buf0, sem0)
    for ci in range(nch):
        if ci + 1 < nch:
            copies[ci + 1] = pltpu.async_copy(
                y_ref.at[idx_v.at[pl.ds((ci + 1) * CH5, CH5)]],
                bufs[(ci + 1) % 2], sems[(ci + 1) % 2])
        copies[ci].wait()
        pltpu.sync_copy(bufs[ci % 2], out_ref.at[pl.ds(base + ci * CH5, CH5)])


def _p5(y_lin, idx2):
    return pl.kernel(
        _p5_body,
        out_type=jax.ShapeDtypeStruct((N * K * 2, 128), jnp.float32),
        mesh=plsc.VectorSubcoreMesh(core_axis_name="c", subcore_axis_name="s"),
        scratch_types=[
            pltpu.VMEM((IDXW5,), jnp.int32),
            pltpu.VMEM((CH5, 128), jnp.float32),
            pltpu.VMEM((CH5, 128), jnp.float32),
            pltpu.SemaphoreType.DMA,
            pltpu.SemaphoreType.DMA,
        ],
    )(y_lin, idx2)


def _ylin_kernel(y_ref, o_ref):
    o_ref[0] = y_ref[:, :128]
    o_ref[1] = y_ref[:, 128:]


TR = 64


def _diff_kernel(g_ref, x_ref, o_ref):
    xs = x_ref[...]
    for t in range(K):
        o_ref[:, t, :128] = g_ref[:, t, 0, :] - xs[:, :128]
        o_ref[:, t, 128:] = g_ref[:, t, 1, :] - xs[:, 128:]


def kernel(x, y, spatial):
    x2 = x[0]
    y2 = y[0]
    sp = spatial[0]
    spad = jnp.pad(sp, ((0, 0), (0, 6)))

    s3, flat = pl.pallas_call(
        _p1_kernel,
        grid=(N // TN1, N // TM),
        in_specs=[
            pl.BlockSpec((TN1, C), lambda i, j: (i, 0)),
            pl.BlockSpec((TM, C), lambda i, j: (j, 0)),
            pl.BlockSpec((TN1, 8), lambda i, j: (i, 0)),
            pl.BlockSpec((TM, 8), lambda i, j: (j, 0)),
        ],
        out_specs=[
            pl.BlockSpec((SPB, TN1, SEG), lambda i, j: (j, i, 0)),
            pl.BlockSpec((TN1, K), lambda i, j: (i, 0)),
        ],
        out_shape=[
            jax.ShapeDtypeStruct((NSEG, N, SEG), jnp.float32),
            jax.ShapeDtypeStruct((N, K), jnp.int32),
        ],
        scratch_shapes=[pltpu.VMEM((N // TM, TN1, SPB), jnp.float32)],
    )(x2, y2, spad, spad)

    m = jnp.arange(N * K, dtype=jnp.int32)
    r = m // K
    t = m % K
    perm = ((r // 8) * (8 * K) + t * 8 + (r % 8)).reshape(
        NW, IDXW3 // CH3, CH3)
    cand = _p3(s3.reshape(NSEG * N, SEG), flat.reshape(N * K), perm)

    score_k, idx_k, idx2 = pl.pallas_call(
        _p4_kernel,
        grid=(N // TN,),
        in_specs=[
            pl.BlockSpec((TN // 8, 8 * K, SEG), lambda i: (i, 0, 0)),
            pl.BlockSpec((TN, K), lambda i: (i, 0)),
        ],
        out_specs=[
            pl.BlockSpec((TN, K), lambda i: (i, 0)),
            pl.BlockSpec((TN, K), lambda i: (i, 0)),
            pl.BlockSpec((TN, 2 * K), lambda i: (i, 0)),
        ],
        out_shape=[
            jax.ShapeDtypeStruct((N, K), jnp.float32),
            jax.ShapeDtypeStruct((N, K), jnp.int32),
            jax.ShapeDtypeStruct((N, 2 * K), jnp.int32),
        ],
    )(cand.reshape(N // 8, 8 * K, SEG), flat)

    y_lin3 = pl.pallas_call(
        _ylin_kernel,
        grid=(N // TM,),
        in_specs=[pl.BlockSpec((TM, C), lambda i: (i, 0))],
        out_specs=pl.BlockSpec((2, TM, 128), lambda i: (0, i, 0)),
        out_shape=jax.ShapeDtypeStruct((2, N, 128), jnp.float32),
    )(y2)
    gathered = _p5(y_lin3.reshape(N * 2, 128), idx2.reshape(N * K * 2))
    g4 = gathered.reshape(N, K, 2, 128)

    diff_patch = pl.pallas_call(
        _diff_kernel,
        grid=(N // TR,),
        in_specs=[
            pl.BlockSpec((TR, K, 2, 128), lambda i: (i, 0, 0, 0)),
            pl.BlockSpec((TR, C), lambda i: (i, 0)),
        ],
        out_specs=pl.BlockSpec((TR, K, C), lambda i: (i, 0, 0)),
        out_shape=jax.ShapeDtypeStruct((N, K, C), jnp.float32),
    )(g4, x2)

    return score_k[None], idx_k[None], diff_patch[None]

# --- scband reference (transcript-rebuilt; emitter-appended) ---
"""Pipeline reference for scband-graph-spatial-77927886618862 (READ-ONLY COPY).

The authoritative reference and input builder live on the scoring server;
editing this copy changes nothing except your own understanding.
"""

import jax, jax.numpy as jnp
import numpy as np

K_NEIGHBORS = 10
SPATIAL_WEIGHT = 1.0


def _pairwise_sq_dist(a, b):
    # a: [B, N, C], b: [B, M, C] -> [B, N, M]
    a2 = jnp.sum(a * a, axis=-1, keepdims=True)          # [B, N, 1]
    b2 = jnp.sum(b * b, axis=-1)[:, None, :]             # [B, 1, M]
    ab = jnp.einsum('bnc,bmc->bnm', a, b)                # [B, N, M]
    return a2 + b2 - 2.0 * ab


def setup_inputs(seed: int = 0) -> dict:
    key = jax.random.key(seed)
    k1, k2, k3 = jax.random.split(key, 3)
    x = jax.random.normal(k1, (1, 8192, 256), dtype=jnp.float32)
    y = jax.random.normal(k2, (1, 8192, 256), dtype=jnp.float32)
    spatial = jax.random.uniform(k3, (1, 8192, 2), dtype=jnp.float32)
    return {"x": x, "y": y, "spatial": spatial}


def reference(x, y, spatial):
    # Graph construction over spatial data: match each query feature x_i against
    # all key features y_j, with an additive spatial-proximity term, then take
    # the k nearest neighbors (score_k = negative squared distance), their
    # indices (idx_k), and the gathered patch differences (diff_patch).
    d_feat = _pairwise_sq_dist(x, y)                      # [B, N, M]
    d_sp = _pairwise_sq_dist(spatial, spatial)            # [B, N, M]
    d = d_feat + SPATIAL_WEIGHT * d_sp
    score_k, idx_k = jax.lax.top_k(-d, K_NEIGHBORS)       # [B, N, k]
    # gather neighbor features: [B, N, k, C]
    gathered = jax.vmap(lambda yy, ii: yy[ii])(y, idx_k)
    diff_patch = gathered - x[:, :, None, :]
    return score_k, idx_k, diff_patch

if __name__ == "__main__":
    import jax
    _d = setup_inputs()
    print(jax.jit(kernel)(*tuple(_d.values())))

</pallas_src>

<mosaic_0001>
#map = affine_map<(d0, d1) -> (0, 0)>
#map1 = affine_map<(d0, d1) -> (0)>
#map2 = affine_map<(d0, d1) -> (0, 0, 0)>
module attributes {stable_mosaic.version = 14 : i64} {
  func.func @_p3_body(%arg0: i32, %arg1: i32, %arg2: memref<524288x128xf32, #tpu.memory_space<hbm>>, %arg3: memref<81920xi32, #tpu.memory_space<hbm>>, %arg4: memref<32x20x128xi32, #tpu.memory_space<hbm>>, %arg5: memref<81920x128xf32, #tpu.memory_space<hbm>>, %arg6: memref<2560xi32, #tpu.memory_space<vmem>>, %arg7: memref<128xi32, #tpu.memory_space<vmem>>, %arg8: memref<128xi32, #tpu.memory_space<vmem>>, %arg9: memref<128xi32, #tpu.memory_space<vmem>>, %arg10: memref<128xi32, #tpu.memory_space<vmem>>, %arg11: memref<128xi32, #tpu.memory_space<vmem>>, %arg12: memref<128xi32, #tpu.memory_space<vmem>>, %arg13: memref<128xi32, #tpu.memory_space<vmem>>, %arg14: memref<128xi32, #tpu.memory_space<vmem>>, %arg15: memref<128xi32, #tpu.memory_space<vmem>>, %arg16: memref<128xi32, #tpu.memory_space<vmem>>, %arg17: memref<128xi32, #tpu.memory_space<vmem>>, %arg18: memref<128xi32, #tpu.memory_space<vmem>>, %arg19: memref<128xi32, #tpu.memory_space<vmem>>, %arg20: memref<128xi32, #tpu.memory_space<vmem>>, %arg21: memref<128xi32, #tpu.memory_space<vmem>>, %arg22: memref<128xi32, #tpu.memory_space<vmem>>, %arg23: memref<128xi32, #tpu.memory_space<vmem>>, %arg24: memref<128xi32, #tpu.memory_space<vmem>>, %arg25: memref<128xi32, #tpu.memory_space<vmem>>, %arg26: memref<128xi32, #tpu.memory_space<vmem>>, %arg27: memref<128x128xf32, #tpu.memory_space<vmem>>, %arg28: memref<128x128xf32, #tpu.memory_space<vmem>>, %arg29: memref<!tpu.dma_semaphore, #tpu.memory_space<semaphore_mem>>, %arg30: memref<!tpu.dma_semaphore, #tpu.memory_space<semaphore_mem>>, %arg31: memref<!tpu.dma_semaphore, #tpu.memory_space<semaphore_mem>>, %arg32: memref<!tpu.dma_semaphore, #tpu.memory_space<semaphore_mem>>) attributes {dimension_semantics = [#tpu.dimension_semantics<core_parallel>, #tpu.dimension_semantics<subcore_parallel>], iteration_bounds = array<i64: 2, 16>, scalar_prefetch = 0 : i64, scratch_operands = 27 : i64, tpu.core_type = #tpu.core_type<sc_vector_subcore>, window_params = [{transform_indices = #map}, {transform_indices = #map1}, {transform_indices = #map2}, {transform_indices = #map}]} {
    %mul3A = arith.constant 2 : i32
    %mul3A_0 = arith.muli %arg1, %mul3A : i32
    %add3A = arith.addi %mul3A_0, %arg0 : i32
    %mul3A_1 = arith.constant 2560 : i32
    %mul3A_2 = arith.muli %add3A, %mul3A_1 : i32
    "tpu.region"() ({
      %run_scoped3A_340 = tpu.sem_alloc : memref<!tpu.dma_semaphore, #tpu.memory_space<semaphore_mem>>
      %dma_start3A_341 = tpu.memref_slice %arg3[%mul3A_2] : memref<81920xi32, #tpu.memory_space<hbm>> -> memref<2560xi32, #tpu.memory_space<hbm>>
      %dma_start3A_342 = tpu.memref_slice %arg3[%mul3A_2] : memref<81920xi32, #tpu.memory_space<hbm>> -> memref<2560xi32, #tpu.memory_space<hbm>>
      tpu.enqueue_dma source(%dma_start3A_342 : memref<2560xi32, #tpu.memory_space<hbm>>) target(%arg6 : memref<2560xi32, #tpu.memory_space<vmem>>) target_semaphore(%run_scoped3A_340 : memref<!tpu.dma_semaphore, #tpu.memory_space<semaphore_mem>>)
      %dma_wait3A_343 = tpu.memref_slice %arg3[%mul3A_2] : memref<81920xi32, #tpu.memory_space<hbm>> -> memref<2560xi32, #tpu.memory_space<hbm>>
      %dma_wait3A_344 = tpu.memref_slice %arg3[%mul3A_2] : memref<81920xi32, #tpu.memory_space<hbm>> -> memref<2560xi32, #tpu.memory_space<hbm>>
      tpu.wait_dma2 semaphore(%run_scoped3A_340 : memref<!tpu.dma_semaphore, #tpu.memory_space<semaphore_mem>>) src(%dma_wait3A_344 : memref<2560xi32, #tpu.memory_space<hbm>>) dst(%arg6 : memref<2560xi32, #tpu.memory_space<vmem>>)
      tpu.yield
    }) : () -> ()
    %run_scoped3A = arith.constant 0 : i32
    "tpu.region"() ({
      %run_scoped3A_340 = tpu.sem_alloc : memref<!tpu.dma_semaphore, #tpu.memory_space<semaphore_mem>>
      %dma_start3A_341 = arith.constant 0 : i32
      %dma_start3A_342 = tpu.memref_slice %arg4[%add3A, %run_scoped3A, %dma_start3A_341] : memref<32x20x128xi32, #tpu.memory_space<hbm>> -> memref<1x1x128xi32, #tpu.memory_space<hbm>>
      %dma_start3A_343 = tpu.memref_squeeze %dma_start3A_342 : memref<1x1x128xi32, #tpu.memory_space<hbm>> -> memref<128xi32, #tpu.memory_space<hbm>>
      %dma_start3A_344 = arith.constant 0 : i32
      %dma_start3A_345 = tpu.memref_slice %arg4[%add3A, %run_scoped3A, %dma_start3A_344] : memref<32x20x128xi32, #tpu.memory_space<hbm>> -> memref<1x1x128xi32, #tpu.memory_space<hbm>>
      %dma_start3A_346 = tpu.memref_squeeze %dma_start3A_345 : memref<1x1x128xi32, #tpu.memory_space<hbm>> -> memref<128xi32, #tpu.memory_space<hbm>>
      tpu.enqueue_dma source(%dma_start3A_346 : memref<128xi32, #tpu.memory_space<hbm>>) target(%arg7 : memref<128xi32, #tpu.memory_space<vmem>>) target_semaphore(%run_scoped3A_340 : memref<!tpu.dma_semaphore, #tpu.memory_space<semaphore_mem>>)
      %dma_wait3A_347 = arith.constant 0 : i32
      %dma_wait3A_348 = tpu.memref_slice %arg4[%add3A, %run_scoped3A, %dma_wait3A_347] : memref<32x20x128xi32, #tpu.memory_space<hbm>> -> memref<1x1x128xi32, #tpu.memory_space<hbm>>
      %dma_wait3A_349 = tpu.memref_squeeze %dma_wait3A_348 : memref<1x1x128xi32, #tpu.memory_space<hbm>> -> memref<128xi32, #tpu.memory_space<hbm>>
      %dma_wait3A_350 = arith.constant 0 : i32
      %dma_wait3A_351 = tpu.memref_slice %arg4[%add3A, %run_scoped3A, %dma_wait3A_350] : memref<32x20x128xi32, #tpu.memory_space<hbm>> -> memref<1x1x128xi32, #tpu.memory_space<hbm>>
      %dma_wait3A_352 = tpu.memref_squeeze %dma_wait3A_351 : memref<1x1x128xi32, #tpu.memory_space<hbm>> -> memref<128xi32, #tpu.memory_space<hbm>>
      tpu.wait_dma2 semaphore(%run_scoped3A_340 : memref<!tpu.dma_semaphore, #tpu.memory_space<semaphore_mem>>) src(%dma_wait3A_352 : memref<128xi32, #tpu.memory_space<hbm>>) dst(%arg7 : memref<128xi32, #tpu.memory_space<vmem>>)
      tpu.yield
    }) : () -> ()
    %run_scoped3A_3 = arith.constant 1 : i32
    "tpu.region"() ({
      %run_scoped3A_340 = tpu.sem_alloc : memref<!tpu.dma_semaphore, #tpu.memory_space<semaphore_mem>>
      %dma_start3A_341 = arith.constant 0 : i32
      %dma_start3A_342 = tpu.memref_slice %arg4[%add3A, %run_scoped3A_3, %dma_start3A_341] : memref<32x20x128xi32, #tpu.memory_space<hbm>> -> memref<1x1x128xi32, #tpu.memory_space<hbm>>
      %dma_start3A_343 = tpu.memref_squeeze %dma_start3A_342 : memref<1x1x128xi32, #tpu.memory_space<hbm>> -> memref<128xi32, #tpu.memory_space<hbm>>
      %dma_start3A_344 = arith.constant 0 : i32
      %dma_start3A_345 = tpu.memref_slice %arg4[%add3A, %run_scoped3A_3, %dma_start3A_344] : memref<32x20x128xi32, #tpu.memory_space<hbm>> -> memref<1x1x128xi32, #tpu.memory_space<hbm>>
      %dma_start3A_346 = tpu.memref_squeeze %dma_start3A_345 : memref<1x1x128xi32, #tpu.memory_space<hbm>> -> memref<128xi32, #tpu.memory_space<hbm>>
      tpu.enqueue_dma source(%dma_start3A_346 : memref<128xi32, #tpu.memory_space<hbm>>) target(%arg8 : memref<128xi32, #tpu.memory_space<vmem>>) target_semaphore(%run_scoped3A_340 : memref<!tpu.dma_semaphore, #tpu.memory_space<semaphore_mem>>)
      %dma_wait3A_347 = arith.constant 0 : i32
      %dma_wait3A_348 = tpu.memref_slice %arg4[%add3A, %run_scoped3A_3, %dma_wait3A_347] : memref<32x20x128xi32, #tpu.memory_space<hbm>> -> memref<1x1x128xi32, #tpu.memory_space<hbm>>
      %dma_wait3A_349 = tpu.memref_squeeze %dma_wait3A_348 : memref<1x1x128xi32, #tpu.memory_space<hbm>> -> memref<128xi32, #tpu.memory_space<hbm>>
      %dma_wait3A_350 = arith.constant 0 : i32
      %dma_wait3A_351 = tpu.memref_slice %arg4[%add3A, %run_scoped3A_3, %dma_wait3A_350] : memref<32x20x128xi32, #tpu.memory_space<hbm>> -> memref<1x1x128xi32, #tpu.memory_space<hbm>>
      %dma_wait3A_352 = tpu.memref_squeeze %dma_wait3A_351 : memref<1x1x128xi32, #tpu.memory_space<hbm>> -> memref<128xi32, #tpu.memory_space<hbm>>
      tpu.wait_dma2 semaphore(%run_scoped3A_340 : memref<!tpu.dma_semaphore, #tpu.memory_space<semaphore_mem>>) src(%dma_wait3A_352 : memref<128xi32, #tpu.memory_space<hbm>>) dst(%arg8 : memref<128xi32, #tpu.memory_space<vmem>>)
      tpu.yield
    }) : () -> ()
    %run_scoped3A_4 = arith.constant 2 : i32
    "tpu.region"() ({
      %run_scoped3A_340 = tpu.sem_alloc : memref<!tpu.dma_semaphore, #tpu.memory_space<semaphore_mem>>
      %dma_start3A_341 = arith.constant 0 : i32
      %dma_start3A_342 = tpu.memref_slice %arg4[%add3A, %run_scoped3A_4, %dma_start3A_341] : memref<32x20x128xi32, #tpu.memory_space<hbm>> -> memref<1x1x128xi32, #tpu.memory_space<hbm>>
      %dma_start3A_343 = tpu.memref_squeeze %dma_start3A_342 : memref<1x1x128xi32, #tpu.memory_space<hbm>> -> memref<128xi32, #tpu.memory_space<hbm>>
      %dma_start3A_344 = arith.constant 0 : i32
      %dma_start3A_345 = tpu.memref_slice %arg4[%add3A, %run_scoped3A_4, %dma_start3A_344] : memref<32x20x128xi32, #tpu.memory_space<hbm>> -> memref<1x1x128xi32, #tpu.memory_space<hbm>>
      %dma_start3A_346 = tpu.memref_squeeze %dma_start3A_345 : memref<1x1x128xi32, #tpu.memory_space<hbm>> -> memref<128xi32, #tpu.memory_space<hbm>>
      tpu.enqueue_dma source(%dma_start3A_346 : memref<128xi32, #tpu.memory_space<hbm>>) target(%arg9 : memref<128xi32, #tpu.memory_space<vmem>>) target_semaphore(%run_scoped3A_340 : memref<!tpu.dma_semaphore, #tpu.memory_space<semaphore_mem>>)
      %dma_wait3A_347 = arith.constant 0 : i32
      %dma_wait3A_348 = tpu.memref_slice %arg4[%add3A, %run_scoped3A_4, %dma_wait3A_347] : memref<32x20x128xi32, #tpu.memory_space<hbm>> -> memref<1x1x128xi32, #tpu.memory_space<hbm>>
      %dma_wait3A_349 = tpu.memref_squeeze %dma_wait3A_348 : memref<1x1x128xi32, #tpu.memory_space<hbm>> -> memref<128xi32, #tpu.memory_space<hbm>>
      %dma_wait3A_350 = arith.constant 0 : i32
      %dma_wait3A_351 = tpu.memref_slice %arg4[%add3A, %run_scoped3A_4, %dma_wait3A_350] : memref<32x20x128xi32, #tpu.memory_space<hbm>> -> memref<1x1x128xi32, #tpu.memory_space<hbm>>
      %dma_wait3A_352 = tpu.memref_squeeze %dma_wait3A_351 : memref<1x1x128xi32, #tpu.memory_space<hbm>> -> memref<128xi32, #tpu.memory_space<hbm>>
      tpu.wait_dma2 semaphore(%run_scoped3A_340 : memref<!tpu.dma_semaphore, #tpu.memory_space<semaphore_mem>>) src(%dma_wait3A_352 : memref<128xi32, #tpu.memory_space<hbm>>) dst(%arg9 : memref<128xi32, #tpu.memory_space<vmem>>)
      tpu.yield
    }) : () -> ()
    %run_scoped3A_5 = arith.constant 3 : i32
    "tpu.region"() ({
      %run_scoped3A_340 = tpu.sem_alloc : memref<!tpu.dma_semaphore, #tpu.memory_space<semaphore_mem>>
      %dma_start3A_341 = arith.constant 0 : i32
      %dma_start3A_342 = tpu.memref_slice %arg4[%add3A, %run_scoped3A_5, %dma_start3A_341] : memref<32x20x128xi32, #tpu.memory_space<hbm>> -> memref<1x1x128xi32, #tpu.memory_space<hbm>>
      %dma_start3A_343 = tpu.memref_squeeze %dma_start3A_342 : memref<1x1x128xi32, #tpu.memory_space<hbm>> -> memref<128xi32, #tpu.memory_space<hbm>>
      %dma_start3A_344 = arith.constant 0 : i32
      %dma_start3A_345 = tpu.memref_slice %arg4[%add3A, %run_scoped3A_5, %dma_start3A_344] : memref<32x20x128xi32, #tpu.memory_space<hbm>> -> memref<1x1x128xi32, #tpu.memory_space<hbm>>
      %dma_start3A_346 = tpu.memref_squeeze %dma_start3A_345 : memref<1x1x128xi32, #tpu.memory_space<hbm>> -> memref<128xi32, #tpu.memory_space<hbm>>
      tpu.enqueue_dma source(%dma_start3A_346 : memref<128xi32, #tpu.memory_space<hbm>>) target(%arg10 : memref<128xi32, #tpu.memory_space<vmem>>) target_semaphore(%run_scoped3A_340 : memref<!tpu.dma_semaphore, #tpu.memory_space<semaphore_mem>>)
      %dma_wait3A_347 = arith.constant 0 : i32
      %dma_wait3A_348 = tpu.memref_slice %arg4[%add3A, %run_scoped3A_5, %dma_wait3A_347] : memref<32x20x128xi32, #tpu.memory_space<hbm>> -> memref<1x1x128xi32, #tpu.memory_space<hbm>>
      %dma_wait3A_349 = tpu.memref_squeeze %dma_wait3A_348 : memref<1x1x128xi32, #tpu.memory_space<hbm>> -> memref<128xi32, #tpu.memory_space<hbm>>
      %dma_wait3A_350 = arith.constant 0 : i32
      %dma_wait3A_351 = tpu.memref_slice %arg4[%add3A, %run_scoped3A_5, %dma_wait3A_350] : memref<32x20x128xi32, #tpu.memory_space<hbm>> -> memref<1x1x128xi32, #tpu.memory_space<hbm>>
      %dma_wait3A_352 = tpu.memref_squeeze %dma_wait3A_351 : memref<1x1x128xi32, #tpu.memory_space<hbm>> -> memref<128xi32, #tpu.memory_space<hbm>>
      tpu.wait_dma2 semaphore(%run_scoped3A_340 : memref<!tpu.dma_semaphore, #tpu.memory_space<semaphore_mem>>) src(%dma_wait3A_352 : memref<128xi32, #tpu.memory_space<hbm>>) dst(%arg10 : memref<128xi32, #tpu.memory_space<vmem>>)
      tpu.yield
    }) : () -> ()
    %run_scoped3A_6 = arith.constant 4 : i32
    "tpu.region"() ({
      %run_scoped3A_340 = tpu.sem_alloc : memref<!tpu.dma_semaphore, #tpu.memory_space<semaphore_mem>>
      %dma_start3A_341 = arith.constant 0 : i32
      %dma_start3A_342 = tpu.memref_slice %arg4[%add3A, %run_scoped3A_6, %dma_start3A_341] : memref<32x20x128xi32, #tpu.memory_space<hbm>> -> memref<1x1x128xi32, #tpu.memory_space<hbm>>
      %dma_start3A_343 = tpu.memref_squeeze %dma_start3A_342 : memref<1x1x128xi32, #tpu.memory_space<hbm>> -> memref<128xi32, #tpu.memory_space<hbm>>
      %dma_start3A_344 = arith.constant 0 : i32
      %dma_start3A_345 = tpu.memref_slice %arg4[%add3A, %run_scoped3A_6, %dma_start3A_344] : memref<32x20x128xi32, #tpu.memory_space<hbm>> -> memref<1x1x128xi32, #tpu.memory_space<hbm>>
      %dma_start3A_346 = tpu.memref_squeeze %dma_start3A_345 : memref<1x1x128xi32, #tpu.memory_space<hbm>> -> memref<128xi32, #tpu.memory_space<hbm>>
      tpu.enqueue_dma source(%dma_start3A_346 : memref<128xi32, #tpu.memory_space<hbm>>) target(%arg11 : memref<128xi32, #tpu.memory_space<vmem>>) target_semaphore(%run_scoped3A_340 : memref<!tpu.dma_semaphore, #tpu.memory_space<semaphore_mem>>)
      %dma_wait3A_347 = arith.constant 0 : i32
      %dma_wait3A_348 = tpu.memref_slice %arg4[%add3A, %run_scoped3A_6, %dma_wait3A_347] : memref<32x20x128xi32, #tpu.memory_space<hbm>> -> memref<1x1x128xi32, #tpu.memory_space<hbm>>
      %dma_wait3A_349 = tpu.memref_squeeze %dma_wait3A_348 : memref<1x1x128xi32, #tpu.memory_space<hbm>> -> memref<128xi32, #tpu.memory_space<hbm>>
      %dma_wait3A_350 = arith.constant 0 : i32
      %dma_wait3A_351 = tpu.memref_slice %arg4[%add3A, %run_scoped3A_6, %dma_wait3A_350] : memref<32x20x128xi32, #tpu.memory_space<hbm>> -> memref<1x1x128xi32, #tpu.memory_space<hbm>>
      %dma_wait3A_352 = tpu.memref_squeeze %dma_wait3A_351 : memref<1x1x128xi32, #tpu.memory_space<hbm>> -> memref<128xi32, #tpu.memory_space<hbm>>
      tpu.wait_dma2 semaphore(%run_scoped3A_340 : memref<!tpu.dma_semaphore, #tpu.memory_space<semaphore_mem>>) src(%dma_wait3A_352 : memref<128xi32, #tpu.memory_space<hbm>>) dst(%arg11 : memref<128xi32, #tpu.memory_space<vmem>>)
      tpu.yield
    }) : () -> ()
    %run_scoped3A_7 = arith.constant 5 : i32
    "tpu.region"() ({
      %run_scoped3A_340 = tpu.sem_alloc : memref<!tpu.dma_semaphore, #tpu.memory_space<semaphore_mem>>
      %dma_start3A_341 = arith.constant 0 : i32
      %dma_start3A_342 = tpu.memref_slice %arg4[%add3A, %run_scoped3A_7, %dma_start3A_341] : memref<32x20x128xi32, #tpu.memory_space<hbm>> -> memref<1x1x128xi32, #tpu.memory_space<hbm>>
      %dma_start3A_343 = tpu.memref_squeeze %dma_start3A_342 : memref<1x1x128xi32, #tpu.memory_space<hbm>> -> memref<128xi32, #tpu.memory_space<hbm>>
      %dma_start3A_344 = arith.constant 0 : i32
      %dma_start3A_345 = tpu.memref_slice %arg4[%add3A, %run_scoped3A_7, %dma_start3A_344] : memref<32x20x128xi32, #tpu.memory_space<hbm>> -> memref<1x1x128xi32, #tpu.memory_space<hbm>>
      %dma_start3A_346 = tpu.memref_squeeze %dma_start3A_345 : memref<1x1x128xi32, #tpu.memory_space<hbm>> -> memref<128xi32, #tpu.memory_space<hbm>>
      tpu.enqueue_dma source(%dma_start3A_346 : memref<128xi32, #tpu.memory_space<hbm>>) target(%arg12 : memref<128xi32, #tpu.memory_space<vmem>>) target_semaphore(%run_scoped3A_340 : memref<!tpu.dma_semaphore, #tpu.memory_space<semaphore_mem>>)
      %dma_wait3A_347 = arith.constant 0 : i32
      %dma_wait3A_348 = tpu.memref_slice %arg4[%add3A, %run_scoped3A_7, %dma_wait3A_347] : memref<32x20x128xi32, #tpu.memory_space<hbm>> -> memref<1x1x128xi32, #tpu.memory_space<hbm>>
      %dma_wait3A_349 = tpu.memref_squeeze %dma_wait3A_348 : memref<1x1x128xi32, #tpu.memory_space<hbm>> -> memref<128xi32, #tpu.memory_space<hbm>>
      %dma_wait3A_350 = arith.constant 0 : i32
      %dma_wait3A_351 = tpu.memref_slice %arg4[%add3A, %run_scoped3A_7, %dma_wait3A_350] : memref<32x20x128xi32, #tpu.memory_space<hbm>> -> memref<1x1x128xi32, #tpu.memory_space<hbm>>
      %dma_wait3A_352 = tpu.memref_squeeze %dma_wait3A_351 : memref<1x1x128xi32, #tpu.memory_space<hbm>> -> memref<128xi32, #tpu.memory_space<hbm>>
      tpu.wait_dma2 semaphore(%run_scoped3A_340 : memref<!tpu.dma_semaphore, #tpu.memory_space<semaphore_mem>>) src(%dma_wait3A_352 : memref<128xi32, #tpu.memory_space<hbm>>) dst(%arg12 : memref<128xi32, #tpu.memory_space<vmem>>)
      tpu.yield
    }) : () -> ()
    %run_scoped3A_8 = arith.constant 6 : i32
    "tpu.region"() ({
      %run_scoped3A_340 = tpu.sem_alloc : memref<!tpu.dma_semaphore, #tpu.memory_space<semaphore_mem>>
      %dma_start3A_341 = arith.constant 0 : i32
      %dma_start3A_342 = tpu.memref_slice %arg4[%add3A, %run_scoped3A_8, %dma_start3A_341] : memref<32x20x128xi32, #tpu.memory_space<hbm>> -> memref<1x1x128xi32, #tpu.memory_space<hbm>>
      %dma_start3A_343 = tpu.memref_squeeze %dma_start3A_342 : memref<1x1x128xi32, #tpu.memory_space<hbm>> -> memref<128xi32, #tpu.memory_space<hbm>>
      %dma_start3A_344 = arith.constant 0 : i32
      %dma_start3A_345 = tpu.memref_slice %arg4[%add3A, %run_scoped3A_8, %dma_start3A_344] : memref<32x20x128xi32, #tpu.memory_space<hbm>> -> memref<1x1x128xi32, #tpu.memory_space<hbm>>
      %dma_start3A_346 = tpu.memref_squeeze %dma_start3A_345 : memref<1x1x128xi32, #tpu.memory_space<hbm>> -> memref<128xi32, #tpu.memory_space<hbm>>
      tpu.enqueue_dma source(%dma_start3A_346 : memref<128xi32, #tpu.memory_space<hbm>>) target(%arg13 : memref<128xi32, #tpu.memory_space<vmem>>) target_semaphore(%run_scoped3A_340 : memref<!tpu.dma_semaphore, #tpu.memory_space<semaphore_mem>>)
      %dma_wait3A_347 = arith.constant 0 : i32
      %dma_wait3A_348 = tpu.memref_slice %arg4[%add3A, %run_scoped3A_8, %dma_wait3A_347] : memref<32x20x128xi32, #tpu.memory_space<hbm>> -> memref<1x1x128xi32, #tpu.memory_space<hbm>>
      %dma_wait3A_349 = tpu.memref_squeeze %dma_wait3A_348 : memref<1x1x128xi32, #tpu.memory_space<hbm>> -> memref<128xi32, #tpu.memory_space<hbm>>
      %dma_wait3A_350 = arith.constant 0 : i32
      %dma_wait3A_351 = tpu.memref_slice %arg4[%add3A, %run_scoped3A_8, %dma_wait3A_350] : memref<32x20x128xi32, #tpu.memory_space<hbm>> -> memref<1x1x128xi32, #tpu.memory_space<hbm>>
      %dma_wait3A_352 = tpu.memref_squeeze %dma_wait3A_351 : memref<1x1x128xi32, #tpu.memory_space<hbm>> -> memref<128xi32, #tpu.memory_space<hbm>>
      tpu.wait_dma2 semaphore(%run_scoped3A_340 : memref<!tpu.dma_semaphore, #tpu.memory_space<semaphore_mem>>) src(%dma_wait3A_352 : memref<128xi32, #tpu.memory_space<hbm>>) dst(%arg13 : memref<128xi32, #tpu.memory_space<vmem>>)
      tpu.yield
    }) : () -> ()
    %run_scoped3A_9 = arith.constant 7 : i32
    "tpu.region"() ({
      %run_scoped3A_340 = tpu.sem_alloc : memref<!tpu.dma_semaphore, #tpu.memory_space<semaphore_mem>>
      %dma_start3A_341 = arith.constant 0 : i32
      %dma_start3A_342 = tpu.memref_slice %arg4[%add3A, %run_scoped3A_9, %dma_start3A_341] : memref<32x20x128xi32, #tpu.memory_space<hbm>> -> memref<1x1x128xi32, #tpu.memory_space<hbm>>
      %dma_start3A_343 = tpu.memref_squeeze %dma_start3A_342 : memref<1x1x128xi32, #tpu.memory_space<hbm>> -> memref<128xi32, #tpu.memory_space<hbm>>
      %dma_start3A_344 = arith.constant 0 : i32
      %dma_start3A_345 = tpu.memref_slice %arg4[%add3A, %run_scoped3A_9, %dma_start3A_344] : memref<32x20x128xi32, #tpu.memory_space<hbm>> -> memref<1x1x128xi32, #tpu.memory_space<hbm>>
      %dma_start3A_346 = tpu.memref_squeeze %dma_start3A_345 : memref<1x1x128xi32, #tpu.memory_space<hbm>> -> memref<128xi32, #tpu.memory_space<hbm>>
      tpu.enqueue_dma source(%dma_start3A_346 : memref<128xi32, #tpu.memory_space<hbm>>) target(%arg14 : memref<128xi32, #tpu.memory_space<vmem>>) target_semaphore(%run_scoped3A_340 : memref<!tpu.dma_semaphore, #tpu.memory_space<semaphore_mem>>)
      %dma_wait3A_347 = arith.constant 0 : i32
      %dma_wait3A_348 = tpu.memref_slice %arg4[%add3A, %run_scoped3A_9, %dma_wait3A_347] : memref<32x20x128xi32, #tpu.memory_space<hbm>> -> memref<1x1x128xi32, #tpu.memory_space<hbm>>
      %dma_wait3A_349 = tpu.memref_squeeze %dma_wait3A_348 : memref<1x1x128xi32, #tpu.memory_space<hbm>> -> memref<128xi32, #tpu.memory_space<hbm>>
      %dma_wait3A_350 = arith.constant 0 : i32
      %dma_wait3A_351 = tpu.memref_slice %arg4[%add3A, %run_scoped3A_9, %dma_wait3A_350] : memref<32x20x128xi32, #tpu.memory_space<hbm>> -> memref<1x1x128xi32, #tpu.memory_space<hbm>>
      %dma_wait3A_352 = tpu.memref_squeeze %dma_wait3A_351 : memref<1x1x128xi32, #tpu.memory_space<hbm>> -> memref<128xi32, #tpu.memory_space<hbm>>
      tpu.wait_dma2 semaphore(%run_scoped3A_340 : memref<!tpu.dma_semaphore, #tpu.memory_space<semaphore_mem>>) src(%dma_wait3A_352 : memref<128xi32, #tpu.memory_space<hbm>>) dst(%arg14 : memref<128xi32, #tpu.memory_space<vmem>>)
      tpu.yield
    }) : () -> ()
    %run_scoped3A_10 = arith.constant 8 : i32
    "tpu.region"() ({
      %run_scoped3A_340 = tpu.sem_alloc : memref<!tpu.dma_semaphore, #tpu.memory_space<semaphore_mem>>
      %dma_start3A_341 = arith.constant 0 : i32
      %dma_start3A_342 = tpu.memref_slice %arg4[%add3A, %run_scoped3A_10, %dma_start3A_341] : memref<32x20x128xi32, #tpu.memory_space<hbm>> -> memref<1x1x128xi32, #tpu.memory_space<hbm>>
      %dma_start3A_343 = tpu.memref_squeeze %dma_start3A_342 : memref<1x1x128xi32, #tpu.memory_space<hbm>> -> memref<128xi32, #tpu.memory_space<hbm>>
      %dma_start3A_344 = arith.constant 0 : i32
      %dma_start3A_345 = tpu.memref_slice %arg4[%add3A, %run_scoped3A_10, %dma_start3A_344] : memref<32x20x128xi32, #tpu.memory_space<hbm>> -> memref<1x1x128xi32, #tpu.memory_space<hbm>>
      %dma_start3A_346 = tpu.memref_squeeze %dma_start3A_345 : memref<1x1x128xi32, #tpu.memory_space<hbm>> -> memref<128xi32, #tpu.memory_space<hbm>>
      tpu.enqueue_dma source(%dma_start3A_346 : memref<128xi32, #tpu.memory_space<hbm>>) target(%arg15 : memref<128xi32, #tpu.memory_space<vmem>>) target_semaphore(%run_scoped3A_340 : memref<!tpu.dma_semaphore, #tpu.memory_space<semaphore_mem>>)
      %dma_wait3A_347 = arith.constant 0 : i32
      %dma_wait3A_348 = tpu.memref_slice %arg4[%add3A, %run_scoped3A_10, %dma_wait3A_347] : memref<32x20x128xi32, #tpu.memory_space<hbm>> -> memref<1x1x128xi32, #tpu.memory_space<hbm>>
      %dma_wait3A_349 = tpu.memref_squeeze %dma_wait3A_348 : memref<1x1x128xi32, #tpu.memory_space<hbm>> -> memref<128xi32, #tpu.memory_space<hbm>>
      %dma_wait3A_350 = arith.constant 0 : i32
      %dma_wait3A_351 = tpu.memref_slice %arg4[%add3A, %run_scoped3A_10, %dma_wait3A_350] : memref<32x20x128xi32, #tpu.memory_space<hbm>> -> memref<1x1x128xi32, #tpu.memory_space<hbm>>
      %dma_wait3A_352 = tpu.memref_squeeze %dma_wait3A_351 : memref<1x1x128xi32, #tpu.memory_space<hbm>> -> memref<128xi32, #tpu.memory_space<hbm>>
      tpu.wait_dma2 semaphore(%run_scoped3A_340 : memref<!tpu.dma_semaphore, #tpu.memory_space<semaphore_mem>>) src(%dma_wait3A_352 : memref<128xi32, #tpu.memory_space<hbm>>) dst(%arg15 : memref<128xi32, #tpu.memory_space<vmem>>)
      tpu.yield
    }) : () -> ()
    %run_scoped3A_11 = arith.constant 9 : i32
    "tpu.region"() ({
      %run_scoped3A_340 = tpu.sem_alloc : memref<!tpu.dma_semaphore, #tpu.memory_space<semaphore_mem>>
      %dma_start3A_341 = arith.constant 0 : i32
      %dma_start3A_342 = tpu.memref_slice %arg4[%add3A, %run_scoped3A_11, %dma_start3A_341] : memref<32x20x128xi32, #tpu.memory_space<hbm>> -> memref<1x1x128xi32, #tpu.memory_space<hbm>>
      %dma_start3A_343 = tpu.memref_squeeze %dma_start3A_342 : memref<1x1x128xi32, #tpu.memory_space<hbm>> -> memref<128xi32, #tpu.memory_space<hbm>>
      %dma_start3A_344 = arith.constant 0 : i32
      %dma_start3A_345 = tpu.memref_slice %arg4[%add3A, %run_scoped3A_11, %dma_start3A_344] : memref<32x20x128xi32, #tpu.memory_space<hbm>> -> memref<1x1x128xi32, #tpu.memory_space<hbm>>
      %dma_start3A_346 = tpu.memref_squeeze %dma_start3A_345 : memref<1x1x128xi32, #tpu.memory_space<hbm>> -> memref<128xi32, #tpu.memory_space<hbm>>
      tpu.enqueue_dma source(%dma_start3A_346 : memref<128xi32, #tpu.memory_space<hbm>>) target(%arg16 : memref<128xi32, #tpu.memory_space<vmem>>) target_semaphore(%run_scoped3A_340 : memref<!tpu.dma_semaphore, #tpu.memory_space<semaphore_mem>>)
      %dma_wait3A_347 = arith.constant 0 : i32
      %dma_wait3A_348 = tpu.memref_slice %arg4[%add3A, %run_scoped3A_11, %dma_wait3A_347] : memref<32x20x128xi32, #tpu.memory_space<hbm>> -> memref<1x1x128xi32, #tpu.memory_space<hbm>>
      %dma_wait3A_349 = tpu.memref_squeeze %dma_wait3A_348 : memref<1x1x128xi32, #tpu.memory_space<hbm>> -> memref<128xi32, #tpu.memory_space<hbm>>
      %dma_wait3A_350 = arith.constant 0 : i32
      %dma_wait3A_351 = tpu.memref_slice %arg4[%add3A, %run_scoped3A_11, %dma_wait3A_350] : memref<32x20x128xi32, #tpu.memory_space<hbm>> -> memref<1x1x128xi32, #tpu.memory_space<hbm>>
      %dma_wait3A_352 = tpu.memref_squeeze %dma_wait3A_351 : memref<1x1x128xi32, #tpu.memory_space<hbm>> -> memref<128xi32, #tpu.memory_space<hbm>>
      tpu.wait_dma2 semaphore(%run_scoped3A_340 : memref<!tpu.dma_semaphore, #tpu.memory_space<semaphore_mem>>) src(%dma_wait3A_352 : memref<128xi32, #tpu.memory_space<hbm>>) dst(%arg16 : memref<128xi32, #tpu.memory_space<vmem>>)
      tpu.yield
    }) : () -> ()
    %run_scoped3A_12 = arith.constant 10 : i32
    "tpu.region"() ({
      %run_scoped3A_340 = tpu.sem_alloc : memref<!tpu.dma_semaphore, #tpu.memory_space<semaphore_mem>>
      %dma_start3A_341 = arith.constant 0 : i32
      %dma_start3A_342 = tpu.memref_slice %arg4[%add3A, %run_scoped3A_12, %dma_start3A_341] : memref<32x20x128xi32, #tpu.memory_space<hbm>> -> memref<1x1x128xi32, #tpu.memory_space<hbm>>
      %dma_start3A_343 = tpu.memref_squeeze %dma_start3A_342 : memref<1x1x128xi32, #tpu.memory_space<hbm>> -> memref<128xi32, #tpu.memory_space<hbm>>
      %dma_start3A_344 = arith.constant 0 : i32
      %dma_start3A_345 = tpu.memref_slice %arg4[%add3A, %run_scoped3A_12, %dma_start3A_344] : memref<32x20x128xi32, #tpu.memory_space<hbm>> -> memref<1x1x128xi32, #tpu.memory_space<hbm>>
      %dma_start3A_346 = tpu.memref_squeeze %dma_start3A_345 : memref<1x1x128xi32, #tpu.memory_space<hbm>> -> memref<128xi32, #tpu.memory_space<hbm>>
      tpu.enqueue_dma source(%dma_start3A_346 : memref<128xi32, #tpu.memory_space<hbm>>) target(%arg17 : memref<128xi32, #tpu.memory_space<vmem>>) target_semaphore(%run_scoped3A_340 : memref<!tpu.dma_semaphore, #tpu.memory_space<semaphore_mem>>)
      %dma_wait3A_347 = arith.constant 0 : i32
      %dma_wait3A_348 = tpu.memref_slice %arg4[%add3A, %run_scoped3A_12, %dma_wait3A_347] : memref<32x20x128xi32, #tpu.memory_space<hbm>> -> memref<1x1x128xi32, #tpu.memory_space<hbm>>
      %dma_wait3A_349 = tpu.memref_squeeze %dma_wait3A_348 : memref<1x1x128xi32, #tpu.memory_space<hbm>> -> memref<128xi32, #tpu.memory_space<hbm>>
      %dma_wait3A_350 = arith.constant 0 : i32
      %dma_wait3A_351 = tpu.memref_slice %arg4[%add3A, %run_scoped3A_12, %dma_wait3A_350] : memref<32x20x128xi32, #tpu.memory_space<hbm>> -> memref<1x1x128xi32, #tpu.memory_space<hbm>>
      %dma_wait3A_352 = tpu.memref_squeeze %dma_wait3A_351 : memref<1x1x128xi32, #tpu.memory_space<hbm>> -> memref<128xi32, #tpu.memory_space<hbm>>
      tpu.wait_dma2 semaphore(%run_scoped3A_340 : memref<!tpu.dma_semaphore, #tpu.memory_space<semaphore_mem>>) src(%dma_wait3A_352 : memref<128xi32, #tpu.memory_space<hbm>>) dst(%arg17 : memref<128xi32, #tpu.memory_space<vmem>>)
      tpu.yield
    }) : () -> ()
    %run_scoped3A_13 = arith.constant 11 : i32
    "tpu.region"() ({
      %run_scoped3A_340 = tpu.sem_alloc : memref<!tpu.dma_semaphore, #tpu.memory_space<semaphore_mem>>
      %dma_start3A_341 = arith.constant 0 : i32
      %dma_start3A_342 = tpu.memref_slice %arg4[%add3A, %run_scoped3A_13, %dma_start3A_341] : memref<32x20x128xi32, #tpu.memory_space<hbm>> -> memref<1x1x128xi32, #tpu.memory_space<hbm>>
      %dma_start3A_343 = tpu.memref_squeeze %dma_start3A_342 : memref<1x1x128xi32, #tpu.memory_space<hbm>> -> memref<128xi32, #tpu.memory_space<hbm>>
      %dma_start3A_344 = arith.constant 0 : i32
      %dma_start3A_345 = tpu.memref_slice %arg4[%add3A, %run_scoped3A_13, %dma_start3A_344] : memref<32x20x128xi32, #tpu.memory_space<hbm>> -> memref<1x1x128xi32, #tpu.memory_space<hbm>>
      %dma_start3A_346 = tpu.memref_squeeze %dma_start3A_345 : memref<1x1x128xi32, #tpu.memory_space<hbm>> -> memref<128xi32, #tpu.memory_space<hbm>>
      tpu.enqueue_dma source(%dma_start3A_346 : memref<128xi32, #tpu.memory_space<hbm>>) target(%arg18 : memref<128xi32, #tpu.memory_space<vmem>>) target_semaphore(%run_scoped3A_340 : memref<!tpu.dma_semaphore, #tpu.memory_space<semaphore_mem>>)
      %dma_wait3A_347 = arith.constant 0 : i32
      %dma_wait3A_348 = tpu.memref_slice %arg4[%add3A, %run_scoped3A_13, %dma_wait3A_347] : memref<32x20x128xi32, #tpu.memory_space<hbm>> -> memref<1x1x128xi32, #tpu.memory_space<hbm>>
      %dma_wait3A_349 = tpu.memref_squeeze %dma_wait3A_348 : memref<1x1x128xi32, #tpu.memory_space<hbm>> -> memref<128xi32, #tpu.memory_space<hbm>>
      %dma_wait3A_350 = arith.constant 0 : i32
      %dma_wait3A_351 = tpu.memref_slice %arg4[%add3A, %run_scoped3A_13, %dma_wait3A_350] : memref<32x20x128xi32, #tpu.memory_space<hbm>> -> memref<1x1x128xi32, #tpu.memory_space<hbm>>
      %dma_wait3A_352 = tpu.memref_squeeze %dma_wait3A_351 : memref<1x1x128xi32, #tpu.memory_space<hbm>> -> memref<128xi32, #tpu.memory_space<hbm>>
      tpu.wait_dma2 semaphore(%run_scoped3A_340 : memref<!tpu.dma_semaphore, #tpu.memory_space<semaphore_mem>>) src(%dma_wait3A_352 : memref<128xi32, #tpu.memory_space<hbm>>) dst(%arg18 : memref<128xi32, #tpu.memory_space<vmem>>)
      tpu.yield
    }) : () -> ()
    %run_scoped3A_14 = arith.constant 12 : i32
    "tpu.region"() ({
      %run_scoped3A_340 = tpu.sem_alloc : memref<!tpu.dma_semaphore, #tpu.memory_space<semaphore_mem>>
      %dma_start3A_341 = arith.constant 0 : i32
      %dma_start3A_342 = tpu.memref_slice %arg4[%add3A, %run_scoped3A_14, %dma_start3A_341] : memref<32x20x128xi32, #tpu.memory_space<hbm>> -> memref<1x1x128xi32, #tpu.memory_space<hbm>>
      %dma_start3A_343 = tpu.memref_squeeze %dma_start3A_342 : memref<1x1x128xi32, #tpu.memory_space<hbm>> -> memref<128xi32, #tpu.memory_space<hbm>>
      %dma_start3A_344 = arith.constant 0 : i32
      %dma_start3A_345 = tpu.memref_slice %arg4[%add3A, %run_scoped3A_14, %dma_start3A_344] : memref<32x20x128xi32, #tpu.memory_space<hbm>> -> memref<1x1x128xi32, #tpu.memory_space<hbm>>
      %dma_start3A_346 = tpu.memref_squeeze %dma_start3A_345 : memref<1x1x128xi32, #tpu.memory_space<hbm>> -> memref<128xi32, #tpu.memory_space<hbm>>
      tpu.enqueue_dma source(%dma_start3A_346 : memref<128xi32, #tpu.memory_space<hbm>>) target(%arg19 : memref<128xi32, #tpu.memory_space<vmem>>) target_semaphore(%run_scoped3A_340 : memref<!tpu.dma_semaphore, #tpu.memory_space<semaphore_mem>>)
      %dma_wait3A_347 = arith.constant 0 : i32
      %dma_wait3A_348 = tpu.memref_slice %arg4[%add3A, %run_scoped3A_14, %dma_wait3A_347] : memref<32x20x128xi32, #tpu.memory_space<hbm>> -> memref<1x1x128xi32, #tpu.memory_space<hbm>>
      %dma_wait3A_349 = tpu.memref_squeeze %dma_wait3A_348 : memref<1x1x128xi32, #tpu.memory_space<hbm>> -> memref<128xi32, #tpu.memory_space<hbm>>
      %dma_wait3A_350 = arith.constant 0 : i32
      %dma_wait3A_351 = tpu.memref_slice %arg4[%add3A, %run_scoped3A_14, %dma_wait3A_350] : memref<32x20x128xi32, #tpu.memory_space<hbm>> -> memref<1x1x128xi32, #tpu.memory_space<hbm>>
      %dma_wait3A_352 = tpu.memref_squeeze %dma_wait3A_351 : memref<1x1x128xi32, #tpu.memory_space<hbm>> -> memref<128xi32, #tpu.memory_space<hbm>>
      tpu.wait_dma2 semaphore(%run_scoped3A_340 : memref<!tpu.dma_semaphore, #tpu.memory_space<semaphore_mem>>) src(%dma_wait3A_352 : memref<128xi32, #tpu.memory_space<hbm>>) dst(%arg19 : memref<128xi32, #tpu.memory_space<vmem>>)
      tpu.yield
    }) : () -> ()
    %run_scoped3A_15 = arith.constant 13 : i32
    "tpu.region"() ({
      %run_scoped3A_340 = tpu.sem_alloc : memref<!tpu.dma_semaphore, #tpu.memory_space<semaphore_mem>>
      %dma_start3A_341 = arith.constant 0 : i32
      %dma_start3A_342 = tpu.memref_slice %arg4[%add3A, %run_scoped3A_15, %dma_start3A_341] : memref<32x20x128xi32, #tpu.memory_space<hbm>> -> memref<1x1x128xi32, #tpu.memory_space<hbm>>
      %dma_start3A_343 = tpu.memref_squeeze %dma_start3A_342 : memref<1x1x128xi32, #tpu.memory_space<hbm>> -> memref<128xi32, #tpu.memory_space<hbm>>
      %dma_start3A_344 = arith.constant 0 : i32
      %dma_start3A_345 = tpu.memref_slice %arg4[%add3A, %run_scoped3A_15, %dma_start3A_344] : memref<32x20x128xi32, #tpu.memory_space<hbm>> -> memref<1x1x128xi32, #tpu.memory_space<hbm>>
      %dma_start3A_346 = tpu.memref_squeeze %dma_start3A_345 : memref<1x1x128xi32, #tpu.memory_space<hbm>> -> memref<128xi32, #tpu.memory_space<hbm>>
      tpu.enqueue_dma source(%dma_start3A_346 : memref<128xi32, #tpu.memory_space<hbm>>) target(%arg20 : memref<128xi32, #tpu.memory_space<vmem>>) target_semaphore(%run_scoped3A_340 : memref<!tpu.dma_semaphore, #tpu.memory_space<semaphore_mem>>)
      %dma_wait3A_347 = arith.constant 0 : i32
      %dma_wait3A_348 = tpu.memref_slice %arg4[%add3A, %run_scoped3A_15, %dma_wait3A_347] : memref<32x20x128xi32, #tpu.memory_space<hbm>> -> memref<1x1x128xi32, #tpu.memory_space<hbm>>
      %dma_wait3A_349 = tpu.memref_squeeze %dma_wait3A_348 : memref<1x1x128xi32, #tpu.memory_space<hbm>> -> memref<128xi32, #tpu.memory_space<hbm>>
      %dma_wait3A_350 = arith.constant 0 : i32
      %dma_wait3A_351 = tpu.memref_slice %arg4[%add3A, %run_scoped3A_15, %dma_wait3A_350] : memref<32x20x128xi32, #tpu.memory_space<hbm>> -> memref<1x1x128xi32, #tpu.memory_space<hbm>>
      %dma_wait3A_352 = tpu.memref_squeeze %dma_wait3A_351 : memref<1x1x128xi32, #tpu.memory_space<hbm>> -> memref<128xi32, #tpu.memory_space<hbm>>
      tpu.wait_dma2 semaphore(%run_scoped3A_340 : memref<!tpu.dma_semaphore, #tpu.memory_space<semaphore_mem>>) src(%dma_wait3A_352 : memref<128xi32, #tpu.memory_space<hbm>>) dst(%arg20 : memref<128xi32, #tpu.memory_space<vmem>>)
      tpu.yield
    }) : () -> ()
    %run_scoped3A_16 = arith.constant 14 : i32
    "tpu.region"() ({
      %run_scoped3A_340 = tpu.sem_alloc : memref<!tpu.dma_semaphore, #tpu.memory_space<semaphore_mem>>
      %dma_start3A_341 = arith.constant 0 : i32
      %dma_start3A_342 = tpu.memref_slice %arg4[%add3A, %run_scoped3A_16, %dma_start3A_341] : memref<32x20x128xi32, #tpu.memory_space<hbm>> -> memref<1x1x128xi32, #tpu.memory_space<hbm>>
      %dma_start3A_343 = tpu.memref_squeeze %dma_start3A_342 : memref<1x1x128xi32, #tpu.memory_space<hbm>> -> memref<128xi32, #tpu.memory_space<hbm>>
      %dma_start3A_344 = arith.constant 0 : i32
      %dma_start3A_345 = tpu.memref_slice %arg4[%add3A, %run_scoped3A_16, %dma_start3A_344] : memref<32x20x128xi32, #tpu.memory_space<hbm>> -> memref<1x1x128xi32, #tpu.memory_space<hbm>>
      %dma_start3A_346 = tpu.memref_squeeze %dma_start3A_345 : memref<1x1x128xi32, #tpu.memory_space<hbm>> -> memref<128xi32, #tpu.memory_space<hbm>>
      tpu.enqueue_dma source(%dma_start3A_346 : memref<128xi32, #tpu.memory_space<hbm>>) target(%arg21 : memref<128xi32, #tpu.memory_space<vmem>>) target_semaphore(%run_scoped3A_340 : memref<!tpu.dma_semaphore, #tpu.memory_space<semaphore_mem>>)
      %dma_wait3A_347 = arith.constant 0 : i32
      %dma_wait3A_348 = tpu.memref_slice %arg4[%add3A, %run_scoped3A_16, %dma_wait3A_347] : memref<32x20x128xi32, #tpu.memory_space<hbm>> -> memref<1x1x128xi32, #tpu.memory_space<hbm>>
      %dma_wait3A_349 = tpu.memref_squeeze %dma_wait3A_348 : memref<1x1x128xi32, #tpu.memory_space<hbm>> -> memref<128xi32, #tpu.memory_space<hbm>>
      %dma_wait3A_350 = arith.constant 0 : i32
      %dma_wait3A_351 = tpu.memref_slice %arg4[%add3A, %run_scoped3A_16, %dma_wait3A_350] : memref<32x20x128xi32, #tpu.memory_space<hbm>> -> memref<1x1x128xi32, #tpu.memory_space<hbm>>
      %dma_wait3A_352 = tpu.memref_squeeze %dma_wait3A_351 : memref<1x1x128xi32, #tpu.memory_space<hbm>> -> memref<128xi32, #tpu.memory_space<hbm>>
      tpu.wait_dma2 semaphore(%run_scoped3A_340 : memref<!tpu.dma_semaphore, #tpu.memory_space<semaphore_mem>>) src(%dma_wait3A_352 : memref<128xi32, #tpu.memory_space<hbm>>) dst(%arg21 : memref<128xi32, #tpu.memory_space<vmem>>)
      tpu.yield
    }) : () -> ()
    %run_scoped3A_17 = arith.constant 15 : i32
    "tpu.region"() ({
      %run_scoped3A_340 = tpu.sem_alloc : memref<!tpu.dma_semaphore, #tpu.memory_space<semaphore_mem>>
      %dma_start3A_341 = arith.constant 0 : i32
      %dma_start3A_342 = tpu.memref_slice %arg4[%add3A, %run_scoped3A_17, %dma_start3A_341] : memref<32x20x128xi32, #tpu.memory_space<hbm>> -> memref<1x1x128xi32, #tpu.memory_space<hbm>>
      %dma_start3A_343 = tpu.memref_squeeze %dma_start3A_342 : memref<1x1x128xi32, #tpu.memory_space<hbm>> -> memref<128xi32, #tpu.memory_space<hbm>>
      %dma_start3A_344 = arith.constant 0 : i32
      %dma_start3A_345 = tpu.memref_slice %arg4[%add3A, %run_scoped3A_17, %dma_start3A_344] : memref<32x20x128xi32, #tpu.memory_space<hbm>> -> memref<1x1x128xi32, #tpu.memory_space<hbm>>
      %dma_start3A_346 = tpu.memref_squeeze %dma_start3A_345 : memref<1x1x128xi32, #tpu.memory_space<hbm>> -> memref<128xi32, #tpu.memory_space<hbm>>
      tpu.enqueue_dma source(%dma_start3A_346 : memref<128xi32, #tpu.memory_space<hbm>>) target(%arg22 : memref<128xi32, #tpu.memory_space<vmem>>) target_semaphore(%run_scoped3A_340 : memref<!tpu.dma_semaphore, #tpu.memory_space<semaphore_mem>>)
      %dma_wait3A_347 = arith.constant 0 : i32
      %dma_wait3A_348 = tpu.memref_slice %arg4[%add3A, %run_scoped3A_17, %dma_wait3A_347] : memref<32x20x128xi32, #tpu.memory_space<hbm>> -> memref<1x1x128xi32, #tpu.memory_space<hbm>>
      %dma_wait3A_349 = tpu.memref_squeeze %dma_wait3A_348 : memref<1x1x128xi32, #tpu.memory_space<hbm>> -> memref<128xi32, #tpu.memory_space<hbm>>
      %dma_wait3A_350 = arith.constant 0 : i32
      %dma_wait3A_351 = tpu.memref_slice %arg4[%add3A, %run_scoped3A_17, %dma_wait3A_350] : memref<32x20x128xi32, #tpu.memory_space<hbm>> -> memref<1x1x128xi32, #tpu.memory_space<hbm>>
      %dma_wait3A_352 = tpu.memref_squeeze %dma_wait3A_351 : memref<1x1x128xi32, #tpu.memory_space<hbm>> -> memref<128xi32, #tpu.memory_space<hbm>>
      tpu.wait_dma2 semaphore(%run_scoped3A_340 : memref<!tpu.dma_semaphore, #tpu.memory_space<semaphore_mem>>) src(%dma_wait3A_352 : memref<128xi32, #tpu.memory_space<hbm>>) dst(%arg22 : memref<128xi32, #tpu.memory_space<vmem>>)
      tpu.yield
    }) : () -> ()
    %run_scoped3A_18 = arith.constant 16 : i32
    "tpu.region"() ({
      %run_scoped3A_340 = tpu.sem_alloc : memref<!tpu.dma_semaphore, #tpu.memory_space<semaphore_mem>>
      %dma_start3A_341 = arith.constant 0 : i32
      %dma_start3A_342 = tpu.memref_slice %arg4[%add3A, %run_scoped3A_18, %dma_start3A_341] : memref<32x20x128xi32, #tpu.memory_space<hbm>> -> memref<1x1x128xi32, #tpu.memory_space<hbm>>
      %dma_start3A_343 = tpu.memref_squeeze %dma_start3A_342 : memref<1x1x128xi32, #tpu.memory_space<hbm>> -> memref<128xi32, #tpu.memory_space<hbm>>
      %dma_start3A_344 = arith.constant 0 : i32
      %dma_start3A_345 = tpu.memref_slice %arg4[%add3A, %run_scoped3A_18, %dma_start3A_344] : memref<32x20x128xi32, #tpu.memory_space<hbm>> -> memref<1x1x128xi32, #tpu.memory_space<hbm>>
      %dma_start3A_346 = tpu.memref_squeeze %dma_start3A_345 : memref<1x1x128xi32, #tpu.memory_space<hbm>> -> memref<128xi32, #tpu.memory_space<hbm>>
      tpu.enqueue_dma source(%dma_start3A_346 : memref<128xi32, #tpu.memory_space<hbm>>) target(%arg23 : memref<128xi32, #tpu.memory_space<vmem>>) target_semaphore(%run_scoped3A_340 : memref<!tpu.dma_semaphore, #tpu.memory_space<semaphore_mem>>)
      %dma_wait3A_347 = arith.constant 0 : i32
      %dma_wait3A_348 = tpu.memref_slice %arg4[%add3A, %run_scoped3A_18, %dma_wait3A_347] : memref<32x20x128xi32, #tpu.memory_space<hbm>> -> memref<1x1x128xi32, #tpu.memory_space<hbm>>
      %dma_wait3A_349 = tpu.memref_squeeze %dma_wait3A_348 : memref<1x1x128xi32, #tpu.memory_space<hbm>> -> memref<128xi32, #tpu.memory_space<hbm>>
      %dma_wait3A_350 = arith.constant 0 : i32
      %dma_wait3A_351 = tpu.memref_slice %arg4[%add3A, %run_scoped3A_18, %dma_wait3A_350] : memref<32x20x128xi32, #tpu.memory_space<hbm>> -> memref<1x1x128xi32, #tpu.memory_space<hbm>>
      %dma_wait3A_352 = tpu.memref_squeeze %dma_wait3A_351 : memref<1x1x128xi32, #tpu.memory_space<hbm>> -> memref<128xi32, #tpu.memory_space<hbm>>
      tpu.wait_dma2 semaphore(%run_scoped3A_340 : memref<!tpu.dma_semaphore, #tpu.memory_space<semaphore_mem>>) src(%dma_wait3A_352 : memref<128xi32, #tpu.memory_space<hbm>>) dst(%arg23 : memref<128xi32, #tpu.memory_space<vmem>>)
      tpu.yield
    }) : () -> ()
    %run_scoped3A_19 = arith.constant 17 : i32
    "tpu.region"() ({
      %run_scoped3A_340 = tpu.sem_alloc : memref<!tpu.dma_semaphore, #tpu.memory_space<semaphore_mem>>
      %dma_start3A_341 = arith.constant 0 : i32
      %dma_start3A_342 = tpu.memref_slice %arg4[%add3A, %run_scoped3A_19, %dma_start3A_341] : memref<32x20x128xi32, #tpu.memory_space<hbm>> -> memref<1x1x128xi32, #tpu.memory_space<hbm>>
      %dma_start3A_343 = tpu.memref_squeeze %dma_start3A_342 : memref<1x1x128xi32, #tpu.memory_space<hbm>> -> memref<128xi32, #tpu.memory_space<hbm>>
      %dma_start3A_344 = arith.constant 0 : i32
      %dma_start3A_345 = tpu.memref_slice %arg4[%add3A, %run_scoped3A_19, %dma_start3A_344] : memref<32x20x128xi32, #tpu.memory_space<hbm>> -> memref<1x1x128xi32, #tpu.memory_space<hbm>>
      %dma_start3A_346 = tpu.memref_squeeze %dma_start3A_345 : memref<1x1x128xi32, #tpu.memory_space<hbm>> -> memref<128xi32, #tpu.memory_space<hbm>>
      tpu.enqueue_dma source(%dma_start3A_346 : memref<128xi32, #tpu.memory_space<hbm>>) target(%arg24 : memref<128xi32, #tpu.memory_space<vmem>>) target_semaphore(%run_scoped3A_340 : memref<!tpu.dma_semaphore, #tpu.memory_space<semaphore_mem>>)
      %dma_wait3A_347 = arith.constant 0 : i32
      %dma_wait3A_348 = tpu.memref_slice %arg4[%add3A, %run_scoped3A_19, %dma_wait3A_347] : memref<32x20x128xi32, #tpu.memory_space<hbm>> -> memref<1x1x128xi32, #tpu.memory_space<hbm>>
      %dma_wait3A_349 = tpu.memref_squeeze %dma_wait3A_348 : memref<1x1x128xi32, #tpu.memory_space<hbm>> -> memref<128xi32, #tpu.memory_space<hbm>>
      %dma_wait3A_350 = arith.constant 0 : i32
      %dma_wait3A_351 = tpu.memref_slice %arg4[%add3A, %run_scoped3A_19, %dma_wait3A_350] : memref<32x20x128xi32, #tpu.memory_space<hbm>> -> memref<1x1x128xi32, #tpu.memory_space<hbm>>
      %dma_wait3A_352 = tpu.memref_squeeze %dma_wait3A_351 : memref<1x1x128xi32, #tpu.memory_space<hbm>> -> memref<128xi32, #tpu.memory_space<hbm>>
      tpu.wait_dma2 semaphore(%run_scoped3A_340 : memref<!tpu.dma_semaphore, #tpu.memory_space<semaphore_mem>>) src(%dma_wait3A_352 : memref<128xi32, #tpu.memory_space<hbm>>) dst(%arg24 : memref<128xi32, #tpu.memory_space<vmem>>)
      tpu.yield
    }) : () -> ()
    %run_scoped3A_20 = arith.constant 18 : i32
    "tpu.region"() ({
      %run_scoped3A_340 = tpu.sem_alloc : memref<!tpu.dma_semaphore, #tpu.memory_space<semaphore_mem>>
      %dma_start3A_341 = arith.constant 0 : i32
      %dma_start3A_342 = tpu.memref_slice %arg4[%add3A, %run_scoped3A_20, %dma_start3A_341] : memref<32x20x128xi32, #tpu.memory_space<hbm>> -> memref<1x1x128xi32, #tpu.memory_space<hbm>>
      %dma_start3A_343 = tpu.memref_squeeze %dma_start3A_342 : memref<1x1x128xi32, #tpu.memory_space<hbm>> -> memref<128xi32, #tpu.memory_space<hbm>>
      %dma_start3A_344 = arith.constant 0 : i32
      %dma_start3A_345 = tpu.memref_slice %arg4[%add3A, %run_scoped3A_20, %dma_start3A_344] : memref<32x20x128xi32, #tpu.memory_space<hbm>> -> memref<1x1x128xi32, #tpu.memory_space<hbm>>
      %dma_start3A_346 = tpu.memref_squeeze %dma_start3A_345 : memref<1x1x128xi32, #tpu.memory_space<hbm>> -> memref<128xi32, #tpu.memory_space<hbm>>
      tpu.enqueue_dma source(%dma_start3A_346 : memref<128xi32, #tpu.memory_space<hbm>>) target(%arg25 : memref<128xi32, #tpu.memory_space<vmem>>) target_semaphore(%run_scoped3A_340 : memref<!tpu.dma_semaphore, #tpu.memory_space<semaphore_mem>>)
      %dma_wait3A_347 = arith.constant 0 : i32
      %dma_wait3A_348 = tpu.memref_slice %arg4[%add3A, %run_scoped3A_20, %dma_wait3A_347] : memref<32x20x128xi32, #tpu.memory_space<hbm>> -> memref<1x1x128xi32, #tpu.memory_space<hbm>>
      %dma_wait3A_349 = tpu.memref_squeeze %dma_wait3A_348 : memref<1x1x128xi32, #tpu.memory_space<hbm>> -> memref<128xi32, #tpu.memory_space<hbm>>
      %dma_wait3A_350 = arith.constant 0 : i32
      %dma_wait3A_351 = tpu.memref_slice %arg4[%add3A, %run_scoped3A_20, %dma_wait3A_350] : memref<32x20x128xi32, #tpu.memory_space<hbm>> -> memref<1x1x128xi32, #tpu.memory_space<hbm>>
      %dma_wait3A_352 = tpu.memref_squeeze %dma_wait3A_351 : memref<1x1x128xi32, #tpu.memory_space<hbm>> -> memref<128xi32, #tpu.memory_space<hbm>>
      tpu.wait_dma2 semaphore(%run_scoped3A_340 : memref<!tpu.dma_semaphore, #tpu.memory_space<semaphore_mem>>) src(%dma_wait3A_352 : memref<128xi32, #tpu.memory_space<hbm>>) dst(%arg25 : memref<128xi32, #tpu.memory_space<vmem>>)
      tpu.yield
    }) : () -> ()
    %run_scoped3A_21 = arith.constant 19 : i32
    "tpu.region"() ({
      %run_scoped3A_340 = tpu.sem_alloc : memref<!tpu.dma_semaphore, #tpu.memory_space<semaphore_mem>>
      %dma_start3A_341 = arith.constant 0 : i32
      %dma_start3A_342 = tpu.memref_slice %arg4[%add3A, %run_scoped3A_21, %dma_start3A_341] : memref<32x20x128xi32, #tpu.memory_space<hbm>> -> memref<1x1x128xi32, #tpu.memory_space<hbm>>
      %dma_start3A_343 = tpu.memref_squeeze %dma_start3A_342 : memref<1x1x128xi32, #tpu.memory_space<hbm>> -> memref<128xi32, #tpu.memory_space<hbm>>
      %dma_start3A_344 = arith.constant 0 : i32
      %dma_start3A_345 = tpu.memref_slice %arg4[%add3A, %run_scoped3A_21, %dma_start3A_344] : memref<32x20x128xi32, #tpu.memory_space<hbm>> -> memref<1x1x128xi32, #tpu.memory_space<hbm>>
      %dma_start3A_346 = tpu.memref_squeeze %dma_start3A_345 : memref<1x1x128xi32, #tpu.memory_space<hbm>> -> memref<128xi32, #tpu.memory_space<hbm>>
      tpu.enqueue_dma source(%dma_start3A_346 : memref<128xi32, #tpu.memory_space<hbm>>) target(%arg26 : memref<128xi32, #tpu.memory_space<vmem>>) target_semaphore(%run_scoped3A_340 : memref<!tpu.dma_semaphore, #tpu.memory_space<semaphore_mem>>)
      %dma_wait3A_347 = arith.constant 0 : i32
      %dma_wait3A_348 = tpu.memref_slice %arg4[%add3A, %run_scoped3A_21, %dma_wait3A_347] : memref<32x20x128xi32, #tpu.memory_space<hbm>> -> memref<1x1x128xi32, #tpu.memory_space<hbm>>
      %dma_wait3A_349 = tpu.memref_squeeze %dma_wait3A_348 : memref<1x1x128xi32, #tpu.memory_space<hbm>> -> memref<128xi32, #tpu.memory_space<hbm>>
      %dma_wait3A_350 = arith.constant 0 : i32
      %dma_wait3A_351 = tpu.memref_slice %arg4[%add3A, %run_scoped3A_21, %dma_wait3A_350] : memref<32x20x128xi32, #tpu.memory_space<hbm>> -> memref<1x1x128xi32, #tpu.memory_space<hbm>>
      %dma_wait3A_352 = tpu.memref_squeeze %dma_wait3A_351 : memref<1x1x128xi32, #tpu.memory_space<hbm>> -> memref<128xi32, #tpu.memory_space<hbm>>
      tpu.wait_dma2 semaphore(%run_scoped3A_340 : memref<!tpu.dma_semaphore, #tpu.memory_space<semaphore_mem>>) src(%dma_wait3A_352 : memref<128xi32, #tpu.memory_space<hbm>>) dst(%arg26 : memref<128xi32, #tpu.memory_space<vmem>>)
      tpu.yield
    }) : () -> ()
    %dma_start3A = arith.constant 0 : i32
    %dma_start3A_22 = tpu.memref_slice %arg6[%dma_start3A] : memref<2560xi32, #tpu.memory_space<vmem>> -> memref<128xi32, #tpu.memory_space<vmem>>
    %dma_start3A_23 = arith.constant 0 : i32
    %dma_start3A_24 = arith.constant 0 : i32
    %dma_start3A_25 = tpu.memref_slice %arg2[%dma_start3A_23, %dma_start3A_24] : memref<524288x128xf32, #tpu.memory_space<hbm>> -> memref<524288x128xf32, #tpu.memory_space<hbm>>
    tpu.enqueue_indirect_dma source(%dma_start3A_25 : memref<524288x128xf32, #tpu.memory_space<hbm>>) target(%arg27 : memref<128x128xf32, #tpu.memory_space<vmem>>) offsets(%dma_start3A_22 : memref<128xi32, #tpu.memory_space<vmem>>) semaphore(%arg29 : memref<!tpu.dma_semaphore, #tpu.memory_space<semaphore_mem>>)
    %dma_start3A_26 = arith.constant 128 : i32
    %dma_start3A_27 = tpu.memref_slice %arg6[%dma_start3A_26] : memref<2560xi32, #tpu.memory_space<vmem>> -> memref<128xi32, #tpu.memory_space<vmem>>
    %dma_start3A_28 = arith.constant 0 : i32
    %dma_start3A_29 = arith.constant 0 : i32
    %dma_start3A_30 = tpu.memref_slice %arg2[%dma_start3A_28, %dma_start3A_29] : memref<524288x128xf32, #tpu.memory_space<hbm>> -> memref<524288x128xf32, #tpu.memory_space<hbm>>
    tpu.enqueue_indirect_dma source(%dma_start3A_30 : memref<524288x128xf32, #tpu.memory_space<hbm>>) target(%arg28 : memref<128x128xf32, #tpu.memory_space<vmem>>) offsets(%dma_start3A_27 : memref<128xi32, #tpu.memory_space<vmem>>) semaphore(%arg30 : memref<!tpu.dma_semaphore, #tpu.memory_space<semaphore_mem>>)
    %dma_wait3A = arith.constant 0 : i32
    %dma_wait3A_31 = tpu.memref_slice %arg6[%dma_wait3A] : memref<2560xi32, #tpu.memory_space<vmem>> -> memref<128xi32, #tpu.memory_space<vmem>>
    %dma_wait3A_32 = arith.constant 0 : i32
    %dma_wait3A_33 = arith.constant 0 : i32
    %dma_wait3A_34 = tpu.memref_slice %arg2[%dma_wait3A_32, %dma_wait3A_33] : memref<524288x128xf32, #tpu.memory_space<hbm>> -> memref<524288x128xf32, #tpu.memory_space<hbm>>
    tpu.wait_indirect_dma semaphore(%arg29 : memref<!tpu.dma_semaphore, #tpu.memory_space<semaphore_mem>>) src(%dma_wait3A_34 : memref<524288x128xf32, #tpu.memory_space<hbm>>) dst(%arg27 : memref<128x128xf32, #tpu.memory_space<vmem>>)
    %dma_start3A_35 = arith.constant 0 : i32
    %dma_start3A_36 = arith.constant 0 : i32
    %dma_start3A_37 = tpu.memref_slice %arg5[%dma_start3A_35, %dma_start3A_36] : memref<81920x128xf32, #tpu.memory_space<hbm>> -> memref<81920x128xf32, #tpu.memory_space<hbm>>
    tpu.enqueue_indirect_dma source(%arg27 : memref<128x128xf32, #tpu.memory_space<vmem>>) target(%dma_start3A_37 : memref<81920x128xf32, #tpu.memory_space<hbm>>) offsets(%arg7 : memref<128xi32, #tpu.memory_space<vmem>>) semaphore(%arg31 : memref<!tpu.dma_semaphore, #tpu.memory_space<semaphore_mem>>)
    %dma_wait3A_38 = arith.constant 0 : i32
    %dma_wait3A_39 = arith.constant 0 : i32
    %dma_wait3A_40 = tpu.memref_slice %arg5[%dma_wait3A_38, %dma_wait3A_39] : memref<81920x128xf32, #tpu.memory_space<hbm>> -> memref<81920x128xf32, #tpu.memory_space<hbm>>
    tpu.wait_indirect_dma semaphore(%arg31 : memref<!tpu.dma_semaphore, #tpu.memory_space<semaphore_mem>>) src(%arg27 : memref<128x128xf32, #tpu.memory_space<vmem>>) dst(%dma_wait3A_40 : memref<81920x128xf32, #tpu.memory_space<hbm>>)
    %dma_start3A_41 = arith.constant 256 : i32
    %dma_start3A_42 = tpu.memref_slice %arg6[%dma_start3A_41] : memref<2560xi32, #tpu.memory_space<vmem>> -> memref<128xi32, #tpu.memory_space<vmem>>
    %dma_start3A_43 = arith.constant 0 : i32
    %dma_start3A_44 = arith.constant 0 : i32
    %dma_start3A_45 = tpu.memref_slice %arg2[%dma_start3A_43, %dma_start3A_44] : memref<524288x128xf32, #tpu.memory_space<hbm>> -> memref<524288x128xf32, #tpu.memory_space<hbm>>
    tpu.enqueue_indirect_dma source(%dma_start3A_45 : memref<524288x128xf32, #tpu.memory_space<hbm>>) target(%arg27 : memref<128x128xf32, #tpu.memory_space<vmem>>) offsets(%dma_start3A_42 : memref<128xi32, #tpu.memory_space<vmem>>) semaphore(%arg29 : memref<!tpu.dma_semaphore, #tpu.memory_space<semaphore_mem>>)
    %dma_wait3A_46 = arith.constant 128 : i32
    %dma_wait3A_47 = tpu.memref_slice %arg6[%dma_wait3A_46] : memref<2560xi32, #tpu.memory_space<vmem>> -> memref<128xi32, #tpu.memory_space<vmem>>
    %dma_wait3A_48 = arith.constant 0 : i32
    %dma_wait3A_49 = arith.constant 0 : i32
    %dma_wait3A_50 = tpu.memref_slice %arg2[%dma_wait3A_48, %dma_wait3A_49] : memref<524288x128xf32, #tpu.memory_space<hbm>> -> memref<524288x128xf32, #tpu.memory_space<hbm>>
    tpu.wait_indirect_dma semaphore(%arg30 : memref<!tpu.dma_semaphore, #tpu.memory_space<semaphore_mem>>) src(%dma_wait3A_50 : memref<524288x128xf32, #tpu.memory_space<hbm>>) dst(%arg28 : memref<128x128xf32, #tpu.memory_space<vmem>>)
    %dma_start3A_51 = arith.constant 0 : i32
    %dma_start3A_52 = arith.constant 0 : i32
    %dma_start3A_53 = tpu.memref_slice %arg5[%dma_start3A_51, %dma_start3A_52] : memref<81920x128xf32, #tpu.memory_space<hbm>> -> memref<81920x128xf32, #tpu.memory_space<hbm>>
    tpu.enqueue_indirect_dma source(%arg28 : memref<128x128xf32, #tpu.memory_space<vmem>>) target(%dma_start3A_53 : memref<81920x128xf32, #tpu.memory_space<hbm>>) offsets(%arg8 : memref<128xi32, #tpu.memory_space<vmem>>) semaphore(%arg32 : memref<!tpu.dma_semaphore, #tpu.memory_space<semaphore_mem>>)
    %dma_wait3A_54 = arith.constant 0 : i32
    %dma_wait3A_55 = arith.constant 0 : i32
    %dma_wait3A_56 = tpu.memref_slice %arg5[%dma_wait3A_54, %dma_wait3A_55] : memref<81920x128xf32, #tpu.memory_space<hbm>> -> memref<81920x128xf32, #tpu.memory_space<hbm>>
    tpu.wait_indirect_dma semaphore(%arg32 : memref<!tpu.dma_semaphore, #tpu.memory_space<semaphore_mem>>) src(%arg28 : memref<128x128xf32, #tpu.memory_space<vmem>>) dst(%dma_wait3A_56 : memref<81920x128xf32, #tpu.memory_space<hbm>>)
    %dma_start3A_57 = arith.constant 384 : i32
    %dma_start3A_58 = tpu.memref_slice %arg6[%dma_start3A_57] : memref<2560xi32, #tpu.memory_space<vmem>> -> memref<128xi32, #tpu.memory_space<vmem>>
    %dma_start3A_59 = arith.constant 0 : i32
    %dma_start3A_60 = arith.constant 0 : i32
    %dma_start3A_61 = tpu.memref_slice %arg2[%dma_start3A_59, %dma_start3A_60] : memref<524288x128xf32, #tpu.memory_space<hbm>> -> memref<524288x128xf32, #tpu.memory_space<hbm>>
    tpu.enqueue_indirect_dma source(%dma_start3A_61 : memref<524288x128xf32, #tpu.memory_space<hbm>>) target(%arg28 : memref<128x128xf32, #tpu.memory_space<vmem>>) offsets(%dma_start3A_58 : memref<128xi32, #tpu.memory_space<vmem>>) semaphore(%arg30 : memref<!tpu.dma_semaphore, #tpu.memory_space<semaphore_mem>>)
    %dma_wait3A_62 = arith.constant 256 : i32
    %dma_wait3A_63 = tpu.memref_slice %arg6[%dma_wait3A_62] : memref<2560xi32, #tpu.memory_space<vmem>> -> memref<128xi32, #tpu.memory_space<vmem>>
    %dma_wait3A_64 = arith.constant 0 : i32
    %dma_wait3A_65 = arith.constant 0 : i32
    %dma_wait3A_66 = tpu.memref_slice %arg2[%dma_wait3A_64, %dma_wait3A_65] : memref<524288x128xf32, #tpu.memory_space<hbm>> -> memref<524288x128xf32, #tpu.memory_space<hbm>>
    tpu.wait_indirect_dma semaphore(%arg29 : memref<!tpu.dma_semaphore, #tpu.memory_space<semaphore_mem>>) src(%dma_wait3A_66 : memref<524288x128xf32, #tpu.memory_space<hbm>>) dst(%arg27 : memref<128x128xf32, #tpu.memory_space<vmem>>)
    %dma_start3A_67 = arith.constant 0 : i32
    %dma_start3A_68 = arith.constant 0 : i32
    %dma_start3A_69 = tpu.memref_slice %arg5[%dma_start3A_67, %dma_start3A_68] : memref<81920x128xf32, #tpu.memory_space<hbm>> -> memref<81920x128xf32, #tpu.memory_space<hbm>>
    tpu.enqueue_indirect_dma source(%arg27 : memref<128x128xf32, #tpu.memory_space<vmem>>) target(%dma_start3A_69 : memref<81920x128xf32, #tpu.memory_space<hbm>>) offsets(%arg9 : memref<128xi32, #tpu.memory_space<vmem>>) semaphore(%arg31 : memref<!tpu.dma_semaphore, #tpu.memory_space<semaphore_mem>>)
    %dma_wait3A_70 = arith.constant 0 : i32
    %dma_wait3A_71 = arith.constant 0 : i32
    %dma_wait3A_72 = tpu.memref_slice %arg5[%dma_wait3A_70, %dma_wait3A_71] : memref<81920x128xf32, #tpu.memory_space<hbm>> -> memref<81920x128xf32, #tpu.memory_space<hbm>>
    tpu.wait_indirect_dma semaphore(%arg31 : memref<!tpu.dma_semaphore, #tpu.memory_space<semaphore_mem>>) src(%arg27 : memref<128x128xf32, #tpu.memory_space<vmem>>) dst(%dma_wait3A_72 : memref<81920x128xf32, #tpu.memory_space<hbm>>)
    %dma_start3A_73 = arith.constant 512 : i32
    %dma_start3A_74 = tpu.memref_slice %arg6[%dma_start3A_73] : memref<2560xi32, #tpu.memory_space<vmem>> -> memref<128xi32, #tpu.memory_space<vmem>>
    %dma_start3A_75 = arith.constant 0 : i32
    %dma_start3A_76 = arith.constant 0 : i32
    %dma_start3A_77 = tpu.memref_slice %arg2[%dma_start3A_75, %dma_start3A_76] : memref<524288x128xf32, #tpu.memory_space<hbm>> -> memref<524288x128xf32, #tpu.memory_space<hbm>>
    tpu.enqueue_indirect_dma source(%dma_start3A_77 : memref<524288x128xf32, #tpu.memory_space<hbm>>) target(%arg27 : memref<128x128xf32, #tpu.memory_space<vmem>>) offsets(%dma_start3A_74 : memref<128xi32, #tpu.memory_space<vmem>>) semaphore(%arg29 : memref<!tpu.dma_semaphore, #tpu.memory_space<semaphore_mem>>)
    %dma_wait3A_78 = arith.constant 384 : i32
    %dma_wait3A_79 = tpu.memref_slice %arg6[%dma_wait3A_78] : memref<2560xi32, #tpu.memory_space<vmem>> -> memref<128xi32, #tpu.memory_space<vmem>>
    %dma_wait3A_80 = arith.constant 0 : i32
    %dma_wait3A_81 = arith.constant 0 : i32
    %dma_wait3A_82 = tpu.memref_slice %arg2[%dma_wait3A_80, %dma_wait3A_81] : memref<524288x128xf32, #tpu.memory_space<hbm>> -> memref<524288x128xf32, #tpu.memory_space<hbm>>
    tpu.wait_indirect_dma semaphore(%arg30 : memref<!tpu.dma_semaphore, #tpu.memory_space<semaphore_mem>>) src(%dma_wait3A_82 : memref<524288x128xf32, #tpu.memory_space<hbm>>) dst(%arg28 : memref<128x128xf32, #tpu.memory_space<vmem>>)
    %dma_start3A_83 = arith.constant 0 : i32
    %dma_start3A_84 = arith.constant 0 : i32
    %dma_start3A_85 = tpu.memref_slice %arg5[%dma_start3A_83, %dma_start3A_84] : memref<81920x128xf32, #tpu.memory_space<hbm>> -> memref<81920x128xf32, #tpu.memory_space<hbm>>
    tpu.enqueue_indirect_dma source(%arg28 : memref<128x128xf32, #tpu.memory_space<vmem>>) target(%dma_start3A_85 : memref<81920x128xf32, #tpu.memory_space<hbm>>) offsets(%arg10 : memref<128xi32, #tpu.memory_space<vmem>>) semaphore(%arg32 : memref<!tpu.dma_semaphore, #tpu.memory_space<semaphore_mem>>)
    %dma_wait3A_86 = arith.constant 0 : i32
    %dma_wait3A_87 = arith.constant 0 : i32
    %dma_wait3A_88 = tpu.memref_slice %arg5[%dma_wait3A_86, %dma_wait3A_87] : memref<81920x128xf32, #tpu.memory_space<hbm>> -> memref<81920x128xf32, #tpu.memory_space<hbm>>
    tpu.wait_indirect_dma semaphore(%arg32 : memref<!tpu.dma_semaphore, #tpu.memory_space<semaphore_mem>>) src(%arg28 : memref<128x128xf32, #tpu.memory_space<vmem>>) dst(%dma_wait3A_88 : memref<81920x128xf32, #tpu.memory_space<hbm>>)
    %dma_start3A_89 = arith.constant 640 : i32
    %dma_start3A_90 = tpu.memref_slice %arg6[%dma_start3A_89] : memref<2560xi32, #tpu.memory_space<vmem>> -> memref<128xi32, #tpu.memory_space<vmem>>
    %dma_start3A_91 = arith.constant 0 : i32
    %dma_start3A_92 = arith.constant 0 : i32
    %dma_start3A_93 = tpu.memref_slice %arg2[%dma_start3A_91, %dma_start3A_92] : memref<524288x128xf32, #tpu.memory_space<hbm>> -> memref<524288x128xf32, #tpu.memory_space<hbm>>
    tpu.enqueue_indirect_dma source(%dma_start3A_93 : memref<524288x128xf32, #tpu.memory_space<hbm>>) target(%arg28 : memref<128x128xf32, #tpu.memory_space<vmem>>) offsets(%dma_start3A_90 : memref<128xi32, #tpu.memory_space<vmem>>) semaphore(%arg30 : memref<!tpu.dma_semaphore, #tpu.memory_space<semaphore_mem>>)
    %dma_wait3A_94 = arith.constant 512 : i32
    %dma_wait3A_95 = tpu.memref_slice %arg6[%dma_wait3A_94] : memref<2560xi32, #tpu.memory_space<vmem>> -> memref<128xi32, #tpu.memory_space<vmem>>
    %dma_wait3A_96 = arith.constant 0 : i32
    %dma_wait3A_97 = arith.constant 0 : i32
    %dma_wait3A_98 = tpu.memref_slice %arg2[%dma_wait3A_96, %dma_wait3A_97] : memref<524288x128xf32, #tpu.memory_space<hbm>> -> memref<524288x128xf32, #tpu.memory_space<hbm>>
    tpu.wait_indirect_dma semaphore(%arg29 : memref<!tpu.dma_semaphore, #tpu.memory_space<semaphore_mem>>) src(%dma_wait3A_98 : memref<524288x128xf32, #tpu.memory_space<hbm>>) dst(%arg27 : memref<128x128xf32, #tpu.memory_space<vmem>>)
    %dma_start3A_99 = arith.constant 0 : i32
    %dma_start3A_100 = arith.constant 0 : i32
    %dma_start3A_101 = tpu.memref_slice %arg5[%dma_start3A_99, %dma_start3A_100] : memref<81920x128xf32, #tpu.memory_space<hbm>> -> memref<81920x128xf32, #tpu.memory_space<hbm>>
    tpu.enqueue_indirect_dma source(%arg27 : memref<128x128xf32, #tpu.memory_space<vmem>>) target(%dma_start3A_101 : memref<81920x128xf32, #tpu.memory_space<hbm>>) offsets(%arg11 : memref<128xi32, #tpu.memory_space<vmem>>) semaphore(%arg31 : memref<!tpu.dma_semaphore, #tpu.memory_space<semaphore_mem>>)
    %dma_wait3A_102 = arith.constant 0 : i32
    %dma_wait3A_103 = arith.constant 0 : i32
    %dma_wait3A_104 = tpu.memref_slice %arg5[%dma_wait3A_102, %dma_wait3A_103] : memref<81920x128xf32, #tpu.memory_space<hbm>> -> memref<81920x128xf32, #tpu.memory_space<hbm>>
    tpu.wait_indirect_dma semaphore(%arg31 : memref<!tpu.dma_semaphore, #tpu.memory_space<semaphore_mem>>) src(%arg27 : memref<128x128xf32, #tpu.memory_space<vmem>>) dst(%dma_wait3A_104 : memref<81920x128xf32, #tpu.memory_space<hbm>>)
    %dma_start3A_105 = arith.constant 768 : i32
    %dma_start3A_106 = tpu.memref_slice %arg6[%dma_start3A_105] : memref<2560xi32, #tpu.memory_space<vmem>> -> memref<128xi32, #tpu.memory_space<vmem>>
    %dma_start3A_107 = arith.constant 0 : i32
    %dma_start3A_108 = arith.constant 0 : i32
    %dma_start3A_109 = tpu.memref_slice %arg2[%dma_start3A_107, %dma_start3A_108] : memref<524288x128xf32, #tpu.memory_space<hbm>> -> memref<524288x128xf32, #tpu.memory_space<hbm>>
    tpu.enqueue_indirect_dma source(%dma_start3A_109 : memref<524288x128xf32, #tpu.memory_space<hbm>>) target(%arg27 : memref<128x128xf32, #tpu.memory_space<vmem>>) offsets(%dma_start3A_106 : memref<128xi32, #tpu.memory_space<vmem>>) semaphore(%arg29 : memref<!tpu.dma_semaphore, #tpu.memory_space<semaphore_mem>>)
    %dma_wait3A_110 = arith.constant 640 : i32
    %dma_wait3A_111 = tpu.memref_slice %arg6[%dma_wait3A_110] : memref<2560xi32, #tpu.memory_space<vmem>> -> memref<128xi32, #tpu.memory_space<vmem>>
    %dma_wait3A_112 = arith.constant 0 : i32
    %dma_wait3A_113 = arith.constant 0 : i32
    %dma_wait3A_114 = tpu.memref_slice %arg2[%dma_wait3A_112, %dma_wait3A_113] : memref<524288x128xf32, #tpu.memory_space<hbm>> -> memref<524288x128xf32, #tpu.memory_space<hbm>>
    tpu.wait_indirect_dma semaphore(%arg30 : memref<!tpu.dma_semaphore, #tpu.memory_space<semaphore_mem>>) src(%dma_wait3A_114 : memref<524288x128xf32, #tpu.memory_space<hbm>>) dst(%arg28 : memref<128x128xf32, #tpu.memory_space<vmem>>)
    %dma_start3A_115 = arith.constant 0 : i32
    %dma_start3A_116 = arith.constant 0 : i32
    %dma_start3A_117 = tpu.memref_slice %arg5[%dma_start3A_115, %dma_start3A_116] : memref<81920x128xf32, #tpu.memory_space<hbm>> -> memref<81920x128xf32, #tpu.memory_space<hbm>>
    tpu.enqueue_indirect_dma source(%arg28 : memref<128x128xf32, #tpu.memory_space<vmem>>) target(%dma_start3A_117 : memref<81920x128xf32, #tpu.memory_space<hbm>>) offsets(%arg12 : memref<128xi32, #tpu.memory_space<vmem>>) semaphore(%arg32 : memref<!tpu.dma_semaphore, #tpu.memory_space<semaphore_mem>>)
    %dma_wait3A_118 = arith.constant 0 : i32
    %dma_wait3A_119 = arith.constant 0 : i32
    %dma_wait3A_120 = tpu.memref_slice %arg5[%dma_wait3A_118, %dma_wait3A_119] : memref<81920x128xf32, #tpu.memory_space<hbm>> -> memref<81920x128xf32, #tpu.memory_space<hbm>>
    tpu.wait_indirect_dma semaphore(%arg32 : memref<!tpu.dma_semaphore, #tpu.memory_space<semaphore_mem>>) src(%arg28 : memref<128x128xf32, #tpu.memory_space<vmem>>) dst(%dma_wait3A_120 : memref<81920x128xf32, #tpu.memory_space<hbm>>)
    %dma_start3A_121 = arith.constant 896 : i32
    %dma_start3A_122 = tpu.memref_slice %arg6[%dma_start3A_121] : memref<2560xi32, #tpu.memory_space<vmem>> -> memref<128xi32, #tpu.memory_space<vmem>>
    %dma_start3A_123 = arith.constant 0 : i32
    %dma_start3A_124 = arith.constant 0 : i32
    %dma_start3A_125 = tpu.memref_slice %arg2[%dma_start3A_123, %dma_start3A_124] : memref<524288x128xf32, #tpu.memory_space<hbm>> -> memref<524288x128xf32, #tpu.memory_space<hbm>>
    tpu.enqueue_indirect_dma source(%dma_start3A_125 : memref<524288x128xf32, #tpu.memory_space<hbm>>) target(%arg28 : memref<128x128xf32, #tpu.memory_space<vmem>>) offsets(%dma_start3A_122 : memref<128xi32, #tpu.memory_space<vmem>>) semaphore(%arg30 : memref<!tpu.dma_semaphore, #tpu.memory_space<semaphore_mem>>)
    %dma_wait3A_126 = arith.constant 768 : i32
    %dma_wait3A_127 = tpu.memref_slice %arg6[%dma_wait3A_126] : memref<2560xi32, #tpu.memory_space<vmem>> -> memref<128xi32, #tpu.memory_space<vmem>>
    %dma_wait3A_128 = arith.constant 0 : i32
    %dma_wait3A_129 = arith.constant 0 : i32
    %dma_wait3A_130 = tpu.memref_slice %arg2[%dma_wait3A_128, %dma_wait3A_129] : memref<524288x128xf32, #tpu.memory_space<hbm>> -> memref<524288x128xf32, #tpu.memory_space<hbm>>
    tpu.wait_indirect_dma semaphore(%arg29 : memref<!tpu.dma_semaphore, #tpu.memory_space<semaphore_mem>>) src(%dma_wait3A_130 : memref<524288x128xf32, #tpu.memory_space<hbm>>) dst(%arg27 : memref<128x128xf32, #tpu.memory_space<vmem>>)
    %dma_start3A_131 = arith.constant 0 : i32
    %dma_start3A_132 = arith.constant 0 : i32
    %dma_start3A_133 = tpu.memref_slice %arg5[%dma_start3A_131, %dma_start3A_132] : memref<81920x128xf32, #tpu.memory_space<hbm>> -> memref<81920x128xf32, #tpu.memory_space<hbm>>
    tpu.enqueue_indirect_dma source(%arg27 : memref<128x128xf32, #tpu.memory_space<vmem>>) target(%dma_start3A_133 : memref<81920x128xf32, #tpu.memory_space<hbm>>) offsets(%arg13 : memref<128xi32, #tpu.memory_space<vmem>>) semaphore(%arg31 : memref<!tpu.dma_semaphore, #tpu.memory_space<semaphore_mem>>)
    %dma_wait3A_134 = arith.constant 0 : i32
    %dma_wait3A_135 = arith.constant 0 : i32
    %dma_wait3A_136 = tpu.memref_slice %arg5[%dma_wait3A_134, %dma_wait3A_135] : memref<81920x128xf32, #tpu.memory_space<hbm>> -> memref<81920x128xf32, #tpu.memory_space<hbm>>
    tpu.wait_indirect_dma semaphore(%arg31 : memref<!tpu.dma_semaphore, #tpu.memory_space<semaphore_mem>>) src(%arg27 : memref<128x128xf32, #tpu.memory_space<vmem>>) dst(%dma_wait3A_136 : memref<81920x128xf32, #tpu.memory_space<hbm>>)
    %dma_start3A_137 = arith.constant 1024 : i32
    %dma_start3A_138 = tpu.memref_slice %arg6[%dma_start3A_137] : memref<2560xi32, #tpu.memory_space<vmem>> -> memref<128xi32, #tpu.memory_space<vmem>>
    %dma_start3A_139 = arith.constant 0 : i32
    %dma_start3A_140 = arith.constant 0 : i32
    %dma_start3A_141 = tpu.memref_slice %arg2[%dma_start3A_139, %dma_start3A_140] : memref<524288x128xf32, #tpu.memory_space<hbm>> -> memref<524288x128xf32, #tpu.memory_space<hbm>>
    tpu.enqueue_indirect_dma source(%dma_start3A_141 : memref<524288x128xf32, #tpu.memory_space<hbm>>) target(%arg27 : memref<128x128xf32, #tpu.memory_space<vmem>>) offsets(%dma_start3A_138 : memref<128xi32, #tpu.memory_space<vmem>>) semaphore(%arg29 : memref<!tpu.dma_semaphore, #tpu.memory_space<semaphore_mem>>)
    %dma_wait3A_142 = arith.constant 896 : i32
    %dma_wait3A_143 = tpu.memref_slice %arg6[%dma_wait3A_142] : memref<2560xi32, #tpu.memory_space<vmem>> -> memref<128xi32, #tpu.memory_space<vmem>>
    %dma_wait3A_144 = arith.constant 0 : i32
    %dma_wait3A_145 = arith.constant 0 : i32
    %dma_wait3A_146 = tpu.memref_slice %arg2[%dma_wait3A_144, %dma_wait3A_145] : memref<524288x128xf32, #tpu.memory_space<hbm>> -> memref<524288x128xf32, #tpu.memory_space<hbm>>
    tpu.wait_indirect_dma semaphore(%arg30 : memref<!tpu.dma_semaphore, #tpu.memory_space<semaphore_mem>>) src(%dma_wait3A_146 : memref<524288x128xf32, #tpu.memory_space<hbm>>) dst(%arg28 : memref<128x128xf32, #tpu.memory_space<vmem>>)
    %dma_start3A_147 = arith.constant 0 : i32
    %dma_start3A_148 = arith.constant 0 : i32
    %dma_start3A_149 = tpu.memref_slice %arg5[%dma_start3A_147, %dma_start3A_148] : memref<81920x128xf32, #tpu.memory_space<hbm>> -> memref<81920x128xf32, #tpu.memory_space<hbm>>
    tpu.enqueue_indirect_dma source(%arg28 : memref<128x128xf32, #tpu.memory_space<vmem>>) target(%dma_start3A_149 : memref<81920x128xf32, #tpu.memory_space<hbm>>) offsets(%arg14 : memref<128xi32, #tpu.memory_space<vmem>>) semaphore(%arg32 : memref<!tpu.dma_semaphore, #tpu.memory_space<semaphore_mem>>)
    %dma_wait3A_150 = arith.constant 0 : i32
    %dma_wait3A_151 = arith.constant 0 : i32
    %dma_wait3A_152 = tpu.memref_slice %arg5[%dma_wait3A_150, %dma_wait3A_151] : memref<81920x128xf32, #tpu.memory_space<hbm>> -> memref<81920x128xf32, #tpu.memory_space<hbm>>
    tpu.wait_indirect_dma semaphore(%arg32 : memref<!tpu.dma_semaphore, #tpu.memory_space<semaphore_mem>>) src(%arg28 : memref<128x128xf32, #tpu.memory_space<vmem>>) dst(%dma_wait3A_152 : memref<81920x128xf32, #tpu.memory_space<hbm>>)
    %dma_start3A_153 = arith.constant 1152 : i32
    %dma_start3A_154 = tpu.memref_slice %arg6[%dma_start3A_153] : memref<2560xi32, #tpu.memory_space<vmem>> -> memref<128xi32, #tpu.memory_space<vmem>>
    %dma_start3A_155 = arith.constant 0 : i32
    %dma_start3A_156 = arith.constant 0 : i32
    %dma_start3A_157 = tpu.memref_slice %arg2[%dma_start3A_155, %dma_start3A_156] : memref<524288x128xf32, #tpu.memory_space<hbm>> -> memref<524288x128xf32, #tpu.memory_space<hbm>>
    tpu.enqueue_indirect_dma source(%dma_start3A_157 : memref<524288x128xf32, #tpu.memory_space<hbm>>) target(%arg28 : memref<128x128xf32, #tpu.memory_space<vmem>>) offsets(%dma_start3A_154 : memref<128xi32, #tpu.memory_space<vmem>>) semaphore(%arg30 : memref<!tpu.dma_semaphore, #tpu.memory_space<semaphore_mem>>)
    %dma_wait3A_158 = arith.constant 1024 : i32
    %dma_wait3A_159 = tpu.memref_slice %arg6[%dma_wait3A_158] : memref<2560xi32, #tpu.memory_space<vmem>> -> memref<128xi32, #tpu.memory_space<vmem>>
    %dma_wait3A_160 = arith.constant 0 : i32
    %dma_wait3A_161 = arith.constant 0 : i32
    %dma_wait3A_162 = tpu.memref_slice %arg2[%dma_wait3A_160, %dma_wait3A_161] : memref<524288x128xf32, #tpu.memory_space<hbm>> -> memref<524288x128xf32, #tpu.memory_space<hbm>>
    tpu.wait_indirect_dma semaphore(%arg29 : memref<!tpu.dma_semaphore, #tpu.memory_space<semaphore_mem>>) src(%dma_wait3A_162 : memref<524288x128xf32, #tpu.memory_space<hbm>>) dst(%arg27 : memref<128x128xf32, #tpu.memory_space<vmem>>)
    %dma_start3A_163 = arith.constant 0 : i32
    %dma_start3A_164 = arith.constant 0 : i32
    %dma_start3A_165 = tpu.memref_slice %arg5[%dma_start3A_163, %dma_start3A_164] : memref<81920x128xf32, #tpu.memory_space<hbm>> -> memref<81920x128xf32, #tpu.memory_space<hbm>>
    tpu.enqueue_indirect_dma source(%arg27 : memref<128x128xf32, #tpu.memory_space<vmem>>) target(%dma_start3A_165 : memref<81920x128xf32, #tpu.memory_space<hbm>>) offsets(%arg15 : memref<128xi32, #tpu.memory_space<vmem>>) semaphore(%arg31 : memref<!tpu.dma_semaphore, #tpu.memory_space<semaphore_mem>>)
    %dma_wait3A_166 = arith.constant 0 : i32
    %dma_wait3A_167 = arith.constant 0 : i32
    %dma_wait3A_168 = tpu.memref_slice %arg5[%dma_wait3A_166, %dma_wait3A_167] : memref<81920x128xf32, #tpu.memory_space<hbm>> -> memref<81920x128xf32, #tpu.memory_space<hbm>>
    tpu.wait_indirect_dma semaphore(%arg31 : memref<!tpu.dma_semaphore, #tpu.memory_space<semaphore_mem>>) src(%arg27 : memref<128x128xf32, #tpu.memory_space<vmem>>) dst(%dma_wait3A_168 : memref<81920x128xf32, #tpu.memory_space<hbm>>)
    %dma_start3A_169 = arith.constant 1280 : i32
    %dma_start3A_170 = tpu.memref_slice %arg6[%dma_start3A_169] : memref<2560xi32, #tpu.memory_space<vmem>> -> memref<128xi32, #tpu.memory_space<vmem>>
    %dma_start3A_171 = arith.constant 0 : i32
    %dma_start3A_172 = arith.constant 0 : i32
    %dma_start3A_173 = tpu.memref_slice %arg2[%dma_start3A_171, %dma_start3A_172] : memref<524288x128xf32, #tpu.memory_space<hbm>> -> memref<524288x128xf32, #tpu.memory_space<hbm>>
    tpu.enqueue_indirect_dma source(%dma_start3A_173 : memref<524288x128xf32, #tpu.memory_space<hbm>>) target(%arg27 : memref<128x128xf32, #tpu.memory_space<vmem>>) offsets(%dma_start3A_170 : memref<128xi32, #tpu.memory_space<vmem>>) semaphore(%arg29 : memref<!tpu.dma_semaphore, #tpu.memory_space<semaphore_mem>>)
    %dma_wait3A_174 = arith.constant 1152 : i32
    %dma_wait3A_175 = tpu.memref_slice %arg6[%dma_wait3A_174] : memref<2560xi32, #tpu.memory_space<vmem>> -> memref<128xi32, #tpu.memory_space<vmem>>
    %dma_wait3A_176 = arith.constant 0 : i32
    %dma_wait3A_177 = arith.constant 0 : i32
    %dma_wait3A_178 = tpu.memref_slice %arg2[%dma_wait3A_176, %dma_wait3A_177] : memref<524288x128xf32, #tpu.memory_space<hbm>> -> memref<524288x128xf32, #tpu.memory_space<hbm>>
    tpu.wait_indirect_dma semaphore(%arg30 : memref<!tpu.dma_semaphore, #tpu.memory_space<semaphore_mem>>) src(%dma_wait3A_178 : memref<524288x128xf32, #tpu.memory_space<hbm>>) dst(%arg28 : memref<128x128xf32, #tpu.memory_space<vmem>>)
    %dma_start3A_179 = arith.constant 0 : i32
    %dma_start3A_180 = arith.constant 0 : i32
    %dma_start3A_181 = tpu.memref_slice %arg5[%dma_start3A_179, %dma_start3A_180] : memref<81920x128xf32, #tpu.memory_space<hbm>> -> memref<81920x128xf32, #tpu.memory_space<hbm>>
    tpu.enqueue_indirect_dma source(%arg28 : memref<128x128xf32, #tpu.memory_space<vmem>>) target(%dma_start3A_181 : memref<81920x128xf32, #tpu.memory_space<hbm>>) offsets(%arg16 : memref<128xi32, #tpu.memory_space<vmem>>) semaphore(%arg32 : memref<!tpu.dma_semaphore, #tpu.memory_space<semaphore_mem>>)
    %dma_wait3A_182 = arith.constant 0 : i32
    %dma_wait3A_183 = arith.constant 0 : i32
    %dma_wait3A_184 = tpu.memref_slice %arg5[%dma_wait3A_182, %dma_wait3A_183] : memref<81920x128xf32, #tpu.memory_space<hbm>> -> memref<81920x128xf32, #tpu.memory_space<hbm>>
    tpu.wait_indirect_dma semaphore(%arg32 : memref<!tpu.dma_semaphore, #tpu.memory_space<semaphore_mem>>) src(%arg28 : memref<128x128xf32, #tpu.memory_space<vmem>>) dst(%dma_wait3A_184 : memref<81920x128xf32, #tpu.memory_space<hbm>>)
    %dma_start3A_185 = arith.constant 1408 : i32
    %dma_start3A_186 = tpu.memref_slice %arg6[%dma_start3A_185] : memref<2560xi32, #tpu.memory_space<vmem>> -> memref<128xi32, #tpu.memory_space<vmem>>
    %dma_start3A_187 = arith.constant 0 : i32
    %dma_start3A_188 = arith.constant 0 : i32
    %dma_start3A_189 = tpu.memref_slice %arg2[%dma_start3A_187, %dma_start3A_188] : memref<524288x128xf32, #tpu.memory_space<hbm>> -> memref<524288x128xf32, #tpu.memory_space<hbm>>
    tpu.enqueue_indirect_dma source(%dma_start3A_189 : memref<524288x128xf32, #tpu.memory_space<hbm>>) target(%arg28 : memref<128x128xf32, #tpu.memory_space<vmem>>) offsets(%dma_start3A_186 : memref<128xi32, #tpu.memory_space<vmem>>) semaphore(%arg30 : memref<!tpu.dma_semaphore, #tpu.memory_space<semaphore_mem>>)
    %dma_wait3A_190 = arith.constant 1280 : i32
    %dma_wait3A_191 = tpu.memref_slice %arg6[%dma_wait3A_190] : memref<2560xi32, #tpu.memory_space<vmem>> -> memref<128xi32, #tpu.memory_space<vmem>>
    %dma_wait3A_192 = arith.constant 0 : i32
    %dma_wait3A_193 = arith.constant 0 : i32
    %dma_wait3A_194 = tpu.memref_slice %arg2[%dma_wait3A_192, %dma_wait3A_193] : memref<524288x128xf32, #tpu.memory_space<hbm>> -> memref<524288x128xf32, #tpu.memory_space<hbm>>
    tpu.wait_indirect_dma semaphore(%arg29 : memref<!tpu.dma_semaphore, #tpu.memory_space<semaphore_mem>>) src(%dma_wait3A_194 : memref<524288x128xf32, #tpu.memory_space<hbm>>) dst(%arg27 : memref<128x128xf32, #tpu.memory_space<vmem>>)
    %dma_start3A_195 = arith.constant 0 : i32
    %dma_start3A_196 = arith.constant 0 : i32
    %dma_start3A_197 = tpu.memref_slice %arg5[%dma_start3A_195, %dma_start3A_196] : memref<81920x128xf32, #tpu.memory_space<hbm>> -> memref<81920x128xf32, #tpu.memory_space<hbm>>
    tpu.enqueue_indirect_dma source(%arg27 : memref<128x128xf32, #tpu.memory_space<vmem>>) target(%dma_start3A_197 : memref<81920x128xf32, #tpu.memory_space<hbm>>) offsets(%arg17 : memref<128xi32, #tpu.memory_space<vmem>>) semaphore(%arg31 : memref<!tpu.dma_semaphore, #tpu.memory_space<semaphore_mem>>)
    %dma_wait3A_198 = arith.constant 0 : i32
    %dma_wait3A_199 = arith.constant 0 : i32
    %dma_wait3A_200 = tpu.memref_slice %arg5[%dma_wait3A_198, %dma_wait3A_199] : memref<81920x128xf32, #tpu.memory_space<hbm>> -> memref<81920x128xf32, #tpu.memory_space<hbm>>
    tpu.wait_indirect_dma semaphore(%arg31 : memref<!tpu.dma_semaphore, #tpu.memory_space<semaphore_mem>>) src(%arg27 : memref<128x128xf32, #tpu.memory_space<vmem>>) dst(%dma_wait3A_200 : memref<81920x128xf32, #tpu.memory_space<hbm>>)
    %dma_start3A_201 = arith.constant 1536 : i32
    %dma_start3A_202 = tpu.memref_slice %arg6[%dma_start3A_201] : memref<2560xi32, #tpu.memory_space<vmem>> -> memref<128xi32, #tpu.memory_space<vmem>>
    %dma_start3A_203 = arith.constant 0 : i32
    %dma_start3A_204 = arith.constant 0 : i32
    %dma_start3A_205 = tpu.memref_slice %arg2[%dma_start3A_203, %dma_start3A_204] : memref<524288x128xf32, #tpu.memory_space<hbm>> -> memref<524288x128xf32, #tpu.memory_space<hbm>>
    tpu.enqueue_indirect_dma source(%dma_start3A_205 : memref<524288x128xf32, #tpu.memory_space<hbm>>) target(%arg27 : memref<128x128xf32, #tpu.memory_space<vmem>>) offsets(%dma_start3A_202 : memref<128xi32, #tpu.memory_space<vmem>>) semaphore(%arg29 : memref<!tpu.dma_semaphore, #tpu.memory_space<semaphore_mem>>)
    %dma_wait3A_206 = arith.constant 1408 : i32
    %dma_wait3A_207 = tpu.memref_slice %arg6[%dma_wait3A_206] : memref<2560xi32, #tpu.memory_space<vmem>> -> memref<128xi32, #tpu.memory_space<vmem>>
    %dma_wait3A_208 = arith.constant 0 : i32
    %dma_wait3A_209 = arith.constant 0 : i32
    %dma_wait3A_210 = tpu.memref_slice %arg2[%dma_wait3A_208, %dma_wait3A_209] : memref<524288x128xf32, #tpu.memory_space<hbm>> -> memref<524288x128xf32, #tpu.memory_space<hbm>>
    tpu.wait_indirect_dma semaphore(%arg30 : memref<!tpu.dma_semaphore, #tpu.memory_space<semaphore_mem>>) src(%dma_wait3A_210 : memref<524288x128xf32, #tpu.memory_space<hbm>>) dst(%arg28 : memref<128x128xf32, #tpu.memory_space<vmem>>)
    %dma_start3A_211 = arith.constant 0 : i32
    %dma_start3A_212 = arith.constant 0 : i32
    %dma_start3A_213 = tpu.memref_slice %arg5[%dma_start3A_211, %dma_start3A_212] : memref<81920x128xf32, #tpu.memory_space<hbm>> -> memref<81920x128xf32, #tpu.memory_space<hbm>>
    tpu.enqueue_indirect_dma source(%arg28 : memref<128x128xf32, #tpu.memory_space<vmem>>) target(%dma_start3A_213 : memref<81920x128xf32, #tpu.memory_space<hbm>>) offsets(%arg18 : memref<128xi32, #tpu.memory_space<vmem>>) semaphore(%arg32 : memref<!tpu.dma_semaphore, #tpu.memory_space<semaphore_mem>>)
    %dma_wait3A_214 = arith.constant 0 : i32
    %dma_wait3A_215 = arith.constant 0 : i32
    %dma_wait3A_216 = tpu.memref_slice %arg5[%dma_wait3A_214, %dma_wait3A_215] : memref<81920x128xf32, #tpu.memory_space<hbm>> -> memref<81920x128xf32, #tpu.memory_space<hbm>>
    tpu.wait_indirect_dma semaphore(%arg32 : memref<!tpu.dma_semaphore, #tpu.memory_space<semaphore_mem>>) src(%arg28 : memref<128x128xf32, #tpu.memory_space<vmem>>) dst(%dma_wait3A_216 : memref<81920x128xf32, #tpu.memory_space<hbm>>)
    %dma_start3A_217 = arith.constant 1664 : i32
    %dma_start3A_218 = tpu.memref_slice %arg6[%dma_start3A_217] : memref<2560xi32, #tpu.memory_space<vmem>> -> memref<128xi32, #tpu.memory_space<vmem>>
    %dma_start3A_219 = arith.constant 0 : i32
    %dma_start3A_220 = arith.constant 0 : i32
    %dma_start3A_221 = tpu.memref_slice %arg2[%dma_start3A_219, %dma_start3A_220] : memref<524288x128xf32, #tpu.memory_space<hbm>> -> memref<524288x128xf32, #tpu.memory_space<hbm>>
    tpu.enqueue_indirect_dma source(%dma_start3A_221 : memref<524288x128xf32, #tpu.memory_space<hbm>>) target(%arg28 : memref<128x128xf32, #tpu.memory_space<vmem>>) offsets(%dma_start3A_218 : memref<128xi32, #tpu.memory_space<vmem>>) semaphore(%arg30 : memref<!tpu.dma_semaphore, #tpu.memory_space<semaphore_mem>>)
    %dma_wait3A_222 = arith.constant 1536 : i32
    %dma_wait3A_223 = tpu.memref_slice %arg6[%dma_wait3A_222] : memref<2560xi32, #tpu.memory_space<vmem>> -> memref<128xi32, #tpu.memory_space<vmem>>
    %dma_wait3A_224 = arith.constant 0 : i32
    %dma_wait3A_225 = arith.constant 0 : i32
    %dma_wait3A_226 = tpu.memref_slice %arg2[%dma_wait3A_224, %dma_wait3A_225] : memref<524288x128xf32, #tpu.memory_space<hbm>> -> memref<524288x128xf32, #tpu.memory_space<hbm>>
    tpu.wait_indirect_dma semaphore(%arg29 : memref<!tpu.dma_semaphore, #tpu.memory_space<semaphore_mem>>) src(%dma_wait3A_226 : memref<524288x128xf32, #tpu.memory_space<hbm>>) dst(%arg27 : memref<128x128xf32, #tpu.memory_space<vmem>>)
    %dma_start3A_227 = arith.constant 0 : i32
    %dma_start3A_228 = arith.constant 0 : i32
    %dma_start3A_229 = tpu.memref_slice %arg5[%dma_start3A_227, %dma_start3A_228] : memref<81920x128xf32, #tpu.memory_space<hbm>> -> memref<81920x128xf32, #tpu.memory_space<hbm>>
    tpu.enqueue_indirect_dma source(%arg27 : memref<128x128xf32, #tpu.memory_space<vmem>>) target(%dma_start3A_229 : memref<81920x128xf32, #tpu.memory_space<hbm>>) offsets(%arg19 : memref<128xi32, #tpu.memory_space<vmem>>) semaphore(%arg31 : memref<!tpu.dma_semaphore, #tpu.memory_space<semaphore_mem>>)
    %dma_wait3A_230 = arith.constant 0 : i32
    %dma_wait3A_231 = arith.constant 0 : i32
    %dma_wait3A_232 = tpu.memref_slice %arg5[%dma_wait3A_230, %dma_wait3A_231] : memref<81920x128xf32, #tpu.memory_space<hbm>> -> memref<81920x128xf32, #tpu.memory_space<hbm>>
    tpu.wait_indirect_dma semaphore(%arg31 : memref<!tpu.dma_semaphore, #tpu.memory_space<semaphore_mem>>) src(%arg27 : memref<128x128xf32, #tpu.memory_space<vmem>>) dst(%dma_wait3A_232 : memref<81920x128xf32, #tpu.memory_space<hbm>>)
    %dma_start3A_233 = arith.constant 1792 : i32
    %dma_start3A_234 = tpu.memref_slice %arg6[%dma_start3A_233] : memref<2560xi32, #tpu.memory_space<vmem>> -> memref<128xi32, #tpu.memory_space<vmem>>
    %dma_start3A_235 = arith.constant 0 : i32
    %dma_start3A_236 = arith.constant 0 : i32
    %dma_start3A_237 = tpu.memref_slice %arg2[%dma_start3A_235, %dma_start3A_236] : memref<524288x128xf32, #tpu.memory_space<hbm>> -> memref<524288x128xf32, #tpu.memory_space<hbm>>
    tpu.enqueue_indirect_dma source(%dma_start3A_237 : memref<524288x128xf32, #tpu.memory_space<hbm>>) target(%arg27 : memref<128x128xf32, #tpu.memory_space<vmem>>) offsets(%dma_start3A_234 : memref<128xi32, #tpu.memory_space<vmem>>) semaphore(%arg29 : memref<!tpu.dma_semaphore, #tpu.memory_space<semaphore_mem>>)
    %dma_wait3A_238 = arith.constant 1664 : i32
    %dma_wait3A_239 = tpu.memref_slice %arg6[%dma_wait3A_238] : memref<2560xi32, #tpu.memory_space<vmem>> -> memref<128xi32, #tpu.memory_space<vmem>>
    %dma_wait3A_240 = arith.constant 0 : i32
    %dma_wait3A_241 = arith.constant 0 : i32
    %dma_wait3A_242 = tpu.memref_slice %arg2[%dma_wait3A_240, %dma_wait3A_241] : memref<524288x128xf32, #tpu.memory_space<hbm>> -> memref<524288x128xf32, #tpu.memory_space<hbm>>
    tpu.wait_indirect_dma semaphore(%arg30 : memref<!tpu.dma_semaphore, #tpu.memory_space<semaphore_mem>>) src(%dma_wait3A_242 : memref<524288x128xf32, #tpu.memory_space<hbm>>) dst(%arg28 : memref<128x128xf32, #tpu.memory_space<vmem>>)
    %dma_start3A_243 = arith.constant 0 : i32
    %dma_start3A_244 = arith.constant 0 : i32
    %dma_start3A_245 = tpu.memref_slice %arg5[%dma_start3A_243, %dma_start3A_244] : memref<81920x128xf32, #tpu.memory_space<hbm>> -> memref<81920x128xf32, #tpu.memory_space<hbm>>
    tpu.enqueue_indirect_dma source(%arg28 : memref<128x128xf32, #tpu.memory_space<vmem>>) target(%dma_start3A_245 : memref<81920x128xf32, #tpu.memory_space<hbm>>) offsets(%arg20 : memref<128xi32, #tpu.memory_space<vmem>>) semaphore(%arg32 : memref<!tpu.dma_semaphore, #tpu.memory_space<semaphore_mem>>)
    %dma_wait3A_246 = arith.constant 0 : i32
    %dma_wait3A_247 = arith.constant 0 : i32
    %dma_wait3A_248 = tpu.memref_slice %arg5[%dma_wait3A_246, %dma_wait3A_247] : memref<81920x128xf32, #tpu.memory_space<hbm>> -> memref<81920x128xf32, #tpu.memory_space<hbm>>
    tpu.wait_indirect_dma semaphore(%arg32 : memref<!tpu.dma_semaphore, #tpu.memory_space<semaphore_mem>>) src(%arg28 : memref<128x128xf32, #tpu.memory_space<vmem>>) dst(%dma_wait3A_248 : memref<81920x128xf32, #tpu.memory_space<hbm>>)
    %dma_start3A_249 = arith.constant 1920 : i32
    %dma_start3A_250 = tpu.memref_slice %arg6[%dma_start3A_249] : memref<2560xi32, #tpu.memory_space<vmem>> -> memref<128xi32, #tpu.memory_space<vmem>>
    %dma_start3A_251 = arith.constant 0 : i32
    %dma_start3A_252 = arith.constant 0 : i32
    %dma_start3A_253 = tpu.memref_slice %arg2[%dma_start3A_251, %dma_start3A_252] : memref<524288x128xf32, #tpu.memory_space<hbm>> -> memref<524288x128xf32, #tpu.memory_space<hbm>>
    tpu.enqueue_indirect_dma source(%dma_start3A_253 : memref<524288x128xf32, #tpu.memory_space<hbm>>) target(%arg28 : memref<128x128xf32, #tpu.memory_space<vmem>>) offsets(%dma_start3A_250 : memref<128xi32, #tpu.memory_space<vmem>>) semaphore(%arg30 : memref<!tpu.dma_semaphore, #tpu.memory_space<semaphore_mem>>)
    %dma_wait3A_254 = arith.constant 1792 : i32
    %dma_wait3A_255 = tpu.memref_slice %arg6[%dma_wait3A_254] : memref<2560xi32, #tpu.memory_space<vmem>> -> memref<128xi32, #tpu.memory_space<vmem>>
    %dma_wait3A_256 = arith.constant 0 : i32
    %dma_wait3A_257 = arith.constant 0 : i32
    %dma_wait3A_258 = tpu.memref_slice %arg2[%dma_wait3A_256, %dma_wait3A_257] : memref<524288x128xf32, #tpu.memory_space<hbm>> -> memref<524288x128xf32, #tpu.memory_space<hbm>>
    tpu.wait_indirect_dma semaphore(%arg29 : memref<!tpu.dma_semaphore, #tpu.memory_space<semaphore_mem>>) src(%dma_wait3A_258 : memref<524288x128xf32, #tpu.memory_space<hbm>>) dst(%arg27 : memref<128x128xf32, #tpu.memory_space<vmem>>)
    %dma_start3A_259 = arith.constant 0 : i32
    %dma_start3A_260 = arith.constant 0 : i32
    %dma_start3A_261 = tpu.memref_slice %arg5[%dma_start3A_259, %dma_start3A_260] : memref<81920x128xf32, #tpu.memory_space<hbm>> -> memref<81920x128xf32, #tpu.memory_space<hbm>>
    tpu.enqueue_indirect_dma source(%arg27 : memref<128x128xf32, #tpu.memory_space<vmem>>) target(%dma_start3A_261 : memref<81920x128xf32, #tpu.memory_space<hbm>>) offsets(%arg21 : memref<128xi32, #tpu.memory_space<vmem>>) semaphore(%arg31 : memref<!tpu.dma_semaphore, #tpu.memory_space<semaphore_mem>>)
    %dma_wait3A_262 = arith.constant 0 : i32
    %dma_wait3A_263 = arith.constant 0 : i32
    %dma_wait3A_264 = tpu.memref_slice %arg5[%dma_wait3A_262, %dma_wait3A_263] : memref<81920x128xf32, #tpu.memory_space<hbm>> -> memref<81920x128xf32, #tpu.memory_space<hbm>>
    tpu.wait_indirect_dma semaphore(%arg31 : memref<!tpu.dma_semaphore, #tpu.memory_space<semaphore_mem>>) src(%arg27 : memref<128x128xf32, #tpu.memory_space<vmem>>) dst(%dma_wait3A_264 : memref<81920x128xf32, #tpu.memory_space<hbm>>)
    %dma_start3A_265 = arith.constant 2048 : i32
    %dma_start3A_266 = tpu.memref_slice %arg6[%dma_start3A_265] : memref<2560xi32, #tpu.memory_space<vmem>> -> memref<128xi32, #tpu.memory_space<vmem>>
    %dma_start3A_267 = arith.constant 0 : i32
    %dma_start3A_268 = arith.constant 0 : i32
    %dma_start3A_269 = tpu.memref_slice %arg2[%dma_start3A_267, %dma_start3A_268] : memref<524288x128xf32, #tpu.memory_space<hbm>> -> memref<524288x128xf32, #tpu.memory_space<hbm>>
    tpu.enqueue_indirect_dma source(%dma_start3A_269 : memref<524288x128xf32, #tpu.memory_space<hbm>>) target(%arg27 : memref<128x128xf32, #tpu.memory_space<vmem>>) offsets(%dma_start3A_266 : memref<128xi32, #tpu.memory_space<vmem>>) semaphore(%arg29 : memref<!tpu.dma_semaphore, #tpu.memory_space<semaphore_mem>>)
    %dma_wait3A_270 = arith.constant 1920 : i32
    %dma_wait3A_271 = tpu.memref_slice %arg6[%dma_wait3A_270] : memref<2560xi32, #tpu.memory_space<vmem>> -> memref<128xi32, #tpu.memory_space<vmem>>
    %dma_wait3A_272 = arith.constant 0 : i32
    %dma_wait3A_273 = arith.constant 0 : i32
    %dma_wait3A_274 = tpu.memref_slice %arg2[%dma_wait3A_272, %dma_wait3A_273] : memref<524288x128xf32, #tpu.memory_space<hbm>> -> memref<524288x128xf32, #tpu.memory_space<hbm>>
    tpu.wait_indirect_dma semaphore(%arg30 : memref<!tpu.dma_semaphore, #tpu.memory_space<semaphore_mem>>) src(%dma_wait3A_274 : memref<524288x128xf32, #tpu.memory_space<hbm>>) dst(%arg28 : memref<128x128xf32, #tpu.memory_space<vmem>>)
    %dma_start3A_275 = arith.constant 0 : i32
    %dma_start3A_276 = arith.constant 0 : i32
    %dma_start3A_277 = tpu.memref_slice %arg5[%dma_start3A_275, %dma_start3A_276] : memref<81920x128xf32, #tpu.memory_space<hbm>> -> memref<81920x128xf32, #tpu.memory_space<hbm>>
    tpu.enqueue_indirect_dma source(%arg28 : memref<128x128xf32, #tpu.memory_space<vmem>>) target(%dma_start3A_277 : memref<81920x128xf32, #tpu.memory_space<hbm>>) offsets(%arg22 : memref<128xi32, #tpu.memory_space<vmem>>) semaphore(%arg32 : memref<!tpu.dma_semaphore, #tpu.memory_space<semaphore_mem>>)
    %dma_wait3A_278 = arith.constant 0 : i32
    %dma_wait3A_279 = arith.constant 0 : i32
    %dma_wait3A_280 = tpu.memref_slice %arg5[%dma_wait3A_278, %dma_wait3A_279] : memref<81920x128xf32, #tpu.memory_space<hbm>> -> memref<81920x128xf32, #tpu.memory_space<hbm>>
    tpu.wait_indirect_dma semaphore(%arg32 : memref<!tpu.dma_semaphore, #tpu.memory_space<semaphore_mem>>) src(%arg28 : memref<128x128xf32, #tpu.memory_space<vmem>>) dst(%dma_wait3A_280 : memref<81920x128xf32, #tpu.memory_space<hbm>>)
    %dma_start3A_281 = arith.constant 2176 : i32
    %dma_start3A_282 = tpu.memref_slice %arg6[%dma_start3A_281] : memref<2560xi32, #tpu.memory_space<vmem>> -> memref<128xi32, #tpu.memory_space<vmem>>
    %dma_start3A_283 = arith.constant 0 : i32
    %dma_start3A_284 = arith.constant 0 : i32
    %dma_start3A_285 = tpu.memref_slice %arg2[%dma_start3A_283, %dma_start3A_284] : memref<524288x128xf32, #tpu.memory_space<hbm>> -> memref<524288x128xf32, #tpu.memory_space<hbm>>
    tpu.enqueue_indirect_dma source(%dma_start3A_285 : memref<524288x128xf32, #tpu.memory_space<hbm>>) target(%arg28 : memref<128x128xf32, #tpu.memory_space<vmem>>) offsets(%dma_start3A_282 : memref<128xi32, #tpu.memory_space<vmem>>) semaphore(%arg30 : memref<!tpu.dma_semaphore, #tpu.memory_space<semaphore_mem>>)
    %dma_wait3A_286 = arith.constant 2048 : i32
    %dma_wait3A_287 = tpu.memref_slice %arg6[%dma_wait3A_286] : memref<2560xi32, #tpu.memory_space<vmem>> -> memref<128xi32, #tpu.memory_space<vmem>>
    %dma_wait3A_288 = arith.constant 0 : i32
    %dma_wait3A_289 = arith.constant 0 : i32
    %dma_wait3A_290 = tpu.memref_slice %arg2[%dma_wait3A_288, %dma_wait3A_289] : memref<524288x128xf32, #tpu.memory_space<hbm>> -> memref<524288x128xf32, #tpu.memory_space<hbm>>
    tpu.wait_indirect_dma semaphore(%arg29 : memref<!tpu.dma_semaphore, #tpu.memory_space<semaphore_mem>>) src(%dma_wait3A_290 : memref<524288x128xf32, #tpu.memory_space<hbm>>) dst(%arg27 : memref<128x128xf32, #tpu.memory_space<vmem>>)
    %dma_start3A_291 = arith.constant 0 : i32
    %dma_start3A_292 = arith.constant 0 : i32
    %dma_start3A_293 = tpu.memref_slice %arg5[%dma_start3A_291, %dma_start3A_292] : memref<81920x128xf32, #tpu.memory_space<hbm>> -> memref<81920x128xf32, #tpu.memory_space<hbm>>
    tpu.enqueue_indirect_dma source(%arg27 : memref<128x128xf32, #tpu.memory_space<vmem>>) target(%dma_start3A_293 : memref<81920x128xf32, #tpu.memory_space<hbm>>) offsets(%arg23 : memref<128xi32, #tpu.memory_space<vmem>>) semaphore(%arg31 : memref<!tpu.dma_semaphore, #tpu.memory_space<semaphore_mem>>)
    %dma_wait3A_294 = arith.constant 0 : i32
    %dma_wait3A_295 = arith.constant 0 : i32
    %dma_wait3A_296 = tpu.memref_slice %arg5[%dma_wait3A_294, %dma_wait3A_295] : memref<81920x128xf32, #tpu.memory_space<hbm>> -> memref<81920x128xf32, #tpu.memory_space<hbm>>
    tpu.wait_indirect_dma semaphore(%arg31 : memref<!tpu.dma_semaphore, #tpu.memory_space<semaphore_mem>>) src(%arg27 : memref<128x128xf32, #tpu.memory_space<vmem>>) dst(%dma_wait3A_296 : memref<81920x128xf32, #tpu.memory_space<hbm>>)
    %dma_start3A_297 = arith.constant 2304 : i32
    %dma_start3A_298 = tpu.memref_slice %arg6[%dma_start3A_297] : memref<2560xi32, #tpu.memory_space<vmem>> -> memref<128xi32, #tpu.memory_space<vmem>>
    %dma_start3A_299 = arith.constant 0 : i32
    %dma_start3A_300 = arith.constant 0 : i32
    %dma_start3A_301 = tpu.memref_slice %arg2[%dma_start3A_299, %dma_start3A_300] : memref<524288x128xf32, #tpu.memory_space<hbm>> -> memref<524288x128xf32, #tpu.memory_space<hbm>>
    tpu.enqueue_indirect_dma source(%dma_start3A_301 : memref<524288x128xf32, #tpu.memory_space<hbm>>) target(%arg27 : memref<128x128xf32, #tpu.memory_space<vmem>>) offsets(%dma_start3A_298 : memref<128xi32, #tpu.memory_space<vmem>>) semaphore(%arg29 : memref<!tpu.dma_semaphore, #tpu.memory_space<semaphore_mem>>)
    %dma_wait3A_302 = arith.constant 2176 : i32
    %dma_wait3A_303 = tpu.memref_slice %arg6[%dma_wait3A_302] : memref<2560xi32, #tpu.memory_space<vmem>> -> memref<128xi32, #tpu.memory_space<vmem>>
    %dma_wait3A_304 = arith.constant 0 : i32
    %dma_wait3A_305 = arith.constant 0 : i32
    %dma_wait3A_306 = tpu.memref_slice %arg2[%dma_wait3A_304, %dma_wait3A_305] : memref<524288x128xf32, #tpu.memory_space<hbm>> -> memref<524288x128xf32, #tpu.memory_space<hbm>>
    tpu.wait_indirect_dma semaphore(%arg30 : memref<!tpu.dma_semaphore, #tpu.memory_space<semaphore_mem>>) src(%dma_wait3A_306 : memref<524288x128xf32, #tpu.memory_space<hbm>>) dst(%arg28 : memref<128x128xf32, #tpu.memory_space<vmem>>)
    %dma_start3A_307 = arith.constant 0 : i32
    %dma_start3A_308 = arith.constant 0 : i32
    %dma_start3A_309 = tpu.memref_slice %arg5[%dma_start3A_307, %dma_start3A_308] : memref<81920x128xf32, #tpu.memory_space<hbm>> -> memref<81920x128xf32, #tpu.memory_space<hbm>>
    tpu.enqueue_indirect_dma source(%arg28 : memref<128x128xf32, #tpu.memory_space<vmem>>) target(%dma_start3A_309 : memref<81920x128xf32, #tpu.memory_space<hbm>>) offsets(%arg24 : memref<128xi32, #tpu.memory_space<vmem>>) semaphore(%arg32 : memref<!tpu.dma_semaphore, #tpu.memory_space<semaphore_mem>>)
    %dma_wait3A_310 = arith.constant 0 : i32
    %dma_wait3A_311 = arith.constant 0 : i32
    %dma_wait3A_312 = tpu.memref_slice %arg5[%dma_wait3A_310, %dma_wait3A_311] : memref<81920x128xf32, #tpu.memory_space<hbm>> -> memref<81920x128xf32, #tpu.memory_space<hbm>>
    tpu.wait_indirect_dma semaphore(%arg32 : memref<!tpu.dma_semaphore, #tpu.memory_space<semaphore_mem>>) src(%arg28 : memref<128x128xf32, #tpu.memory_space<vmem>>) dst(%dma_wait3A_312 : memref<81920x128xf32, #tpu.memory_space<hbm>>)
    %dma_start3A_313 = arith.constant 2432 : i32
    %dma_start3A_314 = tpu.memref_slice %arg6[%dma_start3A_313] : memref<2560xi32, #tpu.memory_space<vmem>> -> memref<128xi32, #tpu.memory_space<vmem>>
    %dma_start3A_315 = arith.constant 0 : i32
    %dma_start3A_316 = arith.constant 0 : i32
    %dma_start3A_317 = tpu.memref_slice %arg2[%dma_start3A_315, %dma_start3A_316] : memref<524288x128xf32, #tpu.memory_space<hbm>> -> memref<524288x128xf32, #tpu.memory_space<hbm>>
    tpu.enqueue_indirect_dma source(%dma_start3A_317 : memref<524288x128xf32, #tpu.memory_space<hbm>>) target(%arg28 : memref<128x128xf32, #tpu.memory_space<vmem>>) offsets(%dma_start3A_314 : memref<128xi32, #tpu.memory_space<vmem>>) semaphore(%arg30 : memref<!tpu.dma_semaphore, #tpu.memory_space<semaphore_mem>>)
    %dma_wait3A_318 = arith.constant 2304 : i32
    %dma_wait3A_319 = tpu.memref_slice %arg6[%dma_wait3A_318] : memref<2560xi32, #tpu.memory_space<vmem>> -> memref<128xi32, #tpu.memory_space<vmem>>
    %dma_wait3A_320 = arith.constant 0 : i32
    %dma_wait3A_321 = arith.constant 0 : i32
    %dma_wait3A_322 = tpu.memref_slice %arg2[%dma_wait3A_320, %dma_wait3A_321] : memref<524288x128xf32, #tpu.memory_space<hbm>> -> memref<524288x128xf32, #tpu.memory_space<hbm>>
    tpu.wait_indirect_dma semaphore(%arg29 : memref<!tpu.dma_semaphore, #tpu.memory_space<semaphore_mem>>) src(%dma_wait3A_322 : memref<524288x128xf32, #tpu.memory_space<hbm>>) dst(%arg27 : memref<128x128xf32, #tpu.memory_space<vmem>>)
    %dma_start3A_323 = arith.constant 0 : i32
    %dma_start3A_324 = arith.constant 0 : i32
    %dma_start3A_325 = tpu.memref_slice %arg5[%dma_start3A_323, %dma_start3A_324] : memref<81920x128xf32, #tpu.memory_space<hbm>> -> memref<81920x128xf32, #tpu.memory_space<hbm>>
    tpu.enqueue_indirect_dma source(%arg27 : memref<128x128xf32, #tpu.memory_space<vmem>>) target(%dma_start3A_325 : memref<81920x128xf32, #tpu.memory_space<hbm>>) offsets(%arg25 : memref<128xi32, #tpu.memory_space<vmem>>) semaphore(%arg31 : memref<!tpu.dma_semaphore, #tpu.memory_space<semaphore_mem>>)
    %dma_wait3A_326 = arith.constant 2432 : i32
    %dma_wait3A_327 = tpu.memref_slice %arg6[%dma_wait3A_326] : memref<2560xi32, #tpu.memory_space<vmem>> -> memref<128xi32, #tpu.memory_space<vmem>>
    %dma_wait3A_328 = arith.constant 0 : i32
    %dma_wait3A_329 = arith.constant 0 : i32
    %dma_wait3A_330 = tpu.memref_slice %arg2[%dma_wait3A_328, %dma_wait3A_329] : memref<524288x128xf32, #tpu.memory_space<hbm>> -> memref<524288x128xf32, #tpu.memory_space<hbm>>
    tpu.wait_indirect_dma semaphore(%arg30 : memref<!tpu.dma_semaphore, #tpu.memory_space<semaphore_mem>>) src(%dma_wait3A_330 : memref<524288x128xf32, #tpu.memory_space<hbm>>) dst(%arg28 : memref<128x128xf32, #tpu.memory_space<vmem>>)
    %dma_start3A_331 = arith.constant 0 : i32
    %dma_start3A_332 = arith.constant 0 : i32
    %dma_start3A_333 = tpu.memref_slice %arg5[%dma_start3A_331, %dma_start3A_332] : memref<81920x128xf32, #tpu.memory_space<hbm>> -> memref<81920x128xf32, #tpu.memory_space<hbm>>
    tpu.enqueue_indirect_dma source(%arg28 : memref<128x128xf32, #tpu.memory_space<vmem>>) target(%dma_start3A_333 : memref<81920x128xf32, #tpu.memory_space<hbm>>) offsets(%arg26 : memref<128xi32, #tpu.memory_space<vmem>>) semaphore(%arg32 : memref<!tpu.dma_semaphore, #tpu.memory_space<semaphore_mem>>)
    %dma_wait3A_334 = arith.constant 0 : i32
    %dma_wait3A_335 = arith.constant 0 : i32
    %dma_wait3A_336 = tpu.memref_slice %arg5[%dma_wait3A_334, %dma_wait3A_335] : memref<81920x128xf32, #tpu.memory_space<hbm>> -> memref<81920x128xf32, #tpu.memory_space<hbm>>
    tpu.wait_indirect_dma semaphore(%arg31 : memref<!tpu.dma_semaphore, #tpu.memory_space<semaphore_mem>>) src(%arg27 : memref<128x128xf32, #tpu.memory_space<vmem>>) dst(%dma_wait3A_336 : memref<81920x128xf32, #tpu.memory_space<hbm>>)
    %dma_wait3A_337 = arith.constant 0 : i32
    %dma_wait3A_338 = arith.constant 0 : i32
    %dma_wait3A_339 = tpu.memref_slice %arg5[%dma_wait3A_337, %dma_wait3A_338] : memref<81920x128xf32, #tpu.memory_space<hbm>> -> memref<81920x128xf32, #tpu.memory_space<hbm>>
    tpu.wait_indirect_dma semaphore(%arg32 : memref<!tpu.dma_semaphore, #tpu.memory_space<semaphore_mem>>) src(%arg28 : memref<128x128xf32, #tpu.memory_space<vmem>>) dst(%dma_wait3A_339 : memref<81920x128xf32, #tpu.memory_space<hbm>>)
    return
  }
}

#map = affine_map<(d0, d1) -> (0, 0)>
#map1 = affine_map<(d0, d1) -> (0)>
module attributes {stable_mosaic.version = 14 : i64} {
  func.func @_p5_body(%arg0: i32, %arg1: i32, %arg2: memref<16384x128xf32, #tpu.memory_space<hbm>>, %arg3: memref<163840xi32, #tpu.memory_space<hbm>>, %arg4: memref<163840x128xf32, #tpu.memory_space<hbm>>, %arg5: memref<5120xi32, #tpu.memory_space<vmem>>, %arg6: memref<256x128xf32, #tpu.memory_space<vmem>>, %arg7: memref<256x128xf32, #tpu.memory_space<vmem>>, %arg8: memref<!tpu.dma_semaphore, #tpu.memory_space<semaphore_mem>>, %arg9: memref<!tpu.dma_semaphore, #tpu.memory_space<semaphore_mem>>) attributes {dimension_semantics = [#tpu.dimension_semantics<core_parallel>, #tpu.dimension_semantics<subcore_parallel>], iteration_bounds = array<i64: 2, 16>, scalar_prefetch = 0 : i64, scratch_operands = 5 : i64, tpu.core_type = #tpu.core_type<sc_vector_subcore>, window_params = [{transform_indices = #map}, {transform_indices = #map1}, {transform_indices = #map}]} {
    %mul3A = arith.constant 2 : i32
    %mul3A_0 = arith.muli %arg1, %mul3A : i32
    %add3A = arith.addi %mul3A_0, %arg0 : i32
    %mul3A_1 = arith.constant 5120 : i32
    %mul3A_2 = arith.muli %add3A, %mul3A_1 : i32
    "tpu.region"() ({
      %run_scoped3A = tpu.sem_alloc : memref<!tpu.dma_semaphore, #tpu.memory_space<semaphore_mem>>
      %dma_start3A_241 = tpu.memref_slice %arg3[%mul3A_2] : memref<163840xi32, #tpu.memory_space<hbm>> -> memref<5120xi32, #tpu.memory_space<hbm>>
      %dma_start3A_242 = tpu.memref_slice %arg3[%mul3A_2] : memref<163840xi32, #tpu.memory_space<hbm>> -> memref<5120xi32, #tpu.memory_space<hbm>>
      tpu.enqueue_dma source(%dma_start3A_242 : memref<5120xi32, #tpu.memory_space<hbm>>) target(%arg5 : memref<5120xi32, #tpu.memory_space<vmem>>) target_semaphore(%run_scoped3A : memref<!tpu.dma_semaphore, #tpu.memory_space<semaphore_mem>>)
      %dma_wait3A_243 = tpu.memref_slice %arg3[%mul3A_2] : memref<163840xi32, #tpu.memory_space<hbm>> -> memref<5120xi32, #tpu.memory_space<hbm>>
      %dma_wait3A_244 = tpu.memref_slice %arg3[%mul3A_2] : memref<163840xi32, #tpu.memory_space<hbm>> -> memref<5120xi32, #tpu.memory_space<hbm>>
      tpu.wait_dma2 semaphore(%run_scoped3A : memref<!tpu.dma_semaphore, #tpu.memory_space<semaphore_mem>>) src(%dma_wait3A_244 : memref<5120xi32, #tpu.memory_space<hbm>>) dst(%arg5 : memref<5120xi32, #tpu.memory_space<vmem>>)
      tpu.yield
    }) : () -> ()
    %dma_start3A = arith.constant 0 : i32
    %dma_start3A_3 = tpu.memref_slice %arg5[%dma_start3A] : memref<5120xi32, #tpu.memory_space<vmem>> -> memref<256xi32, #tpu.memory_space<vmem>>
    %dma_start3A_4 = arith.constant 0 : i32
    %dma_start3A_5 = arith.constant 0 : i32
    %dma_start3A_6 = tpu.memref_slice %arg2[%dma_start3A_4, %dma_start3A_5] : memref<16384x128xf32, #tpu.memory_space<hbm>> -> memref<16384x128xf32, #tpu.memory_space<hbm>>
    tpu.enqueue_indirect_dma source(%dma_start3A_6 : memref<16384x128xf32, #tpu.memory_space<hbm>>) target(%arg6 : memref<256x128xf32, #tpu.memory_space<vmem>>) offsets(%dma_start3A_3 : memref<256xi32, #tpu.memory_space<vmem>>) semaphore(%arg8 : memref<!tpu.dma_semaphore, #tpu.memory_space<semaphore_mem>>)
    %dma_start3A_7 = arith.constant 256 : i32
    %dma_start3A_8 = tpu.memref_slice %arg5[%dma_start3A_7] : memref<5120xi32, #tpu.memory_space<vmem>> -> memref<256xi32, #tpu.memory_space<vmem>>
    %dma_start3A_9 = arith.constant 0 : i32
    %dma_start3A_10 = arith.constant 0 : i32
    %dma_start3A_11 = tpu.memref_slice %arg2[%dma_start3A_9, %dma_start3A_10] : memref<16384x128xf32, #tpu.memory_space<hbm>> -> memref<16384x128xf32, #tpu.memory_space<hbm>>
    tpu.enqueue_indirect_dma source(%dma_start3A_11 : memref<16384x128xf32, #tpu.memory_space<hbm>>) target(%arg7 : memref<256x128xf32, #tpu.memory_space<vmem>>) offsets(%dma_start3A_8 : memref<256xi32, #tpu.memory_space<vmem>>) semaphore(%arg9 : memref<!tpu.dma_semaphore, #tpu.memory_space<semaphore_mem>>)
    %dma_wait3A = arith.constant 0 : i32
    %dma_wait3A_12 = tpu.memref_slice %arg5[%dma_wait3A] : memref<5120xi32, #tpu.memory_space<vmem>> -> memref<256xi32, #tpu.memory_space<vmem>>
    %dma_wait3A_13 = arith.constant 0 : i32
    %dma_wait3A_14 = arith.constant 0 : i32
    %dma_wait3A_15 = tpu.memref_slice %arg2[%dma_wait3A_13, %dma_wait3A_14] : memref<16384x128xf32, #tpu.memory_space<hbm>> -> memref<16384x128xf32, #tpu.memory_space<hbm>>
    tpu.wait_indirect_dma semaphore(%arg8 : memref<!tpu.dma_semaphore, #tpu.memory_space<semaphore_mem>>) src(%dma_wait3A_15 : memref<16384x128xf32, #tpu.memory_space<hbm>>) dst(%arg6 : memref<256x128xf32, #tpu.memory_space<vmem>>)
    %add3A_16 = arith.constant 0 : i32
    %add3A_17 = arith.addi %mul3A_2, %add3A_16 : i32
    "tpu.region"() ({
      %run_scoped3A = tpu.sem_alloc : memref<!tpu.dma_semaphore, #tpu.memory_space<semaphore_mem>>
      %dma_start3A_241 = arith.constant 0 : i32
      %dma_start3A_242 = tpu.memref_slice %arg4[%add3A_17, %dma_start3A_241] : memref<163840x128xf32, #tpu.memory_space<hbm>> -> memref<256x128xf32, #tpu.memory_space<hbm>>
      %dma_start3A_243 = arith.constant 0 : i32
      %dma_start3A_244 = tpu.memref_slice %arg4[%add3A_17, %dma_start3A_243] : memref<163840x128xf32, #tpu.memory_space<hbm>> -> memref<256x128xf32, #tpu.memory_space<hbm>>
      tpu.enqueue_dma source(%arg6 : memref<256x128xf32, #tpu.memory_space<vmem>>) target(%dma_start3A_244 : memref<256x128xf32, #tpu.memory_space<hbm>>) target_semaphore(%run_scoped3A : memref<!tpu.dma_semaphore, #tpu.memory_space<semaphore_mem>>)
      %dma_wait3A_245 = arith.constant 0 : i32
      %dma_wait3A_246 = tpu.memref_slice %arg4[%add3A_17, %dma_wait3A_245] : memref<163840x128xf32, #tpu.memory_space<hbm>> -> memref<256x128xf32, #tpu.memory_space<hbm>>
      %dma_wait3A_247 = arith.constant 0 : i32
      %dma_wait3A_248 = tpu.memref_slice %arg4[%add3A_17, %dma_wait3A_247] : memref<163840x128xf32, #tpu.memory_space<hbm>> -> memref<256x128xf32, #tpu.memory_space<hbm>>
      tpu.wait_dma2 semaphore(%run_scoped3A : memref<!tpu.dma_semaphore, #tpu.memory_space<semaphore_mem>>) src(%arg6 : memref<256x128xf32, #tpu.memory_space<vmem>>) dst(%dma_wait3A_248 : memref<256x128xf32, #tpu.memory_space<hbm>>)
      tpu.yield
    }) : () -> ()
    %dma_start3A_18 = arith.constant 512 : i32
    %dma_start3A_19 = tpu.memref_slice %arg5[%dma_start3A_18] : memref<5120xi32, #tpu.memory_space<vmem>> -> memref<256xi32, #tpu.memory_space<vmem>>
    %dma_start3A_20 = arith.constant 0 : i32
    %dma_start3A_21 = arith.constant 0 : i32
    %dma_start3A_22 = tpu.memref_slice %arg2[%dma_start3A_20, %dma_start3A_21] : memref<16384x128xf32, #tpu.memory_space<hbm>> -> memref<16384x128xf32, #tpu.memory_space<hbm>>
    tpu.enqueue_indirect_dma source(%dma_start3A_22 : memref<16384x128xf32, #tpu.memory_space<hbm>>) target(%arg6 : memref<256x128xf32, #tpu.memory_space<vmem>>) offsets(%dma_start3A_19 : memref<256xi32, #tpu.memory_space<vmem>>) semaphore(%arg8 : memref<!tpu.dma_semaphore, #tpu.memory_space<semaphore_mem>>)
    %dma_wait3A_23 = arith.constant 256 : i32
    %dma_wait3A_24 = tpu.memref_slice %arg5[%dma_wait3A_23] : memref<5120xi32, #tpu.memory_space<vmem>> -> memref<256xi32, #tpu.memory_space<vmem>>
    %dma_wait3A_25 = arith.constant 0 : i32
    %dma_wait3A_26 = arith.constant 0 : i32
    %dma_wait3A_27 = tpu.memref_slice %arg2[%dma_wait3A_25, %dma_wait3A_26] : memref<16384x128xf32, #tpu.memory_space<hbm>> -> memref<16384x128xf32, #tpu.memory_space<hbm>>
    tpu.wait_indirect_dma semaphore(%arg9 : memref<!tpu.dma_semaphore, #tpu.memory_space<semaphore_mem>>) src(%dma_wait3A_27 : memref<16384x128xf32, #tpu.memory_space<hbm>>) dst(%arg7 : memref<256x128xf32, #tpu.memory_space<vmem>>)
    %add3A_28 = arith.constant 256 : i32
    %add3A_29 = arith.addi %mul3A_2, %add3A_28 : i32
    "tpu.region"() ({
      %run_scoped3A = tpu.sem_alloc : memref<!tpu.dma_semaphore, #tpu.memory_space<semaphore_mem>>
      %dma_start3A_241 = arith.constant 0 : i32
      %dma_start3A_242 = tpu.memref_slice %arg4[%add3A_29, %dma_start3A_241] : memref<163840x128xf32, #tpu.memory_space<hbm>> -> memref<256x128xf32, #tpu.memory_space<hbm>>
      %dma_start3A_243 = arith.constant 0 : i32
      %dma_start3A_244 = tpu.memref_slice %arg4[%add3A_29, %dma_start3A_243] : memref<163840x128xf32, #tpu.memory_space<hbm>> -> memref<256x128xf32, #tpu.memory_space<hbm>>
      tpu.enqueue_dma source(%arg7 : memref<256x128xf32, #tpu.memory_space<vmem>>) target(%dma_start3A_244 : memref<256x128xf32, #tpu.memory_space<hbm>>) target_semaphore(%run_scoped3A : memref<!tpu.dma_semaphore, #tpu.memory_space<semaphore_mem>>)
      %dma_wait3A_245 = arith.constant 0 : i32
      %dma_wait3A_246 = tpu.memref_slice %arg4[%add3A_29, %dma_wait3A_245] : memref<163840x128xf32, #tpu.memory_space<hbm>> -> memref<256x128xf32, #tpu.memory_space<hbm>>
      %dma_wait3A_247 = arith.constant 0 : i32
      %dma_wait3A_248 = tpu.memref_slice %arg4[%add3A_29, %dma_wait3A_247] : memref<163840x128xf32, #tpu.memory_space<hbm>> -> memref<256x128xf32, #tpu.memory_space<hbm>>
      tpu.wait_dma2 semaphore(%run_scoped3A : memref<!tpu.dma_semaphore, #tpu.memory_space<semaphore_mem>>) src(%arg7 : memref<256x128xf32, #tpu.memory_space<vmem>>) dst(%dma_wait3A_248 : memref<256x128xf32, #tpu.memory_space<hbm>>)
      tpu.yield
    }) : () -> ()
    %dma_start3A_30 = arith.constant 768 : i32
    %dma_start3A_31 = tpu.memref_slice %arg5[%dma_start3A_30] : memref<5120xi32, #tpu.memory_space<vmem>> -> memref<256xi32, #tpu.memory_space<vmem>>
    %dma_start3A_32 = arith.constant 0 : i32
    %dma_start3A_33 = arith.constant 0 : i32
    %dma_start3A_34 = tpu.memref_slice %arg2[%dma_start3A_32, %dma_start3A_33] : memref<16384x128xf32, #tpu.memory_space<hbm>> -> memref<16384x128xf32, #tpu.memory_space<hbm>>
    tpu.enqueue_indirect_dma source(%dma_start3A_34 : memref<16384x128xf32, #tpu.memory_space<hbm>>) target(%arg7 : memref<256x128xf32, #tpu.memory_space<vmem>>) offsets(%dma_start3A_31 : memref<256xi32, #tpu.memory_space<vmem>>) semaphore(%arg9 : memref<!tpu.dma_semaphore, #tpu.memory_space<semaphore_mem>>)
    %dma_wait3A_35 = arith.constant 512 : i32
    %dma_wait3A_36 = tpu.memref_slice %arg5[%dma_wait3A_35] : memref<5120xi32, #tpu.memory_space<vmem>> -> memref<256xi32, #tpu.memory_space<vmem>>
    %dma_wait3A_37 = arith.constant 0 : i32
    %dma_wait3A_38 = arith.constant 0 : i32
    %dma_wait3A_39 = tpu.memref_slice %arg2[%dma_wait3A_37, %dma_wait3A_38] : memref<16384x128xf32, #tpu.memory_space<hbm>> -> memref<16384x128xf32, #tpu.memory_space<hbm>>
    tpu.wait_indirect_dma semaphore(%arg8 : memref<!tpu.dma_semaphore, #tpu.memory_space<semaphore_mem>>) src(%dma_wait3A_39 : memref<16384x128xf32, #tpu.memory_space<hbm>>) dst(%arg6 : memref<256x128xf32, #tpu.memory_space<vmem>>)
    %add3A_40 = arith.constant 512 : i32
    %add3A_41 = arith.addi %mul3A_2, %add3A_40 : i32
    "tpu.region"() ({
      %run_scoped3A = tpu.sem_alloc : memref<!tpu.dma_semaphore, #tpu.memory_space<semaphore_mem>>
      %dma_start3A_241 = arith.constant 0 : i32
      %dma_start3A_242 = tpu.memref_slice %arg4[%add3A_41, %dma_start3A_241] : memref<163840x128xf32, #tpu.memory_space<hbm>> -> memref<256x128xf32, #tpu.memory_space<hbm>>
      %dma_start3A_243 = arith.constant 0 : i32
      %dma_start3A_244 = tpu.memref_slice %arg4[%add3A_41, %dma_start3A_243] : memref<163840x128xf32, #tpu.memory_space<hbm>> -> memref<256x128xf32, #tpu.memory_space<hbm>>
      tpu.enqueue_dma source(%arg6 : memref<256x128xf32, #tpu.memory_space<vmem>>) target(%dma_start3A_244 : memref<256x128xf32, #tpu.memory_space<hbm>>) target_semaphore(%run_scoped3A : memref<!tpu.dma_semaphore, #tpu.memory_space<semaphore_mem>>)
      %dma_wait3A_245 = arith.constant 0 : i32
      %dma_wait3A_246 = tpu.memref_slice %arg4[%add3A_41, %dma_wait3A_245] : memref<163840x128xf32, #tpu.memory_space<hbm>> -> memref<256x128xf32, #tpu.memory_space<hbm>>
      %dma_wait3A_247 = arith.constant 0 : i32
      %dma_wait3A_248 = tpu.memref_slice %arg4[%add3A_41, %dma_wait3A_247] : memref<163840x128xf32, #tpu.memory_space<hbm>> -> memref<256x128xf32, #tpu.memory_space<hbm>>
      tpu.wait_dma2 semaphore(%run_scoped3A : memref<!tpu.dma_semaphore, #tpu.memory_space<semaphore_mem>>) src(%arg6 : memref<256x128xf32, #tpu.memory_space<vmem>>) dst(%dma_wait3A_248 : memref<256x128xf32, #tpu.memory_space<hbm>>)
      tpu.yield
    }) : () -> ()
    %dma_start3A_42 = arith.constant 1024 : i32
    %dma_start3A_43 = tpu.memref_slice %arg5[%dma_start3A_42] : memref<5120xi32, #tpu.memory_space<vmem>> -> memref<256xi32, #tpu.memory_space<vmem>>
    %dma_start3A_44 = arith.constant 0 : i32
    %dma_start3A_45 = arith.constant 0 : i32
    %dma_start3A_46 = tpu.memref_slice %arg2[%dma_start3A_44, %dma_start3A_45] : memref<16384x128xf32, #tpu.memory_space<hbm>> -> memref<16384x128xf32, #tpu.memory_space<hbm>>
    tpu.enqueue_indirect_dma source(%dma_start3A_46 : memref<16384x128xf32, #tpu.memory_space<hbm>>) target(%arg6 : memref<256x128xf32, #tpu.memory_space<vmem>>) offsets(%dma_start3A_43 : memref<256xi32, #tpu.memory_space<vmem>>) semaphore(%arg8 : memref<!tpu.dma_semaphore, #tpu.memory_space<semaphore_mem>>)
    %dma_wait3A_47 = arith.constant 768 : i32
    %dma_wait3A_48 = tpu.memref_slice %arg5[%dma_wait3A_47] : memref<5120xi32, #tpu.memory_space<vmem>> -> memref<256xi32, #tpu.memory_space<vmem>>
    %dma_wait3A_49 = arith.constant 0 : i32
    %dma_wait3A_50 = arith.constant 0 : i32
    %dma_wait3A_51 = tpu.memref_slice %arg2[%dma_wait3A_49, %dma_wait3A_50] : memref<16384x128xf32, #tpu.memory_space<hbm>> -> memref<16384x128xf32, #tpu.memory_space<hbm>>
    tpu.wait_indirect_dma semaphore(%arg9 : memref<!tpu.dma_semaphore, #tpu.memory_space<semaphore_mem>>) src(%dma_wait3A_51 : memref<16384x128xf32, #tpu.memory_space<hbm>>) dst(%arg7 : memref<256x128xf32, #tpu.memory_space<vmem>>)
    %add3A_52 = arith.constant 768 : i32
    %add3A_53 = arith.addi %mul3A_2, %add3A_52 : i32
    "tpu.region"() ({
      %run_scoped3A = tpu.sem_alloc : memref<!tpu.dma_semaphore, #tpu.memory_space<semaphore_mem>>
      %dma_start3A_241 = arith.constant 0 : i32
      %dma_start3A_242 = tpu.memref_slice %arg4[%add3A_53, %dma_start3A_241] : memref<163840x128xf32, #tpu.memory_space<hbm>> -> memref<256x128xf32, #tpu.memory_space<hbm>>
      %dma_start3A_243 = arith.constant 0 : i32
      %dma_start3A_244 = tpu.memref_slice %arg4[%add3A_53, %dma_start3A_243] : memref<163840x128xf32, #tpu.memory_space<hbm>> -> memref<256x128xf32, #tpu.memory_space<hbm>>
      tpu.enqueue_dma source(%arg7 : memref<256x128xf32, #tpu.memory_space<vmem>>) target(%dma_start3A_244 : memref<256x128xf32, #tpu.memory_space<hbm>>) target_semaphore(%run_scoped3A : memref<!tpu.dma_semaphore, #tpu.memory_space<semaphore_mem>>)
      %dma_wait3A_245 = arith.constant 0 : i32
      %dma_wait3A_246 = tpu.memref_slice %arg4[%add3A_53, %dma_wait3A_245] : memref<163840x128xf32, #tpu.memory_space<hbm>> -> memref<256x128xf32, #tpu.memory_space<hbm>>
      %dma_wait3A_247 = arith.constant 0 : i32
      %dma_wait3A_248 = tpu.memref_slice %arg4[%add3A_53, %dma_wait3A_247] : memref<163840x128xf32, #tpu.memory_space<hbm>> -> memref<256x128xf32, #tpu.memory_space<hbm>>
      tpu.wait_dma2 semaphore(%run_scoped3A : memref<!tpu.dma_semaphore, #tpu.memory_space<semaphore_mem>>) src(%arg7 : memref<256x128xf32, #tpu.memory_space<vmem>>) dst(%dma_wait3A_248 : memref<256x128xf32, #tpu.memory_space<hbm>>)
      tpu.yield
    }) : () -> ()
    %dma_start3A_54 = arith.constant 1280 : i32
    %dma_start3A_55 = tpu.memref_slice %arg5[%dma_start3A_54] : memref<5120xi32, #tpu.memory_space<vmem>> -> memref<256xi32, #tpu.memory_space<vmem>>
    %dma_start3A_56 = arith.constant 0 : i32
    %dma_start3A_57 = arith.constant 0 : i32
    %dma_start3A_58 = tpu.memref_slice %arg2[%dma_start3A_56, %dma_start3A_57] : memref<16384x128xf32, #tpu.memory_space<hbm>> -> memref<16384x128xf32, #tpu.memory_space<hbm>>
    tpu.enqueue_indirect_dma source(%dma_start3A_58 : memref<16384x128xf32, #tpu.memory_space<hbm>>) target(%arg7 : memref<256x128xf32, #tpu.memory_space<vmem>>) offsets(%dma_start3A_55 : memref<256xi32, #tpu.memory_space<vmem>>) semaphore(%arg9 : memref<!tpu.dma_semaphore, #tpu.memory_space<semaphore_mem>>)
    %dma_wait3A_59 = arith.constant 1024 : i32
    %dma_wait3A_60 = tpu.memref_slice %arg5[%dma_wait3A_59] : memref<5120xi32, #tpu.memory_space<vmem>> -> memref<256xi32, #tpu.memory_space<vmem>>
    %dma_wait3A_61 = arith.constant 0 : i32
    %dma_wait3A_62 = arith.constant 0 : i32
    %dma_wait3A_63 = tpu.memref_slice %arg2[%dma_wait3A_61, %dma_wait3A_62] : memref<16384x128xf32, #tpu.memory_space<hbm>> -> memref<16384x128xf32, #tpu.memory_space<hbm>>
    tpu.wait_indirect_dma semaphore(%arg8 : memref<!tpu.dma_semaphore, #tpu.memory_space<semaphore_mem>>) src(%dma_wait3A_63 : memref<16384x128xf32, #tpu.memory_space<hbm>>) dst(%arg6 : memref<256x128xf32, #tpu.memory_space<vmem>>)
    %add3A_64 = arith.constant 1024 : i32
    %add3A_65 = arith.addi %mul3A_2, %add3A_64 : i32
    "tpu.region"() ({
      %run_scoped3A = tpu.sem_alloc : memref<!tpu.dma_semaphore, #tpu.memory_space<semaphore_mem>>
      %dma_start3A_241 = arith.constant 0 : i32
      %dma_start3A_242 = tpu.memref_slice %arg4[%add3A_65, %dma_start3A_241] : memref<163840x128xf32, #tpu.memory_space<hbm>> -> memref<256x128xf32, #tpu.memory_space<hbm>>
      %dma_start3A_243 = arith.constant 0 : i32
      %dma_start3A_244 = tpu.memref_slice %arg4[%add3A_65, %dma_start3A_243] : memref<163840x128xf32, #tpu.memory_space<hbm>> -> memref<256x128xf32, #tpu.memory_space<hbm>>
      tpu.enqueue_dma source(%arg6 : memref<256x128xf32, #tpu.memory_space<vmem>>) target(%dma_start3A_244 : memref<256x128xf32, #tpu.memory_space<hbm>>) target_semaphore(%run_scoped3A : memref<!tpu.dma_semaphore, #tpu.memory_space<semaphore_mem>>)
      %dma_wait3A_245 = arith.constant 0 : i32
      %dma_wait3A_246 = tpu.memref_slice %arg4[%add3A_65, %dma_wait3A_245] : memref<163840x128xf32, #tpu.memory_space<hbm>> -> memref<256x128xf32, #tpu.memory_space<hbm>>
      %dma_wait3A_247 = arith.constant 0 : i32
      %dma_wait3A_248 = tpu.memref_slice %arg4[%add3A_65, %dma_wait3A_247] : memref<163840x128xf32, #tpu.memory_space<hbm>> -> memref<256x128xf32, #tpu.memory_space<hbm>>
      tpu.wait_dma2 semaphore(%run_scoped3A : memref<!tpu.dma_semaphore, #tpu.memory_space<semaphore_mem>>) src(%arg6 : memref<256x128xf32, #tpu.memory_space<vmem>>) dst(%dma_wait3A_248 : memref<256x128xf32, #tpu.memory_space<hbm>>)
      tpu.yield
    }) : () -> ()
    %dma_start3A_66 = arith.constant 1536 : i32
    %dma_start3A_67 = tpu.memref_slice %arg5[%dma_start3A_66] : memref<5120xi32, #tpu.memory_space<vmem>> -> memref<256xi32, #tpu.memory_space<vmem>>
    %dma_start3A_68 = arith.constant 0 : i32
    %dma_start3A_69 = arith.constant 0 : i32
    %dma_start3A_70 = tpu.memref_slice %arg2[%dma_start3A_68, %dma_start3A_69] : memref<16384x128xf32, #tpu.memory_space<hbm>> -> memref<16384x128xf32, #tpu.memory_space<hbm>>
    tpu.enqueue_indirect_dma source(%dma_start3A_70 : memref<16384x128xf32, #tpu.memory_space<hbm>>) target(%arg6 : memref<256x128xf32, #tpu.memory_space<vmem>>) offsets(%dma_start3A_67 : memref<256xi32, #tpu.memory_space<vmem>>) semaphore(%arg8 : memref<!tpu.dma_semaphore, #tpu.memory_space<semaphore_mem>>)
    %dma_wait3A_71 = arith.constant 1280 : i32
    %dma_wait3A_72 = tpu.memref_slice %arg5[%dma_wait3A_71] : memref<5120xi32, #tpu.memory_space<vmem>> -> memref<256xi32, #tpu.memory_space<vmem>>
    %dma_wait3A_73 = arith.constant 0 : i32
    %dma_wait3A_74 = arith.constant 0 : i32
    %dma_wait3A_75 = tpu.memref_slice %arg2[%dma_wait3A_73, %dma_wait3A_74] : memref<16384x128xf32, #tpu.memory_space<hbm>> -> memref<16384x128xf32, #tpu.memory_space<hbm>>
    tpu.wait_indirect_dma semaphore(%arg9 : memref<!tpu.dma_semaphore, #tpu.memory_space<semaphore_mem>>) src(%dma_wait3A_75 : memref<16384x128xf32, #tpu.memory_space<hbm>>) dst(%arg7 : memref<256x128xf32, #tpu.memory_space<vmem>>)
    %add3A_76 = arith.constant 1280 : i32
    %add3A_77 = arith.addi %mul3A_2, %add3A_76 : i32
    "tpu.region"() ({
      %run_scoped3A = tpu.sem_alloc : memref<!tpu.dma_semaphore, #tpu.memory_space<semaphore_mem>>
      %dma_start3A_241 = arith.constant 0 : i32
      %dma_start3A_242 = tpu.memref_slice %arg4[%add3A_77, %dma_start3A_241] : memref<163840x128xf32, #tpu.memory_space<hbm>> -> memref<256x128xf32, #tpu.memory_space<hbm>>
      %dma_start3A_243 = arith.constant 0 : i32
      %dma_start3A_244 = tpu.memref_slice %arg4[%add3A_77, %dma_start3A_243] : memref<163840x128xf32, #tpu.memory_space<hbm>> -> memref<256x128xf32, #tpu.memory_space<hbm>>
      tpu.enqueue_dma source(%arg7 : memref<256x128xf32, #tpu.memory_space<vmem>>) target(%dma_start3A_244 : memref<256x128xf32, #tpu.memory_space<hbm>>) target_semaphore(%run_scoped3A : memref<!tpu.dma_semaphore, #tpu.memory_space<semaphore_mem>>)
      %dma_wait3A_245 = arith.constant 0 : i32
      %dma_wait3A_246 = tpu.memref_slice %arg4[%add3A_77, %dma_wait3A_245] : memref<163840x128xf32, #tpu.memory_space<hbm>> -> memref<256x128xf32, #tpu.memory_space<hbm>>
      %dma_wait3A_247 = arith.constant 0 : i32
      %dma_wait3A_248 = tpu.memref_slice %arg4[%add3A_77, %dma_wait3A_247] : memref<163840x128xf32, #tpu.memory_space<hbm>> -> memref<256x128xf32, #tpu.memory_space<hbm>>
      tpu.wait_dma2 semaphore(%run_scoped3A : memref<!tpu.dma_semaphore, #tpu.memory_space<semaphore_mem>>) src(%arg7 : memref<256x128xf32, #tpu.memory_space<vmem>>) dst(%dma_wait3A_248 : memref<256x128xf32, #tpu.memory_space<hbm>>)
      tpu.yield
    }) : () -> ()
    %dma_start3A_78 = arith.constant 1792 : i32
    %dma_start3A_79 = tpu.memref_slice %arg5[%dma_start3A_78] : memref<5120xi32, #tpu.memory_space<vmem>> -> memref<256xi32, #tpu.memory_space<vmem>>
    %dma_start3A_80 = arith.constant 0 : i32
    %dma_start3A_81 = arith.constant 0 : i32
    %dma_start3A_82 = tpu.memref_slice %arg2[%dma_start3A_80, %dma_start3A_81] : memref<16384x128xf32, #tpu.memory_space<hbm>> -> memref<16384x128xf32, #tpu.memory_space<hbm>>
    tpu.enqueue_indirect_dma source(%dma_start3A_82 : memref<16384x128xf32, #tpu.memory_space<hbm>>) target(%arg7 : memref<256x128xf32, #tpu.memory_space<vmem>>) offsets(%dma_start3A_79 : memref<256xi32, #tpu.memory_space<vmem>>) semaphore(%arg9 : memref<!tpu.dma_semaphore, #tpu.memory_space<semaphore_mem>>)
    %dma_wait3A_83 = arith.constant 1536 : i32
    %dma_wait3A_84 = tpu.memref_slice %arg5[%dma_wait3A_83] : memref<5120xi32, #tpu.memory_space<vmem>> -> memref<256xi32, #tpu.memory_space<vmem>>
    %dma_wait3A_85 = arith.constant 0 : i32
    %dma_wait3A_86 = arith.constant 0 : i32
    %dma_wait3A_87 = tpu.memref_slice %arg2[%dma_wait3A_85, %dma_wait3A_86] : memref<16384x128xf32, #tpu.memory_space<hbm>> -> memref<16384x128xf32, #tpu.memory_space<hbm>>
    tpu.wait_indirect_dma semaphore(%arg8 : memref<!tpu.dma_semaphore, #tpu.memory_space<semaphore_mem>>) src(%dma_wait3A_87 : memref<16384x128xf32, #tpu.memory_space<hbm>>) dst(%arg6 : memref<256x128xf32, #tpu.memory_space<vmem>>)
    %add3A_88 = arith.constant 1536 : i32
    %add3A_89 = arith.addi %mul3A_2, %add3A_88 : i32
    "tpu.region"() ({
      %run_scoped3A = tpu.sem_alloc : memref<!tpu.dma_semaphore, #tpu.memory_space<semaphore_mem>>
      %dma_start3A_241 = arith.constant 0 : i32
      %dma_start3A_242 = tpu.memref_slice %arg4[%add3A_89, %dma_start3A_241] : memref<163840x128xf32, #tpu.memory_space<hbm>> -> memref<256x128xf32, #tpu.memory_space<hbm>>
      %dma_start3A_243 = arith.constant 0 : i32
      %dma_start3A_244 = tpu.memref_slice %arg4[%add3A_89, %dma_start3A_243] : memref<163840x128xf32, #tpu.memory_space<hbm>> -> memref<256x128xf32, #tpu.memory_space<hbm>>
      tpu.enqueue_dma source(%arg6 : memref<256x128xf32, #tpu.memory_space<vmem>>) target(%dma_start3A_244 : memref<256x128xf32, #tpu.memory_space<hbm>>) target_semaphore(%run_scoped3A : memref<!tpu.dma_semaphore, #tpu.memory_space<semaphore_mem>>)
      %dma_wait3A_245 = arith.constant 0 : i32
      %dma_wait3A_246 = tpu.memref_slice %arg4[%add3A_89, %dma_wait3A_245] : memref<163840x128xf32, #tpu.memory_space<hbm>> -> memref<256x128xf32, #tpu.memory_space<hbm>>
      %dma_wait3A_247 = arith.constant 0 : i32
      %dma_wait3A_248 = tpu.memref_slice %arg4[%add3A_89, %dma_wait3A_247] : memref<163840x128xf32, #tpu.memory_space<hbm>> -> memref<256x128xf32, #tpu.memory_space<hbm>>
      tpu.wait_dma2 semaphore(%run_scoped3A : memref<!tpu.dma_semaphore, #tpu.memory_space<semaphore_mem>>) src(%arg6 : memref<256x128xf32, #tpu.memory_space<vmem>>) dst(%dma_wait3A_248 : memref<256x128xf32, #tpu.memory_space<hbm>>)
      tpu.yield
    }) : () -> ()
    %dma_start3A_90 = arith.constant 2048 : i32
    %dma_start3A_91 = tpu.memref_slice %arg5[%dma_start3A_90] : memref<5120xi32, #tpu.memory_space<vmem>> -> memref<256xi32, #tpu.memory_space<vmem>>
    %dma_start3A_92 = arith.constant 0 : i32
    %dma_start3A_93 = arith.constant 0 : i32
    %dma_start3A_94 = tpu.memref_slice %arg2[%dma_start3A_92, %dma_start3A_93] : memref<16384x128xf32, #tpu.memory_space<hbm>> -> memref<16384x128xf32, #tpu.memory_space<hbm>>
    tpu.enqueue_indirect_dma source(%dma_start3A_94 : memref<16384x128xf32, #tpu.memory_space<hbm>>) target(%arg6 : memref<256x128xf32, #tpu.memory_space<vmem>>) offsets(%dma_start3A_91 : memref<256xi32, #tpu.memory_space<vmem>>) semaphore(%arg8 : memref<!tpu.dma_semaphore, #tpu.memory_space<semaphore_mem>>)
    %dma_wait3A_95 = arith.constant 1792 : i32
    %dma_wait3A_96 = tpu.memref_slice %arg5[%dma_wait3A_95] : memref<5120xi32, #tpu.memory_space<vmem>> -> memref<256xi32, #tpu.memory_space<vmem>>
    %dma_wait3A_97 = arith.constant 0 : i32
    %dma_wait3A_98 = arith.constant 0 : i32
    %dma_wait3A_99 = tpu.memref_slice %arg2[%dma_wait3A_97, %dma_wait3A_98] : memref<16384x128xf32, #tpu.memory_space<hbm>> -> memref<16384x128xf32, #tpu.memory_space<hbm>>
    tpu.wait_indirect_dma semaphore(%arg9 : memref<!tpu.dma_semaphore, #tpu.memory_space<semaphore_mem>>) src(%dma_wait3A_99 : memref<16384x128xf32, #tpu.memory_space<hbm>>) dst(%arg7 : memref<256x128xf32, #tpu.memory_space<vmem>>)
    %add3A_100 = arith.constant 1792 : i32
    %add3A_101 = arith.addi %mul3A_2, %add3A_100 : i32
    "tpu.region"() ({
      %run_scoped3A = tpu.sem_alloc : memref<!tpu.dma_semaphore, #tpu.memory_space<semaphore_mem>>
      %dma_start3A_241 = arith.constant 0 : i32
      %dma_start3A_242 = tpu.memref_slice %arg4[%add3A_101, %dma_start3A_241] : memref<163840x128xf32, #tpu.memory_space<hbm>> -> memref<256x128xf32, #tpu.memory_space<hbm>>
      %dma_start3A_243 = arith.constant 0 : i32
      %dma_start3A_244 = tpu.memref_slice %arg4[%add3A_101, %dma_start3A_243] : memref<163840x128xf32, #tpu.memory_space<hbm>> -> memref<256x128xf32, #tpu.memory_space<hbm>>
      tpu.enqueue_dma source(%arg7 : memref<256x128xf32, #tpu.memory_space<vmem>>) target(%dma_start3A_244 : memref<256x128xf32, #tpu.memory_space<hbm>>) target_semaphore(%run_scoped3A : memref<!tpu.dma_semaphore, #tpu.memory_space<semaphore_mem>>)
      %dma_wait3A_245 = arith.constant 0 : i32
      %dma_wait3A_246 = tpu.memref_slice %arg4[%add3A_101, %dma_wait3A_245] : memref<163840x128xf32, #tpu.memory_space<hbm>> -> memref<256x128xf32, #tpu.memory_space<hbm>>
      %dma_wait3A_247 = arith.constant 0 : i32
      %dma_wait3A_248 = tpu.memref_slice %arg4[%add3A_101, %dma_wait3A_247] : memref<163840x128xf32, #tpu.memory_space<hbm>> -> memref<256x128xf32, #tpu.memory_space<hbm>>
      tpu.wait_dma2 semaphore(%run_scoped3A : memref<!tpu.dma_semaphore, #tpu.memory_space<semaphore_mem>>) src(%arg7 : memref<256x128xf32, #tpu.memory_space<vmem>>) dst(%dma_wait3A_248 : memref<256x128xf32, #tpu.memory_space<hbm>>)
      tpu.yield
    }) : () -> ()
    %dma_start3A_102 = arith.constant 2304 : i32
    %dma_start3A_103 = tpu.memref_slice %arg5[%dma_start3A_102] : memref<5120xi32, #tpu.memory_space<vmem>> -> memref<256xi32, #tpu.memory_space<vmem>>
    %dma_start3A_104 = arith.constant 0 : i32
    %dma_start3A_105 = arith.constant 0 : i32
    %dma_start3A_106 = tpu.memref_slice %arg2[%dma_start3A_104, %dma_start3A_105] : memref<16384x128xf32, #tpu.memory_space<hbm>> -> memref<16384x128xf32, #tpu.memory_space<hbm>>
    tpu.enqueue_indirect_dma source(%dma_start3A_106 : memref<16384x128xf32, #tpu.memory_space<hbm>>) target(%arg7 : memref<256x128xf32, #tpu.memory_space<vmem>>) offsets(%dma_start3A_103 : memref<256xi32, #tpu.memory_space<vmem>>) semaphore(%arg9 : memref<!tpu.dma_semaphore, #tpu.memory_space<semaphore_mem>>)
    %dma_wait3A_107 = arith.constant 2048 : i32
    %dma_wait3A_108 = tpu.memref_slice %arg5[%dma_wait3A_107] : memref<5120xi32, #tpu.memory_space<vmem>> -> memref<256xi32, #tpu.memory_space<vmem>>
    %dma_wait3A_109 = arith.constant 0 : i32
    %dma_wait3A_110 = arith.constant 0 : i32
    %dma_wait3A_111 = tpu.memref_slice %arg2[%dma_wait3A_109, %dma_wait3A_110] : memref<16384x128xf32, #tpu.memory_space<hbm>> -> memref<16384x128xf32, #tpu.memory_space<hbm>>
    tpu.wait_indirect_dma semaphore(%arg8 : memref<!tpu.dma_semaphore, #tpu.memory_space<semaphore_mem>>) src(%dma_wait3A_111 : memref<16384x128xf32, #tpu.memory_space<hbm>>) dst(%arg6 : memref<256x128xf32, #tpu.memory_space<vmem>>)
    %add3A_112 = arith.constant 2048 : i32
    %add3A_113 = arith.addi %mul3A_2, %add3A_112 : i32
    "tpu.region"() ({
      %run_scoped3A = tpu.sem_alloc : memref<!tpu.dma_semaphore, #tpu.memory_space<semaphore_mem>>
      %dma_start3A_241 = arith.constant 0 : i32
      %dma_start3A_242 = tpu.memref_slice %arg4[%add3A_113, %dma_start3A_241] : memref<163840x128xf32, #tpu.memory_space<hbm>> -> memref<256x128xf32, #tpu.memory_space<hbm>>
      %dma_start3A_243 = arith.constant 0 : i32
      %dma_start3A_244 = tpu.memref_slice %arg4[%add3A_113, %dma_start3A_243] : memref<163840x128xf32, #tpu.memory_space<hbm>> -> memref<256x128xf32, #tpu.memory_space<hbm>>
      tpu.enqueue_dma source(%arg6 : memref<256x128xf32, #tpu.memory_space<vmem>>) target(%dma_start3A_244 : memref<256x128xf32, #tpu.memory_space<hbm>>) target_semaphore(%run_scoped3A : memref<!tpu.dma_semaphore, #tpu.memory_space<semaphore_mem>>)
      %dma_wait3A_245 = arith.constant 0 : i32
      %dma_wait3A_246 = tpu.memref_slice %arg4[%add3A_113, %dma_wait3A_245] : memref<163840x128xf32, #tpu.memory_space<hbm>> -> memref<256x128xf32, #tpu.memory_space<hbm>>
      %dma_wait3A_247 = arith.constant 0 : i32
      %dma_wait3A_248 = tpu.memref_slice %arg4[%add3A_113, %dma_wait3A_247] : memref<163840x128xf32, #tpu.memory_space<hbm>> -> memref<256x128xf32, #tpu.memory_space<hbm>>
      tpu.wait_dma2 semaphore(%run_scoped3A : memref<!tpu.dma_semaphore, #tpu.memory_space<semaphore_mem>>) src(%arg6 : memref<256x128xf32, #tpu.memory_space<vmem>>) dst(%dma_wait3A_248 : memref<256x128xf32, #tpu.memory_space<hbm>>)
      tpu.yield
    }) : () -> ()
    %dma_start3A_114 = arith.constant 2560 : i32
    %dma_start3A_115 = tpu.memref_slice %arg5[%dma_start3A_114] : memref<5120xi32, #tpu.memory_space<vmem>> -> memref<256xi32, #tpu.memory_space<vmem>>
    %dma_start3A_116 = arith.constant 0 : i32
    %dma_start3A_117 = arith.constant 0 : i32
    %dma_start3A_118 = tpu.memref_slice %arg2[%dma_start3A_116, %dma_start3A_117] : memref<16384x128xf32, #tpu.memory_space<hbm>> -> memref<16384x128xf32, #tpu.memory_space<hbm>>
    tpu.enqueue_indirect_dma source(%dma_start3A_118 : memref<16384x128xf32, #tpu.memory_space<hbm>>) target(%arg6 : memref<256x128xf32, #tpu.memory_space<vmem>>) offsets(%dma_start3A_115 : memref<256xi32, #tpu.memory_space<vmem>>) semaphore(%arg8 : memref<!tpu.dma_semaphore, #tpu.memory_space<semaphore_mem>>)
    %dma_wait3A_119 = arith.constant 2304 : i32
    %dma_wait3A_120 = tpu.memref_slice %arg5[%dma_wait3A_119] : memref<5120xi32, #tpu.memory_space<vmem>> -> memref<256xi32, #tpu.memory_space<vmem>>
    %dma_wait3A_121 = arith.constant 0 : i32
    %dma_wait3A_122 = arith.constant 0 : i32
    %dma_wait3A_123 = tpu.memref_slice %arg2[%dma_wait3A_121, %dma_wait3A_122] : memref<16384x128xf32, #tpu.memory_space<hbm>> -> memref<16384x128xf32, #tpu.memory_space<hbm>>
    tpu.wait_indirect_dma semaphore(%arg9 : memref<!tpu.dma_semaphore, #tpu.memory_space<semaphore_mem>>) src(%dma_wait3A_123 : memref<16384x128xf32, #tpu.memory_space<hbm>>) dst(%arg7 : memref<256x128xf32, #tpu.memory_space<vmem>>)
    %add3A_124 = arith.constant 2304 : i32
    %add3A_125 = arith.addi %mul3A_2, %add3A_124 : i32
    "tpu.region"() ({
      %run_scoped3A = tpu.sem_alloc : memref<!tpu.dma_semaphore, #tpu.memory_space<semaphore_mem>>
      %dma_start3A_241 = arith.constant 0 : i32
      %dma_start3A_242 = tpu.memref_slice %arg4[%add3A_125, %dma_start3A_241] : memref<163840x128xf32, #tpu.memory_space<hbm>> -> memref<256x128xf32, #tpu.memory_space<hbm>>
      %dma_start3A_243 = arith.constant 0 : i32
      %dma_start3A_244 = tpu.memref_slice %arg4[%add3A_125, %dma_start3A_243] : memref<163840x128xf32, #tpu.memory_space<hbm>> -> memref<256x128xf32, #tpu.memory_space<hbm>>
      tpu.enqueue_dma source(%arg7 : memref<256x128xf32, #tpu.memory_space<vmem>>) target(%dma_start3A_244 : memref<256x128xf32, #tpu.memory_space<hbm>>) target_semaphore(%run_scoped3A : memref<!tpu.dma_semaphore, #tpu.memory_space<semaphore_mem>>)
      %dma_wait3A_245 = arith.constant 0 : i32
      %dma_wait3A_246 = tpu.memref_slice %arg4[%add3A_125, %dma_wait3A_245] : memref<163840x128xf32, #tpu.memory_space<hbm>> -> memref<256x128xf32, #tpu.memory_space<hbm>>
      %dma_wait3A_247 = arith.constant 0 : i32
      %dma_wait3A_248 = tpu.memref_slice %arg4[%add3A_125, %dma_wait3A_247] : memref<163840x128xf32, #tpu.memory_space<hbm>> -> memref<256x128xf32, #tpu.memory_space<hbm>>
      tpu.wait_dma2 semaphore(%run_scoped3A : memref<!tpu.dma_semaphore, #tpu.memory_space<semaphore_mem>>) src(%arg7 : memref<256x128xf32, #tpu.memory_space<vmem>>) dst(%dma_wait3A_248 : memref<256x128xf32, #tpu.memory_space<hbm>>)
      tpu.yield
    }) : () -> ()
    %dma_start3A_126 = arith.constant 2816 : i32
    %dma_start3A_127 = tpu.memref_slice %arg5[%dma_start3A_126] : memref<5120xi32, #tpu.memory_space<vmem>> -> memref<256xi32, #tpu.memory_space<vmem>>
    %dma_start3A_128 = arith.constant 0 : i32
    %dma_start3A_129 = arith.constant 0 : i32
    %dma_start3A_130 = tpu.memref_slice %arg2[%dma_start3A_128, %dma_start3A_129] : memref<16384x128xf32, #tpu.memory_space<hbm>> -> memref<16384x128xf32, #tpu.memory_space<hbm>>
    tpu.enqueue_indirect_dma source(%dma_start3A_130 : memref<16384x128xf32, #tpu.memory_space<hbm>>) target(%arg7 : memref<256x128xf32, #tpu.memory_space<vmem>>) offsets(%dma_start3A_127 : memref<256xi32, #tpu.memory_space<vmem>>) semaphore(%arg9 : memref<!tpu.dma_semaphore, #tpu.memory_space<semaphore_mem>>)
    %dma_wait3A_131 = arith.constant 2560 : i32
    %dma_wait3A_132 = tpu.memref_slice %arg5[%dma_wait3A_131] : memref<5120xi32, #tpu.memory_space<vmem>> -> memref<256xi32, #tpu.memory_space<vmem>>
    %dma_wait3A_133 = arith.constant 0 : i32
    %dma_wait3A_134 = arith.constant 0 : i32
    %dma_wait3A_135 = tpu.memref_slice %arg2[%dma_wait3A_133, %dma_wait3A_134] : memref<16384x128xf32, #tpu.memory_space<hbm>> -> memref<16384x128xf32, #tpu.memory_space<hbm>>
    tpu.wait_indirect_dma semaphore(%arg8 : memref<!tpu.dma_semaphore, #tpu.memory_space<semaphore_mem>>) src(%dma_wait3A_135 : memref<16384x128xf32, #tpu.memory_space<hbm>>) dst(%arg6 : memref<256x128xf32, #tpu.memory_space<vmem>>)
    %add3A_136 = arith.constant 2560 : i32
    %add3A_137 = arith.addi %mul3A_2, %add3A_136 : i32
    "tpu.region"() ({
      %run_scoped3A = tpu.sem_alloc : memref<!tpu.dma_semaphore, #tpu.memory_space<semaphore_mem>>
      %dma_start3A_241 = arith.constant 0 : i32
      %dma_start3A_242 = tpu.memref_slice %arg4[%add3A_137, %dma_start3A_241] : memref<163840x128xf32, #tpu.memory_space<hbm>> -> memref<256x128xf32, #tpu.memory_space<hbm>>
      %dma_start3A_243 = arith.constant 0 : i32
      %dma_start3A_244 = tpu.memref_slice %arg4[%add3A_137, %dma_start3A_243] : memref<163840x128xf32, #tpu.memory_space<hbm>> -> memref<256x128xf32, #tpu.memory_space<hbm>>
      tpu.enqueue_dma source(%arg6 : memref<256x128xf32, #tpu.memory_space<vmem>>) target(%dma_start3A_244 : memref<256x128xf32, #tpu.memory_space<hbm>>) target_semaphore(%run_scoped3A : memref<!tpu.dma_semaphore, #tpu.memory_space<semaphore_mem>>)
      %dma_wait3A_245 = arith.constant 0 : i32
      %dma_wait3A_246 = tpu.memref_slice %arg4[%add3A_137, %dma_wait3A_245] : memref<163840x128xf32, #tpu.memory_space<hbm>> -> memref<256x128xf32, #tpu.memory_space<hbm>>
      %dma_wait3A_247 = arith.constant 0 : i32
      %dma_wait3A_248 = tpu.memref_slice %arg4[%add3A_137, %dma_wait3A_247] : memref<163840x128xf32, #tpu.memory_space<hbm>> -> memref<256x128xf32, #tpu.memory_space<hbm>>
      tpu.wait_dma2 semaphore(%run_scoped3A : memref<!tpu.dma_semaphore, #tpu.memory_space<semaphore_mem>>) src(%arg6 : memref<256x128xf32, #tpu.memory_space<vmem>>) dst(%dma_wait3A_248 : memref<256x128xf32, #tpu.memory_space<hbm>>)
      tpu.yield
    }) : () -> ()
    %dma_start3A_138 = arith.constant 3072 : i32
    %dma_start3A_139 = tpu.memref_slice %arg5[%dma_start3A_138] : memref<5120xi32, #tpu.memory_space<vmem>> -> memref<256xi32, #tpu.memory_space<vmem>>
    %dma_start3A_140 = arith.constant 0 : i32
    %dma_start3A_141 = arith.constant 0 : i32
    %dma_start3A_142 = tpu.memref_slice %arg2[%dma_start3A_140, %dma_start3A_141] : memref<16384x128xf32, #tpu.memory_space<hbm>> -> memref<16384x128xf32, #tpu.memory_space<hbm>>
    tpu.enqueue_indirect_dma source(%dma_start3A_142 : memref<16384x128xf32, #tpu.memory_space<hbm>>) target(%arg6 : memref<256x128xf32, #tpu.memory_space<vmem>>) offsets(%dma_start3A_139 : memref<256xi32, #tpu.memory_space<vmem>>) semaphore(%arg8 : memref<!tpu.dma_semaphore, #tpu.memory_space<semaphore_mem>>)
    %dma_wait3A_143 = arith.constant 2816 : i32
    %dma_wait3A_144 = tpu.memref_slice %arg5[%dma_wait3A_143] : memref<5120xi32, #tpu.memory_space<vmem>> -> memref<256xi32, #tpu.memory_space<vmem>>
    %dma_wait3A_145 = arith.constant 0 : i32
    %dma_wait3A_146 = arith.constant 0 : i32
    %dma_wait3A_147 = tpu.memref_slice %arg2[%dma_wait3A_145, %dma_wait3A_146] : memref<16384x128xf32, #tpu.memory_space<hbm>> -> memref<16384x128xf32, #tpu.memory_space<hbm>>
    tpu.wait_indirect_dma semaphore(%arg9 : memref<!tpu.dma_semaphore, #tpu.memory_space<semaphore_mem>>) src(%dma_wait3A_147 : memref<16384x128xf32, #tpu.memory_space<hbm>>) dst(%arg7 : memref<256x128xf32, #tpu.memory_space<vmem>>)
    %add3A_148 = arith.constant 2816 : i32
    %add3A_149 = arith.addi %mul3A_2, %add3A_148 : i32
    "tpu.region"() ({
      %run_scoped3A = tpu.sem_alloc : memref<!tpu.dma_semaphore, #tpu.memory_space<semaphore_mem>>
      %dma_start3A_241 = arith.constant 0 : i32
      %dma_start3A_242 = tpu.memref_slice %arg4[%add3A_149, %dma_start3A_241] : memref<163840x128xf32, #tpu.memory_space<hbm>> -> memref<256x128xf32, #tpu.memory_space<hbm>>
      %dma_start3A_243 = arith.constant 0 : i32
      %dma_start3A_244 = tpu.memref_slice %arg4[%add3A_149, %dma_start3A_243] : memref<163840x128xf32, #tpu.memory_space<hbm>> -> memref<256x128xf32, #tpu.memory_space<hbm>>
      tpu.enqueue_dma source(%arg7 : memref<256x128xf32, #tpu.memory_space<vmem>>) target(%dma_start3A_244 : memref<256x128xf32, #tpu.memory_space<hbm>>) target_semaphore(%run_scoped3A : memref<!tpu.dma_semaphore, #tpu.memory_space<semaphore_mem>>)
      %dma_wait3A_245 = arith.constant 0 : i32
      %dma_wait3A_246 = tpu.memref_slice %arg4[%add3A_149, %dma_wait3A_245] : memref<163840x128xf32, #tpu.memory_space<hbm>> -> memref<256x128xf32, #tpu.memory_space<hbm>>
      %dma_wait3A_247 = arith.constant 0 : i32
      %dma_wait3A_248 = tpu.memref_slice %arg4[%add3A_149, %dma_wait3A_247] : memref<163840x128xf32, #tpu.memory_space<hbm>> -> memref<256x128xf32, #tpu.memory_space<hbm>>
      tpu.wait_dma2 semaphore(%run_scoped3A : memref<!tpu.dma_semaphore, #tpu.memory_space<semaphore_mem>>) src(%arg7 : memref<256x128xf32, #tpu.memory_space<vmem>>) dst(%dma_wait3A_248 : memref<256x128xf32, #tpu.memory_space<hbm>>)
      tpu.yield
    }) : () -> ()
    %dma_start3A_150 = arith.constant 3328 : i32
    %dma_start3A_151 = tpu.memref_slice %arg5[%dma_start3A_150] : memref<5120xi32, #tpu.memory_space<vmem>> -> memref<256xi32, #tpu.memory_space<vmem>>
    %dma_start3A_152 = arith.constant 0 : i32
    %dma_start3A_153 = arith.constant 0 : i32
    %dma_start3A_154 = tpu.memref_slice %arg2[%dma_start3A_152, %dma_start3A_153] : memref<16384x128xf32, #tpu.memory_space<hbm>> -> memref<16384x128xf32, #tpu.memory_space<hbm>>
    tpu.enqueue_indirect_dma source(%dma_start3A_154 : memref<16384x128xf32, #tpu.memory_space<hbm>>) target(%arg7 : memref<256x128xf32, #tpu.memory_space<vmem>>) offsets(%dma_start3A_151 : memref<256xi32, #tpu.memory_space<vmem>>) semaphore(%arg9 : memref<!tpu.dma_semaphore, #tpu.memory_space<semaphore_mem>>)
    %dma_wait3A_155 = arith.constant 3072 : i32
    %dma_wait3A_156 = tpu.memref_slice %arg5[%dma_wait3A_155] : memref<5120xi32, #tpu.memory_space<vmem>> -> memref<256xi32, #tpu.memory_space<vmem>>
    %dma_wait3A_157 = arith.constant 0 : i32
    %dma_wait3A_158 = arith.constant 0 : i32
    %dma_wait3A_159 = tpu.memref_slice %arg2[%dma_wait3A_157, %dma_wait3A_158] : memref<16384x128xf32, #tpu.memory_space<hbm>> -> memref<16384x128xf32, #tpu.memory_space<hbm>>
    tpu.wait_indirect_dma semaphore(%arg8 : memref<!tpu.dma_semaphore, #tpu.memory_space<semaphore_mem>>) src(%dma_wait3A_159 : memref<16384x128xf32, #tpu.memory_space<hbm>>) dst(%arg6 : memref<256x128xf32, #tpu.memory_space<vmem>>)
    %add3A_160 = arith.constant 3072 : i32
    %add3A_161 = arith.addi %mul3A_2, %add3A_160 : i32
    "tpu.region"() ({
      %run_scoped3A = tpu.sem_alloc : memref<!tpu.dma_semaphore, #tpu.memory_space<semaphore_mem>>
      %dma_start3A_241 = arith.constant 0 : i32
      %dma_start3A_242 = tpu.memref_slice %arg4[%add3A_161, %dma_start3A_241] : memref<163840x128xf32, #tpu.memory_space<hbm>> -> memref<256x128xf32, #tpu.memory_space<hbm>>
      %dma_start3A_243 = arith.constant 0 : i32
      %dma_start3A_244 = tpu.memref_slice %arg4[%add3A_161, %dma_start3A_243] : memref<163840x128xf32, #tpu.memory_space<hbm>> -> memref<256x128xf32, #tpu.memory_space<hbm>>
      tpu.enqueue_dma source(%arg6 : memref<256x128xf32, #tpu.memory_space<vmem>>) target(%dma_start3A_244 : memref<256x128xf32, #tpu.memory_space<hbm>>) target_semaphore(%run_scoped3A : memref<!tpu.dma_semaphore, #tpu.memory_space<semaphore_mem>>)
      %dma_wait3A_245 = arith.constant 0 : i32
      %dma_wait3A_246 = tpu.memref_slice %arg4[%add3A_161, %dma_wait3A_245] : memref<163840x128xf32, #tpu.memory_space<hbm>> -> memref<256x128xf32, #tpu.memory_space<hbm>>
      %dma_wait3A_247 = arith.constant 0 : i32
      %dma_wait3A_248 = tpu.memref_slice %arg4[%add3A_161, %dma_wait3A_247] : memref<163840x128xf32, #tpu.memory_space<hbm>> -> memref<256x128xf32, #tpu.memory_space<hbm>>
      tpu.wait_dma2 semaphore(%run_scoped3A : memref<!tpu.dma_semaphore, #tpu.memory_space<semaphore_mem>>) src(%arg6 : memref<256x128xf32, #tpu.memory_space<vmem>>) dst(%dma_wait3A_248 : memref<256x128xf32, #tpu.memory_space<hbm>>)
      tpu.yield
    }) : () -> ()
    %dma_start3A_162 = arith.constant 3584 : i32
    %dma_start3A_163 = tpu.memref_slice %arg5[%dma_start3A_162] : memref<5120xi32, #tpu.memory_space<vmem>> -> memref<256xi32, #tpu.memory_space<vmem>>
    %dma_start3A_164 = arith.constant 0 : i32
    %dma_start3A_165 = arith.constant 0 : i32
    %dma_start3A_166 = tpu.memref_slice %arg2[%dma_start3A_164, %dma_start3A_165] : memref<16384x128xf32, #tpu.memory_space<hbm>> -> memref<16384x128xf32, #tpu.memory_space<hbm>>
    tpu.enqueue_indirect_dma source(%dma_start3A_166 : memref<16384x128xf32, #tpu.memory_space<hbm>>) target(%arg6 : memref<256x128xf32, #tpu.memory_space<vmem>>) offsets(%dma_start3A_163 : memref<256xi32, #tpu.memory_space<vmem>>) semaphore(%arg8 : memref<!tpu.dma_semaphore, #tpu.memory_space<semaphore_mem>>)
    %dma_wait3A_167 = arith.constant 3328 : i32
    %dma_wait3A_168 = tpu.memref_slice %arg5[%dma_wait3A_167] : memref<5120xi32, #tpu.memory_space<vmem>> -> memref<256xi32, #tpu.memory_space<vmem>>
    %dma_wait3A_169 = arith.constant 0 : i32
    %dma_wait3A_170 = arith.constant 0 : i32
    %dma_wait3A_171 = tpu.memref_slice %arg2[%dma_wait3A_169, %dma_wait3A_170] : memref<16384x128xf32, #tpu.memory_space<hbm>> -> memref<16384x128xf32, #tpu.memory_space<hbm>>
    tpu.wait_indirect_dma semaphore(%arg9 : memref<!tpu.dma_semaphore, #tpu.memory_space<semaphore_mem>>) src(%dma_wait3A_171 : memref<16384x128xf32, #tpu.memory_space<hbm>>) dst(%arg7 : memref<256x128xf32, #tpu.memory_space<vmem>>)
    %add3A_172 = arith.constant 3328 : i32
    %add3A_173 = arith.addi %mul3A_2, %add3A_172 : i32
    "tpu.region"() ({
      %run_scoped3A = tpu.sem_alloc : memref<!tpu.dma_semaphore, #tpu.memory_space<semaphore_mem>>
      %dma_start3A_241 = arith.constant 0 : i32
      %dma_start3A_242 = tpu.memref_slice %arg4[%add3A_173, %dma_start3A_241] : memref<163840x128xf32, #tpu.memory_space<hbm>> -> memref<256x128xf32, #tpu.memory_space<hbm>>
      %dma_start3A_243 = arith.constant 0 : i32
      %dma_start3A_244 = tpu.memref_slice %arg4[%add3A_173, %dma_start3A_243] : memref<163840x128xf32, #tpu.memory_space<hbm>> -> memref<256x128xf32, #tpu.memory_space<hbm>>
      tpu.enqueue_dma source(%arg7 : memref<256x128xf32, #tpu.memory_space<vmem>>) target(%dma_start3A_244 : memref<256x128xf32, #tpu.memory_space<hbm>>) target_semaphore(%run_scoped3A : memref<!tpu.dma_semaphore, #tpu.memory_space<semaphore_mem>>)
      %dma_wait3A_245 = arith.constant 0 : i32
      %dma_wait3A_246 = tpu.memref_slice %arg4[%add3A_173, %dma_wait3A_245] : memref<163840x128xf32, #tpu.memory_space<hbm>> -> memref<256x128xf32, #tpu.memory_space<hbm>>
      %dma_wait3A_247 = arith.constant 0 : i32
      %dma_wait3A_248 = tpu.memref_slice %arg4[%add3A_173, %dma_wait3A_247] : memref<163840x128xf32, #tpu.memory_space<hbm>> -> memref<256x128xf32, #tpu.memory_space<hbm>>
      tpu.wait_dma2 semaphore(%run_scoped3A : memref<!tpu.dma_semaphore, #tpu.memory_space<semaphore_mem>>) src(%arg7 : memref<256x128xf32, #tpu.memory_space<vmem>>) dst(%dma_wait3A_248 : memref<256x128xf32, #tpu.memory_space<hbm>>)
      tpu.yield
    }) : () -> ()
    %dma_start3A_174 = arith.constant 3840 : i32
    %dma_start3A_175 = tpu.memref_slice %arg5[%dma_start3A_174] : memref<5120xi32, #tpu.memory_space<vmem>> -> memref<256xi32, #tpu.memory_space<vmem>>
    %dma_start3A_176 = arith.constant 0 : i32
    %dma_start3A_177 = arith.constant 0 : i32
    %dma_start3A_178 = tpu.memref_slice %arg2[%dma_start3A_176, %dma_start3A_177] : memref<16384x128xf32, #tpu.memory_space<hbm>> -> memref<16384x128xf32, #tpu.memory_space<hbm>>
    tpu.enqueue_indirect_dma source(%dma_start3A_178 : memref<16384x128xf32, #tpu.memory_space<hbm>>) target(%arg7 : memref<256x128xf32, #tpu.memory_space<vmem>>) offsets(%dma_start3A_175 : memref<256xi32, #tpu.memory_space<vmem>>) semaphore(%arg9 : memref<!tpu.dma_semaphore, #tpu.memory_space<semaphore_mem>>)
    %dma_wait3A_179 = arith.constant 3584 : i32
    %dma_wait3A_180 = tpu.memref_slice %arg5[%dma_wait3A_179] : memref<5120xi32, #tpu.memory_space<vmem>> -> memref<256xi32, #tpu.memory_space<vmem>>
    %dma_wait3A_181 = arith.constant 0 : i32
    %dma_wait3A_182 = arith.constant 0 : i32
    %dma_wait3A_183 = tpu.memref_slice %arg2[%dma_wait3A_181, %dma_wait3A_182] : memref<16384x128xf32, #tpu.memory_space<hbm>> -> memref<16384x128xf32, #tpu.memory_space<hbm>>
    tpu.wait_indirect_dma semaphore(%arg8 : memref<!tpu.dma_semaphore, #tpu.memory_space<semaphore_mem>>) src(%dma_wait3A_183 : memref<16384x128xf32, #tpu.memory_space<hbm>>) dst(%arg6 : memref<256x128xf32, #tpu.memory_space<vmem>>)
    %add3A_184 = arith.constant 3584 : i32
    %add3A_185 = arith.addi %mul3A_2, %add3A_184 : i32
    "tpu.region"() ({
      %run_scoped3A = tpu.sem_alloc : memref<!tpu.dma_semaphore, #tpu.memory_space<semaphore_mem>>
      %dma_start3A_241 = arith.constant 0 : i32
      %dma_start3A_242 = tpu.memref_slice %arg4[%add3A_185, %dma_start3A_241] : memref<163840x128xf32, #tpu.memory_space<hbm>> -> memref<256x128xf32, #tpu.memory_space<hbm>>
      %dma_start3A_243 = arith.constant 0 : i32
      %dma_start3A_244 = tpu.memref_slice %arg4[%add3A_185, %dma_start3A_243] : memref<163840x128xf32, #tpu.memory_space<hbm>> -> memref<256x128xf32, #tpu.memory_space<hbm>>
      tpu.enqueue_dma source(%arg6 : memref<256x128xf32, #tpu.memory_space<vmem>>) target(%dma_start3A_244 : memref<256x128xf32, #tpu.memory_space<hbm>>) target_semaphore(%run_scoped3A : memref<!tpu.dma_semaphore, #tpu.memory_space<semaphore_mem>>)
      %dma_wait3A_245 = arith.constant 0 : i32
      %dma_wait3A_246 = tpu.memref_slice %arg4[%add3A_185, %dma_wait3A_245] : memref<163840x128xf32, #tpu.memory_space<hbm>> -> memref<256x128xf32, #tpu.memory_space<hbm>>
      %dma_wait3A_247 = arith.constant 0 : i32
      %dma_wait3A_248 = tpu.memref_slice %arg4[%add3A_185, %dma_wait3A_247] : memref<163840x128xf32, #tpu.memory_space<hbm>> -> memref<256x128xf32, #tpu.memory_space<hbm>>
      tpu.wait_dma2 semaphore(%run_scoped3A : memref<!tpu.dma_semaphore, #tpu.memory_space<semaphore_mem>>) src(%arg6 : memref<256x128xf32, #tpu.memory_space<vmem>>) dst(%dma_wait3A_248 : memref<256x128xf32, #tpu.memory_space<hbm>>)
      tpu.yield
    }) : () -> ()
    %dma_start3A_186 = arith.constant 4096 : i32
    %dma_start3A_187 = tpu.memref_slice %arg5[%dma_start3A_186] : memref<5120xi32, #tpu.memory_space<vmem>> -> memref<256xi32, #tpu.memory_space<vmem>>
    %dma_start3A_188 = arith.constant 0 : i32
    %dma_start3A_189 = arith.constant 0 : i32
    %dma_start3A_190 = tpu.memref_slice %arg2[%dma_start3A_188, %dma_start3A_189] : memref<16384x128xf32, #tpu.memory_space<hbm>> -> memref<16384x128xf32, #tpu.memory_space<hbm>>
    tpu.enqueue_indirect_dma source(%dma_start3A_190 : memref<16384x128xf32, #tpu.memory_space<hbm>>) target(%arg6 : memref<256x128xf32, #tpu.memory_space<vmem>>) offsets(%dma_start3A_187 : memref<256xi32, #tpu.memory_space<vmem>>) semaphore(%arg8 : memref<!tpu.dma_semaphore, #tpu.memory_space<semaphore_mem>>)
    %dma_wait3A_191 = arith.constant 3840 : i32
    %dma_wait3A_192 = tpu.memref_slice %arg5[%dma_wait3A_191] : memref<5120xi32, #tpu.memory_space<vmem>> -> memref<256xi32, #tpu.memory_space<vmem>>
    %dma_wait3A_193 = arith.constant 0 : i32
    %dma_wait3A_194 = arith.constant 0 : i32
    %dma_wait3A_195 = tpu.memref_slice %arg2[%dma_wait3A_193, %dma_wait3A_194] : memref<16384x128xf32, #tpu.memory_space<hbm>> -> memref<16384x128xf32, #tpu.memory_space<hbm>>
    tpu.wait_indirect_dma semaphore(%arg9 : memref<!tpu.dma_semaphore, #tpu.memory_space<semaphore_mem>>) src(%dma_wait3A_195 : memref<16384x128xf32, #tpu.memory_space<hbm>>) dst(%arg7 : memref<256x128xf32, #tpu.memory_space<vmem>>)
    %add3A_196 = arith.constant 3840 : i32
    %add3A_197 = arith.addi %mul3A_2, %add3A_196 : i32
    "tpu.region"() ({
      %run_scoped3A = tpu.sem_alloc : memref<!tpu.dma_semaphore, #tpu.memory_space<semaphore_mem>>
      %dma_start3A_241 = arith.constant 0 : i32
      %dma_start3A_242 = tpu.memref_slice %arg4[%add3A_197, %dma_start3A_241] : memref<163840x128xf32, #tpu.memory_space<hbm>> -> memref<256x128xf32, #tpu.memory_space<hbm>>
      %dma_start3A_243 = arith.constant 0 : i32
      %dma_start3A_244 = tpu.memref_slice %arg4[%add3A_197, %dma_start3A_243] : memref<163840x128xf32, #tpu.memory_space<hbm>> -> memref<256x128xf32, #tpu.memory_space<hbm>>
      tpu.enqueue_dma source(%arg7 : memref<256x128xf32, #tpu.memory_space<vmem>>) target(%dma_start3A_244 : memref<256x128xf32, #tpu.memory_space<hbm>>) target_semaphore(%run_scoped3A : memref<!tpu.dma_semaphore, #tpu.memory_space<semaphore_mem>>)
      %dma_wait3A_245 = arith.constant 0 : i32
      %dma_wait3A_246 = tpu.memref_slice %arg4[%add3A_197, %dma_wait3A_245] : memref<163840x128xf32, #tpu.memory_space<hbm>> -> memref<256x128xf32, #tpu.memory_space<hbm>>
      %dma_wait3A_247 = arith.constant 0 : i32
      %dma_wait3A_248 = tpu.memref_slice %arg4[%add3A_197, %dma_wait3A_247] : memref<163840x128xf32, #tpu.memory_space<hbm>> -> memref<256x128xf32, #tpu.memory_space<hbm>>
      tpu.wait_dma2 semaphore(%run_scoped3A : memref<!tpu.dma_semaphore, #tpu.memory_space<semaphore_mem>>) src(%arg7 : memref<256x128xf32, #tpu.memory_space<vmem>>) dst(%dma_wait3A_248 : memref<256x128xf32, #tpu.memory_space<hbm>>)
      tpu.yield
    }) : () -> ()
    %dma_start3A_198 = arith.constant 4352 : i32
    %dma_start3A_199 = tpu.memref_slice %arg5[%dma_start3A_198] : memref<5120xi32, #tpu.memory_space<vmem>> -> memref<256xi32, #tpu.memory_space<vmem>>
    %dma_start3A_200 = arith.constant 0 : i32
    %dma_start3A_201 = arith.constant 0 : i32
    %dma_start3A_202 = tpu.memref_slice %arg2[%dma_start3A_200, %dma_start3A_201] : memref<16384x128xf32, #tpu.memory_space<hbm>> -> memref<16384x128xf32, #tpu.memory_space<hbm>>
    tpu.enqueue_indirect_dma source(%dma_start3A_202 : memref<16384x128xf32, #tpu.memory_space<hbm>>) target(%arg7 : memref<256x128xf32, #tpu.memory_space<vmem>>) offsets(%dma_start3A_199 : memref<256xi32, #tpu.memory_space<vmem>>) semaphore(%arg9 : memref<!tpu.dma_semaphore, #tpu.memory_space<semaphore_mem>>)
    %dma_wait3A_203 = arith.constant 4096 : i32
    %dma_wait3A_204 = tpu.memref_slice %arg5[%dma_wait3A_203] : memref<5120xi32, #tpu.memory_space<vmem>> -> memref<256xi32, #tpu.memory_space<vmem>>
    %dma_wait3A_205 = arith.constant 0 : i32
    %dma_wait3A_206 = arith.constant 0 : i32
    %dma_wait3A_207 = tpu.memref_slice %arg2[%dma_wait3A_205, %dma_wait3A_206] : memref<16384x128xf32, #tpu.memory_space<hbm>> -> memref<16384x128xf32, #tpu.memory_space<hbm>>
    tpu.wait_indirect_dma semaphore(%arg8 : memref<!tpu.dma_semaphore, #tpu.memory_space<semaphore_mem>>) src(%dma_wait3A_207 : memref<16384x128xf32, #tpu.memory_space<hbm>>) dst(%arg6 : memref<256x128xf32, #tpu.memory_space<vmem>>)
    %add3A_208 = arith.constant 4096 : i32
    %add3A_209 = arith.addi %mul3A_2, %add3A_208 : i32
    "tpu.region"() ({
      %run_scoped3A = tpu.sem_alloc : memref<!tpu.dma_semaphore, #tpu.memory_space<semaphore_mem>>
      %dma_start3A_241 = arith.constant 0 : i32
      %dma_start3A_242 = tpu.memref_slice %arg4[%add3A_209, %dma_start3A_241] : memref<163840x128xf32, #tpu.memory_space<hbm>> -> memref<256x128xf32, #tpu.memory_space<hbm>>
      %dma_start3A_243 = arith.constant 0 : i32
      %dma_start3A_244 = tpu.memref_slice %arg4[%add3A_209, %dma_start3A_243] : memref<163840x128xf32, #tpu.memory_space<hbm>> -> memref<256x128xf32, #tpu.memory_space<hbm>>
      tpu.enqueue_dma source(%arg6 : memref<256x128xf32, #tpu.memory_space<vmem>>) target(%dma_start3A_244 : memref<256x128xf32, #tpu.memory_space<hbm>>) target_semaphore(%run_scoped3A : memref<!tpu.dma_semaphore, #tpu.memory_space<semaphore_mem>>)
      %dma_wait3A_245 = arith.constant 0 : i32
      %dma_wait3A_246 = tpu.memref_slice %arg4[%add3A_209, %dma_wait3A_245] : memref<163840x128xf32, #tpu.memory_space<hbm>> -> memref<256x128xf32, #tpu.memory_space<hbm>>
      %dma_wait3A_247 = arith.constant 0 : i32
      %dma_wait3A_248 = tpu.memref_slice %arg4[%add3A_209, %dma_wait3A_247] : memref<163840x128xf32, #tpu.memory_space<hbm>> -> memref<256x128xf32, #tpu.memory_space<hbm>>
      tpu.wait_dma2 semaphore(%run_scoped3A : memref<!tpu.dma_semaphore, #tpu.memory_space<semaphore_mem>>) src(%arg6 : memref<256x128xf32, #tpu.memory_space<vmem>>) dst(%dma_wait3A_248 : memref<256x128xf32, #tpu.memory_space<hbm>>)
      tpu.yield
    }) : () -> ()
    %dma_start3A_210 = arith.constant 4608 : i32
    %dma_start3A_211 = tpu.memref_slice %arg5[%dma_start3A_210] : memref<5120xi32, #tpu.memory_space<vmem>> -> memref<256xi32, #tpu.memory_space<vmem>>
    %dma_start3A_212 = arith.constant 0 : i32
    %dma_start3A_213 = arith.constant 0 : i32
    %dma_start3A_214 = tpu.memref_slice %arg2[%dma_start3A_212, %dma_start3A_213] : memref<16384x128xf32, #tpu.memory_space<hbm>> -> memref<16384x128xf32, #tpu.memory_space<hbm>>
    tpu.enqueue_indirect_dma source(%dma_start3A_214 : memref<16384x128xf32, #tpu.memory_space<hbm>>) target(%arg6 : memref<256x128xf32, #tpu.memory_space<vmem>>) offsets(%dma_start3A_211 : memref<256xi32, #tpu.memory_space<vmem>>) semaphore(%arg8 : memref<!tpu.dma_semaphore, #tpu.memory_space<semaphore_mem>>)
    %dma_wait3A_215 = arith.constant 4352 : i32
    %dma_wait3A_216 = tpu.memref_slice %arg5[%dma_wait3A_215] : memref<5120xi32, #tpu.memory_space<vmem>> -> memref<256xi32, #tpu.memory_space<vmem>>
    %dma_wait3A_217 = arith.constant 0 : i32
    %dma_wait3A_218 = arith.constant 0 : i32
    %dma_wait3A_219 = tpu.memref_slice %arg2[%dma_wait3A_217, %dma_wait3A_218] : memref<16384x128xf32, #tpu.memory_space<hbm>> -> memref<16384x128xf32, #tpu.memory_space<hbm>>
    tpu.wait_indirect_dma semaphore(%arg9 : memref<!tpu.dma_semaphore, #tpu.memory_space<semaphore_mem>>) src(%dma_wait3A_219 : memref<16384x128xf32, #tpu.memory_space<hbm>>) dst(%arg7 : memref<256x128xf32, #tpu.memory_space<vmem>>)
    %add3A_220 = arith.constant 4352 : i32
    %add3A_221 = arith.addi %mul3A_2, %add3A_220 : i32
    "tpu.region"() ({
      %run_scoped3A = tpu.sem_alloc : memref<!tpu.dma_semaphore, #tpu.memory_space<semaphore_mem>>
      %dma_start3A_241 = arith.constant 0 : i32
      %dma_start3A_242 = tpu.memref_slice %arg4[%add3A_221, %dma_start3A_241] : memref<163840x128xf32, #tpu.memory_space<hbm>> -> memref<256x128xf32, #tpu.memory_space<hbm>>
      %dma_start3A_243 = arith.constant 0 : i32
      %dma_start3A_244 = tpu.memref_slice %arg4[%add3A_221, %dma_start3A_243] : memref<163840x128xf32, #tpu.memory_space<hbm>> -> memref<256x128xf32, #tpu.memory_space<hbm>>
      tpu.enqueue_dma source(%arg7 : memref<256x128xf32, #tpu.memory_space<vmem>>) target(%dma_start3A_244 : memref<256x128xf32, #tpu.memory_space<hbm>>) target_semaphore(%run_scoped3A : memref<!tpu.dma_semaphore, #tpu.memory_space<semaphore_mem>>)
      %dma_wait3A_245 = arith.constant 0 : i32
      %dma_wait3A_246 = tpu.memref_slice %arg4[%add3A_221, %dma_wait3A_245] : memref<163840x128xf32, #tpu.memory_space<hbm>> -> memref<256x128xf32, #tpu.memory_space<hbm>>
      %dma_wait3A_247 = arith.constant 0 : i32
      %dma_wait3A_248 = tpu.memref_slice %arg4[%add3A_221, %dma_wait3A_247] : memref<163840x128xf32, #tpu.memory_space<hbm>> -> memref<256x128xf32, #tpu.memory_space<hbm>>
      tpu.wait_dma2 semaphore(%run_scoped3A : memref<!tpu.dma_semaphore, #tpu.memory_space<semaphore_mem>>) src(%arg7 : memref<256x128xf32, #tpu.memory_space<vmem>>) dst(%dma_wait3A_248 : memref<256x128xf32, #tpu.memory_space<hbm>>)
      tpu.yield
    }) : () -> ()
    %dma_start3A_222 = arith.constant 4864 : i32
    %dma_start3A_223 = tpu.memref_slice %arg5[%dma_start3A_222] : memref<5120xi32, #tpu.memory_space<vmem>> -> memref<256xi32, #tpu.memory_space<vmem>>
    %dma_start3A_224 = arith.constant 0 : i32
    %dma_start3A_225 = arith.constant 0 : i32
    %dma_start3A_226 = tpu.memref_slice %arg2[%dma_start3A_224, %dma_start3A_225] : memref<16384x128xf32, #tpu.memory_space<hbm>> -> memref<16384x128xf32, #tpu.memory_space<hbm>>
    tpu.enqueue_indirect_dma source(%dma_start3A_226 : memref<16384x128xf32, #tpu.memory_space<hbm>>) target(%arg7 : memref<256x128xf32, #tpu.memory_space<vmem>>) offsets(%dma_start3A_223 : memref<256xi32, #tpu.memory_space<vmem>>) semaphore(%arg9 : memref<!tpu.dma_semaphore, #tpu.memory_space<semaphore_mem>>)
    %dma_wait3A_227 = arith.constant 4608 : i32
    %dma_wait3A_228 = tpu.memref_slice %arg5[%dma_wait3A_227] : memref<5120xi32, #tpu.memory_space<vmem>> -> memref<256xi32, #tpu.memory_space<vmem>>
    %dma_wait3A_229 = arith.constant 0 : i32
    %dma_wait3A_230 = arith.constant 0 : i32
    %dma_wait3A_231 = tpu.memref_slice %arg2[%dma_wait3A_229, %dma_wait3A_230] : memref<16384x128xf32, #tpu.memory_space<hbm>> -> memref<16384x128xf32, #tpu.memory_space<hbm>>
    tpu.wait_indirect_dma semaphore(%arg8 : memref<!tpu.dma_semaphore, #tpu.memory_space<semaphore_mem>>) src(%dma_wait3A_231 : memref<16384x128xf32, #tpu.memory_space<hbm>>) dst(%arg6 : memref<256x128xf32, #tpu.memory_space<vmem>>)
    %add3A_232 = arith.constant 4608 : i32
    %add3A_233 = arith.addi %mul3A_2, %add3A_232 : i32
    "tpu.region"() ({
      %run_scoped3A = tpu.sem_alloc : memref<!tpu.dma_semaphore, #tpu.memory_space<semaphore_mem>>
      %dma_start3A_241 = arith.constant 0 : i32
      %dma_start3A_242 = tpu.memref_slice %arg4[%add3A_233, %dma_start3A_241] : memref<163840x128xf32, #tpu.memory_space<hbm>> -> memref<256x128xf32, #tpu.memory_space<hbm>>
      %dma_start3A_243 = arith.constant 0 : i32
      %dma_start3A_244 = tpu.memref_slice %arg4[%add3A_233, %dma_start3A_243] : memref<163840x128xf32, #tpu.memory_space<hbm>> -> memref<256x128xf32, #tpu.memory_space<hbm>>
      tpu.enqueue_dma source(%arg6 : memref<256x128xf32, #tpu.memory_space<vmem>>) target(%dma_start3A_244 : memref<256x128xf32, #tpu.memory_space<hbm>>) target_semaphore(%run_scoped3A : memref<!tpu.dma_semaphore, #tpu.memory_space<semaphore_mem>>)
      %dma_wait3A_245 = arith.constant 0 : i32
      %dma_wait3A_246 = tpu.memref_slice %arg4[%add3A_233, %dma_wait3A_245] : memref<163840x128xf32, #tpu.memory_space<hbm>> -> memref<256x128xf32, #tpu.memory_space<hbm>>
      %dma_wait3A_247 = arith.constant 0 : i32
      %dma_wait3A_248 = tpu.memref_slice %arg4[%add3A_233, %dma_wait3A_247] : memref<163840x128xf32, #tpu.memory_space<hbm>> -> memref<256x128xf32, #tpu.memory_space<hbm>>
      tpu.wait_dma2 semaphore(%run_scoped3A : memref<!tpu.dma_semaphore, #tpu.memory_space<semaphore_mem>>) src(%arg6 : memref<256x128xf32, #tpu.memory_space<vmem>>) dst(%dma_wait3A_248 : memref<256x128xf32, #tpu.memory_space<hbm>>)
      tpu.yield
    }) : () -> ()
    %dma_wait3A_234 = arith.constant 4864 : i32
    %dma_wait3A_235 = tpu.memref_slice %arg5[%dma_wait3A_234] : memref<5120xi32, #tpu.memory_space<vmem>> -> memref<256xi32, #tpu.memory_space<vmem>>
    %dma_wait3A_236 = arith.constant 0 : i32
    %dma_wait3A_237 = arith.constant 0 : i32
    %dma_wait3A_238 = tpu.memref_slice %arg2[%dma_wait3A_236, %dma_wait3A_237] : memref<16384x128xf32, #tpu.memory_space<hbm>> -> memref<16384x128xf32, #tpu.memory_space<hbm>>
    tpu.wait_indirect_dma semaphore(%arg9 : memref<!tpu.dma_semaphore, #tpu.memory_space<semaphore_mem>>) src(%dma_wait3A_238 : memref<16384x128xf32, #tpu.memory_space<hbm>>) dst(%arg7 : memref<256x128xf32, #tpu.memory_space<vmem>>)
    %add3A_239 = arith.constant 4864 : i32
    %add3A_240 = arith.addi %mul3A_2, %add3A_239 : i32
    "tpu.region"() ({
      %run_scoped3A = tpu.sem_alloc : memref<!tpu.dma_semaphore, #tpu.memory_space<semaphore_mem>>
      %dma_start3A_241 = arith.constant 0 : i32
      %dma_start3A_242 = tpu.memref_slice %arg4[%add3A_240, %dma_start3A_241] : memref<163840x128xf32, #tpu.memory_space<hbm>> -> memref<256x128xf32, #tpu.memory_space<hbm>>
      %dma_start3A_243 = arith.constant 0 : i32
      %dma_start3A_244 = tpu.memref_slice %arg4[%add3A_240, %dma_start3A_243] : memref<163840x128xf32, #tpu.memory_space<hbm>> -> memref<256x128xf32, #tpu.memory_space<hbm>>
      tpu.enqueue_dma source(%arg7 : memref<256x128xf32, #tpu.memory_space<vmem>>) target(%dma_start3A_244 : memref<256x128xf32, #tpu.memory_space<hbm>>) target_semaphore(%run_scoped3A : memref<!tpu.dma_semaphore, #tpu.memory_space<semaphore_mem>>)
      %dma_wait3A_245 = arith.constant 0 : i32
      %dma_wait3A_246 = tpu.memref_slice %arg4[%add3A_240, %dma_wait3A_245] : memref<163840x128xf32, #tpu.memory_space<hbm>> -> memref<256x128xf32, #tpu.memory_space<hbm>>
      %dma_wait3A_247 = arith.constant 0 : i32
      %dma_wait3A_248 = tpu.memref_slice %arg4[%add3A_240, %dma_wait3A_247] : memref<163840x128xf32, #tpu.memory_space<hbm>> -> memref<256x128xf32, #tpu.memory_space<hbm>>
      tpu.wait_dma2 semaphore(%run_scoped3A : memref<!tpu.dma_semaphore, #tpu.memory_space<semaphore_mem>>) src(%arg7 : memref<256x128xf32, #tpu.memory_space<vmem>>) dst(%dma_wait3A_248 : memref<256x128xf32, #tpu.memory_space<hbm>>)
      tpu.yield
    }) : () -> ()
    return
  }
}

module attributes {stable_mosaic.version = 14 : i64} {
  func.func @_p1_kernel(%arg0: i32, %arg1: i32, %arg2: memref<1024x256xf32, #tpu.memory_space<vmem>>, %arg3: memref<512x256xf32, #tpu.memory_space<vmem>>, %arg4: memref<1024x8xf32, #tpu.memory_space<vmem>>, %arg5: memref<512x8xf32, #tpu.memory_space<vmem>>, %arg6: memref<4x1024x128xf32, #tpu.memory_space<vmem>>, %arg7: memref<1024x10xi32, #tpu.memory_space<vmem>>, %arg8: memref<16x1024x4xf32, #tpu.memory_space<vmem>>) attributes {dimension_semantics = [#tpu.dimension_semantics<arbitrary>, #tpu.dimension_semantics<arbitrary>], iteration_bounds = array<i64: 8, 16>, scalar_prefetch = 0 : i64, scratch_operands = 1 : i64, tpu.core_type = #tpu.core_type<tc>, window_params = [{transform_indices = @transform_0, window_bounds = array<i64: 1024, 256>}, {transform_indices = @transform_1, window_bounds = array<i64: 512, 256>}, {transform_indices = @transform_2, window_bounds = array<i64: 1024, 8>}, {transform_indices = @transform_3, window_bounds = array<i64: 512, 8>}, {transform_indices = @transform_4, window_bounds = array<i64: 4, 1024, 128>}, {transform_indices = @transform_5, window_bounds = array<i64: 1024, 10>}]} {
    %get3A = arith.constant 0 : index
    %get3A_0 = arith.constant 0 : index
    %get3A_1 = vector.load %arg2[%get3A, %get3A_0] : memref<1024x256xf32, #tpu.memory_space<vmem>>, vector<1024x256xf32>
    %get3A_2 = arith.constant 0 : index
    %get3A_3 = arith.constant 0 : index
    %get3A_4 = vector.load %arg3[%get3A_2, %get3A_3] : memref<512x256xf32, #tpu.memory_space<vmem>>, vector<512x256xf32>
    %dot_general3A = arith.constant dense<0.000000e+00> : vector<1024x512xf32>
    %dot_general3A_5 = tpu.matmul %get3A_1, %get3A_4, %dot_general3A {dimension_numbers = #tpu.dot_dimension_numbers<[1], [1], [0], [0], [0, 0, 1, 0], [], []>, transpose_lhs_hint = false} : vector<1024x256xf32>, vector<512x256xf32>, vector<1024x512xf32> -> vector<1024x512xf32>
    %get3A_6 = arith.constant 0 : index
    %get3A_7 = arith.constant 0 : index
    %get3A_8 = vector.load %arg4[%get3A_6, %get3A_7] : memref<1024x8xf32, #tpu.memory_space<vmem>>, vector<1024x8xf32>
    %get3A_9 = arith.constant 0 : index
    %get3A_10 = arith.constant 0 : index
    %get3A_11 = vector.load %arg5[%get3A_9, %get3A_10] : memref<512x8xf32, #tpu.memory_space<vmem>>, vector<512x8xf32>
    %dot_general3A_12 = arith.constant dense<0.000000e+00> : vector<1024x512xf32>
    %dot_general3A_13 = tpu.matmul %get3A_8, %get3A_11, %dot_general3A_12 {dimension_numbers = #tpu.dot_dimension_numbers<[1], [1], [0], [0], [0, 0, 1, 0], [], []>, transpose_lhs_hint = false} : vector<1024x8xf32>, vector<512x8xf32>, vector<1024x512xf32> -> vector<1024x512xf32>
    %mul3A = arith.mulf %get3A_1, %get3A_1 : vector<1024x256xf32>
    %reduce_sum3A = arith.constant dense<0.000000e+00> : vector<1024xf32>
    %reduce_sum3A_14 = vector.multi_reduction <add>, %mul3A, %reduce_sum3A [1] : vector<1024x256xf32> to vector<1024xf32>
    %broadcast_in_dim3A = vector.shape_cast %reduce_sum3A_14 : vector<1024xf32> to vector<1024x1xf32>
    %mul3A_15 = arith.mulf %get3A_4, %get3A_4 : vector<512x256xf32>
    %reduce_sum3A_16 = arith.constant dense<0.000000e+00> : vector<512xf32>
    %reduce_sum3A_17 = vector.multi_reduction <add>, %mul3A_15, %reduce_sum3A_16 [1] : vector<512x256xf32> to vector<512xf32>
    %broadcast_in_dim3A_18 = vector.shape_cast %reduce_sum3A_17 : vector<512xf32> to vector<1x512xf32>
    %mul3A_19 = arith.mulf %get3A_8, %get3A_8 : vector<1024x8xf32>
    %reduce_sum3A_20 = arith.constant dense<0.000000e+00> : vector<1024xf32>
    %reduce_sum3A_21 = vector.multi_reduction <add>, %mul3A_19, %reduce_sum3A_20 [1] : vector<1024x8xf32> to vector<1024xf32>
    %broadcast_in_dim3A_22 = vector.shape_cast %reduce_sum3A_21 : vector<1024xf32> to vector<1024x1xf32>
    %mul3A_23 = arith.mulf %get3A_11, %get3A_11 : vector<512x8xf32>
    %reduce_sum3A_24 = arith.constant dense<0.000000e+00> : vector<512xf32>
    %reduce_sum3A_25 = vector.multi_reduction <add>, %mul3A_23, %reduce_sum3A_24 [1] : vector<512x8xf32> to vector<512xf32>
    %broadcast_in_dim3A_26 = vector.shape_cast %reduce_sum3A_25 : vector<512xf32> to vector<1x512xf32>
    %add3A = vector.broadcast %broadcast_in_dim3A : vector<1024x1xf32> to vector<1024x512xf32>
    %add3A_27 = vector.broadcast %broadcast_in_dim3A_18 : vector<1x512xf32> to vector<1024x512xf32>
    %add3A_28 = arith.addf %add3A, %add3A_27 : vector<1024x512xf32>
    %mul3A_29 = arith.constant 2.000000e+00 : f32
    %mul3A_30 = vector.broadcast %mul3A_29 : f32 to vector<1024x512xf32>
    %mul3A_31 = arith.mulf %mul3A_30, %dot_general3A_5 : vector<1024x512xf32>
    %sub3A = arith.subf %add3A_28, %mul3A_31 : vector<1024x512xf32>
    %add3A_32 = vector.broadcast %broadcast_in_dim3A_22 : vector<1024x1xf32> to vector<1024x512xf32>
    %add3A_33 = vector.broadcast %broadcast_in_dim3A_26 : vector<1x512xf32> to vector<1024x512xf32>
    %add3A_34 = arith.addf %add3A_32, %add3A_33 : vector<1024x512xf32>
    %mul3A_35 = arith.constant 2.000000e+00 : f32
    %mul3A_36 = vector.broadcast %mul3A_35 : f32 to vector<1024x512xf32>
    %mul3A_37 = arith.mulf %mul3A_36, %dot_general3A_13 : vector<1024x512xf32>
    %sub3A_38 = arith.subf %add3A_34, %mul3A_37 : vector<1024x512xf32>
    %add3A_39 = arith.addf %sub3A, %sub3A_38 : vector<1024x512xf32>
    %neg3A = arith.constant 0.000000e+00 : f32
    %neg3A_40 = vector.broadcast %neg3A : f32 to vector<1024x512xf32>
    %neg3A_41 = arith.subf %neg3A_40, %add3A_39 : vector<1024x512xf32>
    %slice3A = vector.extract_strided_slice %neg3A_41 {offsets = [0, 0], sizes = [1024, 128], strides = [1, 1]} : vector<1024x512xf32> to vector<1024x128xf32>
    %swap3A = arith.constant 0 : index
    %swap3A_42 = arith.constant 0 : index
    %swap3A_43 = arith.constant 0 : index
    %swap3A_44 = vector.load %arg6[%swap3A, %swap3A_42, %swap3A_43] : memref<4x1024x128xf32, #tpu.memory_space<vmem>>, vector<1x1024x128xf32>
    %swap3A_45 = vector.shape_cast %swap3A_44 : vector<1x1024x128xf32> to vector<1024x128xf32>
    %swap3A_46 = vector.shape_cast %slice3A : vector<1024x128xf32> to vector<1x1024x128xf32>
    tpu.vector_store %arg6[%swap3A, %swap3A_42, %swap3A_43], %swap3A_46 {strides = array<i32>} : memref<4x1024x128xf32, #tpu.memory_space<vmem>>, vector<1x1024x128xf32>,
    %reduce_max3A = arith.constant dense<0xFF800000> : vector<1024xf32>
    %reduce_max3A_47 = vector.multi_reduction <maximumf>, %slice3A, %reduce_max3A [1] : vector<1024x128xf32> to vector<1024xf32>
    %broadcast_in_dim3A_48 = vector.shape_cast %reduce_max3A_47 : vector<1024xf32> to vector<1024x1xf32>
    %broadcast_in_dim3A_49 = vector.shape_cast %broadcast_in_dim3A_48 : vector<1024x1xf32> to vector<1x1024x1xf32>
    %swap3A_50 = arith.index_cast %arg1 : i32 to index
    %swap3A_51 = arith.constant 0 : index
    %swap3A_52 = arith.constant 0 : index
    %swap3A_53 = vector.load %arg8[%swap3A_50, %swap3A_51, %swap3A_52] : memref<16x1024x4xf32, #tpu.memory_space<vmem>>, vector<1x1024x1xf32>
    tpu.vector_store %arg8[%swap3A_50, %swap3A_51, %swap3A_52], %broadcast_in_dim3A_49 {strides = array<i32>} : memref<16x1024x4xf32, #tpu.memory_space<vmem>>, vector<1x1024x1xf32>,
    %slice3A_54 = vector.extract_strided_slice %neg3A_41 {offsets = [0, 128], sizes = [1024, 128], strides = [1, 1]} : vector<1024x512xf32> to vector<1024x128xf32>
    %swap3A_55 = arith.constant 1 : index
    %swap3A_56 = arith.constant 0 : index
    %swap3A_57 = arith.constant 0 : index
    %swap3A_58 = vector.load %arg6[%swap3A_55, %swap3A_56, %swap3A_57] : memref<4x1024x128xf32, #tpu.memory_space<vmem>>, vector<1x1024x128xf32>
    %swap3A_59 = vector.shape_cast %swap3A_58 : vector<1x1024x128xf32> to vector<1024x128xf32>
    %swap3A_60 = vector.shape_cast %slice3A_54 : vector<1024x128xf32> to vector<1x1024x128xf32>
    tpu.vector_store %arg6[%swap3A_55, %swap3A_56, %swap3A_57], %swap3A_60 {strides = array<i32>} : memref<4x1024x128xf32, #tpu.memory_space<vmem>>, vector<1x1024x128xf32>,
    %reduce_max3A_61 = arith.constant dense<0xFF800000> : vector<1024xf32>
    %reduce_max3A_62 = vector.multi_reduction <maximumf>, %slice3A_54, %reduce_max3A_61 [1] : vector<1024x128xf32> to vector<1024xf32>
    %broadcast_in_dim3A_63 = vector.shape_cast %reduce_max3A_62 : vector<1024xf32> to vector<1024x1xf32>
    %broadcast_in_dim3A_64 = vector.shape_cast %broadcast_in_dim3A_63 : vector<1024x1xf32> to vector<1x1024x1xf32>
    %swap3A_65 = arith.index_cast %arg1 : i32 to index
    %swap3A_66 = arith.constant 0 : index
    %swap3A_67 = arith.constant 1 : index
    %swap3A_68 = vector.load %arg8[%swap3A_65, %swap3A_66, %swap3A_67] : memref<16x1024x4xf32, #tpu.memory_space<vmem>>, vector<1x1024x1xf32>
    tpu.vector_store %arg8[%swap3A_65, %swap3A_66, %swap3A_67], %broadcast_in_dim3A_64 {strides = array<i32>} : memref<16x1024x4xf32, #tpu.memory_space<vmem>>, vector<1x1024x1xf32>,
    %slice3A_69 = vector.extract_strided_slice %neg3A_41 {offsets = [0, 256], sizes = [1024, 128], strides = [1, 1]} : vector<1024x512xf32> to vector<1024x128xf32>
    %swap3A_70 = arith.constant 2 : index
    %swap3A_71 = arith.constant 0 : index
    %swap3A_72 = arith.constant 0 : index
    %swap3A_73 = vector.load %arg6[%swap3A_70, %swap3A_71, %swap3A_72] : memref<4x1024x128xf32, #tpu.memory_space<vmem>>, vector<1x1024x128xf32>
    %swap3A_74 = vector.shape_cast %swap3A_73 : vector<1x1024x128xf32> to vector<1024x128xf32>
    %swap3A_75 = vector.shape_cast %slice3A_69 : vector<1024x128xf32> to vector<1x1024x128xf32>
    tpu.vector_store %arg6[%swap3A_70, %swap3A_71, %swap3A_72], %swap3A_75 {strides = array<i32>} : memref<4x1024x128xf32, #tpu.memory_space<vmem>>, vector<1x1024x128xf32>,
    %reduce_max3A_76 = arith.constant dense<0xFF800000> : vector<1024xf32>
    %reduce_max3A_77 = vector.multi_reduction <maximumf>, %slice3A_69, %reduce_max3A_76 [1] : vector<1024x128xf32> to vector<1024xf32>
    %broadcast_in_dim3A_78 = vector.shape_cast %reduce_max3A_77 : vector<1024xf32> to vector<1024x1xf32>
    %broadcast_in_dim3A_79 = vector.shape_cast %broadcast_in_dim3A_78 : vector<1024x1xf32> to vector<1x1024x1xf32>
    %swap3A_80 = arith.index_cast %arg1 : i32 to index
    %swap3A_81 = arith.constant 0 : index
    %swap3A_82 = arith.constant 2 : index
    %swap3A_83 = vector.load %arg8[%swap3A_80, %swap3A_81, %swap3A_82] : memref<16x1024x4xf32, #tpu.memory_space<vmem>>, vector<1x1024x1xf32>
    tpu.vector_store %arg8[%swap3A_80, %swap3A_81, %swap3A_82], %broadcast_in_dim3A_79 {strides = array<i32>} : memref<16x1024x4xf32, #tpu.memory_space<vmem>>, vector<1x1024x1xf32>,
    %slice3A_84 = vector.extract_strided_slice %neg3A_41 {offsets = [0, 384], sizes = [1024, 128], strides = [1, 1]} : vector<1024x512xf32> to vector<1024x128xf32>
    %swap3A_85 = arith.constant 3 : index
    %swap3A_86 = arith.constant 0 : index
    %swap3A_87 = arith.constant 0 : index
    %swap3A_88 = vector.load %arg6[%swap3A_85, %swap3A_86, %swap3A_87] : memref<4x1024x128xf32, #tpu.memory_space<vmem>>, vector<1x1024x128xf32>
    %swap3A_89 = vector.shape_cast %swap3A_88 : vector<1x1024x128xf32> to vector<1024x128xf32>
    %swap3A_90 = vector.shape_cast %slice3A_84 : vector<1024x128xf32> to vector<1x1024x128xf32>
    tpu.vector_store %arg6[%swap3A_85, %swap3A_86, %swap3A_87], %swap3A_90 {strides = array<i32>} : memref<4x1024x128xf32, #tpu.memory_space<vmem>>, vector<1x1024x128xf32>,
    %reduce_max3A_91 = arith.constant dense<0xFF800000> : vector<1024xf32>
    %reduce_max3A_92 = vector.multi_reduction <maximumf>, %slice3A_84, %reduce_max3A_91 [1] : vector<1024x128xf32> to vector<1024xf32>
    %broadcast_in_dim3A_93 = vector.shape_cast %reduce_max3A_92 : vector<1024xf32> to vector<1024x1xf32>
    %broadcast_in_dim3A_94 = vector.shape_cast %broadcast_in_dim3A_93 : vector<1024x1xf32> to vector<1x1024x1xf32>
    %swap3A_95 = arith.index_cast %arg1 : i32 to index
    %swap3A_96 = arith.constant 0 : index
    %swap3A_97 = arith.constant 3 : index
    %swap3A_98 = vector.load %arg8[%swap3A_95, %swap3A_96, %swap3A_97] : memref<16x1024x4xf32, #tpu.memory_space<vmem>>, vector<1x1024x1xf32>
    tpu.vector_store %arg8[%swap3A_95, %swap3A_96, %swap3A_97], %broadcast_in_dim3A_94 {strides = array<i32>} : memref<16x1024x4xf32, #tpu.memory_space<vmem>>, vector<1x1024x1xf32>,
    %eq3A = arith.constant 15 : i32
    %eq3A_99 = arith.cmpi eq, %arg1, %eq3A : i32
    %convert_element_type3A = arith.extui %eq3A_99 : i1 to i32
    %cond3A = arith.constant 0 : i32
    %cond3A_100 = arith.cmpi ne, %convert_element_type3A, %cond3A : i32
    scf.if %cond3A_100 {
      %get3A_101 = arith.constant 0 : index
      %get3A_102 = arith.constant 0 : index
      %get3A_103 = arith.constant 0 : index
      %get3A_104 = vector.load %arg8[%get3A_101, %get3A_102, %get3A_103] : memref<16x1024x4xf32, #tpu.memory_space<vmem>>, vector<1x1024x4xf32>
      %get3A_105 = vector.shape_cast %get3A_104 : vector<1x1024x4xf32> to vector<1024x4xf32>
      %get3A_106 = arith.constant 1 : index
      %get3A_107 = arith.constant 0 : index
      %get3A_108 = arith.constant 0 : index
      %get3A_109 = vector.load %arg8[%get3A_106, %get3A_107, %get3A_108] : memref<16x1024x4xf32, #tpu.memory_space<vmem>>, vector<1x1024x4xf32>
      %get3A_110 = vector.shape_cast %get3A_109 : vector<1x1024x4xf32> to vector<1024x4xf32>
      %get3A_111 = arith.constant 2 : index
      %get3A_112 = arith.constant 0 : index
      %get3A_113 = arith.constant 0 : index
      %get3A_114 = vector.load %arg8[%get3A_111, %get3A_112, %get3A_113] : memref<16x1024x4xf32, #tpu.memory_space<vmem>>, vector<1x1024x4xf32>
      %get3A_115 = vector.shape_cast %get3A_114 : vector<1x1024x4xf32> to vector<1024x4xf32>
      %get3A_116 = arith.constant 3 : index
      %get3A_117 = arith.constant 0 : index
      %get3A_118 = arith.constant 0 : index
      %get3A_119 = vector.load %arg8[%get3A_116, %get3A_117, %get3A_118] : memref<16x1024x4xf32, #tpu.memory_space<vmem>>, vector<1x1024x4xf32>
      %get3A_120 = vector.shape_cast %get3A_119 : vector<1x1024x4xf32> to vector<1024x4xf32>
      %get3A_121 = arith.constant 4 : index
      %get3A_122 = arith.constant 0 : index
      %get3A_123 = arith.constant 0 : index
      %get3A_124 = vector.load %arg8[%get3A_121, %get3A_122, %get3A_123] : memref<16x1024x4xf32, #tpu.memory_space<vmem>>, vector<1x1024x4xf32>
      %get3A_125 = vector.shape_cast %get3A_124 : vector<1x1024x4xf32> to vector<1024x4xf32>
      %get3A_126 = arith.constant 5 : index
      %get3A_127 = arith.constant 0 : index
      %get3A_128 = arith.constant 0 : index
      %get3A_129 = vector.load %arg8[%get3A_126, %get3A_127, %get3A_128] : memref<16x1024x4xf32, #tpu.memory_space<vmem>>, vector<1x1024x4xf32>
      %get3A_130 = vector.shape_cast %get3A_129 : vector<1x1024x4xf32> to vector<1024x4xf32>
      %get3A_131 = arith.constant 6 : index
      %get3A_132 = arith.constant 0 : index
      %get3A_133 = arith.constant 0 : index
      %get3A_134 = vector.load %arg8[%get3A_131, %get3A_132, %get3A_133] : memref<16x1024x4xf32, #tpu.memory_space<vmem>>, vector<1x1024x4xf32>
      %get3A_135 = vector.shape_cast %get3A_134 : vector<1x1024x4xf32> to vector<1024x4xf32>
      %get3A_136 = arith.constant 7 : index
      %get3A_137 = arith.constant 0 : index
      %get3A_138 = arith.constant 0 : index
      %get3A_139 = vector.load %arg8[%get3A_136, %get3A_137, %get3A_138] : memref<16x1024x4xf32, #tpu.memory_space<vmem>>, vector<1x1024x4xf32>
      %get3A_140 = vector.shape_cast %get3A_139 : vector<1x1024x4xf32> to vector<1024x4xf32>
      %get3A_141 = arith.constant 8 : index
      %get3A_142 = arith.constant 0 : index
      %get3A_143 = arith.constant 0 : index
      %get3A_144 = vector.load %arg8[%get3A_141, %get3A_142, %get3A_143] : memref<16x1024x4xf32, #tpu.memory_space<vmem>>, vector<1x1024x4xf32>
      %get3A_145 = vector.shape_cast %get3A_144 : vector<1x1024x4xf32> to vector<1024x4xf32>
      %get3A_146 = arith.constant 9 : index
      %get3A_147 = arith.constant 0 : index
      %get3A_148 = arith.constant 0 : index
      %get3A_149 = vector.load %arg8[%get3A_146, %get3A_147, %get3A_148] : memref<16x1024x4xf32, #tpu.memory_space<vmem>>, vector<1x1024x4xf32>
      %get3A_150 = vector.shape_cast %get3A_149 : vector<1x1024x4xf32> to vector<1024x4xf32>
      %get3A_151 = arith.constant 10 : index
      %get3A_152 = arith.constant 0 : index
      %get3A_153 = arith.constant 0 : index
      %get3A_154 = vector.load %arg8[%get3A_151, %get3A_152, %get3A_153] : memref<16x1024x4xf32, #tpu.memory_space<vmem>>, vector<1x1024x4xf32>
      %get3A_155 = vector.shape_cast %get3A_154 : vector<1x1024x4xf32> to vector<1024x4xf32>
      %get3A_156 = arith.constant 11 : index
      %get3A_157 = arith.constant 0 : index
      %get3A_158 = arith.constant 0 : index
      %get3A_159 = vector.load %arg8[%get3A_156, %get3A_157, %get3A_158] : memref<16x1024x4xf32, #tpu.memory_space<vmem>>, vector<1x1024x4xf32>
      %get3A_160 = vector.shape_cast %get3A_159 : vector<1x1024x4xf32> to vector<1024x4xf32>
      %get3A_161 = arith.constant 12 : index
      %get3A_162 = arith.constant 0 : index
      %get3A_163 = arith.constant 0 : index
      %get3A_164 = vector.load %arg8[%get3A_161, %get3A_162, %get3A_163] : memref<16x1024x4xf32, #tpu.memory_space<vmem>>, vector<1x1024x4xf32>
      %get3A_165 = vector.shape_cast %get3A_164 : vector<1x1024x4xf32> to vector<1024x4xf32>
      %get3A_166 = arith.constant 13 : index
      %get3A_167 = arith.constant 0 : index
      %get3A_168 = arith.constant 0 : index
      %get3A_169 = vector.load %arg8[%get3A_166, %get3A_167, %get3A_168] : memref<16x1024x4xf32, #tpu.memory_space<vmem>>, vector<1x1024x4xf32>
      %get3A_170 = vector.shape_cast %get3A_169 : vector<1x1024x4xf32> to vector<1024x4xf32>
      %get3A_171 = arith.constant 14 : index
      %get3A_172 = arith.constant 0 : index
      %get3A_173 = arith.constant 0 : index
      %get3A_174 = vector.load %arg8[%get3A_171, %get3A_172, %get3A_173] : memref<16x1024x4xf32, #tpu.memory_space<vmem>>, vector<1x1024x4xf32>
      %get3A_175 = vector.shape_cast %get3A_174 : vector<1x1024x4xf32> to vector<1024x4xf32>
      %get3A_176 = arith.constant 15 : index
      %get3A_177 = arith.constant 0 : index
      %get3A_178 = arith.constant 0 : index
      %get3A_179 = vector.load %arg8[%get3A_176, %get3A_177, %get3A_178] : memref<16x1024x4xf32, #tpu.memory_space<vmem>>, vector<1x1024x4xf32>
      %get3A_180 = vector.shape_cast %get3A_179 : vector<1x1024x4xf32> to vector<1024x4xf32>
      %concatenate3A = tpu.concatenate %get3A_105, %get3A_110, %get3A_115, %get3A_120, %get3A_125, %get3A_130, %get3A_135, %get3A_140, %get3A_145, %get3A_150, %get3A_155, %get3A_160, %get3A_165, %get3A_170, %get3A_175, %get3A_180 in 1 : vector<1024x4xf32>, vector<1024x4xf32>, vector<1024x4xf32>, vector<1024x4xf32>, vector<1024x4xf32>, vector<1024x4xf32>, vector<1024x4xf32>, vector<1024x4xf32>, vector<1024x4xf32>, vector<1024x4xf32>, vector<1024x4xf32>, vector<1024x4xf32>, vector<1024x4xf32>, vector<1024x4xf32>, vector<1024x4xf32>, vector<1024x4xf32> -> vector<1024x64xf32>
      %iota3A = tpu.iota {dimensions = array<i32: 1>} : vector<1024x64xi32>
      %mul3A_181 = arith.constant 1024 : i32
      %mul3A_182 = arith.muli %arg0, %mul3A_181 : i32
      %iota3A_183 = tpu.iota {dimensions = array<i32: 0>} : vector<1024x1xi32>
      %add3A_184 = vector.broadcast %mul3A_182 : i32 to vector<1024x1xi32>
      %add3A_185 = arith.addi %add3A_184, %iota3A_183 : vector<1024x1xi32>
      %reduce_max3A_186 = arith.constant dense<0xFF800000> : vector<1024xf32>
      %reduce_max3A_187 = vector.multi_reduction <maximumf>, %concatenate3A, %reduce_max3A_186 [1] : vector<1024x64xf32> to vector<1024xf32>
      %broadcast_in_dim3A_188 = vector.shape_cast %reduce_max3A_187 : vector<1024xf32> to vector<1024x1xf32>
      %eq3A_189 = vector.broadcast %broadcast_in_dim3A_188 : vector<1024x1xf32> to vector<1024x64xf32>
      %eq3A_190 = arith.cmpf oeq, %concatenate3A, %eq3A_189 : vector<1024x64xf32>
      %jit3A = arith.constant 64 : i32
      %broadcast_in_dim3A_191 = vector.broadcast %jit3A : i32 to vector<1024x64xi32>
      %select_n3A = arith.select %eq3A_190, %iota3A, %broadcast_in_dim3A_191 : vector<1024x64xi1>, vector<1024x64xi32>
      %reduce_min3A = arith.constant dense<2147483647> : vector<1024xi32>
      %reduce_min3A_192 = vector.multi_reduction <minsi>, %select_n3A, %reduce_min3A [1] : vector<1024x64xi32> to vector<1024xi32>
      %broadcast_in_dim3A_193 = vector.shape_cast %reduce_min3A_192 : vector<1024xi32> to vector<1024x1xi32>
      %mul3A_194 = arith.constant 8192 : i32
      %mul3A_195 = vector.broadcast %mul3A_194 : i32 to vector<1024x1xi32>
      %mul3A_196 = arith.muli %broadcast_in_dim3A_193, %mul3A_195 : vector<1024x1xi32>
      %add3A_197 = arith.addi %mul3A_196, %add3A_185 : vector<1024x1xi32>
      %swap3A_198 = arith.constant 0 : index
      %swap3A_199 = arith.constant 0 : index
      %swap3A_200 = vector.load %arg7[%swap3A_198, %swap3A_199] : memref<1024x10xi32, #tpu.memory_space<vmem>>, vector<1024x1xi32>
      tpu.vector_store %arg7[%swap3A_198, %swap3A_199], %add3A_197 {strides = array<i32>} : memref<1024x10xi32, #tpu.memory_space<vmem>>, vector<1024x1xi32>,
      %eq3A_201 = vector.broadcast %broadcast_in_dim3A_193 : vector<1024x1xi32> to vector<1024x64xi32>
      %eq3A_202 = arith.cmpi eq, %iota3A, %eq3A_201 : vector<1024x64xi32>
      %jit3A_203 = arith.constant 0xFF800000 : f32
      %broadcast_in_dim3A_204 = vector.broadcast %jit3A_203 : f32 to vector<1024x64xf32>
      %select_n3A_205 = arith.select %eq3A_202, %broadcast_in_dim3A_204, %concatenate3A : vector<1024x64xi1>, vector<1024x64xf32>
      %reduce_max3A_206 = arith.constant dense<0xFF800000> : vector<1024xf32>
      %reduce_max3A_207 = vector.multi_reduction <maximumf>, %select_n3A_205, %reduce_max3A_206 [1] : vector<1024x64xf32> to vector<1024xf32>
      %broadcast_in_dim3A_208 = vector.shape_cast %reduce_max3A_207 : vector<1024xf32> to vector<1024x1xf32>
      %eq3A_209 = vector.broadcast %broadcast_in_dim3A_208 : vector<1024x1xf32> to vector<1024x64xf32>
      %eq3A_210 = arith.cmpf oeq, %select_n3A_205, %eq3A_209 : vector<1024x64xf32>
      %jit3A_211 = arith.constant 64 : i32
      %broadcast_in_dim3A_212 = vector.broadcast %jit3A_211 : i32 to vector<1024x64xi32>
      %select_n3A_213 = arith.select %eq3A_210, %iota3A, %broadcast_in_dim3A_212 : vector<1024x64xi1>, vector<1024x64xi32>
      %reduce_min3A_214 = arith.constant dense<2147483647> : vector<1024xi32>
      %reduce_min3A_215 = vector.multi_reduction <minsi>, %select_n3A_213, %reduce_min3A_214 [1] : vector<1024x64xi32> to vector<1024xi32>
      %broadcast_in_dim3A_216 = vector.shape_cast %reduce_min3A_215 : vector<1024xi32> to vector<1024x1xi32>
      %mul3A_217 = arith.constant 8192 : i32
      %mul3A_218 = vector.broadcast %mul3A_217 : i32 to vector<1024x1xi32>
      %mul3A_219 = arith.muli %broadcast_in_dim3A_216, %mul3A_218 : vector<1024x1xi32>
      %add3A_220 = arith.addi %mul3A_219, %add3A_185 : vector<1024x1xi32>
      %swap3A_221 = arith.constant 0 : index
      %swap3A_222 = arith.constant 1 : index
      %swap3A_223 = vector.load %arg7[%swap3A_221, %swap3A_222] : memref<1024x10xi32, #tpu.memory_space<vmem>>, vector<1024x1xi32>
      tpu.vector_store %arg7[%swap3A_221, %swap3A_222], %add3A_220 {strides = array<i32>} : memref<1024x10xi32, #tpu.memory_space<vmem>>, vector<1024x1xi32>,
      %eq3A_224 = vector.broadcast %broadcast_in_dim3A_216 : vector<1024x1xi32> to vector<1024x64xi32>
      %eq3A_225 = arith.cmpi eq, %iota3A, %eq3A_224 : vector<1024x64xi32>
      %jit3A_226 = arith.constant 0xFF800000 : f32
      %broadcast_in_dim3A_227 = vector.broadcast %jit3A_226 : f32 to vector<1024x64xf32>
      %select_n3A_228 = arith.select %eq3A_225, %broadcast_in_dim3A_227, %select_n3A_205 : vector<1024x64xi1>, vector<1024x64xf32>
      %reduce_max3A_229 = arith.constant dense<0xFF800000> : vector<1024xf32>
      %reduce_max3A_230 = vector.multi_reduction <maximumf>, %select_n3A_228, %reduce_max3A_229 [1] : vector<1024x64xf32> to vector<1024xf32>
      %broadcast_in_dim3A_231 = vector.shape_cast %reduce_max3A_230 : vector<1024xf32> to vector<1024x1xf32>
      %eq3A_232 = vector.broadcast %broadcast_in_dim3A_231 : vector<1024x1xf32> to vector<1024x64xf32>
      %eq3A_233 = arith.cmpf oeq, %select_n3A_228, %eq3A_232 : vector<1024x64xf32>
      %jit3A_234 = arith.constant 64 : i32
      %broadcast_in_dim3A_235 = vector.broadcast %jit3A_234 : i32 to vector<1024x64xi32>
      %select_n3A_236 = arith.select %eq3A_233, %iota3A, %broadcast_in_dim3A_235 : vector<1024x64xi1>, vector<1024x64xi32>
      %reduce_min3A_237 = arith.constant dense<2147483647> : vector<1024xi32>
      %reduce_min3A_238 = vector.multi_reduction <minsi>, %select_n3A_236, %reduce_min3A_237 [1] : vector<1024x64xi32> to vector<1024xi32>
      %broadcast_in_dim3A_239 = vector.shape_cast %reduce_min3A_238 : vector<1024xi32> to vector<1024x1xi32>
      %mul3A_240 = arith.constant 8192 : i32
      %mul3A_241 = vector.broadcast %mul3A_240 : i32 to vector<1024x1xi32>
      %mul3A_242 = arith.muli %broadcast_in_dim3A_239, %mul3A_241 : vector<1024x1xi32>
      %add3A_243 = arith.addi %mul3A_242, %add3A_185 : vector<1024x1xi32>
      %swap3A_244 = arith.constant 0 : index
      %swap3A_245 = arith.constant 2 : index
      %swap3A_246 = vector.load %arg7[%swap3A_244, %swap3A_245] : memref<1024x10xi32, #tpu.memory_space<vmem>>, vector<1024x1xi32>
      tpu.vector_store %arg7[%swap3A_244, %swap3A_245], %add3A_243 {strides = array<i32>} : memref<1024x10xi32, #tpu.memory_space<vmem>>, vector<1024x1xi32>,
      %eq3A_247 = vector.broadcast %broadcast_in_dim3A_239 : vector<1024x1xi32> to vector<1024x64xi32>
      %eq3A_248 = arith.cmpi eq, %iota3A, %eq3A_247 : vector<1024x64xi32>
      %jit3A_249 = arith.constant 0xFF800000 : f32
      %broadcast_in_dim3A_250 = vector.broadcast %jit3A_249 : f32 to vector<1024x64xf32>
      %select_n3A_251 = arith.select %eq3A_248, %broadcast_in_dim3A_250, %select_n3A_228 : vector<1024x64xi1>, vector<1024x64xf32>
      %reduce_max3A_252 = arith.constant dense<0xFF800000> : vector<1024xf32>
      %reduce_max3A_253 = vector.multi_reduction <maximumf>, %select_n3A_251, %reduce_max3A_252 [1] : vector<1024x64xf32> to vector<1024xf32>
      %broadcast_in_dim3A_254 = vector.shape_cast %reduce_max3A_253 : vector<1024xf32> to vector<1024x1xf32>
      %eq3A_255 = vector.broadcast %broadcast_in_dim3A_254 : vector<1024x1xf32> to vector<1024x64xf32>
      %eq3A_256 = arith.cmpf oeq, %select_n3A_251, %eq3A_255 : vector<1024x64xf32>
      %jit3A_257 = arith.constant 64 : i32
      %broadcast_in_dim3A_258 = vector.broadcast %jit3A_257 : i32 to vector<1024x64xi32>
      %select_n3A_259 = arith.select %eq3A_256, %iota3A, %broadcast_in_dim3A_258 : vector<1024x64xi1>, vector<1024x64xi32>
      %reduce_min3A_260 = arith.constant dense<2147483647> : vector<1024xi32>
      %reduce_min3A_261 = vector.multi_reduction <minsi>, %select_n3A_259, %reduce_min3A_260 [1] : vector<1024x64xi32> to vector<1024xi32>
      %broadcast_in_dim3A_262 = vector.shape_cast %reduce_min3A_261 : vector<1024xi32> to vector<1024x1xi32>
      %mul3A_263 = arith.constant 8192 : i32
      %mul3A_264 = vector.broadcast %mul3A_263 : i32 to vector<1024x1xi32>
      %mul3A_265 = arith.muli %broadcast_in_dim3A_262, %mul3A_264 : vector<1024x1xi32>
      %add3A_266 = arith.addi %mul3A_265, %add3A_185 : vector<1024x1xi32>
      %swap3A_267 = arith.constant 0 : index
      %swap3A_268 = arith.constant 3 : index
      %swap3A_269 = vector.load %arg7[%swap3A_267, %swap3A_268] : memref<1024x10xi32, #tpu.memory_space<vmem>>, vector<1024x1xi32>
      tpu.vector_store %arg7[%swap3A_267, %swap3A_268], %add3A_266 {strides = array<i32>} : memref<1024x10xi32, #tpu.memory_space<vmem>>, vector<1024x1xi32>,
      %eq3A_270 = vector.broadcast %broadcast_in_dim3A_262 : vector<1024x1xi32> to vector<1024x64xi32>
      %eq3A_271 = arith.cmpi eq, %iota3A, %eq3A_270 : vector<1024x64xi32>
      %jit3A_272 = arith.constant 0xFF800000 : f32
      %broadcast_in_dim3A_273 = vector.broadcast %jit3A_272 : f32 to vector<1024x64xf32>
      %select_n3A_274 = arith.select %eq3A_271, %broadcast_in_dim3A_273, %select_n3A_251 : vector<1024x64xi1>, vector<1024x64xf32>
      %reduce_max3A_275 = arith.constant dense<0xFF800000> : vector<1024xf32>
      %reduce_max3A_276 = vector.multi_reduction <maximumf>, %select_n3A_274, %reduce_max3A_275 [1] : vector<1024x64xf32> to vector<1024xf32>
      %broadcast_in_dim3A_277 = vector.shape_cast %reduce_max3A_276 : vector<1024xf32> to vector<1024x1xf32>
      %eq3A_278 = vector.broadcast %broadcast_in_dim3A_277 : vector<1024x1xf32> to vector<1024x64xf32>
      %eq3A_279 = arith.cmpf oeq, %select_n3A_274, %eq3A_278 : vector<1024x64xf32>
      %jit3A_280 = arith.constant 64 : i32
      %broadcast_in_dim3A_281 = vector.broadcast %jit3A_280 : i32 to vector<1024x64xi32>
      %select_n3A_282 = arith.select %eq3A_279, %iota3A, %broadcast_in_dim3A_281 : vector<1024x64xi1>, vector<1024x64xi32>
      %reduce_min3A_283 = arith.constant dense<2147483647> : vector<1024xi32>
      %reduce_min3A_284 = vector.multi_reduction <minsi>, %select_n3A_282, %reduce_min3A_283 [1] : vector<1024x64xi32> to vector<1024xi32>
      %broadcast_in_dim3A_285 = vector.shape_cast %reduce_min3A_284 : vector<1024xi32> to vector<1024x1xi32>
      %mul3A_286 = arith.constant 8192 : i32
      %mul3A_287 = vector.broadcast %mul3A_286 : i32 to vector<1024x1xi32>
      %mul3A_288 = arith.muli %broadcast_in_dim3A_285, %mul3A_287 : vector<1024x1xi32>
      %add3A_289 = arith.addi %mul3A_288, %add3A_185 : vector<1024x1xi32>
      %swap3A_290 = arith.constant 0 : index
      %swap3A_291 = arith.constant 4 : index
      %swap3A_292 = vector.load %arg7[%swap3A_290, %swap3A_291] : memref<1024x10xi32, #tpu.memory_space<vmem>>, vector<1024x1xi32>
      tpu.vector_store %arg7[%swap3A_290, %swap3A_291], %add3A_289 {strides = array<i32>} : memref<1024x10xi32, #tpu.memory_space<vmem>>, vector<1024x1xi32>,
      %eq3A_293 = vector.broadcast %broadcast_in_dim3A_285 : vector<1024x1xi32> to vector<1024x64xi32>
      %eq3A_294 = arith.cmpi eq, %iota3A, %eq3A_293 : vector<1024x64xi32>
      %jit3A_295 = arith.constant 0xFF800000 : f32
      %broadcast_in_dim3A_296 = vector.broadcast %jit3A_295 : f32 to vector<1024x64xf32>
      %select_n3A_297 = arith.select %eq3A_294, %broadcast_in_dim3A_296, %select_n3A_274 : vector<1024x64xi1>, vector<1024x64xf32>
      %reduce_max3A_298 = arith.constant dense<0xFF800000> : vector<1024xf32>
      %reduce_max3A_299 = vector.multi_reduction <maximumf>, %select_n3A_297, %reduce_max3A_298 [1] : vector<1024x64xf32> to vector<1024xf32>
      %broadcast_in_dim3A_300 = vector.shape_cast %reduce_max3A_299 : vector<1024xf32> to vector<1024x1xf32>
      %eq3A_301 = vector.broadcast %broadcast_in_dim3A_300 : vector<1024x1xf32> to vector<1024x64xf32>
      %eq3A_302 = arith.cmpf oeq, %select_n3A_297, %eq3A_301 : vector<1024x64xf32>
      %jit3A_303 = arith.constant 64 : i32
      %broadcast_in_dim3A_304 = vector.broadcast %jit3A_303 : i32 to vector<1024x64xi32>
      %select_n3A_305 = arith.select %eq3A_302, %iota3A, %broadcast_in_dim3A_304 : vector<1024x64xi1>, vector<1024x64xi32>
      %reduce_min3A_306 = arith.constant dense<2147483647> : vector<1024xi32>
      %reduce_min3A_307 = vector.multi_reduction <minsi>, %select_n3A_305, %reduce_min3A_306 [1] : vector<1024x64xi32> to vector<1024xi32>
      %broadcast_in_dim3A_308 = vector.shape_cast %reduce_min3A_307 : vector<1024xi32> to vector<1024x1xi32>
      %mul3A_309 = arith.constant 8192 : i32
      %mul3A_310 = vector.broadcast %mul3A_309 : i32 to vector<1024x1xi32>
      %mul3A_311 = arith.muli %broadcast_in_dim3A_308, %mul3A_310 : vector<1024x1xi32>
      %add3A_312 = arith.addi %mul3A_311, %add3A_185 : vector<1024x1xi32>
      %swap3A_313 = arith.constant 0 : index
      %swap3A_314 = arith.constant 5 : index
      %swap3A_315 = vector.load %arg7[%swap3A_313, %swap3A_314] : memref<1024x10xi32, #tpu.memory_space<vmem>>, vector<1024x1xi32>
      tpu.vector_store %arg7[%swap3A_313, %swap3A_314], %add3A_312 {strides = array<i32>} : memref<1024x10xi32, #tpu.memory_space<vmem>>, vector<1024x1xi32>,
      %eq3A_316 = vector.broadcast %broadcast_in_dim3A_308 : vector<1024x1xi32> to vector<1024x64xi32>
      %eq3A_317 = arith.cmpi eq, %iota3A, %eq3A_316 : vector<1024x64xi32>
      %jit3A_318 = arith.constant 0xFF800000 : f32
      %broadcast_in_dim3A_319 = vector.broadcast %jit3A_318 : f32 to vector<1024x64xf32>
      %select_n3A_320 = arith.select %eq3A_317, %broadcast_in_dim3A_319, %select_n3A_297 : vector<1024x64xi1>, vector<1024x64xf32>
      %reduce_max3A_321 = arith.constant dense<0xFF800000> : vector<1024xf32>
      %reduce_max3A_322 = vector.multi_reduction <maximumf>, %select_n3A_320, %reduce_max3A_321 [1] : vector<1024x64xf32> to vector<1024xf32>
      %broadcast_in_dim3A_323 = vector.shape_cast %reduce_max3A_322 : vector<1024xf32> to vector<1024x1xf32>
      %eq3A_324 = vector.broadcast %broadcast_in_dim3A_323 : vector<1024x1xf32> to vector<1024x64xf32>
      %eq3A_325 = arith.cmpf oeq, %select_n3A_320, %eq3A_324 : vector<1024x64xf32>
      %jit3A_326 = arith.constant 64 : i32
      %broadcast_in_dim3A_327 = vector.broadcast %jit3A_326 : i32 to vector<1024x64xi32>
      %select_n3A_328 = arith.select %eq3A_325, %iota3A, %broadcast_in_dim3A_327 : vector<1024x64xi1>, vector<1024x64xi32>
      %reduce_min3A_329 = arith.constant dense<2147483647> : vector<1024xi32>
      %reduce_min3A_330 = vector.multi_reduction <minsi>, %select_n3A_328, %reduce_min3A_329 [1] : vector<1024x64xi32> to vector<1024xi32>
      %broadcast_in_dim3A_331 = vector.shape_cast %reduce_min3A_330 : vector<1024xi32> to vector<1024x1xi32>
      %mul3A_332 = arith.constant 8192 : i32
      %mul3A_333 = vector.broadcast %mul3A_332 : i32 to vector<1024x1xi32>
      %mul3A_334 = arith.muli %broadcast_in_dim3A_331, %mul3A_333 : vector<1024x1xi32>
      %add3A_335 = arith.addi %mul3A_334, %add3A_185 : vector<1024x1xi32>
      %swap3A_336 = arith.constant 0 : index
      %swap3A_337 = arith.constant 6 : index
      %swap3A_338 = vector.load %arg7[%swap3A_336, %swap3A_337] : memref<1024x10xi32, #tpu.memory_space<vmem>>, vector<1024x1xi32>
      tpu.vector_store %arg7[%swap3A_336, %swap3A_337], %add3A_335 {strides = array<i32>} : memref<1024x10xi32, #tpu.memory_space<vmem>>, vector<1024x1xi32>,
      %eq3A_339 = vector.broadcast %broadcast_in_dim3A_331 : vector<1024x1xi32> to vector<1024x64xi32>
      %eq3A_340 = arith.cmpi eq, %iota3A, %eq3A_339 : vector<1024x64xi32>
      %jit3A_341 = arith.constant 0xFF800000 : f32
      %broadcast_in_dim3A_342 = vector.broadcast %jit3A_341 : f32 to vector<1024x64xf32>
      %select_n3A_343 = arith.select %eq3A_340, %broadcast_in_dim3A_342, %select_n3A_320 : vector<1024x64xi1>, vector<1024x64xf32>
      %reduce_max3A_344 = arith.constant dense<0xFF800000> : vector<1024xf32>
      %reduce_max3A_345 = vector.multi_reduction <maximumf>, %select_n3A_343, %reduce_max3A_344 [1] : vector<1024x64xf32> to vector<1024xf32>
      %broadcast_in_dim3A_346 = vector.shape_cast %reduce_max3A_345 : vector<1024xf32> to vector<1024x1xf32>
      %eq3A_347 = vector.broadcast %broadcast_in_dim3A_346 : vector<1024x1xf32> to vector<1024x64xf32>
      %eq3A_348 = arith.cmpf oeq, %select_n3A_343, %eq3A_347 : vector<1024x64xf32>
      %jit3A_349 = arith.constant 64 : i32
      %broadcast_in_dim3A_350 = vector.broadcast %jit3A_349 : i32 to vector<1024x64xi32>
      %select_n3A_351 = arith.select %eq3A_348, %iota3A, %broadcast_in_dim3A_350 : vector<1024x64xi1>, vector<1024x64xi32>
      %reduce_min3A_352 = arith.constant dense<2147483647> : vector<1024xi32>
      %reduce_min3A_353 = vector.multi_reduction <minsi>, %select_n3A_351, %reduce_min3A_352 [1] : vector<1024x64xi32> to vector<1024xi32>
      %broadcast_in_dim3A_354 = vector.shape_cast %reduce_min3A_353 : vector<1024xi32> to vector<1024x1xi32>
      %mul3A_355 = arith.constant 8192 : i32
      %mul3A_356 = vector.broadcast %mul3A_355 : i32 to vector<1024x1xi32>
      %mul3A_357 = arith.muli %broadcast_in_dim3A_354, %mul3A_356 : vector<1024x1xi32>
      %add3A_358 = arith.addi %mul3A_357, %add3A_185 : vector<1024x1xi32>
      %swap3A_359 = arith.constant 0 : index
      %swap3A_360 = arith.constant 7 : index
      %swap3A_361 = vector.load %arg7[%swap3A_359, %swap3A_360] : memref<1024x10xi32, #tpu.memory_space<vmem>>, vector<1024x1xi32>
      tpu.vector_store %arg7[%swap3A_359, %swap3A_360], %add3A_358 {strides = array<i32>} : memref<1024x10xi32, #tpu.memory_space<vmem>>, vector<1024x1xi32>,
      %eq3A_362 = vector.broadcast %broadcast_in_dim3A_354 : vector<1024x1xi32> to vector<1024x64xi32>
      %eq3A_363 = arith.cmpi eq, %iota3A, %eq3A_362 : vector<1024x64xi32>
      %jit3A_364 = arith.constant 0xFF800000 : f32
      %broadcast_in_dim3A_365 = vector.broadcast %jit3A_364 : f32 to vector<1024x64xf32>
      %select_n3A_366 = arith.select %eq3A_363, %broadcast_in_dim3A_365, %select_n3A_343 : vector<1024x64xi1>, vector<1024x64xf32>
      %reduce_max3A_367 = arith.constant dense<0xFF800000> : vector<1024xf32>
      %reduce_max3A_368 = vector.multi_reduction <maximumf>, %select_n3A_366, %reduce_max3A_367 [1] : vector<1024x64xf32> to vector<1024xf32>
      %broadcast_in_dim3A_369 = vector.shape_cast %reduce_max3A_368 : vector<1024xf32> to vector<1024x1xf32>
      %eq3A_370 = vector.broadcast %broadcast_in_dim3A_369 : vector<1024x1xf32> to vector<1024x64xf32>
      %eq3A_371 = arith.cmpf oeq, %select_n3A_366, %eq3A_370 : vector<1024x64xf32>
      %jit3A_372 = arith.constant 64 : i32
      %broadcast_in_dim3A_373 = vector.broadcast %jit3A_372 : i32 to vector<1024x64xi32>
      %select_n3A_374 = arith.select %eq3A_371, %iota3A, %broadcast_in_dim3A_373 : vector<1024x64xi1>, vector<1024x64xi32>
      %reduce_min3A_375 = arith.constant dense<2147483647> : vector<1024xi32>
      %reduce_min3A_376 = vector.multi_reduction <minsi>, %select_n3A_374, %reduce_min3A_375 [1] : vector<1024x64xi32> to vector<1024xi32>
      %broadcast_in_dim3A_377 = vector.shape_cast %reduce_min3A_376 : vector<1024xi32> to vector<1024x1xi32>
      %mul3A_378 = arith.constant 8192 : i32
      %mul3A_379 = vector.broadcast %mul3A_378 : i32 to vector<1024x1xi32>
      %mul3A_380 = arith.muli %broadcast_in_dim3A_377, %mul3A_379 : vector<1024x1xi32>
      %add3A_381 = arith.addi %mul3A_380, %add3A_185 : vector<1024x1xi32>
      %swap3A_382 = arith.constant 0 : index
      %swap3A_383 = arith.constant 8 : index
      %swap3A_384 = vector.load %arg7[%swap3A_382, %swap3A_383] : memref<1024x10xi32, #tpu.memory_space<vmem>>, vector<1024x1xi32>
      tpu.vector_store %arg7[%swap3A_382, %swap3A_383], %add3A_381 {strides = array<i32>} : memref<1024x10xi32, #tpu.memory_space<vmem>>, vector<1024x1xi32>,
      %eq3A_385 = vector.broadcast %broadcast_in_dim3A_377 : vector<1024x1xi32> to vector<1024x64xi32>
      %eq3A_386 = arith.cmpi eq, %iota3A, %eq3A_385 : vector<1024x64xi32>
      %jit3A_387 = arith.constant 0xFF800000 : f32
      %broadcast_in_dim3A_388 = vector.broadcast %jit3A_387 : f32 to vector<1024x64xf32>
      %select_n3A_389 = arith.select %eq3A_386, %broadcast_in_dim3A_388, %select_n3A_366 : vector<1024x64xi1>, vector<1024x64xf32>
      %reduce_max3A_390 = arith.constant dense<0xFF800000> : vector<1024xf32>
      %reduce_max3A_391 = vector.multi_reduction <maximumf>, %select_n3A_389, %reduce_max3A_390 [1] : vector<1024x64xf32> to vector<1024xf32>
      %broadcast_in_dim3A_392 = vector.shape_cast %reduce_max3A_391 : vector<1024xf32> to vector<1024x1xf32>
      %eq3A_393 = vector.broadcast %broadcast_in_dim3A_392 : vector<1024x1xf32> to vector<1024x64xf32>
      %eq3A_394 = arith.cmpf oeq, %select_n3A_389, %eq3A_393 : vector<1024x64xf32>
      %jit3A_395 = arith.constant 64 : i32
      %broadcast_in_dim3A_396 = vector.broadcast %jit3A_395 : i32 to vector<1024x64xi32>
      %select_n3A_397 = arith.select %eq3A_394, %iota3A, %broadcast_in_dim3A_396 : vector<1024x64xi1>, vector<1024x64xi32>
      %reduce_min3A_398 = arith.constant dense<2147483647> : vector<1024xi32>
      %reduce_min3A_399 = vector.multi_reduction <minsi>, %select_n3A_397, %reduce_min3A_398 [1] : vector<1024x64xi32> to vector<1024xi32>
      %broadcast_in_dim3A_400 = vector.shape_cast %reduce_min3A_399 : vector<1024xi32> to vector<1024x1xi32>
      %mul3A_401 = arith.constant 8192 : i32
      %mul3A_402 = vector.broadcast %mul3A_401 : i32 to vector<1024x1xi32>
      %mul3A_403 = arith.muli %broadcast_in_dim3A_400, %mul3A_402 : vector<1024x1xi32>
      %add3A_404 = arith.addi %mul3A_403, %add3A_185 : vector<1024x1xi32>
      %swap3A_405 = arith.constant 0 : index
      %swap3A_406 = arith.constant 9 : index
      %swap3A_407 = vector.load %arg7[%swap3A_405, %swap3A_406] : memref<1024x10xi32, #tpu.memory_space<vmem>>, vector<1024x1xi32>
      tpu.vector_store %arg7[%swap3A_405, %swap3A_406], %add3A_404 {strides = array<i32>} : memref<1024x10xi32, #tpu.memory_space<vmem>>, vector<1024x1xi32>,
    } else {
    }
    return
  }
  func.func @transform_0(%arg0: i32, %arg1: i32) -> (i32, i32) {
    %c0_i32 = arith.constant 0 : i32
    %c0_i32_0 = arith.constant 0 : i32
    return %arg0, %c0_i32 : i32, i32
  }
  func.func @transform_1(%arg0: i32, %arg1: i32) -> (i32, i32) {
    %c0_i32 = arith.constant 0 : i32
    %c0_i32_0 = arith.constant 0 : i32
    return %arg1, %c0_i32 : i32, i32
  }
  func.func @transform_2(%arg0: i32, %arg1: i32) -> (i32, i32) {
    %c0_i32 = arith.constant 0 : i32
    %c0_i32_0 = arith.constant 0 : i32
    return %arg0, %c0_i32 : i32, i32
  }
  func.func @transform_3(%arg0: i32, %arg1: i32) -> (i32, i32) {
    %c0_i32 = arith.constant 0 : i32
    %c0_i32_0 = arith.constant 0 : i32
    return %arg1, %c0_i32 : i32, i32
  }
  func.func @transform_4(%arg0: i32, %arg1: i32) -> (i32, i32, i32) {
    %c0_i32 = arith.constant 0 : i32
    %c0_i32_0 = arith.constant 0 : i32
    return %arg1, %arg0, %c0_i32 : i32, i32, i32
  }
  func.func @transform_5(%arg0: i32, %arg1: i32) -> (i32, i32) {
    %c0_i32 = arith.constant 0 : i32
    %c0_i32_0 = arith.constant 0 : i32
    return %arg0, %c0_i32 : i32, i32
  }
}

module attributes {stable_mosaic.version = 14 : i64} {
  func.func @_ylin_kernel(%arg0: i32, %arg1: memref<512x256xf32, #tpu.memory_space<vmem>>, %arg2: memref<2x512x128xf32, #tpu.memory_space<vmem>>) attributes {dimension_semantics = [#tpu.dimension_semantics<arbitrary>], iteration_bounds = array<i64: 16>, scalar_prefetch = 0 : i64, scratch_operands = 0 : i64, tpu.core_type = #tpu.core_type<tc>, window_params = [{transform_indices = @transform_0, window_bounds = array<i64: 512, 256>}, {transform_indices = @transform_1, window_bounds = array<i64: 2, 512, 128>}]} {
    %get3A = arith.constant 0 : index
    %get3A_0 = arith.constant 0 : index
    %get3A_1 = vector.load %arg1[%get3A, %get3A_0] : memref<512x256xf32, #tpu.memory_space<vmem>>, vector<512x128xf32>
    %swap3A = arith.constant 0 : index
    %swap3A_2 = arith.constant 0 : index
    %swap3A_3 = arith.constant 0 : index
    %swap3A_4 = vector.load %arg2[%swap3A, %swap3A_2, %swap3A_3] : memref<2x512x128xf32, #tpu.memory_space<vmem>>, vector<1x512x128xf32>
    %swap3A_5 = vector.shape_cast %swap3A_4 : vector<1x512x128xf32> to vector<512x128xf32>
    %swap3A_6 = vector.shape_cast %get3A_1 : vector<512x128xf32> to vector<1x512x128xf32>
    tpu.vector_store %arg2[%swap3A, %swap3A_2, %swap3A_3], %swap3A_6 {strides = array<i32>} : memref<2x512x128xf32, #tpu.memory_space<vmem>>, vector<1x512x128xf32>,
    %get3A_7 = arith.constant 0 : index
    %get3A_8 = arith.constant 128 : index
    %get3A_9 = vector.load %arg1[%get3A_7, %get3A_8] : memref<512x256xf32, #tpu.memory_space<vmem>>, vector<512x128xf32>
    %swap3A_10 = arith.constant 1 : index
    %swap3A_11 = arith.constant 0 : index
    %swap3A_12 = arith.constant 0 : index
    %swap3A_13 = vector.load %arg2[%swap3A_10, %swap3A_11, %swap3A_12] : memref<2x512x128xf32, #tpu.memory_space<vmem>>, vector<1x512x128xf32>
    %swap3A_14 = vector.shape_cast %swap3A_13 : vector<1x512x128xf32> to vector<512x128xf32>
    %swap3A_15 = vector.shape_cast %get3A_9 : vector<512x128xf32> to vector<1x512x128xf32>
    tpu.vector_store %arg2[%swap3A_10, %swap3A_11, %swap3A_12], %swap3A_15 {strides = array<i32>} : memref<2x512x128xf32, #tpu.memory_space<vmem>>, vector<1x512x128xf32>,
    return
  }
  func.func @transform_0(%arg0: i32) -> (i32, i32) {
    %c0_i32 = arith.constant 0 : i32
    %c0_i32_0 = arith.constant 0 : i32
    return %arg0, %c0_i32 : i32, i32
  }
  func.func @transform_1(%arg0: i32) -> (i32, i32, i32) {
    %c0_i32 = arith.constant 0 : i32
    %c0_i32_0 = arith.constant 0 : i32
    %c0_i32_1 = arith.constant 0 : i32
    return %c0_i32, %arg0, %c0_i32_0 : i32, i32, i32
  }
}

module attributes {stable_mosaic.version = 14 : i64} {
  func.func @_p4_kernel(%arg0: i32, %arg1: memref<64x80x128xf32, #tpu.memory_space<vmem>>, %arg2: memref<512x10xi32, #tpu.memory_space<vmem>>, %arg3: memref<512x10xf32, #tpu.memory_space<vmem>>, %arg4: memref<512x10xi32, #tpu.memory_space<vmem>>, %arg5: memref<512x20xi32, #tpu.memory_space<vmem>>) attributes {dimension_semantics = [#tpu.dimension_semantics<arbitrary>], iteration_bounds = array<i64: 16>, scalar_prefetch = 0 : i64, scratch_operands = 0 : i64, tpu.core_type = #tpu.core_type<tc>, window_params = [{transform_indices = @transform_0, window_bounds = array<i64: 64, 80, 128>}, {transform_indices = @transform_1, window_bounds = array<i64: 512, 10>}, {transform_indices = @transform_2, window_bounds = array<i64: 512, 10>}, {transform_indices = @transform_3, window_bounds = array<i64: 512, 10>}, {transform_indices = @transform_4, window_bounds = array<i64: 512, 20>}]} {
    %get3A = arith.constant 0 : index
    %get3A_0 = arith.constant 0 : index
    %get3A_1 = vector.load %arg2[%get3A, %get3A_0] : memref<512x10xi32, #tpu.memory_space<vmem>>, vector<512x10xi32>
    %jit3A = arith.constant 8192 : i32
    %div3A = vector.broadcast %jit3A : i32 to vector<512x10xi32>
    %div3A_2 = arith.divsi %get3A_1, %div3A : vector<512x10xi32>
    %sign3A = arith.constant 0 : i32
    %sign3A_3 = vector.broadcast %sign3A : i32 to vector<512x10xi32>
    %sign3A_4 = arith.cmpi sgt, %get3A_1, %sign3A_3 : vector<512x10xi32>
    %sign3A_5 = arith.extui %sign3A_4 : vector<512x10xi1> to vector<512x10xi32>
    %sign3A_6 = arith.constant 0 : i32
    %sign3A_7 = vector.broadcast %sign3A_6 : i32 to vector<512x10xi32>
    %sign3A_8 = arith.cmpi slt, %get3A_1, %sign3A_7 : vector<512x10xi32>
    %sign3A_9 = arith.extui %sign3A_8 : vector<512x10xi1> to vector<512x10xi32>
    %sign3A_10 = arith.subi %sign3A_5, %sign3A_9 : vector<512x10xi32>
    %sign3A_11 = arith.constant 0 : i32
    %sign3A_12 = arith.cmpi sgt, %jit3A, %sign3A_11 : i32
    %sign3A_13 = arith.extui %sign3A_12 : i1 to i32
    %sign3A_14 = arith.constant 0 : i32
    %sign3A_15 = arith.cmpi slt, %jit3A, %sign3A_14 : i32
    %sign3A_16 = arith.extui %sign3A_15 : i1 to i32
    %sign3A_17 = arith.subi %sign3A_13, %sign3A_16 : i32
    %ne3A = vector.broadcast %sign3A_17 : i32 to vector<512x10xi32>
    %ne3A_18 = arith.cmpi ne, %sign3A_10, %ne3A : vector<512x10xi32>
    %rem3A = vector.broadcast %jit3A : i32 to vector<512x10xi32>
    %rem3A_19 = arith.remsi %get3A_1, %rem3A : vector<512x10xi32>
    %ne3A_20 = arith.constant 0 : i32
    %ne3A_21 = vector.broadcast %ne3A_20 : i32 to vector<512x10xi32>
    %ne3A_22 = arith.cmpi ne, %rem3A_19, %ne3A_21 : vector<512x10xi32>
    %and3A = arith.andi %ne3A_18, %ne3A_22 : vector<512x10xi1>
    %sub3A = arith.constant 1 : i32
    %sub3A_23 = vector.broadcast %sub3A : i32 to vector<512x10xi32>
    %sub3A_24 = arith.subi %div3A_2, %sub3A_23 : vector<512x10xi32>
    %select_n3A = arith.select %and3A, %sub3A_24, %div3A_2 : vector<512x10xi1>, vector<512x10xi32>
    %iota3A = tpu.iota {dimensions = array<i32: 1>} : vector<512x10xi32>
    %get3A_25 = arith.constant 0 : index
    %get3A_26 = arith.constant 0 : index
    %get3A_27 = arith.constant 0 : index
    %get3A_28 = vector.load %arg1[%get3A_25, %get3A_26, %get3A_27] : memref<64x80x128xf32, #tpu.memory_space<vmem>>, vector<64x8x128xf32>
    %reshape3A = vector.shape_cast %get3A_28 : vector<64x8x128xf32> to vector<512x128xf32>
    %get3A_29 = arith.constant 0 : index
    %get3A_30 = arith.constant 8 : index
    %get3A_31 = arith.constant 0 : index
    %get3A_32 = vector.load %arg1[%get3A_29, %get3A_30, %get3A_31] : memref<64x80x128xf32, #tpu.memory_space<vmem>>, vector<64x8x128xf32>
    %reshape3A_33 = vector.shape_cast %get3A_32 : vector<64x8x128xf32> to vector<512x128xf32>
    %get3A_34 = arith.constant 0 : index
    %get3A_35 = arith.constant 16 : index
    %get3A_36 = arith.constant 0 : index
    %get3A_37 = vector.load %arg1[%get3A_34, %get3A_35, %get3A_36] : memref<64x80x128xf32, #tpu.memory_space<vmem>>, vector<64x8x128xf32>
    %reshape3A_38 = vector.shape_cast %get3A_37 : vector<64x8x128xf32> to vector<512x128xf32>
    %get3A_39 = arith.constant 0 : index
    %get3A_40 = arith.constant 24 : index
    %get3A_41 = arith.constant 0 : index
    %get3A_42 = vector.load %arg1[%get3A_39, %get3A_40, %get3A_41] : memref<64x80x128xf32, #tpu.memory_space<vmem>>, vector<64x8x128xf32>
    %reshape3A_43 = vector.shape_cast %get3A_42 : vector<64x8x128xf32> to vector<512x128xf32>
    %get3A_44 = arith.constant 0 : index
    %get3A_45 = arith.constant 32 : index
    %get3A_46 = arith.constant 0 : index
    %get3A_47 = vector.load %arg1[%get3A_44, %get3A_45, %get3A_46] : memref<64x80x128xf32, #tpu.memory_space<vmem>>, vector<64x8x128xf32>
    %reshape3A_48 = vector.shape_cast %get3A_47 : vector<64x8x128xf32> to vector<512x128xf32>
    %get3A_49 = arith.constant 0 : index
    %get3A_50 = arith.constant 40 : index
    %get3A_51 = arith.constant 0 : index
    %get3A_52 = vector.load %arg1[%get3A_49, %get3A_50, %get3A_51] : memref<64x80x128xf32, #tpu.memory_space<vmem>>, vector<64x8x128xf32>
    %reshape3A_53 = vector.shape_cast %get3A_52 : vector<64x8x128xf32> to vector<512x128xf32>
    %get3A_54 = arith.constant 0 : index
    %get3A_55 = arith.constant 48 : index
    %get3A_56 = arith.constant 0 : index
    %get3A_57 = vector.load %arg1[%get3A_54, %get3A_55, %get3A_56] : memref<64x80x128xf32, #tpu.memory_space<vmem>>, vector<64x8x128xf32>
    %reshape3A_58 = vector.shape_cast %get3A_57 : vector<64x8x128xf32> to vector<512x128xf32>
    %get3A_59 = arith.constant 0 : index
    %get3A_60 = arith.constant 56 : index
    %get3A_61 = arith.constant 0 : index
    %get3A_62 = vector.load %arg1[%get3A_59, %get3A_60, %get3A_61] : memref<64x80x128xf32, #tpu.memory_space<vmem>>, vector<64x8x128xf32>
    %reshape3A_63 = vector.shape_cast %get3A_62 : vector<64x8x128xf32> to vector<512x128xf32>
    %get3A_64 = arith.constant 0 : index
    %get3A_65 = arith.constant 64 : index
    %get3A_66 = arith.constant 0 : index
    %get3A_67 = vector.load %arg1[%get3A_64, %get3A_65, %get3A_66] : memref<64x80x128xf32, #tpu.memory_space<vmem>>, vector<64x8x128xf32>
    %reshape3A_68 = vector.shape_cast %get3A_67 : vector<64x8x128xf32> to vector<512x128xf32>
    %get3A_69 = arith.constant 0 : index
    %get3A_70 = arith.constant 72 : index
    %get3A_71 = arith.constant 0 : index
    %get3A_72 = vector.load %arg1[%get3A_69, %get3A_70, %get3A_71] : memref<64x80x128xf32, #tpu.memory_space<vmem>>, vector<64x8x128xf32>
    %reshape3A_73 = vector.shape_cast %get3A_72 : vector<64x8x128xf32> to vector<512x128xf32>
    %concatenate3A = tpu.concatenate %reshape3A, %reshape3A_33, %reshape3A_38, %reshape3A_43, %reshape3A_48, %reshape3A_53, %reshape3A_58, %reshape3A_63, %reshape3A_68, %reshape3A_73 in 1 : vector<512x128xf32>, vector<512x128xf32>, vector<512x128xf32>, vector<512x128xf32>, vector<512x128xf32>, vector<512x128xf32>, vector<512x128xf32>, vector<512x128xf32>, vector<512x128xf32>, vector<512x128xf32> -> vector<512x1280xf32>
    %iota3A_74 = tpu.iota {dimensions = array<i32: 1>} : vector<512x1280xi32>
    %reduce_max3A = arith.constant dense<0xFF800000> : vector<512xf32>
    %reduce_max3A_75 = vector.multi_reduction <maximumf>, %concatenate3A, %reduce_max3A [1] : vector<512x1280xf32> to vector<512xf32>
    %broadcast_in_dim3A = vector.shape_cast %reduce_max3A_75 : vector<512xf32> to vector<512x1xf32>
    %eq3A = vector.broadcast %broadcast_in_dim3A : vector<512x1xf32> to vector<512x1280xf32>
    %eq3A_76 = arith.cmpf oeq, %concatenate3A, %eq3A : vector<512x1280xf32>
    %jit3A_77 = arith.constant 1280 : i32
    %broadcast_in_dim3A_78 = vector.broadcast %jit3A_77 : i32 to vector<512x1280xi32>
    %select_n3A_79 = arith.select %eq3A_76, %iota3A_74, %broadcast_in_dim3A_78 : vector<512x1280xi1>, vector<512x1280xi32>
    %reduce_min3A = arith.constant dense<2147483647> : vector<512xi32>
    %reduce_min3A_80 = vector.multi_reduction <minsi>, %select_n3A_79, %reduce_min3A [1] : vector<512x1280xi32> to vector<512xi32>
    %broadcast_in_dim3A_81 = vector.shape_cast %reduce_min3A_80 : vector<512xi32> to vector<512x1xi32>
    %jit3A_82 = arith.constant 128 : i32
    %div3A_83 = vector.broadcast %jit3A_82 : i32 to vector<512x1xi32>
    %div3A_84 = arith.divsi %broadcast_in_dim3A_81, %div3A_83 : vector<512x1xi32>
    %sign3A_85 = arith.constant 0 : i32
    %sign3A_86 = vector.broadcast %sign3A_85 : i32 to vector<512x1xi32>
    %sign3A_87 = arith.cmpi sgt, %broadcast_in_dim3A_81, %sign3A_86 : vector<512x1xi32>
    %sign3A_88 = arith.extui %sign3A_87 : vector<512x1xi1> to vector<512x1xi32>
    %sign3A_89 = arith.constant 0 : i32
    %sign3A_90 = vector.broadcast %sign3A_89 : i32 to vector<512x1xi32>
    %sign3A_91 = arith.cmpi slt, %broadcast_in_dim3A_81, %sign3A_90 : vector<512x1xi32>
    %sign3A_92 = arith.extui %sign3A_91 : vector<512x1xi1> to vector<512x1xi32>
    %sign3A_93 = arith.subi %sign3A_88, %sign3A_92 : vector<512x1xi32>
    %sign3A_94 = arith.constant 0 : i32
    %sign3A_95 = arith.cmpi sgt, %jit3A_82, %sign3A_94 : i32
    %sign3A_96 = arith.extui %sign3A_95 : i1 to i32
    %sign3A_97 = arith.constant 0 : i32
    %sign3A_98 = arith.cmpi slt, %jit3A_82, %sign3A_97 : i32
    %sign3A_99 = arith.extui %sign3A_98 : i1 to i32
    %sign3A_100 = arith.subi %sign3A_96, %sign3A_99 : i32
    %ne3A_101 = vector.broadcast %sign3A_100 : i32 to vector<512x1xi32>
    %ne3A_102 = arith.cmpi ne, %sign3A_93, %ne3A_101 : vector<512x1xi32>
    %rem3A_103 = vector.broadcast %jit3A_82 : i32 to vector<512x1xi32>
    %rem3A_104 = arith.remsi %broadcast_in_dim3A_81, %rem3A_103 : vector<512x1xi32>
    %ne3A_105 = arith.constant 0 : i32
    %ne3A_106 = vector.broadcast %ne3A_105 : i32 to vector<512x1xi32>
    %ne3A_107 = arith.cmpi ne, %rem3A_104, %ne3A_106 : vector<512x1xi32>
    %and3A_108 = arith.andi %ne3A_102, %ne3A_107 : vector<512x1xi1>
    %sub3A_109 = arith.constant 1 : i32
    %sub3A_110 = vector.broadcast %sub3A_109 : i32 to vector<512x1xi32>
    %sub3A_111 = arith.subi %div3A_84, %sub3A_110 : vector<512x1xi32>
    %select_n3A_112 = arith.select %and3A_108, %sub3A_111, %div3A_84 : vector<512x1xi1>, vector<512x1xi32>
    %jit3A_113 = arith.constant 128 : i32
    %eq3A_114 = arith.constant 0 : i32
    %eq3A_115 = arith.cmpi eq, %jit3A_113, %eq3A_114 : i32
    %jit3A_116 = arith.constant 1 : i32
    %select_n3A_117 = arith.select %eq3A_115, %jit3A_116, %jit3A_113 : i32
    %rem3A_118 = vector.broadcast %select_n3A_117 : i32 to vector<512x1xi32>
    %rem3A_119 = arith.remsi %broadcast_in_dim3A_81, %rem3A_118 : vector<512x1xi32>
    %ne3A_120 = arith.constant 0 : i32
    %ne3A_121 = vector.broadcast %ne3A_120 : i32 to vector<512x1xi32>
    %ne3A_122 = arith.cmpi ne, %rem3A_119, %ne3A_121 : vector<512x1xi32>
    %lt3A = arith.constant 0 : i32
    %lt3A_123 = vector.broadcast %lt3A : i32 to vector<512x1xi32>
    %lt3A_124 = arith.cmpi slt, %rem3A_119, %lt3A_123 : vector<512x1xi32>
    %lt3A_125 = arith.constant 0 : i32
    %lt3A_126 = arith.cmpi slt, %select_n3A_117, %lt3A_125 : i32
    %ne3A_127 = vector.broadcast %lt3A_126 : i1 to vector<512x1xi1>
    %ne3A_128 = vector.broadcast %ne3A_127 : vector<512x1xi1> to vector<512x1xi1>
    %ne3A_129 = arith.xori %lt3A_124, %ne3A_128 : vector<512x1xi1>
    %and3A_130 = arith.andi %ne3A_129, %ne3A_122 : vector<512x1xi1>
    %add3A = vector.broadcast %select_n3A_117 : i32 to vector<512x1xi32>
    %add3A_131 = arith.addi %rem3A_119, %add3A : vector<512x1xi32>
    %select_n3A_132 = arith.select %and3A_130, %add3A_131, %rem3A_119 : vector<512x1xi1>, vector<512x1xi32>
    %eq3A_133 = vector.broadcast %select_n3A_112 : vector<512x1xi32> to vector<512x10xi32>
    %eq3A_134 = arith.cmpi eq, %iota3A, %eq3A_133 : vector<512x10xi32>
    %jit3A_135 = arith.constant 0 : i32
    %broadcast_in_dim3A_136 = vector.broadcast %jit3A_135 : i32 to vector<512x10xi32>
    %select_n3A_137 = arith.select %eq3A_134, %select_n3A, %broadcast_in_dim3A_136 : vector<512x10xi1>, vector<512x10xi32>
    %reduce_sum3A = arith.constant dense<0> : vector<512xi32>
    %reduce_sum3A_138 = vector.multi_reduction <add>, %select_n3A_137, %reduce_sum3A [1] : vector<512x10xi32> to vector<512xi32>
    %broadcast_in_dim3A_139 = vector.shape_cast %reduce_sum3A_138 : vector<512xi32> to vector<512x1xi32>
    %mul3A = arith.constant 128 : i32
    %mul3A_140 = vector.broadcast %mul3A : i32 to vector<512x1xi32>
    %mul3A_141 = arith.muli %broadcast_in_dim3A_139, %mul3A_140 : vector<512x1xi32>
    %add3A_142 = arith.addi %mul3A_141, %select_n3A_132 : vector<512x1xi32>
    %swap3A = arith.constant 0 : index
    %swap3A_143 = arith.constant 0 : index
    %swap3A_144 = vector.load %arg3[%swap3A, %swap3A_143] : memref<512x10xf32, #tpu.memory_space<vmem>>, vector<512x1xf32>
    tpu.vector_store %arg3[%swap3A, %swap3A_143], %broadcast_in_dim3A {strides = array<i32>} : memref<512x10xf32, #tpu.memory_space<vmem>>, vector<512x1xf32>,
    %swap3A_145 = arith.constant 0 : index
    %swap3A_146 = arith.constant 0 : index
    %swap3A_147 = vector.load %arg4[%swap3A_145, %swap3A_146] : memref<512x10xi32, #tpu.memory_space<vmem>>, vector<512x1xi32>
    tpu.vector_store %arg4[%swap3A_145, %swap3A_146], %add3A_142 {strides = array<i32>} : memref<512x10xi32, #tpu.memory_space<vmem>>, vector<512x1xi32>,
    %swap3A_148 = arith.constant 0 : index
    %swap3A_149 = arith.constant 0 : index
    %swap3A_150 = vector.load %arg5[%swap3A_148, %swap3A_149] : memref<512x20xi32, #tpu.memory_space<vmem>>, vector<512x1xi32>
    tpu.vector_store %arg5[%swap3A_148, %swap3A_149], %add3A_142 {strides = array<i32>} : memref<512x20xi32, #tpu.memory_space<vmem>>, vector<512x1xi32>,
    %add3A_151 = arith.constant 8192 : i32
    %add3A_152 = vector.broadcast %add3A_151 : i32 to vector<512x1xi32>
    %add3A_153 = arith.addi %add3A_142, %add3A_152 : vector<512x1xi32>
    %swap3A_154 = arith.constant 0 : index
    %swap3A_155 = arith.constant 1 : index
    %swap3A_156 = vector.load %arg5[%swap3A_154, %swap3A_155] : memref<512x20xi32, #tpu.memory_space<vmem>>, vector<512x1xi32>
    tpu.vector_store %arg5[%swap3A_154, %swap3A_155], %add3A_153 {strides = array<i32>} : memref<512x20xi32, #tpu.memory_space<vmem>>, vector<512x1xi32>,
    %eq3A_157 = vector.broadcast %broadcast_in_dim3A_81 : vector<512x1xi32> to vector<512x1280xi32>
    %eq3A_158 = arith.cmpi eq, %iota3A_74, %eq3A_157 : vector<512x1280xi32>
    %jit3A_159 = arith.constant 0xFF800000 : f32
    %broadcast_in_dim3A_160 = vector.broadcast %jit3A_159 : f32 to vector<512x1280xf32>
    %select_n3A_161 = arith.select %eq3A_158, %broadcast_in_dim3A_160, %concatenate3A : vector<512x1280xi1>, vector<512x1280xf32>
    %reduce_max3A_162 = arith.constant dense<0xFF800000> : vector<512xf32>
    %reduce_max3A_163 = vector.multi_reduction <maximumf>, %select_n3A_161, %reduce_max3A_162 [1] : vector<512x1280xf32> to vector<512xf32>
    %broadcast_in_dim3A_164 = vector.shape_cast %reduce_max3A_163 : vector<512xf32> to vector<512x1xf32>
    %eq3A_165 = vector.broadcast %broadcast_in_dim3A_164 : vector<512x1xf32> to vector<512x1280xf32>
    %eq3A_166 = arith.cmpf oeq, %select_n3A_161, %eq3A_165 : vector<512x1280xf32>
    %jit3A_167 = arith.constant 1280 : i32
    %broadcast_in_dim3A_168 = vector.broadcast %jit3A_167 : i32 to vector<512x1280xi32>
    %select_n3A_169 = arith.select %eq3A_166, %iota3A_74, %broadcast_in_dim3A_168 : vector<512x1280xi1>, vector<512x1280xi32>
    %reduce_min3A_170 = arith.constant dense<2147483647> : vector<512xi32>
    %reduce_min3A_171 = vector.multi_reduction <minsi>, %select_n3A_169, %reduce_min3A_170 [1] : vector<512x1280xi32> to vector<512xi32>
    %broadcast_in_dim3A_172 = vector.shape_cast %reduce_min3A_171 : vector<512xi32> to vector<512x1xi32>
    %jit3A_173 = arith.constant 128 : i32
    %div3A_174 = vector.broadcast %jit3A_173 : i32 to vector<512x1xi32>
    %div3A_175 = arith.divsi %broadcast_in_dim3A_172, %div3A_174 : vector<512x1xi32>
    %sign3A_176 = arith.constant 0 : i32
    %sign3A_177 = vector.broadcast %sign3A_176 : i32 to vector<512x1xi32>
    %sign3A_178 = arith.cmpi sgt, %broadcast_in_dim3A_172, %sign3A_177 : vector<512x1xi32>
    %sign3A_179 = arith.extui %sign3A_178 : vector<512x1xi1> to vector<512x1xi32>
    %sign3A_180 = arith.constant 0 : i32
    %sign3A_181 = vector.broadcast %sign3A_180 : i32 to vector<512x1xi32>
    %sign3A_182 = arith.cmpi slt, %broadcast_in_dim3A_172, %sign3A_181 : vector<512x1xi32>
    %sign3A_183 = arith.extui %sign3A_182 : vector<512x1xi1> to vector<512x1xi32>
    %sign3A_184 = arith.subi %sign3A_179, %sign3A_183 : vector<512x1xi32>
    %sign3A_185 = arith.constant 0 : i32
    %sign3A_186 = arith.cmpi sgt, %jit3A_173, %sign3A_185 : i32
    %sign3A_187 = arith.extui %sign3A_186 : i1 to i32
    %sign3A_188 = arith.constant 0 : i32
    %sign3A_189 = arith.cmpi slt, %jit3A_173, %sign3A_188 : i32
    %sign3A_190 = arith.extui %sign3A_189 : i1 to i32
    %sign3A_191 = arith.subi %sign3A_187, %sign3A_190 : i32
    %ne3A_192 = vector.broadcast %sign3A_191 : i32 to vector<512x1xi32>
    %ne3A_193 = arith.cmpi ne, %sign3A_184, %ne3A_192 : vector<512x1xi32>
    %rem3A_194 = vector.broadcast %jit3A_173 : i32 to vector<512x1xi32>
    %rem3A_195 = arith.remsi %broadcast_in_dim3A_172, %rem3A_194 : vector<512x1xi32>
    %ne3A_196 = arith.constant 0 : i32
    %ne3A_197 = vector.broadcast %ne3A_196 : i32 to vector<512x1xi32>
    %ne3A_198 = arith.cmpi ne, %rem3A_195, %ne3A_197 : vector<512x1xi32>
    %and3A_199 = arith.andi %ne3A_193, %ne3A_198 : vector<512x1xi1>
    %sub3A_200 = arith.constant 1 : i32
    %sub3A_201 = vector.broadcast %sub3A_200 : i32 to vector<512x1xi32>
    %sub3A_202 = arith.subi %div3A_175, %sub3A_201 : vector<512x1xi32>
    %select_n3A_203 = arith.select %and3A_199, %sub3A_202, %div3A_175 : vector<512x1xi1>, vector<512x1xi32>
    %jit3A_204 = arith.constant 128 : i32
    %eq3A_205 = arith.constant 0 : i32
    %eq3A_206 = arith.cmpi eq, %jit3A_204, %eq3A_205 : i32
    %jit3A_207 = arith.constant 1 : i32
    %select_n3A_208 = arith.select %eq3A_206, %jit3A_207, %jit3A_204 : i32
    %rem3A_209 = vector.broadcast %select_n3A_208 : i32 to vector<512x1xi32>
    %rem3A_210 = arith.remsi %broadcast_in_dim3A_172, %rem3A_209 : vector<512x1xi32>
    %ne3A_211 = arith.constant 0 : i32
    %ne3A_212 = vector.broadcast %ne3A_211 : i32 to vector<512x1xi32>
    %ne3A_213 = arith.cmpi ne, %rem3A_210, %ne3A_212 : vector<512x1xi32>
    %lt3A_214 = arith.constant 0 : i32
    %lt3A_215 = vector.broadcast %lt3A_214 : i32 to vector<512x1xi32>
    %lt3A_216 = arith.cmpi slt, %rem3A_210, %lt3A_215 : vector<512x1xi32>
    %lt3A_217 = arith.constant 0 : i32
    %lt3A_218 = arith.cmpi slt, %select_n3A_208, %lt3A_217 : i32
    %ne3A_219 = vector.broadcast %lt3A_218 : i1 to vector<512x1xi1>
    %ne3A_220 = vector.broadcast %ne3A_219 : vector<512x1xi1> to vector<512x1xi1>
    %ne3A_221 = arith.xori %lt3A_216, %ne3A_220 : vector<512x1xi1>
    %and3A_222 = arith.andi %ne3A_221, %ne3A_213 : vector<512x1xi1>
    %add3A_223 = vector.broadcast %select_n3A_208 : i32 to vector<512x1xi32>
    %add3A_224 = arith.addi %rem3A_210, %add3A_223 : vector<512x1xi32>
    %select_n3A_225 = arith.select %and3A_222, %add3A_224, %rem3A_210 : vector<512x1xi1>, vector<512x1xi32>
    %eq3A_226 = vector.broadcast %select_n3A_203 : vector<512x1xi32> to vector<512x10xi32>
    %eq3A_227 = arith.cmpi eq, %iota3A, %eq3A_226 : vector<512x10xi32>
    %jit3A_228 = arith.constant 0 : i32
    %broadcast_in_dim3A_229 = vector.broadcast %jit3A_228 : i32 to vector<512x10xi32>
    %select_n3A_230 = arith.select %eq3A_227, %select_n3A, %broadcast_in_dim3A_229 : vector<512x10xi1>, vector<512x10xi32>
    %reduce_sum3A_231 = arith.constant dense<0> : vector<512xi32>
    %reduce_sum3A_232 = vector.multi_reduction <add>, %select_n3A_230, %reduce_sum3A_231 [1] : vector<512x10xi32> to vector<512xi32>
    %broadcast_in_dim3A_233 = vector.shape_cast %reduce_sum3A_232 : vector<512xi32> to vector<512x1xi32>
    %mul3A_234 = arith.constant 128 : i32
    %mul3A_235 = vector.broadcast %mul3A_234 : i32 to vector<512x1xi32>
    %mul3A_236 = arith.muli %broadcast_in_dim3A_233, %mul3A_235 : vector<512x1xi32>
    %add3A_237 = arith.addi %mul3A_236, %select_n3A_225 : vector<512x1xi32>
    %swap3A_238 = arith.constant 0 : index
    %swap3A_239 = arith.constant 1 : index
    %swap3A_240 = vector.load %arg3[%swap3A_238, %swap3A_239] : memref<512x10xf32, #tpu.memory_space<vmem>>, vector<512x1xf32>
    tpu.vector_store %arg3[%swap3A_238, %swap3A_239], %broadcast_in_dim3A_164 {strides = array<i32>} : memref<512x10xf32, #tpu.memory_space<vmem>>, vector<512x1xf32>,
    %swap3A_241 = arith.constant 0 : index
    %swap3A_242 = arith.constant 1 : index
    %swap3A_243 = vector.load %arg4[%swap3A_241, %swap3A_242] : memref<512x10xi32, #tpu.memory_space<vmem>>, vector<512x1xi32>
    tpu.vector_store %arg4[%swap3A_241, %swap3A_242], %add3A_237 {strides = array<i32>} : memref<512x10xi32, #tpu.memory_space<vmem>>, vector<512x1xi32>,
    %swap3A_244 = arith.constant 0 : index
    %swap3A_245 = arith.constant 2 : index
    %swap3A_246 = vector.load %arg5[%swap3A_244, %swap3A_245] : memref<512x20xi32, #tpu.memory_space<vmem>>, vector<512x1xi32>
    tpu.vector_store %arg5[%swap3A_244, %swap3A_245], %add3A_237 {strides = array<i32>} : memref<512x20xi32, #tpu.memory_space<vmem>>, vector<512x1xi32>,
    %add3A_247 = arith.constant 8192 : i32
    %add3A_248 = vector.broadcast %add3A_247 : i32 to vector<512x1xi32>
    %add3A_249 = arith.addi %add3A_237, %add3A_248 : vector<512x1xi32>
    %swap3A_250 = arith.constant 0 : index
    %swap3A_251 = arith.constant 3 : index
    %swap3A_252 = vector.load %arg5[%swap3A_250, %swap3A_251] : memref<512x20xi32, #tpu.memory_space<vmem>>, vector<512x1xi32>
    tpu.vector_store %arg5[%swap3A_250, %swap3A_251], %add3A_249 {strides = array<i32>} : memref<512x20xi32, #tpu.memory_space<vmem>>, vector<512x1xi32>,
    %eq3A_253 = vector.broadcast %broadcast_in_dim3A_172 : vector<512x1xi32> to vector<512x1280xi32>
    %eq3A_254 = arith.cmpi eq, %iota3A_74, %eq3A_253 : vector<512x1280xi32>
    %jit3A_255 = arith.constant 0xFF800000 : f32
    %broadcast_in_dim3A_256 = vector.broadcast %jit3A_255 : f32 to vector<512x1280xf32>
    %select_n3A_257 = arith.select %eq3A_254, %broadcast_in_dim3A_256, %select_n3A_161 : vector<512x1280xi1>, vector<512x1280xf32>
    %reduce_max3A_258 = arith.constant dense<0xFF800000> : vector<512xf32>
    %reduce_max3A_259 = vector.multi_reduction <maximumf>, %select_n3A_257, %reduce_max3A_258 [1] : vector<512x1280xf32> to vector<512xf32>
    %broadcast_in_dim3A_260 = vector.shape_cast %reduce_max3A_259 : vector<512xf32> to vector<512x1xf32>
    %eq3A_261 = vector.broadcast %broadcast_in_dim3A_260 : vector<512x1xf32> to vector<512x1280xf32>
    %eq3A_262 = arith.cmpf oeq, %select_n3A_257, %eq3A_261 : vector<512x1280xf32>
    %jit3A_263 = arith.constant 1280 : i32
    %broadcast_in_dim3A_264 = vector.broadcast %jit3A_263 : i32 to vector<512x1280xi32>
    %select_n3A_265 = arith.select %eq3A_262, %iota3A_74, %broadcast_in_dim3A_264 : vector<512x1280xi1>, vector<512x1280xi32>
    %reduce_min3A_266 = arith.constant dense<2147483647> : vector<512xi32>
    %reduce_min3A_267 = vector.multi_reduction <minsi>, %select_n3A_265, %reduce_min3A_266 [1] : vector<512x1280xi32> to vector<512xi32>
    %broadcast_in_dim3A_268 = vector.shape_cast %reduce_min3A_267 : vector<512xi32> to vector<512x1xi32>
    %jit3A_269 = arith.constant 128 : i32
    %div3A_270 = vector.broadcast %jit3A_269 : i32 to vector<512x1xi32>
    %div3A_271 = arith.divsi %broadcast_in_dim3A_268, %div3A_270 : vector<512x1xi32>
    %sign3A_272 = arith.constant 0 : i32
    %sign3A_273 = vector.broadcast %sign3A_272 : i32 to vector<512x1xi32>
    %sign3A_274 = arith.cmpi sgt, %broadcast_in_dim3A_268, %sign3A_273 : vector<512x1xi32>
    %sign3A_275 = arith.extui %sign3A_274 : vector<512x1xi1> to vector<512x1xi32>
    %sign3A_276 = arith.constant 0 : i32
    %sign3A_277 = vector.broadcast %sign3A_276 : i32 to vector<512x1xi32>
    %sign3A_278 = arith.cmpi slt, %broadcast_in_dim3A_268, %sign3A_277 : vector<512x1xi32>
    %sign3A_279 = arith.extui %sign3A_278 : vector<512x1xi1> to vector<512x1xi32>
    %sign3A_280 = arith.subi %sign3A_275, %sign3A_279 : vector<512x1xi32>
    %sign3A_281 = arith.constant 0 : i32
    %sign3A_282 = arith.cmpi sgt, %jit3A_269, %sign3A_281 : i32
    %sign3A_283 = arith.extui %sign3A_282 : i1 to i32
    %sign3A_284 = arith.constant 0 : i32
    %sign3A_285 = arith.cmpi slt, %jit3A_269, %sign3A_284 : i32
    %sign3A_286 = arith.extui %sign3A_285 : i1 to i32
    %sign3A_287 = arith.subi %sign3A_283, %sign3A_286 : i32
    %ne3A_288 = vector.broadcast %sign3A_287 : i32 to vector<512x1xi32>
    %ne3A_289 = arith.cmpi ne, %sign3A_280, %ne3A_288 : vector<512x1xi32>
    %rem3A_290 = vector.broadcast %jit3A_269 : i32 to vector<512x1xi32>
    %rem3A_291 = arith.remsi %broadcast_in_dim3A_268, %rem3A_290 : vector<512x1xi32>
    %ne3A_292 = arith.constant 0 : i32
    %ne3A_293 = vector.broadcast %ne3A_292 : i32 to vector<512x1xi32>
    %ne3A_294 = arith.cmpi ne, %rem3A_291, %ne3A_293 : vector<512x1xi32>
    %and3A_295 = arith.andi %ne3A_289, %ne3A_294 : vector<512x1xi1>
    %sub3A_296 = arith.constant 1 : i32
    %sub3A_297 = vector.broadcast %sub3A_296 : i32 to vector<512x1xi32>
    %sub3A_298 = arith.subi %div3A_271, %sub3A_297 : vector<512x1xi32>
    %select_n3A_299 = arith.select %and3A_295, %sub3A_298, %div3A_271 : vector<512x1xi1>, vector<512x1xi32>
    %jit3A_300 = arith.constant 128 : i32
    %eq3A_301 = arith.constant 0 : i32
    %eq3A_302 = arith.cmpi eq, %jit3A_300, %eq3A_301 : i32
    %jit3A_303 = arith.constant 1 : i32
    %select_n3A_304 = arith.select %eq3A_302, %jit3A_303, %jit3A_300 : i32
    %rem3A_305 = vector.broadcast %select_n3A_304 : i32 to vector<512x1xi32>
    %rem3A_306 = arith.remsi %broadcast_in_dim3A_268, %rem3A_305 : vector<512x1xi32>
    %ne3A_307 = arith.constant 0 : i32
    %ne3A_308 = vector.broadcast %ne3A_307 : i32 to vector<512x1xi32>
    %ne3A_309 = arith.cmpi ne, %rem3A_306, %ne3A_308 : vector<512x1xi32>
    %lt3A_310 = arith.constant 0 : i32
    %lt3A_311 = vector.broadcast %lt3A_310 : i32 to vector<512x1xi32>
    %lt3A_312 = arith.cmpi slt, %rem3A_306, %lt3A_311 : vector<512x1xi32>
    %lt3A_313 = arith.constant 0 : i32
    %lt3A_314 = arith.cmpi slt, %select_n3A_304, %lt3A_313 : i32
    %ne3A_315 = vector.broadcast %lt3A_314 : i1 to vector<512x1xi1>
    %ne3A_316 = vector.broadcast %ne3A_315 : vector<512x1xi1> to vector<512x1xi1>
    %ne3A_317 = arith.xori %lt3A_312, %ne3A_316 : vector<512x1xi1>
    %and3A_318 = arith.andi %ne3A_317, %ne3A_309 : vector<512x1xi1>
    %add3A_319 = vector.broadcast %select_n3A_304 : i32 to vector<512x1xi32>
    %add3A_320 = arith.addi %rem3A_306, %add3A_319 : vector<512x1xi32>
    %select_n3A_321 = arith.select %and3A_318, %add3A_320, %rem3A_306 : vector<512x1xi1>, vector<512x1xi32>
    %eq3A_322 = vector.broadcast %select_n3A_299 : vector<512x1xi32> to vector<512x10xi32>
    %eq3A_323 = arith.cmpi eq, %iota3A, %eq3A_322 : vector<512x10xi32>
    %jit3A_324 = arith.constant 0 : i32
    %broadcast_in_dim3A_325 = vector.broadcast %jit3A_324 : i32 to vector<512x10xi32>
    %select_n3A_326 = arith.select %eq3A_323, %select_n3A, %broadcast_in_dim3A_325 : vector<512x10xi1>, vector<512x10xi32>
    %reduce_sum3A_327 = arith.constant dense<0> : vector<512xi32>
    %reduce_sum3A_328 = vector.multi_reduction <add>, %select_n3A_326, %reduce_sum3A_327 [1] : vector<512x10xi32> to vector<512xi32>
    %broadcast_in_dim3A_329 = vector.shape_cast %reduce_sum3A_328 : vector<512xi32> to vector<512x1xi32>
    %mul3A_330 = arith.constant 128 : i32
    %mul3A_331 = vector.broadcast %mul3A_330 : i32 to vector<512x1xi32>
    %mul3A_332 = arith.muli %broadcast_in_dim3A_329, %mul3A_331 : vector<512x1xi32>
    %add3A_333 = arith.addi %mul3A_332, %select_n3A_321 : vector<512x1xi32>
    %swap3A_334 = arith.constant 0 : index
    %swap3A_335 = arith.constant 2 : index
    %swap3A_336 = vector.load %arg3[%swap3A_334, %swap3A_335] : memref<512x10xf32, #tpu.memory_space<vmem>>, vector<512x1xf32>
    tpu.vector_store %arg3[%swap3A_334, %swap3A_335], %broadcast_in_dim3A_260 {strides = array<i32>} : memref<512x10xf32, #tpu.memory_space<vmem>>, vector<512x1xf32>,
    %swap3A_337 = arith.constant 0 : index
    %swap3A_338 = arith.constant 2 : index
    %swap3A_339 = vector.load %arg4[%swap3A_337, %swap3A_338] : memref<512x10xi32, #tpu.memory_space<vmem>>, vector<512x1xi32>
    tpu.vector_store %arg4[%swap3A_337, %swap3A_338], %add3A_333 {strides = array<i32>} : memref<512x10xi32, #tpu.memory_space<vmem>>, vector<512x1xi32>,
    %swap3A_340 = arith.constant 0 : index
    %swap3A_341 = arith.constant 4 : index
    %swap3A_342 = vector.load %arg5[%swap3A_340, %swap3A_341] : memref<512x20xi32, #tpu.memory_space<vmem>>, vector<512x1xi32>
    tpu.vector_store %arg5[%swap3A_340, %swap3A_341], %add3A_333 {strides = array<i32>} : memref<512x20xi32, #tpu.memory_space<vmem>>, vector<512x1xi32>,
    %add3A_343 = arith.constant 8192 : i32
    %add3A_344 = vector.broadcast %add3A_343 : i32 to vector<512x1xi32>
    %add3A_345 = arith.addi %add3A_333, %add3A_344 : vector<512x1xi32>
    %swap3A_346 = arith.constant 0 : index
    %swap3A_347 = arith.constant 5 : index
    %swap3A_348 = vector.load %arg5[%swap3A_346, %swap3A_347] : memref<512x20xi32, #tpu.memory_space<vmem>>, vector<512x1xi32>
    tpu.vector_store %arg5[%swap3A_346, %swap3A_347], %add3A_345 {strides = array<i32>} : memref<512x20xi32, #tpu.memory_space<vmem>>, vector<512x1xi32>,
    %eq3A_349 = vector.broadcast %broadcast_in_dim3A_268 : vector<512x1xi32> to vector<512x1280xi32>
    %eq3A_350 = arith.cmpi eq, %iota3A_74, %eq3A_349 : vector<512x1280xi32>
    %jit3A_351 = arith.constant 0xFF800000 : f32
    %broadcast_in_dim3A_352 = vector.broadcast %jit3A_351 : f32 to vector<512x1280xf32>
    %select_n3A_353 = arith.select %eq3A_350, %broadcast_in_dim3A_352, %select_n3A_257 : vector<512x1280xi1>, vector<512x1280xf32>
    %reduce_max3A_354 = arith.constant dense<0xFF800000> : vector<512xf32>
    %reduce_max3A_355 = vector.multi_reduction <maximumf>, %select_n3A_353, %reduce_max3A_354 [1] : vector<512x1280xf32> to vector<512xf32>
    %broadcast_in_dim3A_356 = vector.shape_cast %reduce_max3A_355 : vector<512xf32> to vector<512x1xf32>
    %eq3A_357 = vector.broadcast %broadcast_in_dim3A_356 : vector<512x1xf32> to vector<512x1280xf32>
    %eq3A_358 = arith.cmpf oeq, %select_n3A_353, %eq3A_357 : vector<512x1280xf32>
    %jit3A_359 = arith.constant 1280 : i32
    %broadcast_in_dim3A_360 = vector.broadcast %jit3A_359 : i32 to vector<512x1280xi32>
    %select_n3A_361 = arith.select %eq3A_358, %iota3A_74, %broadcast_in_dim3A_360 : vector<512x1280xi1>, vector<512x1280xi32>
    %reduce_min3A_362 = arith.constant dense<2147483647> : vector<512xi32>
    %reduce_min3A_363 = vector.multi_reduction <minsi>, %select_n3A_361, %reduce_min3A_362 [1] : vector<512x1280xi32> to vector<512xi32>
    %broadcast_in_dim3A_364 = vector.shape_cast %reduce_min3A_363 : vector<512xi32> to vector<512x1xi32>
    %jit3A_365 = arith.constant 128 : i32
    %div3A_366 = vector.broadcast %jit3A_365 : i32 to vector<512x1xi32>
    %div3A_367 = arith.divsi %broadcast_in_dim3A_364, %div3A_366 : vector<512x1xi32>
    %sign3A_368 = arith.constant 0 : i32
    %sign3A_369 = vector.broadcast %sign3A_368 : i32 to vector<512x1xi32>
    %sign3A_370 = arith.cmpi sgt, %broadcast_in_dim3A_364, %sign3A_369 : vector<512x1xi32>
    %sign3A_371 = arith.extui %sign3A_370 : vector<512x1xi1> to vector<512x1xi32>
    %sign3A_372 = arith.constant 0 : i32
    %sign3A_373 = vector.broadcast %sign3A_372 : i32 to vector<512x1xi32>
    %sign3A_374 = arith.cmpi slt, %broadcast_in_dim3A_364, %sign3A_373 : vector<512x1xi32>
    %sign3A_375 = arith.extui %sign3A_374 : vector<512x1xi1> to vector<512x1xi32>
    %sign3A_376 = arith.subi %sign3A_371, %sign3A_375 : vector<512x1xi32>
    %sign3A_377 = arith.constant 0 : i32
    %sign3A_378 = arith.cmpi sgt, %jit3A_365, %sign3A_377 : i32
    %sign3A_379 = arith.extui %sign3A_378 : i1 to i32
    %sign3A_380 = arith.constant 0 : i32
    %sign3A_381 = arith.cmpi slt, %jit3A_365, %sign3A_380 : i32
    %sign3A_382 = arith.extui %sign3A_381 : i1 to i32
    %sign3A_383 = arith.subi %sign3A_379, %sign3A_382 : i32
    %ne3A_384 = vector.broadcast %sign3A_383 : i32 to vector<512x1xi32>
    %ne3A_385 = arith.cmpi ne, %sign3A_376, %ne3A_384 : vector<512x1xi32>
    %rem3A_386 = vector.broadcast %jit3A_365 : i32 to vector<512x1xi32>
    %rem3A_387 = arith.remsi %broadcast_in_dim3A_364, %rem3A_386 : vector<512x1xi32>
    %ne3A_388 = arith.constant 0 : i32
    %ne3A_389 = vector.broadcast %ne3A_388 : i32 to vector<512x1xi32>
    %ne3A_390 = arith.cmpi ne, %rem3A_387, %ne3A_389 : vector<512x1xi32>
    %and3A_391 = arith.andi %ne3A_385, %ne3A_390 : vector<512x1xi1>
    %sub3A_392 = arith.constant 1 : i32
    %sub3A_393 = vector.broadcast %sub3A_392 : i32 to vector<512x1xi32>
    %sub3A_394 = arith.subi %div3A_367, %sub3A_393 : vector<512x1xi32>
    %select_n3A_395 = arith.select %and3A_391, %sub3A_394, %div3A_367 : vector<512x1xi1>, vector<512x1xi32>
    %jit3A_396 = arith.constant 128 : i32
    %eq3A_397 = arith.constant 0 : i32
    %eq3A_398 = arith.cmpi eq, %jit3A_396, %eq3A_397 : i32
    %jit3A_399 = arith.constant 1 : i32
    %select_n3A_400 = arith.select %eq3A_398, %jit3A_399, %jit3A_396 : i32
    %rem3A_401 = vector.broadcast %select_n3A_400 : i32 to vector<512x1xi32>
    %rem3A_402 = arith.remsi %broadcast_in_dim3A_364, %rem3A_401 : vector<512x1xi32>
    %ne3A_403 = arith.constant 0 : i32
    %ne3A_404 = vector.broadcast %ne3A_403 : i32 to vector<512x1xi32>
    %ne3A_405 = arith.cmpi ne, %rem3A_402, %ne3A_404 : vector<512x1xi32>
    %lt3A_406 = arith.constant 0 : i32
    %lt3A_407 = vector.broadcast %lt3A_406 : i32 to vector<512x1xi32>
    %lt3A_408 = arith.cmpi slt, %rem3A_402, %lt3A_407 : vector<512x1xi32>
    %lt3A_409 = arith.constant 0 : i32
    %lt3A_410 = arith.cmpi slt, %select_n3A_400, %lt3A_409 : i32
    %ne3A_411 = vector.broadcast %lt3A_410 : i1 to vector<512x1xi1>
    %ne3A_412 = vector.broadcast %ne3A_411 : vector<512x1xi1> to vector<512x1xi1>
    %ne3A_413 = arith.xori %lt3A_408, %ne3A_412 : vector<512x1xi1>
    %and3A_414 = arith.andi %ne3A_413, %ne3A_405 : vector<512x1xi1>
    %add3A_415 = vector.broadcast %select_n3A_400 : i32 to vector<512x1xi32>
    %add3A_416 = arith.addi %rem3A_402, %add3A_415 : vector<512x1xi32>
    %select_n3A_417 = arith.select %and3A_414, %add3A_416, %rem3A_402 : vector<512x1xi1>, vector<512x1xi32>
    %eq3A_418 = vector.broadcast %select_n3A_395 : vector<512x1xi32> to vector<512x10xi32>
    %eq3A_419 = arith.cmpi eq, %iota3A, %eq3A_418 : vector<512x10xi32>
    %jit3A_420 = arith.constant 0 : i32
    %broadcast_in_dim3A_421 = vector.broadcast %jit3A_420 : i32 to vector<512x10xi32>
    %select_n3A_422 = arith.select %eq3A_419, %select_n3A, %broadcast_in_dim3A_421 : vector<512x10xi1>, vector<512x10xi32>
    %reduce_sum3A_423 = arith.constant dense<0> : vector<512xi32>
    %reduce_sum3A_424 = vector.multi_reduction <add>, %select_n3A_422, %reduce_sum3A_423 [1] : vector<512x10xi32> to vector<512xi32>
    %broadcast_in_dim3A_425 = vector.shape_cast %reduce_sum3A_424 : vector<512xi32> to vector<512x1xi32>
    %mul3A_426 = arith.constant 128 : i32
    %mul3A_427 = vector.broadcast %mul3A_426 : i32 to vector<512x1xi32>
    %mul3A_428 = arith.muli %broadcast_in_dim3A_425, %mul3A_427 : vector<512x1xi32>
    %add3A_429 = arith.addi %mul3A_428, %select_n3A_417 : vector<512x1xi32>
    %swap3A_430 = arith.constant 0 : index
    %swap3A_431 = arith.constant 3 : index
    %swap3A_432 = vector.load %arg3[%swap3A_430, %swap3A_431] : memref<512x10xf32, #tpu.memory_space<vmem>>, vector<512x1xf32>
    tpu.vector_store %arg3[%swap3A_430, %swap3A_431], %broadcast_in_dim3A_356 {strides = array<i32>} : memref<512x10xf32, #tpu.memory_space<vmem>>, vector<512x1xf32>,
    %swap3A_433 = arith.constant 0 : index
    %swap3A_434 = arith.constant 3 : index
    %swap3A_435 = vector.load %arg4[%swap3A_433, %swap3A_434] : memref<512x10xi32, #tpu.memory_space<vmem>>, vector<512x1xi32>
    tpu.vector_store %arg4[%swap3A_433, %swap3A_434], %add3A_429 {strides = array<i32>} : memref<512x10xi32, #tpu.memory_space<vmem>>, vector<512x1xi32>,
    %swap3A_436 = arith.constant 0 : index
    %swap3A_437 = arith.constant 6 : index
    %swap3A_438 = vector.load %arg5[%swap3A_436, %swap3A_437] : memref<512x20xi32, #tpu.memory_space<vmem>>, vector<512x1xi32>
    tpu.vector_store %arg5[%swap3A_436, %swap3A_437], %add3A_429 {strides = array<i32>} : memref<512x20xi32, #tpu.memory_space<vmem>>, vector<512x1xi32>,
    %add3A_439 = arith.constant 8192 : i32
    %add3A_440 = vector.broadcast %add3A_439 : i32 to vector<512x1xi32>
    %add3A_441 = arith.addi %add3A_429, %add3A_440 : vector<512x1xi32>
    %swap3A_442 = arith.constant 0 : index
    %swap3A_443 = arith.constant 7 : index
    %swap3A_444 = vector.load %arg5[%swap3A_442, %swap3A_443] : memref<512x20xi32, #tpu.memory_space<vmem>>, vector<512x1xi32>
    tpu.vector_store %arg5[%swap3A_442, %swap3A_443], %add3A_441 {strides = array<i32>} : memref<512x20xi32, #tpu.memory_space<vmem>>, vector<512x1xi32>,
    %eq3A_445 = vector.broadcast %broadcast_in_dim3A_364 : vector<512x1xi32> to vector<512x1280xi32>
    %eq3A_446 = arith.cmpi eq, %iota3A_74, %eq3A_445 : vector<512x1280xi32>
    %jit3A_447 = arith.constant 0xFF800000 : f32
    %broadcast_in_dim3A_448 = vector.broadcast %jit3A_447 : f32 to vector<512x1280xf32>
    %select_n3A_449 = arith.select %eq3A_446, %broadcast_in_dim3A_448, %select_n3A_353 : vector<512x1280xi1>, vector<512x1280xf32>
    %reduce_max3A_450 = arith.constant dense<0xFF800000> : vector<512xf32>
    %reduce_max3A_451 = vector.multi_reduction <maximumf>, %select_n3A_449, %reduce_max3A_450 [1] : vector<512x1280xf32> to vector<512xf32>
    %broadcast_in_dim3A_452 = vector.shape_cast %reduce_max3A_451 : vector<512xf32> to vector<512x1xf32>
    %eq3A_453 = vector.broadcast %broadcast_in_dim3A_452 : vector<512x1xf32> to vector<512x1280xf32>
    %eq3A_454 = arith.cmpf oeq, %select_n3A_449, %eq3A_453 : vector<512x1280xf32>
    %jit3A_455 = arith.constant 1280 : i32
    %broadcast_in_dim3A_456 = vector.broadcast %jit3A_455 : i32 to vector<512x1280xi32>
    %select_n3A_457 = arith.select %eq3A_454, %iota3A_74, %broadcast_in_dim3A_456 : vector<512x1280xi1>, vector<512x1280xi32>
    %reduce_min3A_458 = arith.constant dense<2147483647> : vector<512xi32>
    %reduce_min3A_459 = vector.multi_reduction <minsi>, %select_n3A_457, %reduce_min3A_458 [1] : vector<512x1280xi32> to vector<512xi32>
    %broadcast_in_dim3A_460 = vector.shape_cast %reduce_min3A_459 : vector<512xi32> to vector<512x1xi32>
    %jit3A_461 = arith.constant 128 : i32
    %div3A_462 = vector.broadcast %jit3A_461 : i32 to vector<512x1xi32>
    %div3A_463 = arith.divsi %broadcast_in_dim3A_460, %div3A_462 : vector<512x1xi32>
    %sign3A_464 = arith.constant 0 : i32
    %sign3A_465 = vector.broadcast %sign3A_464 : i32 to vector<512x1xi32>
    %sign3A_466 = arith.cmpi sgt, %broadcast_in_dim3A_460, %sign3A_465 : vector<512x1xi32>
    %sign3A_467 = arith.extui %sign3A_466 : vector<512x1xi1> to vector<512x1xi32>
    %sign3A_468 = arith.constant 0 : i32
    %sign3A_469 = vector.broadcast %sign3A_468 : i32 to vector<512x1xi32>
    %sign3A_470 = arith.cmpi slt, %broadcast_in_dim3A_460, %sign3A_469 : vector<512x1xi32>
    %sign3A_471 = arith.extui %sign3A_470 : vector<512x1xi1> to vector<512x1xi32>
    %sign3A_472 = arith.subi %sign3A_467, %sign3A_471 : vector<512x1xi32>
    %sign3A_473 = arith.constant 0 : i32
    %sign3A_474 = arith.cmpi sgt, %jit3A_461, %sign3A_473 : i32
    %sign3A_475 = arith.extui %sign3A_474 : i1 to i32
    %sign3A_476 = arith.constant 0 : i32
    %sign3A_477 = arith.cmpi slt, %jit3A_461, %sign3A_476 : i32
    %sign3A_478 = arith.extui %sign3A_477 : i1 to i32
    %sign3A_479 = arith.subi %sign3A_475, %sign3A_478 : i32
    %ne3A_480 = vector.broadcast %sign3A_479 : i32 to vector<512x1xi32>
    %ne3A_481 = arith.cmpi ne, %sign3A_472, %ne3A_480 : vector<512x1xi32>
    %rem3A_482 = vector.broadcast %jit3A_461 : i32 to vector<512x1xi32>
    %rem3A_483 = arith.remsi %broadcast_in_dim3A_460, %rem3A_482 : vector<512x1xi32>
    %ne3A_484 = arith.constant 0 : i32
    %ne3A_485 = vector.broadcast %ne3A_484 : i32 to vector<512x1xi32>
    %ne3A_486 = arith.cmpi ne, %rem3A_483, %ne3A_485 : vector<512x1xi32>
    %and3A_487 = arith.andi %ne3A_481, %ne3A_486 : vector<512x1xi1>
    %sub3A_488 = arith.constant 1 : i32
    %sub3A_489 = vector.broadcast %sub3A_488 : i32 to vector<512x1xi32>
    %sub3A_490 = arith.subi %div3A_463, %sub3A_489 : vector<512x1xi32>
    %select_n3A_491 = arith.select %and3A_487, %sub3A_490, %div3A_463 : vector<512x1xi1>, vector<512x1xi32>
    %jit3A_492 = arith.constant 128 : i32
    %eq3A_493 = arith.constant 0 : i32
    %eq3A_494 = arith.cmpi eq, %jit3A_492, %eq3A_493 : i32
    %jit3A_495 = arith.constant 1 : i32
    %select_n3A_496 = arith.select %eq3A_494, %jit3A_495, %jit3A_492 : i32
    %rem3A_497 = vector.broadcast %select_n3A_496 : i32 to vector<512x1xi32>
    %rem3A_498 = arith.remsi %broadcast_in_dim3A_460, %rem3A_497 : vector<512x1xi32>
    %ne3A_499 = arith.constant 0 : i32
    %ne3A_500 = vector.broadcast %ne3A_499 : i32 to vector<512x1xi32>
    %ne3A_501 = arith.cmpi ne, %rem3A_498, %ne3A_500 : vector<512x1xi32>
    %lt3A_502 = arith.constant 0 : i32
    %lt3A_503 = vector.broadcast %lt3A_502 : i32 to vector<512x1xi32>
    %lt3A_504 = arith.cmpi slt, %rem3A_498, %lt3A_503 : vector<512x1xi32>
    %lt3A_505 = arith.constant 0 : i32
    %lt3A_506 = arith.cmpi slt, %select_n3A_496, %lt3A_505 : i32
    %ne3A_507 = vector.broadcast %lt3A_506 : i1 to vector<512x1xi1>
    %ne3A_508 = vector.broadcast %ne3A_507 : vector<512x1xi1> to vector<512x1xi1>
    %ne3A_509 = arith.xori %lt3A_504, %ne3A_508 : vector<512x1xi1>
    %and3A_510 = arith.andi %ne3A_509, %ne3A_501 : vector<512x1xi1>
    %add3A_511 = vector.broadcast %select_n3A_496 : i32 to vector<512x1xi32>
    %add3A_512 = arith.addi %rem3A_498, %add3A_511 : vector<512x1xi32>
    %select_n3A_513 = arith.select %and3A_510, %add3A_512, %rem3A_498 : vector<512x1xi1>, vector<512x1xi32>
    %eq3A_514 = vector.broadcast %select_n3A_491 : vector<512x1xi32> to vector<512x10xi32>
    %eq3A_515 = arith.cmpi eq, %iota3A, %eq3A_514 : vector<512x10xi32>
    %jit3A_516 = arith.constant 0 : i32
    %broadcast_in_dim3A_517 = vector.broadcast %jit3A_516 : i32 to vector<512x10xi32>
    %select_n3A_518 = arith.select %eq3A_515, %select_n3A, %broadcast_in_dim3A_517 : vector<512x10xi1>, vector<512x10xi32>
    %reduce_sum3A_519 = arith.constant dense<0> : vector<512xi32>
    %reduce_sum3A_520 = vector.multi_reduction <add>, %select_n3A_518, %reduce_sum3A_519 [1] : vector<512x10xi32> to vector<512xi32>
    %broadcast_in_dim3A_521 = vector.shape_cast %reduce_sum3A_520 : vector<512xi32> to vector<512x1xi32>
    %mul3A_522 = arith.constant 128 : i32
    %mul3A_523 = vector.broadcast %mul3A_522 : i32 to vector<512x1xi32>
    %mul3A_524 = arith.muli %broadcast_in_dim3A_521, %mul3A_523 : vector<512x1xi32>
    %add3A_525 = arith.addi %mul3A_524, %select_n3A_513 : vector<512x1xi32>
    %swap3A_526 = arith.constant 0 : index
    %swap3A_527 = arith.constant 4 : index
    %swap3A_528 = vector.load %arg3[%swap3A_526, %swap3A_527] : memref<512x10xf32, #tpu.memory_space<vmem>>, vector<512x1xf32>
    tpu.vector_store %arg3[%swap3A_526, %swap3A_527], %broadcast_in_dim3A_452 {strides = array<i32>} : memref<512x10xf32, #tpu.memory_space<vmem>>, vector<512x1xf32>,
    %swap3A_529 = arith.constant 0 : index
    %swap3A_530 = arith.constant 4 : index
    %swap3A_531 = vector.load %arg4[%swap3A_529, %swap3A_530] : memref<512x10xi32, #tpu.memory_space<vmem>>, vector<512x1xi32>
    tpu.vector_store %arg4[%swap3A_529, %swap3A_530], %add3A_525 {strides = array<i32>} : memref<512x10xi32, #tpu.memory_space<vmem>>, vector<512x1xi32>,
    %swap3A_532 = arith.constant 0 : index
    %swap3A_533 = arith.constant 8 : index
    %swap3A_534 = vector.load %arg5[%swap3A_532, %swap3A_533] : memref<512x20xi32, #tpu.memory_space<vmem>>, vector<512x1xi32>
    tpu.vector_store %arg5[%swap3A_532, %swap3A_533], %add3A_525 {strides = array<i32>} : memref<512x20xi32, #tpu.memory_space<vmem>>, vector<512x1xi32>,
    %add3A_535 = arith.constant 8192 : i32
    %add3A_536 = vector.broadcast %add3A_535 : i32 to vector<512x1xi32>
    %add3A_537 = arith.addi %add3A_525, %add3A_536 : vector<512x1xi32>
    %swap3A_538 = arith.constant 0 : index
    %swap3A_539 = arith.constant 9 : index
    %swap3A_540 = vector.load %arg5[%swap3A_538, %swap3A_539] : memref<512x20xi32, #tpu.memory_space<vmem>>, vector<512x1xi32>
    tpu.vector_store %arg5[%swap3A_538, %swap3A_539], %add3A_537 {strides = array<i32>} : memref<512x20xi32, #tpu.memory_space<vmem>>, vector<512x1xi32>,
    %eq3A_541 = vector.broadcast %broadcast_in_dim3A_460 : vector<512x1xi32> to vector<512x1280xi32>
    %eq3A_542 = arith.cmpi eq, %iota3A_74, %eq3A_541 : vector<512x1280xi32>
    %jit3A_543 = arith.constant 0xFF800000 : f32
    %broadcast_in_dim3A_544 = vector.broadcast %jit3A_543 : f32 to vector<512x1280xf32>
    %select_n3A_545 = arith.select %eq3A_542, %broadcast_in_dim3A_544, %select_n3A_449 : vector<512x1280xi1>, vector<512x1280xf32>
    %reduce_max3A_546 = arith.constant dense<0xFF800000> : vector<512xf32>
    %reduce_max3A_547 = vector.multi_reduction <maximumf>, %select_n3A_545, %reduce_max3A_546 [1] : vector<512x1280xf32> to vector<512xf32>
    %broadcast_in_dim3A_548 = vector.shape_cast %reduce_max3A_547 : vector<512xf32> to vector<512x1xf32>
    %eq3A_549 = vector.broadcast %broadcast_in_dim3A_548 : vector<512x1xf32> to vector<512x1280xf32>
    %eq3A_550 = arith.cmpf oeq, %select_n3A_545, %eq3A_549 : vector<512x1280xf32>
    %jit3A_551 = arith.constant 1280 : i32
    %broadcast_in_dim3A_552 = vector.broadcast %jit3A_551 : i32 to vector<512x1280xi32>
    %select_n3A_553 = arith.select %eq3A_550, %iota3A_74, %broadcast_in_dim3A_552 : vector<512x1280xi1>, vector<512x1280xi32>
    %reduce_min3A_554 = arith.constant dense<2147483647> : vector<512xi32>
    %reduce_min3A_555 = vector.multi_reduction <minsi>, %select_n3A_553, %reduce_min3A_554 [1] : vector<512x1280xi32> to vector<512xi32>
    %broadcast_in_dim3A_556 = vector.shape_cast %reduce_min3A_555 : vector<512xi32> to vector<512x1xi32>
    %jit3A_557 = arith.constant 128 : i32
    %div3A_558 = vector.broadcast %jit3A_557 : i32 to vector<512x1xi32>
    %div3A_559 = arith.divsi %broadcast_in_dim3A_556, %div3A_558 : vector<512x1xi32>
    %sign3A_560 = arith.constant 0 : i32
    %sign3A_561 = vector.broadcast %sign3A_560 : i32 to vector<512x1xi32>
    %sign3A_562 = arith.cmpi sgt, %broadcast_in_dim3A_556, %sign3A_561 : vector<512x1xi32>
    %sign3A_563 = arith.extui %sign3A_562 : vector<512x1xi1> to vector<512x1xi32>
    %sign3A_564 = arith.constant 0 : i32
    %sign3A_565 = vector.broadcast %sign3A_564 : i32 to vector<512x1xi32>
    %sign3A_566 = arith.cmpi slt, %broadcast_in_dim3A_556, %sign3A_565 : vector<512x1xi32>
    %sign3A_567 = arith.extui %sign3A_566 : vector<512x1xi1> to vector<512x1xi32>
    %sign3A_568 = arith.subi %sign3A_563, %sign3A_567 : vector<512x1xi32>
    %sign3A_569 = arith.constant 0 : i32
    %sign3A_570 = arith.cmpi sgt, %jit3A_557, %sign3A_569 : i32
    %sign3A_571 = arith.extui %sign3A_570 : i1 to i32
    %sign3A_572 = arith.constant 0 : i32
    %sign3A_573 = arith.cmpi slt, %jit3A_557, %sign3A_572 : i32
    %sign3A_574 = arith.extui %sign3A_573 : i1 to i32
    %sign3A_575 = arith.subi %sign3A_571, %sign3A_574 : i32
    %ne3A_576 = vector.broadcast %sign3A_575 : i32 to vector<512x1xi32>
    %ne3A_577 = arith.cmpi ne, %sign3A_568, %ne3A_576 : vector<512x1xi32>
    %rem3A_578 = vector.broadcast %jit3A_557 : i32 to vector<512x1xi32>
    %rem3A_579 = arith.remsi %broadcast_in_dim3A_556, %rem3A_578 : vector<512x1xi32>
    %ne3A_580 = arith.constant 0 : i32
    %ne3A_581 = vector.broadcast %ne3A_580 : i32 to vector<512x1xi32>
    %ne3A_582 = arith.cmpi ne, %rem3A_579, %ne3A_581 : vector<512x1xi32>
    %and3A_583 = arith.andi %ne3A_577, %ne3A_582 : vector<512x1xi1>
    %sub3A_584 = arith.constant 1 : i32
    %sub3A_585 = vector.broadcast %sub3A_584 : i32 to vector<512x1xi32>
    %sub3A_586 = arith.subi %div3A_559, %sub3A_585 : vector<512x1xi32>
    %select_n3A_587 = arith.select %and3A_583, %sub3A_586, %div3A_559 : vector<512x1xi1>, vector<512x1xi32>
    %jit3A_588 = arith.constant 128 : i32
    %eq3A_589 = arith.constant 0 : i32
    %eq3A_590 = arith.cmpi eq, %jit3A_588, %eq3A_589 : i32
    %jit3A_591 = arith.constant 1 : i32
    %select_n3A_592 = arith.select %eq3A_590, %jit3A_591, %jit3A_588 : i32
    %rem3A_593 = vector.broadcast %select_n3A_592 : i32 to vector<512x1xi32>
    %rem3A_594 = arith.remsi %broadcast_in_dim3A_556, %rem3A_593 : vector<512x1xi32>
    %ne3A_595 = arith.constant 0 : i32
    %ne3A_596 = vector.broadcast %ne3A_595 : i32 to vector<512x1xi32>
    %ne3A_597 = arith.cmpi ne, %rem3A_594, %ne3A_596 : vector<512x1xi32>
    %lt3A_598 = arith.constant 0 : i32
    %lt3A_599 = vector.broadcast %lt3A_598 : i32 to vector<512x1xi32>
    %lt3A_600 = arith.cmpi slt, %rem3A_594, %lt3A_599 : vector<512x1xi32>
    %lt3A_601 = arith.constant 0 : i32
    %lt3A_602 = arith.cmpi slt, %select_n3A_592, %lt3A_601 : i32
    %ne3A_603 = vector.broadcast %lt3A_602 : i1 to vector<512x1xi1>
    %ne3A_604 = vector.broadcast %ne3A_603 : vector<512x1xi1> to vector<512x1xi1>
    %ne3A_605 = arith.xori %lt3A_600, %ne3A_604 : vector<512x1xi1>
    %and3A_606 = arith.andi %ne3A_605, %ne3A_597 : vector<512x1xi1>
    %add3A_607 = vector.broadcast %select_n3A_592 : i32 to vector<512x1xi32>
    %add3A_608 = arith.addi %rem3A_594, %add3A_607 : vector<512x1xi32>
    %select_n3A_609 = arith.select %and3A_606, %add3A_608, %rem3A_594 : vector<512x1xi1>, vector<512x1xi32>
    %eq3A_610 = vector.broadcast %select_n3A_587 : vector<512x1xi32> to vector<512x10xi32>
    %eq3A_611 = arith.cmpi eq, %iota3A, %eq3A_610 : vector<512x10xi32>
    %jit3A_612 = arith.constant 0 : i32
    %broadcast_in_dim3A_613 = vector.broadcast %jit3A_612 : i32 to vector<512x10xi32>
    %select_n3A_614 = arith.select %eq3A_611, %select_n3A, %broadcast_in_dim3A_613 : vector<512x10xi1>, vector<512x10xi32>
    %reduce_sum3A_615 = arith.constant dense<0> : vector<512xi32>
    %reduce_sum3A_616 = vector.multi_reduction <add>, %select_n3A_614, %reduce_sum3A_615 [1] : vector<512x10xi32> to vector<512xi32>
    %broadcast_in_dim3A_617 = vector.shape_cast %reduce_sum3A_616 : vector<512xi32> to vector<512x1xi32>
    %mul3A_618 = arith.constant 128 : i32
    %mul3A_619 = vector.broadcast %mul3A_618 : i32 to vector<512x1xi32>
    %mul3A_620 = arith.muli %broadcast_in_dim3A_617, %mul3A_619 : vector<512x1xi32>
    %add3A_621 = arith.addi %mul3A_620, %select_n3A_609 : vector<512x1xi32>
    %swap3A_622 = arith.constant 0 : index
    %swap3A_623 = arith.constant 5 : index
    %swap3A_624 = vector.load %arg3[%swap3A_622, %swap3A_623] : memref<512x10xf32, #tpu.memory_space<vmem>>, vector<512x1xf32>
    tpu.vector_store %arg3[%swap3A_622, %swap3A_623], %broadcast_in_dim3A_548 {strides = array<i32>} : memref<512x10xf32, #tpu.memory_space<vmem>>, vector<512x1xf32>,
    %swap3A_625 = arith.constant 0 : index
    %swap3A_626 = arith.constant 5 : index
    %swap3A_627 = vector.load %arg4[%swap3A_625, %swap3A_626] : memref<512x10xi32, #tpu.memory_space<vmem>>, vector<512x1xi32>
    tpu.vector_store %arg4[%swap3A_625, %swap3A_626], %add3A_621 {strides = array<i32>} : memref<512x10xi32, #tpu.memory_space<vmem>>, vector<512x1xi32>,
    %swap3A_628 = arith.constant 0 : index
    %swap3A_629 = arith.constant 10 : index
    %swap3A_630 = vector.load %arg5[%swap3A_628, %swap3A_629] : memref<512x20xi32, #tpu.memory_space<vmem>>, vector<512x1xi32>
    tpu.vector_store %arg5[%swap3A_628, %swap3A_629], %add3A_621 {strides = array<i32>} : memref<512x20xi32, #tpu.memory_space<vmem>>, vector<512x1xi32>,
    %add3A_631 = arith.constant 8192 : i32
    %add3A_632 = vector.broadcast %add3A_631 : i32 to vector<512x1xi32>
    %add3A_633 = arith.addi %add3A_621, %add3A_632 : vector<512x1xi32>
    %swap3A_634 = arith.constant 0 : index
    %swap3A_635 = arith.constant 11 : index
    %swap3A_636 = vector.load %arg5[%swap3A_634, %swap3A_635] : memref<512x20xi32, #tpu.memory_space<vmem>>, vector<512x1xi32>
    tpu.vector_store %arg5[%swap3A_634, %swap3A_635], %add3A_633 {strides = array<i32>} : memref<512x20xi32, #tpu.memory_space<vmem>>, vector<512x1xi32>,
    %eq3A_637 = vector.broadcast %broadcast_in_dim3A_556 : vector<512x1xi32> to vector<512x1280xi32>
    %eq3A_638 = arith.cmpi eq, %iota3A_74, %eq3A_637 : vector<512x1280xi32>
    %jit3A_639 = arith.constant 0xFF800000 : f32
    %broadcast_in_dim3A_640 = vector.broadcast %jit3A_639 : f32 to vector<512x1280xf32>
    %select_n3A_641 = arith.select %eq3A_638, %broadcast_in_dim3A_640, %select_n3A_545 : vector<512x1280xi1>, vector<512x1280xf32>
    %reduce_max3A_642 = arith.constant dense<0xFF800000> : vector<512xf32>
    %reduce_max3A_643 = vector.multi_reduction <maximumf>, %select_n3A_641, %reduce_max3A_642 [1] : vector<512x1280xf32> to vector<512xf32>
    %broadcast_in_dim3A_644 = vector.shape_cast %reduce_max3A_643 : vector<512xf32> to vector<512x1xf32>
    %eq3A_645 = vector.broadcast %broadcast_in_dim3A_644 : vector<512x1xf32> to vector<512x1280xf32>
    %eq3A_646 = arith.cmpf oeq, %select_n3A_641, %eq3A_645 : vector<512x1280xf32>
    %jit3A_647 = arith.constant 1280 : i32
    %broadcast_in_dim3A_648 = vector.broadcast %jit3A_647 : i32 to vector<512x1280xi32>
    %select_n3A_649 = arith.select %eq3A_646, %iota3A_74, %broadcast_in_dim3A_648 : vector<512x1280xi1>, vector<512x1280xi32>
    %reduce_min3A_650 = arith.constant dense<2147483647> : vector<512xi32>
    %reduce_min3A_651 = vector.multi_reduction <minsi>, %select_n3A_649, %reduce_min3A_650 [1] : vector<512x1280xi32> to vector<512xi32>
    %broadcast_in_dim3A_652 = vector.shape_cast %reduce_min3A_651 : vector<512xi32> to vector<512x1xi32>
    %jit3A_653 = arith.constant 128 : i32
    %div3A_654 = vector.broadcast %jit3A_653 : i32 to vector<512x1xi32>
    %div3A_655 = arith.divsi %broadcast_in_dim3A_652, %div3A_654 : vector<512x1xi32>
    %sign3A_656 = arith.constant 0 : i32
    %sign3A_657 = vector.broadcast %sign3A_656 : i32 to vector<512x1xi32>
    %sign3A_658 = arith.cmpi sgt, %broadcast_in_dim3A_652, %sign3A_657 : vector<512x1xi32>
    %sign3A_659 = arith.extui %sign3A_658 : vector<512x1xi1> to vector<512x1xi32>
    %sign3A_660 = arith.constant 0 : i32
    %sign3A_661 = vector.broadcast %sign3A_660 : i32 to vector<512x1xi32>
    %sign3A_662 = arith.cmpi slt, %broadcast_in_dim3A_652, %sign3A_661 : vector<512x1xi32>
    %sign3A_663 = arith.extui %sign3A_662 : vector<512x1xi1> to vector<512x1xi32>
    %sign3A_664 = arith.subi %sign3A_659, %sign3A_663 : vector<512x1xi32>
    %sign3A_665 = arith.constant 0 : i32
    %sign3A_666 = arith.cmpi sgt, %jit3A_653, %sign3A_665 : i32
    %sign3A_667 = arith.extui %sign3A_666 : i1 to i32
    %sign3A_668 = arith.constant 0 : i32
    %sign3A_669 = arith.cmpi slt, %jit3A_653, %sign3A_668 : i32
    %sign3A_670 = arith.extui %sign3A_669 : i1 to i32
    %sign3A_671 = arith.subi %sign3A_667, %sign3A_670 : i32
    %ne3A_672 = vector.broadcast %sign3A_671 : i32 to vector<512x1xi32>
    %ne3A_673 = arith.cmpi ne, %sign3A_664, %ne3A_672 : vector<512x1xi32>
    %rem3A_674 = vector.broadcast %jit3A_653 : i32 to vector<512x1xi32>
    %rem3A_675 = arith.remsi %broadcast_in_dim3A_652, %rem3A_674 : vector<512x1xi32>
    %ne3A_676 = arith.constant 0 : i32
    %ne3A_677 = vector.broadcast %ne3A_676 : i32 to vector<512x1xi32>
    %ne3A_678 = arith.cmpi ne, %rem3A_675, %ne3A_677 : vector<512x1xi32>
    %and3A_679 = arith.andi %ne3A_673, %ne3A_678 : vector<512x1xi1>
    %sub3A_680 = arith.constant 1 : i32
    %sub3A_681 = vector.broadcast %sub3A_680 : i32 to vector<512x1xi32>
    %sub3A_682 = arith.subi %div3A_655, %sub3A_681 : vector<512x1xi32>
    %select_n3A_683 = arith.select %and3A_679, %sub3A_682, %div3A_655 : vector<512x1xi1>, vector<512x1xi32>
    %jit3A_684 = arith.constant 128 : i32
    %eq3A_685 = arith.constant 0 : i32
    %eq3A_686 = arith.cmpi eq, %jit3A_684, %eq3A_685 : i32
    %jit3A_687 = arith.constant 1 : i32
    %select_n3A_688 = arith.select %eq3A_686, %jit3A_687, %jit3A_684 : i32
    %rem3A_689 = vector.broadcast %select_n3A_688 : i32 to vector<512x1xi32>
    %rem3A_690 = arith.remsi %broadcast_in_dim3A_652, %rem3A_689 : vector<512x1xi32>
    %ne3A_691 = arith.constant 0 : i32
    %ne3A_692 = vector.broadcast %ne3A_691 : i32 to vector<512x1xi32>
    %ne3A_693 = arith.cmpi ne, %rem3A_690, %ne3A_692 : vector<512x1xi32>
    %lt3A_694 = arith.constant 0 : i32
    %lt3A_695 = vector.broadcast %lt3A_694 : i32 to vector<512x1xi32>
    %lt3A_696 = arith.cmpi slt, %rem3A_690, %lt3A_695 : vector<512x1xi32>
    %lt3A_697 = arith.constant 0 : i32
    %lt3A_698 = arith.cmpi slt, %select_n3A_688, %lt3A_697 : i32
    %ne3A_699 = vector.broadcast %lt3A_698 : i1 to vector<512x1xi1>
    %ne3A_700 = vector.broadcast %ne3A_699 : vector<512x1xi1> to vector<512x1xi1>
    %ne3A_701 = arith.xori %lt3A_696, %ne3A_700 : vector<512x1xi1>
    %and3A_702 = arith.andi %ne3A_701, %ne3A_693 : vector<512x1xi1>
    %add3A_703 = vector.broadcast %select_n3A_688 : i32 to vector<512x1xi32>
    %add3A_704 = arith.addi %rem3A_690, %add3A_703 : vector<512x1xi32>
    %select_n3A_705 = arith.select %and3A_702, %add3A_704, %rem3A_690 : vector<512x1xi1>, vector<512x1xi32>
    %eq3A_706 = vector.broadcast %select_n3A_683 : vector<512x1xi32> to vector<512x10xi32>
    %eq3A_707 = arith.cmpi eq, %iota3A, %eq3A_706 : vector<512x10xi32>
    %jit3A_708 = arith.constant 0 : i32
    %broadcast_in_dim3A_709 = vector.broadcast %jit3A_708 : i32 to vector<512x10xi32>
    %select_n3A_710 = arith.select %eq3A_707, %select_n3A, %broadcast_in_dim3A_709 : vector<512x10xi1>, vector<512x10xi32>
    %reduce_sum3A_711 = arith.constant dense<0> : vector<512xi32>
    %reduce_sum3A_712 = vector.multi_reduction <add>, %select_n3A_710, %reduce_sum3A_711 [1] : vector<512x10xi32> to vector<512xi32>
    %broadcast_in_dim3A_713 = vector.shape_cast %reduce_sum3A_712 : vector<512xi32> to vector<512x1xi32>
    %mul3A_714 = arith.constant 128 : i32
    %mul3A_715 = vector.broadcast %mul3A_714 : i32 to vector<512x1xi32>
    %mul3A_716 = arith.muli %broadcast_in_dim3A_713, %mul3A_715 : vector<512x1xi32>
    %add3A_717 = arith.addi %mul3A_716, %select_n3A_705 : vector<512x1xi32>
    %swap3A_718 = arith.constant 0 : index
    %swap3A_719 = arith.constant 6 : index
    %swap3A_720 = vector.load %arg3[%swap3A_718, %swap3A_719] : memref<512x10xf32, #tpu.memory_space<vmem>>, vector<512x1xf32>
    tpu.vector_store %arg3[%swap3A_718, %swap3A_719], %broadcast_in_dim3A_644 {strides = array<i32>} : memref<512x10xf32, #tpu.memory_space<vmem>>, vector<512x1xf32>,
    %swap3A_721 = arith.constant 0 : index
    %swap3A_722 = arith.constant 6 : index
    %swap3A_723 = vector.load %arg4[%swap3A_721, %swap3A_722] : memref<512x10xi32, #tpu.memory_space<vmem>>, vector<512x1xi32>
    tpu.vector_store %arg4[%swap3A_721, %swap3A_722], %add3A_717 {strides = array<i32>} : memref<512x10xi32, #tpu.memory_space<vmem>>, vector<512x1xi32>,
    %swap3A_724 = arith.constant 0 : index
    %swap3A_725 = arith.constant 12 : index
    %swap3A_726 = vector.load %arg5[%swap3A_724, %swap3A_725] : memref<512x20xi32, #tpu.memory_space<vmem>>, vector<512x1xi32>
    tpu.vector_store %arg5[%swap3A_724, %swap3A_725], %add3A_717 {strides = array<i32>} : memref<512x20xi32, #tpu.memory_space<vmem>>, vector<512x1xi32>,
    %add3A_727 = arith.constant 8192 : i32
    %add3A_728 = vector.broadcast %add3A_727 : i32 to vector<512x1xi32>
    %add3A_729 = arith.addi %add3A_717, %add3A_728 : vector<512x1xi32>
    %swap3A_730 = arith.constant 0 : index
    %swap3A_731 = arith.constant 13 : index
    %swap3A_732 = vector.load %arg5[%swap3A_730, %swap3A_731] : memref<512x20xi32, #tpu.memory_space<vmem>>, vector<512x1xi32>
    tpu.vector_store %arg5[%swap3A_730, %swap3A_731], %add3A_729 {strides = array<i32>} : memref<512x20xi32, #tpu.memory_space<vmem>>, vector<512x1xi32>,
    %eq3A_733 = vector.broadcast %broadcast_in_dim3A_652 : vector<512x1xi32> to vector<512x1280xi32>
    %eq3A_734 = arith.cmpi eq, %iota3A_74, %eq3A_733 : vector<512x1280xi32>
    %jit3A_735 = arith.constant 0xFF800000 : f32
    %broadcast_in_dim3A_736 = vector.broadcast %jit3A_735 : f32 to vector<512x1280xf32>
    %select_n3A_737 = arith.select %eq3A_734, %broadcast_in_dim3A_736, %select_n3A_641 : vector<512x1280xi1>, vector<512x1280xf32>
    %reduce_max3A_738 = arith.constant dense<0xFF800000> : vector<512xf32>
    %reduce_max3A_739 = vector.multi_reduction <maximumf>, %select_n3A_737, %reduce_max3A_738 [1] : vector<512x1280xf32> to vector<512xf32>
    %broadcast_in_dim3A_740 = vector.shape_cast %reduce_max3A_739 : vector<512xf32> to vector<512x1xf32>
    %eq3A_741 = vector.broadcast %broadcast_in_dim3A_740 : vector<512x1xf32> to vector<512x1280xf32>
    %eq3A_742 = arith.cmpf oeq, %select_n3A_737, %eq3A_741 : vector<512x1280xf32>
    %jit3A_743 = arith.constant 1280 : i32
    %broadcast_in_dim3A_744 = vector.broadcast %jit3A_743 : i32 to vector<512x1280xi32>
    %select_n3A_745 = arith.select %eq3A_742, %iota3A_74, %broadcast_in_dim3A_744 : vector<512x1280xi1>, vector<512x1280xi32>
    %reduce_min3A_746 = arith.constant dense<2147483647> : vector<512xi32>
    %reduce_min3A_747 = vector.multi_reduction <minsi>, %select_n3A_745, %reduce_min3A_746 [1] : vector<512x1280xi32> to vector<512xi32>
    %broadcast_in_dim3A_748 = vector.shape_cast %reduce_min3A_747 : vector<512xi32> to vector<512x1xi32>
    %jit3A_749 = arith.constant 128 : i32
    %div3A_750 = vector.broadcast %jit3A_749 : i32 to vector<512x1xi32>
    %div3A_751 = arith.divsi %broadcast_in_dim3A_748, %div3A_750 : vector<512x1xi32>
    %sign3A_752 = arith.constant 0 : i32
    %sign3A_753 = vector.broadcast %sign3A_752 : i32 to vector<512x1xi32>
    %sign3A_754 = arith.cmpi sgt, %broadcast_in_dim3A_748, %sign3A_753 : vector<512x1xi32>
    %sign3A_755 = arith.extui %sign3A_754 : vector<512x1xi1> to vector<512x1xi32>
    %sign3A_756 = arith.constant 0 : i32
    %sign3A_757 = vector.broadcast %sign3A_756 : i32 to vector<512x1xi32>
    %sign3A_758 = arith.cmpi slt, %broadcast_in_dim3A_748, %sign3A_757 : vector<512x1xi32>
    %sign3A_759 = arith.extui %sign3A_758 : vector<512x1xi1> to vector<512x1xi32>
    %sign3A_760 = arith.subi %sign3A_755, %sign3A_759 : vector<512x1xi32>
    %sign3A_761 = arith.constant 0 : i32
    %sign3A_762 = arith.cmpi sgt, %jit3A_749, %sign3A_761 : i32
    %sign3A_763 = arith.extui %sign3A_762 : i1 to i32
    %sign3A_764 = arith.constant 0 : i32
    %sign3A_765 = arith.cmpi slt, %jit3A_749, %sign3A_764 : i32
    %sign3A_766 = arith.extui %sign3A_765 : i1 to i32
    %sign3A_767 = arith.subi %sign3A_763, %sign3A_766 : i32
    %ne3A_768 = vector.broadcast %sign3A_767 : i32 to vector<512x1xi32>
    %ne3A_769 = arith.cmpi ne, %sign3A_760, %ne3A_768 : vector<512x1xi32>
    %rem3A_770 = vector.broadcast %jit3A_749 : i32 to vector<512x1xi32>
    %rem3A_771 = arith.remsi %broadcast_in_dim3A_748, %rem3A_770 : vector<512x1xi32>
    %ne3A_772 = arith.constant 0 : i32
    %ne3A_773 = vector.broadcast %ne3A_772 : i32 to vector<512x1xi32>
    %ne3A_774 = arith.cmpi ne, %rem3A_771, %ne3A_773 : vector<512x1xi32>
    %and3A_775 = arith.andi %ne3A_769, %ne3A_774 : vector<512x1xi1>
    %sub3A_776 = arith.constant 1 : i32
    %sub3A_777 = vector.broadcast %sub3A_776 : i32 to vector<512x1xi32>
    %sub3A_778 = arith.subi %div3A_751, %sub3A_777 : vector<512x1xi32>
    %select_n3A_779 = arith.select %and3A_775, %sub3A_778, %div3A_751 : vector<512x1xi1>, vector<512x1xi32>
    %jit3A_780 = arith.constant 128 : i32
    %eq3A_781 = arith.constant 0 : i32
    %eq3A_782 = arith.cmpi eq, %jit3A_780, %eq3A_781 : i32
    %jit3A_783 = arith.constant 1 : i32
    %select_n3A_784 = arith.select %eq3A_782, %jit3A_783, %jit3A_780 : i32
    %rem3A_785 = vector.broadcast %select_n3A_784 : i32 to vector<512x1xi32>
    %rem3A_786 = arith.remsi %broadcast_in_dim3A_748, %rem3A_785 : vector<512x1xi32>
    %ne3A_787 = arith.constant 0 : i32
    %ne3A_788 = vector.broadcast %ne3A_787 : i32 to vector<512x1xi32>
    %ne3A_789 = arith.cmpi ne, %rem3A_786, %ne3A_788 : vector<512x1xi32>
    %lt3A_790 = arith.constant 0 : i32
    %lt3A_791 = vector.broadcast %lt3A_790 : i32 to vector<512x1xi32>
    %lt3A_792 = arith.cmpi slt, %rem3A_786, %lt3A_791 : vector<512x1xi32>
    %lt3A_793 = arith.constant 0 : i32
    %lt3A_794 = arith.cmpi slt, %select_n3A_784, %lt3A_793 : i32
    %ne3A_795 = vector.broadcast %lt3A_794 : i1 to vector<512x1xi1>
    %ne3A_796 = vector.broadcast %ne3A_795 : vector<512x1xi1> to vector<512x1xi1>
    %ne3A_797 = arith.xori %lt3A_792, %ne3A_796 : vector<512x1xi1>
    %and3A_798 = arith.andi %ne3A_797, %ne3A_789 : vector<512x1xi1>
    %add3A_799 = vector.broadcast %select_n3A_784 : i32 to vector<512x1xi32>
    %add3A_800 = arith.addi %rem3A_786, %add3A_799 : vector<512x1xi32>
    %select_n3A_801 = arith.select %and3A_798, %add3A_800, %rem3A_786 : vector<512x1xi1>, vector<512x1xi32>
    %eq3A_802 = vector.broadcast %select_n3A_779 : vector<512x1xi32> to vector<512x10xi32>
    %eq3A_803 = arith.cmpi eq, %iota3A, %eq3A_802 : vector<512x10xi32>
    %jit3A_804 = arith.constant 0 : i32
    %broadcast_in_dim3A_805 = vector.broadcast %jit3A_804 : i32 to vector<512x10xi32>
    %select_n3A_806 = arith.select %eq3A_803, %select_n3A, %broadcast_in_dim3A_805 : vector<512x10xi1>, vector<512x10xi32>
    %reduce_sum3A_807 = arith.constant dense<0> : vector<512xi32>
    %reduce_sum3A_808 = vector.multi_reduction <add>, %select_n3A_806, %reduce_sum3A_807 [1] : vector<512x10xi32> to vector<512xi32>
    %broadcast_in_dim3A_809 = vector.shape_cast %reduce_sum3A_808 : vector<512xi32> to vector<512x1xi32>
    %mul3A_810 = arith.constant 128 : i32
    %mul3A_811 = vector.broadcast %mul3A_810 : i32 to vector<512x1xi32>
    %mul3A_812 = arith.muli %broadcast_in_dim3A_809, %mul3A_811 : vector<512x1xi32>
    %add3A_813 = arith.addi %mul3A_812, %select_n3A_801 : vector<512x1xi32>
    %swap3A_814 = arith.constant 0 : index
    %swap3A_815 = arith.constant 7 : index
    %swap3A_816 = vector.load %arg3[%swap3A_814, %swap3A_815] : memref<512x10xf32, #tpu.memory_space<vmem>>, vector<512x1xf32>
    tpu.vector_store %arg3[%swap3A_814, %swap3A_815], %broadcast_in_dim3A_740 {strides = array<i32>} : memref<512x10xf32, #tpu.memory_space<vmem>>, vector<512x1xf32>,
    %swap3A_817 = arith.constant 0 : index
    %swap3A_818 = arith.constant 7 : index
    %swap3A_819 = vector.load %arg4[%swap3A_817, %swap3A_818] : memref<512x10xi32, #tpu.memory_space<vmem>>, vector<512x1xi32>
    tpu.vector_store %arg4[%swap3A_817, %swap3A_818], %add3A_813 {strides = array<i32>} : memref<512x10xi32, #tpu.memory_space<vmem>>, vector<512x1xi32>,
    %swap3A_820 = arith.constant 0 : index
    %swap3A_821 = arith.constant 14 : index
    %swap3A_822 = vector.load %arg5[%swap3A_820, %swap3A_821] : memref<512x20xi32, #tpu.memory_space<vmem>>, vector<512x1xi32>
    tpu.vector_store %arg5[%swap3A_820, %swap3A_821], %add3A_813 {strides = array<i32>} : memref<512x20xi32, #tpu.memory_space<vmem>>, vector<512x1xi32>,
    %add3A_823 = arith.constant 8192 : i32
    %add3A_824 = vector.broadcast %add3A_823 : i32 to vector<512x1xi32>
    %add3A_825 = arith.addi %add3A_813, %add3A_824 : vector<512x1xi32>
    %swap3A_826 = arith.constant 0 : index
    %swap3A_827 = arith.constant 15 : index
    %swap3A_828 = vector.load %arg5[%swap3A_826, %swap3A_827] : memref<512x20xi32, #tpu.memory_space<vmem>>, vector<512x1xi32>
    tpu.vector_store %arg5[%swap3A_826, %swap3A_827], %add3A_825 {strides = array<i32>} : memref<512x20xi32, #tpu.memory_space<vmem>>, vector<512x1xi32>,
    %eq3A_829 = vector.broadcast %broadcast_in_dim3A_748 : vector<512x1xi32> to vector<512x1280xi32>
    %eq3A_830 = arith.cmpi eq, %iota3A_74, %eq3A_829 : vector<512x1280xi32>
    %jit3A_831 = arith.constant 0xFF800000 : f32
    %broadcast_in_dim3A_832 = vector.broadcast %jit3A_831 : f32 to vector<512x1280xf32>
    %select_n3A_833 = arith.select %eq3A_830, %broadcast_in_dim3A_832, %select_n3A_737 : vector<512x1280xi1>, vector<512x1280xf32>
    %reduce_max3A_834 = arith.constant dense<0xFF800000> : vector<512xf32>
    %reduce_max3A_835 = vector.multi_reduction <maximumf>, %select_n3A_833, %reduce_max3A_834 [1] : vector<512x1280xf32> to vector<512xf32>
    %broadcast_in_dim3A_836 = vector.shape_cast %reduce_max3A_835 : vector<512xf32> to vector<512x1xf32>
    %eq3A_837 = vector.broadcast %broadcast_in_dim3A_836 : vector<512x1xf32> to vector<512x1280xf32>
    %eq3A_838 = arith.cmpf oeq, %select_n3A_833, %eq3A_837 : vector<512x1280xf32>
    %jit3A_839 = arith.constant 1280 : i32
    %broadcast_in_dim3A_840 = vector.broadcast %jit3A_839 : i32 to vector<512x1280xi32>
    %select_n3A_841 = arith.select %eq3A_838, %iota3A_74, %broadcast_in_dim3A_840 : vector<512x1280xi1>, vector<512x1280xi32>
    %reduce_min3A_842 = arith.constant dense<2147483647> : vector<512xi32>
    %reduce_min3A_843 = vector.multi_reduction <minsi>, %select_n3A_841, %reduce_min3A_842 [1] : vector<512x1280xi32> to vector<512xi32>
    %broadcast_in_dim3A_844 = vector.shape_cast %reduce_min3A_843 : vector<512xi32> to vector<512x1xi32>
    %jit3A_845 = arith.constant 128 : i32
    %div3A_846 = vector.broadcast %jit3A_845 : i32 to vector<512x1xi32>
    %div3A_847 = arith.divsi %broadcast_in_dim3A_844, %div3A_846 : vector<512x1xi32>
    %sign3A_848 = arith.constant 0 : i32
    %sign3A_849 = vector.broadcast %sign3A_848 : i32 to vector<512x1xi32>
    %sign3A_850 = arith.cmpi sgt, %broadcast_in_dim3A_844, %sign3A_849 : vector<512x1xi32>
    %sign3A_851 = arith.extui %sign3A_850 : vector<512x1xi1> to vector<512x1xi32>
    %sign3A_852 = arith.constant 0 : i32
    %sign3A_853 = vector.broadcast %sign3A_852 : i32 to vector<512x1xi32>
    %sign3A_854 = arith.cmpi slt, %broadcast_in_dim3A_844, %sign3A_853 : vector<512x1xi32>
    %sign3A_855 = arith.extui %sign3A_854 : vector<512x1xi1> to vector<512x1xi32>
    %sign3A_856 = arith.subi %sign3A_851, %sign3A_855 : vector<512x1xi32>
    %sign3A_857 = arith.constant 0 : i32
    %sign3A_858 = arith.cmpi sgt, %jit3A_845, %sign3A_857 : i32
    %sign3A_859 = arith.extui %sign3A_858 : i1 to i32
    %sign3A_860 = arith.constant 0 : i32
    %sign3A_861 = arith.cmpi slt, %jit3A_845, %sign3A_860 : i32
    %sign3A_862 = arith.extui %sign3A_861 : i1 to i32
    %sign3A_863 = arith.subi %sign3A_859, %sign3A_862 : i32
    %ne3A_864 = vector.broadcast %sign3A_863 : i32 to vector<512x1xi32>
    %ne3A_865 = arith.cmpi ne, %sign3A_856, %ne3A_864 : vector<512x1xi32>
    %rem3A_866 = vector.broadcast %jit3A_845 : i32 to vector<512x1xi32>
    %rem3A_867 = arith.remsi %broadcast_in_dim3A_844, %rem3A_866 : vector<512x1xi32>
    %ne3A_868 = arith.constant 0 : i32
    %ne3A_869 = vector.broadcast %ne3A_868 : i32 to vector<512x1xi32>
    %ne3A_870 = arith.cmpi ne, %rem3A_867, %ne3A_869 : vector<512x1xi32>
    %and3A_871 = arith.andi %ne3A_865, %ne3A_870 : vector<512x1xi1>
    %sub3A_872 = arith.constant 1 : i32
    %sub3A_873 = vector.broadcast %sub3A_872 : i32 to vector<512x1xi32>
    %sub3A_874 = arith.subi %div3A_847, %sub3A_873 : vector<512x1xi32>
    %select_n3A_875 = arith.select %and3A_871, %sub3A_874, %div3A_847 : vector<512x1xi1>, vector<512x1xi32>
    %jit3A_876 = arith.constant 128 : i32
    %eq3A_877 = arith.constant 0 : i32
    %eq3A_878 = arith.cmpi eq, %jit3A_876, %eq3A_877 : i32
    %jit3A_879 = arith.constant 1 : i32
    %select_n3A_880 = arith.select %eq3A_878, %jit3A_879, %jit3A_876 : i32
    %rem3A_881 = vector.broadcast %select_n3A_880 : i32 to vector<512x1xi32>
    %rem3A_882 = arith.remsi %broadcast_in_dim3A_844, %rem3A_881 : vector<512x1xi32>
    %ne3A_883 = arith.constant 0 : i32
    %ne3A_884 = vector.broadcast %ne3A_883 : i32 to vector<512x1xi32>
    %ne3A_885 = arith.cmpi ne, %rem3A_882, %ne3A_884 : vector<512x1xi32>
    %lt3A_886 = arith.constant 0 : i32
    %lt3A_887 = vector.broadcast %lt3A_886 : i32 to vector<512x1xi32>
    %lt3A_888 = arith.cmpi slt, %rem3A_882, %lt3A_887 : vector<512x1xi32>
    %lt3A_889 = arith.constant 0 : i32
    %lt3A_890 = arith.cmpi slt, %select_n3A_880, %lt3A_889 : i32
    %ne3A_891 = vector.broadcast %lt3A_890 : i1 to vector<512x1xi1>
    %ne3A_892 = vector.broadcast %ne3A_891 : vector<512x1xi1> to vector<512x1xi1>
    %ne3A_893 = arith.xori %lt3A_888, %ne3A_892 : vector<512x1xi1>
    %and3A_894 = arith.andi %ne3A_893, %ne3A_885 : vector<512x1xi1>
    %add3A_895 = vector.broadcast %select_n3A_880 : i32 to vector<512x1xi32>
    %add3A_896 = arith.addi %rem3A_882, %add3A_895 : vector<512x1xi32>
    %select_n3A_897 = arith.select %and3A_894, %add3A_896, %rem3A_882 : vector<512x1xi1>, vector<512x1xi32>
    %eq3A_898 = vector.broadcast %select_n3A_875 : vector<512x1xi32> to vector<512x10xi32>
    %eq3A_899 = arith.cmpi eq, %iota3A, %eq3A_898 : vector<512x10xi32>
    %jit3A_900 = arith.constant 0 : i32
    %broadcast_in_dim3A_901 = vector.broadcast %jit3A_900 : i32 to vector<512x10xi32>
    %select_n3A_902 = arith.select %eq3A_899, %select_n3A, %broadcast_in_dim3A_901 : vector<512x10xi1>, vector<512x10xi32>
    %reduce_sum3A_903 = arith.constant dense<0> : vector<512xi32>
    %reduce_sum3A_904 = vector.multi_reduction <add>, %select_n3A_902, %reduce_sum3A_903 [1] : vector<512x10xi32> to vector<512xi32>
    %broadcast_in_dim3A_905 = vector.shape_cast %reduce_sum3A_904 : vector<512xi32> to vector<512x1xi32>
    %mul3A_906 = arith.constant 128 : i32
    %mul3A_907 = vector.broadcast %mul3A_906 : i32 to vector<512x1xi32>
    %mul3A_908 = arith.muli %broadcast_in_dim3A_905, %mul3A_907 : vector<512x1xi32>
    %add3A_909 = arith.addi %mul3A_908, %select_n3A_897 : vector<512x1xi32>
    %swap3A_910 = arith.constant 0 : index
    %swap3A_911 = arith.constant 8 : index
    %swap3A_912 = vector.load %arg3[%swap3A_910, %swap3A_911] : memref<512x10xf32, #tpu.memory_space<vmem>>, vector<512x1xf32>
    tpu.vector_store %arg3[%swap3A_910, %swap3A_911], %broadcast_in_dim3A_836 {strides = array<i32>} : memref<512x10xf32, #tpu.memory_space<vmem>>, vector<512x1xf32>,
    %swap3A_913 = arith.constant 0 : index
    %swap3A_914 = arith.constant 8 : index
    %swap3A_915 = vector.load %arg4[%swap3A_913, %swap3A_914] : memref<512x10xi32, #tpu.memory_space<vmem>>, vector<512x1xi32>
    tpu.vector_store %arg4[%swap3A_913, %swap3A_914], %add3A_909 {strides = array<i32>} : memref<512x10xi32, #tpu.memory_space<vmem>>, vector<512x1xi32>,
    %swap3A_916 = arith.constant 0 : index
    %swap3A_917 = arith.constant 16 : index
    %swap3A_918 = vector.load %arg5[%swap3A_916, %swap3A_917] : memref<512x20xi32, #tpu.memory_space<vmem>>, vector<512x1xi32>
    tpu.vector_store %arg5[%swap3A_916, %swap3A_917], %add3A_909 {strides = array<i32>} : memref<512x20xi32, #tpu.memory_space<vmem>>, vector<512x1xi32>,
    %add3A_919 = arith.constant 8192 : i32
    %add3A_920 = vector.broadcast %add3A_919 : i32 to vector<512x1xi32>
    %add3A_921 = arith.addi %add3A_909, %add3A_920 : vector<512x1xi32>
    %swap3A_922 = arith.constant 0 : index
    %swap3A_923 = arith.constant 17 : index
    %swap3A_924 = vector.load %arg5[%swap3A_922, %swap3A_923] : memref<512x20xi32, #tpu.memory_space<vmem>>, vector<512x1xi32>
    tpu.vector_store %arg5[%swap3A_922, %swap3A_923], %add3A_921 {strides = array<i32>} : memref<512x20xi32, #tpu.memory_space<vmem>>, vector<512x1xi32>,
    %eq3A_925 = vector.broadcast %broadcast_in_dim3A_844 : vector<512x1xi32> to vector<512x1280xi32>
    %eq3A_926 = arith.cmpi eq, %iota3A_74, %eq3A_925 : vector<512x1280xi32>
    %jit3A_927 = arith.constant 0xFF800000 : f32
    %broadcast_in_dim3A_928 = vector.broadcast %jit3A_927 : f32 to vector<512x1280xf32>
    %select_n3A_929 = arith.select %eq3A_926, %broadcast_in_dim3A_928, %select_n3A_833 : vector<512x1280xi1>, vector<512x1280xf32>
    %reduce_max3A_930 = arith.constant dense<0xFF800000> : vector<512xf32>
    %reduce_max3A_931 = vector.multi_reduction <maximumf>, %select_n3A_929, %reduce_max3A_930 [1] : vector<512x1280xf32> to vector<512xf32>
    %broadcast_in_dim3A_932 = vector.shape_cast %reduce_max3A_931 : vector<512xf32> to vector<512x1xf32>
    %eq3A_933 = vector.broadcast %broadcast_in_dim3A_932 : vector<512x1xf32> to vector<512x1280xf32>
    %eq3A_934 = arith.cmpf oeq, %select_n3A_929, %eq3A_933 : vector<512x1280xf32>
    %jit3A_935 = arith.constant 1280 : i32
    %broadcast_in_dim3A_936 = vector.broadcast %jit3A_935 : i32 to vector<512x1280xi32>
    %select_n3A_937 = arith.select %eq3A_934, %iota3A_74, %broadcast_in_dim3A_936 : vector<512x1280xi1>, vector<512x1280xi32>
    %reduce_min3A_938 = arith.constant dense<2147483647> : vector<512xi32>
    %reduce_min3A_939 = vector.multi_reduction <minsi>, %select_n3A_937, %reduce_min3A_938 [1] : vector<512x1280xi32> to vector<512xi32>
    %broadcast_in_dim3A_940 = vector.shape_cast %reduce_min3A_939 : vector<512xi32> to vector<512x1xi32>
    %jit3A_941 = arith.constant 128 : i32
    %div3A_942 = vector.broadcast %jit3A_941 : i32 to vector<512x1xi32>
    %div3A_943 = arith.divsi %broadcast_in_dim3A_940, %div3A_942 : vector<512x1xi32>
    %sign3A_944 = arith.constant 0 : i32
    %sign3A_945 = vector.broadcast %sign3A_944 : i32 to vector<512x1xi32>
    %sign3A_946 = arith.cmpi sgt, %broadcast_in_dim3A_940, %sign3A_945 : vector<512x1xi32>
    %sign3A_947 = arith.extui %sign3A_946 : vector<512x1xi1> to vector<512x1xi32>
    %sign3A_948 = arith.constant 0 : i32
    %sign3A_949 = vector.broadcast %sign3A_948 : i32 to vector<512x1xi32>
    %sign3A_950 = arith.cmpi slt, %broadcast_in_dim3A_940, %sign3A_949 : vector<512x1xi32>
    %sign3A_951 = arith.extui %sign3A_950 : vector<512x1xi1> to vector<512x1xi32>
    %sign3A_952 = arith.subi %sign3A_947, %sign3A_951 : vector<512x1xi32>
    %sign3A_953 = arith.constant 0 : i32
    %sign3A_954 = arith.cmpi sgt, %jit3A_941, %sign3A_953 : i32
    %sign3A_955 = arith.extui %sign3A_954 : i1 to i32
    %sign3A_956 = arith.constant 0 : i32
    %sign3A_957 = arith.cmpi slt, %jit3A_941, %sign3A_956 : i32
    %sign3A_958 = arith.extui %sign3A_957 : i1 to i32
    %sign3A_959 = arith.subi %sign3A_955, %sign3A_958 : i32
    %ne3A_960 = vector.broadcast %sign3A_959 : i32 to vector<512x1xi32>
    %ne3A_961 = arith.cmpi ne, %sign3A_952, %ne3A_960 : vector<512x1xi32>
    %rem3A_962 = vector.broadcast %jit3A_941 : i32 to vector<512x1xi32>
    %rem3A_963 = arith.remsi %broadcast_in_dim3A_940, %rem3A_962 : vector<512x1xi32>
    %ne3A_964 = arith.constant 0 : i32
    %ne3A_965 = vector.broadcast %ne3A_964 : i32 to vector<512x1xi32>
    %ne3A_966 = arith.cmpi ne, %rem3A_963, %ne3A_965 : vector<512x1xi32>
    %and3A_967 = arith.andi %ne3A_961, %ne3A_966 : vector<512x1xi1>
    %sub3A_968 = arith.constant 1 : i32
    %sub3A_969 = vector.broadcast %sub3A_968 : i32 to vector<512x1xi32>
    %sub3A_970 = arith.subi %div3A_943, %sub3A_969 : vector<512x1xi32>
    %select_n3A_971 = arith.select %and3A_967, %sub3A_970, %div3A_943 : vector<512x1xi1>, vector<512x1xi32>
    %jit3A_972 = arith.constant 128 : i32
    %eq3A_973 = arith.constant 0 : i32
    %eq3A_974 = arith.cmpi eq, %jit3A_972, %eq3A_973 : i32
    %jit3A_975 = arith.constant 1 : i32
    %select_n3A_976 = arith.select %eq3A_974, %jit3A_975, %jit3A_972 : i32
    %rem3A_977 = vector.broadcast %select_n3A_976 : i32 to vector<512x1xi32>
    %rem3A_978 = arith.remsi %broadcast_in_dim3A_940, %rem3A_977 : vector<512x1xi32>
    %ne3A_979 = arith.constant 0 : i32
    %ne3A_980 = vector.broadcast %ne3A_979 : i32 to vector<512x1xi32>
    %ne3A_981 = arith.cmpi ne, %rem3A_978, %ne3A_980 : vector<512x1xi32>
    %lt3A_982 = arith.constant 0 : i32
    %lt3A_983 = vector.broadcast %lt3A_982 : i32 to vector<512x1xi32>
    %lt3A_984 = arith.cmpi slt, %rem3A_978, %lt3A_983 : vector<512x1xi32>
    %lt3A_985 = arith.constant 0 : i32
    %lt3A_986 = arith.cmpi slt, %select_n3A_976, %lt3A_985 : i32
    %ne3A_987 = vector.broadcast %lt3A_986 : i1 to vector<512x1xi1>
    %ne3A_988 = vector.broadcast %ne3A_987 : vector<512x1xi1> to vector<512x1xi1>
    %ne3A_989 = arith.xori %lt3A_984, %ne3A_988 : vector<512x1xi1>
    %and3A_990 = arith.andi %ne3A_989, %ne3A_981 : vector<512x1xi1>
    %add3A_991 = vector.broadcast %select_n3A_976 : i32 to vector<512x1xi32>
    %add3A_992 = arith.addi %rem3A_978, %add3A_991 : vector<512x1xi32>
    %select_n3A_993 = arith.select %and3A_990, %add3A_992, %rem3A_978 : vector<512x1xi1>, vector<512x1xi32>
    %eq3A_994 = vector.broadcast %select_n3A_971 : vector<512x1xi32> to vector<512x10xi32>
    %eq3A_995 = arith.cmpi eq, %iota3A, %eq3A_994 : vector<512x10xi32>
    %jit3A_996 = arith.constant 0 : i32
    %broadcast_in_dim3A_997 = vector.broadcast %jit3A_996 : i32 to vector<512x10xi32>
    %select_n3A_998 = arith.select %eq3A_995, %select_n3A, %broadcast_in_dim3A_997 : vector<512x10xi1>, vector<512x10xi32>
    %reduce_sum3A_999 = arith.constant dense<0> : vector<512xi32>
    %reduce_sum3A_1000 = vector.multi_reduction <add>, %select_n3A_998, %reduce_sum3A_999 [1] : vector<512x10xi32> to vector<512xi32>
    %broadcast_in_dim3A_1001 = vector.shape_cast %reduce_sum3A_1000 : vector<512xi32> to vector<512x1xi32>
    %mul3A_1002 = arith.constant 128 : i32
    %mul3A_1003 = vector.broadcast %mul3A_1002 : i32 to vector<512x1xi32>
    %mul3A_1004 = arith.muli %broadcast_in_dim3A_1001, %mul3A_1003 : vector<512x1xi32>
    %add3A_1005 = arith.addi %mul3A_1004, %select_n3A_993 : vector<512x1xi32>
    %swap3A_1006 = arith.constant 0 : index
    %swap3A_1007 = arith.constant 9 : index
    %swap3A_1008 = vector.load %arg3[%swap3A_1006, %swap3A_1007] : memref<512x10xf32, #tpu.memory_space<vmem>>, vector<512x1xf32>
    tpu.vector_store %arg3[%swap3A_1006, %swap3A_1007], %broadcast_in_dim3A_932 {strides = array<i32>} : memref<512x10xf32, #tpu.memory_space<vmem>>, vector<512x1xf32>,
    %swap3A_1009 = arith.constant 0 : index
    %swap3A_1010 = arith.constant 9 : index
    %swap3A_1011 = vector.load %arg4[%swap3A_1009, %swap3A_1010] : memref<512x10xi32, #tpu.memory_space<vmem>>, vector<512x1xi32>
    tpu.vector_store %arg4[%swap3A_1009, %swap3A_1010], %add3A_1005 {strides = array<i32>} : memref<512x10xi32, #tpu.memory_space<vmem>>, vector<512x1xi32>,
    %swap3A_1012 = arith.constant 0 : index
    %swap3A_1013 = arith.constant 18 : index
    %swap3A_1014 = vector.load %arg5[%swap3A_1012, %swap3A_1013] : memref<512x20xi32, #tpu.memory_space<vmem>>, vector<512x1xi32>
    tpu.vector_store %arg5[%swap3A_1012, %swap3A_1013], %add3A_1005 {strides = array<i32>} : memref<512x20xi32, #tpu.memory_space<vmem>>, vector<512x1xi32>,
    %add3A_1015 = arith.constant 8192 : i32
    %add3A_1016 = vector.broadcast %add3A_1015 : i32 to vector<512x1xi32>
    %add3A_1017 = arith.addi %add3A_1005, %add3A_1016 : vector<512x1xi32>
    %swap3A_1018 = arith.constant 0 : index
    %swap3A_1019 = arith.constant 19 : index
    %swap3A_1020 = vector.load %arg5[%swap3A_1018, %swap3A_1019] : memref<512x20xi32, #tpu.memory_space<vmem>>, vector<512x1xi32>
    tpu.vector_store %arg5[%swap3A_1018, %swap3A_1019], %add3A_1017 {strides = array<i32>} : memref<512x20xi32, #tpu.memory_space<vmem>>, vector<512x1xi32>,
    return
  }
  func.func @transform_0(%arg0: i32) -> (i32, i32, i32) {
    %c0_i32 = arith.constant 0 : i32
    %c0_i32_0 = arith.constant 0 : i32
    %c0_i32_1 = arith.constant 0 : i32
    return %arg0, %c0_i32, %c0_i32_0 : i32, i32, i32
  }
  func.func @transform_1(%arg0: i32) -> (i32, i32) {
    %c0_i32 = arith.constant 0 : i32
    %c0_i32_0 = arith.constant 0 : i32
    return %arg0, %c0_i32 : i32, i32
  }
  func.func @transform_2(%arg0: i32) -> (i32, i32) {
    %c0_i32 = arith.constant 0 : i32
    %c0_i32_0 = arith.constant 0 : i32
    return %arg0, %c0_i32 : i32, i32
  }
  func.func @transform_3(%arg0: i32) -> (i32, i32) {
    %c0_i32 = arith.constant 0 : i32
    %c0_i32_0 = arith.constant 0 : i32
    return %arg0, %c0_i32 : i32, i32
  }
  func.func @transform_4(%arg0: i32) -> (i32, i32) {
    %c0_i32 = arith.constant 0 : i32
    %c0_i32_0 = arith.constant 0 : i32
    return %arg0, %c0_i32 : i32, i32
  }
}

module attributes {stable_mosaic.version = 14 : i64} {
  func.func @_diff_kernel(%arg0: i32, %arg1: memref<64x10x2x128xf32, #tpu.memory_space<vmem>>, %arg2: memref<64x256xf32, #tpu.memory_space<vmem>>, %arg3: memref<64x10x256xf32, #tpu.memory_space<vmem>>) attributes {dimension_semantics = [#tpu.dimension_semantics<arbitrary>], iteration_bounds = array<i64: 128>, scalar_prefetch = 0 : i64, scratch_operands = 0 : i64, tpu.core_type = #tpu.core_type<tc>, window_params = [{transform_indices = @transform_0, window_bounds = array<i64: 64, 10, 2, 128>}, {transform_indices = @transform_1, window_bounds = array<i64: 64, 256>}, {transform_indices = @transform_2, window_bounds = array<i64: 64, 10, 256>}]} {
    %get3A = arith.constant 0 : index
    %get3A_0 = arith.constant 0 : index
    %get3A_1 = vector.load %arg2[%get3A, %get3A_0] : memref<64x256xf32, #tpu.memory_space<vmem>>, vector<64x256xf32>
    %get3A_2 = arith.constant 0 : index
    %get3A_3 = arith.constant 0 : index
    %get3A_4 = arith.constant 0 : index
    %get3A_5 = arith.constant 0 : index
    %get3A_6 = vector.load %arg1[%get3A_2, %get3A_3, %get3A_4, %get3A_5] : memref<64x10x2x128xf32, #tpu.memory_space<vmem>>, vector<64x1x1x128xf32>
    %get3A_7 = vector.shape_cast %get3A_6 : vector<64x1x1x128xf32> to vector<64x128xf32>
    %slice3A = vector.extract_strided_slice %get3A_1 {offsets = [0, 0], sizes = [64, 128], strides = [1, 1]} : vector<64x256xf32> to vector<64x128xf32>
    %sub3A = arith.subf %get3A_7, %slice3A : vector<64x128xf32>
    %swap3A = arith.constant 0 : index
    %swap3A_8 = arith.constant 0 : index
    %swap3A_9 = arith.constant 0 : index
    %swap3A_10 = vector.load %arg3[%swap3A, %swap3A_8, %swap3A_9] : memref<64x10x256xf32, #tpu.memory_space<vmem>>, vector<64x1x128xf32>
    %swap3A_11 = vector.shape_cast %swap3A_10 : vector<64x1x128xf32> to vector<64x128xf32>
    %swap3A_12 = vector.shape_cast %sub3A : vector<64x128xf32> to vector<64x1x128xf32>
    tpu.vector_store %arg3[%swap3A, %swap3A_8, %swap3A_9], %swap3A_12 {strides = array<i32>} : memref<64x10x256xf32, #tpu.memory_space<vmem>>, vector<64x1x128xf32>,
    %get3A_13 = arith.constant 0 : index
    %get3A_14 = arith.constant 0 : index
    %get3A_15 = arith.constant 1 : index
    %get3A_16 = arith.constant 0 : index
    %get3A_17 = vector.load %arg1[%get3A_13, %get3A_14, %get3A_15, %get3A_16] : memref<64x10x2x128xf32, #tpu.memory_space<vmem>>, vector<64x1x1x128xf32>
    %get3A_18 = vector.shape_cast %get3A_17 : vector<64x1x1x128xf32> to vector<64x128xf32>
    %slice3A_19 = vector.extract_strided_slice %get3A_1 {offsets = [0, 128], sizes = [64, 128], strides = [1, 1]} : vector<64x256xf32> to vector<64x128xf32>
    %sub3A_20 = arith.subf %get3A_18, %slice3A_19 : vector<64x128xf32>
    %swap3A_21 = arith.constant 0 : index
    %swap3A_22 = arith.constant 0 : index
    %swap3A_23 = arith.constant 128 : index
    %swap3A_24 = vector.load %arg3[%swap3A_21, %swap3A_22, %swap3A_23] : memref<64x10x256xf32, #tpu.memory_space<vmem>>, vector<64x1x128xf32>
    %swap3A_25 = vector.shape_cast %swap3A_24 : vector<64x1x128xf32> to vector<64x128xf32>
    %swap3A_26 = vector.shape_cast %sub3A_20 : vector<64x128xf32> to vector<64x1x128xf32>
    tpu.vector_store %arg3[%swap3A_21, %swap3A_22, %swap3A_23], %swap3A_26 {strides = array<i32>} : memref<64x10x256xf32, #tpu.memory_space<vmem>>, vector<64x1x128xf32>,
    %get3A_27 = arith.constant 0 : index
    %get3A_28 = arith.constant 1 : index
    %get3A_29 = arith.constant 0 : index
    %get3A_30 = arith.constant 0 : index
    %get3A_31 = vector.load %arg1[%get3A_27, %get3A_28, %get3A_29, %get3A_30] : memref<64x10x2x128xf32, #tpu.memory_space<vmem>>, vector<64x1x1x128xf32>
    %get3A_32 = vector.shape_cast %get3A_31 : vector<64x1x1x128xf32> to vector<64x128xf32>
    %slice3A_33 = vector.extract_strided_slice %get3A_1 {offsets = [0, 0], sizes = [64, 128], strides = [1, 1]} : vector<64x256xf32> to vector<64x128xf32>
    %sub3A_34 = arith.subf %get3A_32, %slice3A_33 : vector<64x128xf32>
    %swap3A_35 = arith.constant 0 : index
    %swap3A_36 = arith.constant 1 : index
    %swap3A_37 = arith.constant 0 : index
    %swap3A_38 = vector.load %arg3[%swap3A_35, %swap3A_36, %swap3A_37] : memref<64x10x256xf32, #tpu.memory_space<vmem>>, vector<64x1x128xf32>
    %swap3A_39 = vector.shape_cast %swap3A_38 : vector<64x1x128xf32> to vector<64x128xf32>
    %swap3A_40 = vector.shape_cast %sub3A_34 : vector<64x128xf32> to vector<64x1x128xf32>
    tpu.vector_store %arg3[%swap3A_35, %swap3A_36, %swap3A_37], %swap3A_40 {strides = array<i32>} : memref<64x10x256xf32, #tpu.memory_space<vmem>>, vector<64x1x128xf32>,
    %get3A_41 = arith.constant 0 : index
    %get3A_42 = arith.constant 1 : index
    %get3A_43 = arith.constant 1 : index
    %get3A_44 = arith.constant 0 : index
    %get3A_45 = vector.load %arg1[%get3A_41, %get3A_42, %get3A_43, %get3A_44] : memref<64x10x2x128xf32, #tpu.memory_space<vmem>>, vector<64x1x1x128xf32>
    %get3A_46 = vector.shape_cast %get3A_45 : vector<64x1x1x128xf32> to vector<64x128xf32>
    %slice3A_47 = vector.extract_strided_slice %get3A_1 {offsets = [0, 128], sizes = [64, 128], strides = [1, 1]} : vector<64x256xf32> to vector<64x128xf32>
    %sub3A_48 = arith.subf %get3A_46, %slice3A_47 : vector<64x128xf32>
    %swap3A_49 = arith.constant 0 : index
    %swap3A_50 = arith.constant 1 : index
    %swap3A_51 = arith.constant 128 : index
    %swap3A_52 = vector.load %arg3[%swap3A_49, %swap3A_50, %swap3A_51] : memref<64x10x256xf32, #tpu.memory_space<vmem>>, vector<64x1x128xf32>
    %swap3A_53 = vector.shape_cast %swap3A_52 : vector<64x1x128xf32> to vector<64x128xf32>
    %swap3A_54 = vector.shape_cast %sub3A_48 : vector<64x128xf32> to vector<64x1x128xf32>
    tpu.vector_store %arg3[%swap3A_49, %swap3A_50, %swap3A_51], %swap3A_54 {strides = array<i32>} : memref<64x10x256xf32, #tpu.memory_space<vmem>>, vector<64x1x128xf32>,
    %get3A_55 = arith.constant 0 : index
    %get3A_56 = arith.constant 2 : index
    %get3A_57 = arith.constant 0 : index
    %get3A_58 = arith.constant 0 : index
    %get3A_59 = vector.load %arg1[%get3A_55, %get3A_56, %get3A_57, %get3A_58] : memref<64x10x2x128xf32, #tpu.memory_space<vmem>>, vector<64x1x1x128xf32>
    %get3A_60 = vector.shape_cast %get3A_59 : vector<64x1x1x128xf32> to vector<64x128xf32>
    %slice3A_61 = vector.extract_strided_slice %get3A_1 {offsets = [0, 0], sizes = [64, 128], strides = [1, 1]} : vector<64x256xf32> to vector<64x128xf32>
    %sub3A_62 = arith.subf %get3A_60, %slice3A_61 : vector<64x128xf32>
    %swap3A_63 = arith.constant 0 : index
    %swap3A_64 = arith.constant 2 : index
    %swap3A_65 = arith.constant 0 : index
    %swap3A_66 = vector.load %arg3[%swap3A_63, %swap3A_64, %swap3A_65] : memref<64x10x256xf32, #tpu.memory_space<vmem>>, vector<64x1x128xf32>
    %swap3A_67 = vector.shape_cast %swap3A_66 : vector<64x1x128xf32> to vector<64x128xf32>
    %swap3A_68 = vector.shape_cast %sub3A_62 : vector<64x128xf32> to vector<64x1x128xf32>
    tpu.vector_store %arg3[%swap3A_63, %swap3A_64, %swap3A_65], %swap3A_68 {strides = array<i32>} : memref<64x10x256xf32, #tpu.memory_space<vmem>>, vector<64x1x128xf32>,
    %get3A_69 = arith.constant 0 : index
    %get3A_70 = arith.constant 2 : index
    %get3A_71 = arith.constant 1 : index
    %get3A_72 = arith.constant 0 : index
    %get3A_73 = vector.load %arg1[%get3A_69, %get3A_70, %get3A_71, %get3A_72] : memref<64x10x2x128xf32, #tpu.memory_space<vmem>>, vector<64x1x1x128xf32>
    %get3A_74 = vector.shape_cast %get3A_73 : vector<64x1x1x128xf32> to vector<64x128xf32>
    %slice3A_75 = vector.extract_strided_slice %get3A_1 {offsets = [0, 128], sizes = [64, 128], strides = [1, 1]} : vector<64x256xf32> to vector<64x128xf32>
    %sub3A_76 = arith.subf %get3A_74, %slice3A_75 : vector<64x128xf32>
    %swap3A_77 = arith.constant 0 : index
    %swap3A_78 = arith.constant 2 : index
    %swap3A_79 = arith.constant 128 : index
    %swap3A_80 = vector.load %arg3[%swap3A_77, %swap3A_78, %swap3A_79] : memref<64x10x256xf32, #tpu.memory_space<vmem>>, vector<64x1x128xf32>
    %swap3A_81 = vector.shape_cast %swap3A_80 : vector<64x1x128xf32> to vector<64x128xf32>
    %swap3A_82 = vector.shape_cast %sub3A_76 : vector<64x128xf32> to vector<64x1x128xf32>
    tpu.vector_store %arg3[%swap3A_77, %swap3A_78, %swap3A_79], %swap3A_82 {strides = array<i32>} : memref<64x10x256xf32, #tpu.memory_space<vmem>>, vector<64x1x128xf32>,
    %get3A_83 = arith.constant 0 : index
    %get3A_84 = arith.constant 3 : index
    %get3A_85 = arith.constant 0 : index
    %get3A_86 = arith.constant 0 : index
    %get3A_87 = vector.load %arg1[%get3A_83, %get3A_84, %get3A_85, %get3A_86] : memref<64x10x2x128xf32, #tpu.memory_space<vmem>>, vector<64x1x1x128xf32>
    %get3A_88 = vector.shape_cast %get3A_87 : vector<64x1x1x128xf32> to vector<64x128xf32>
    %slice3A_89 = vector.extract_strided_slice %get3A_1 {offsets = [0, 0], sizes = [64, 128], strides = [1, 1]} : vector<64x256xf32> to vector<64x128xf32>
    %sub3A_90 = arith.subf %get3A_88, %slice3A_89 : vector<64x128xf32>
    %swap3A_91 = arith.constant 0 : index
    %swap3A_92 = arith.constant 3 : index
    %swap3A_93 = arith.constant 0 : index
    %swap3A_94 = vector.load %arg3[%swap3A_91, %swap3A_92, %swap3A_93] : memref<64x10x256xf32, #tpu.memory_space<vmem>>, vector<64x1x128xf32>
    %swap3A_95 = vector.shape_cast %swap3A_94 : vector<64x1x128xf32> to vector<64x128xf32>
    %swap3A_96 = vector.shape_cast %sub3A_90 : vector<64x128xf32> to vector<64x1x128xf32>
    tpu.vector_store %arg3[%swap3A_91, %swap3A_92, %swap3A_93], %swap3A_96 {strides = array<i32>} : memref<64x10x256xf32, #tpu.memory_space<vmem>>, vector<64x1x128xf32>,
    %get3A_97 = arith.constant 0 : index
    %get3A_98 = arith.constant 3 : index
    %get3A_99 = arith.constant 1 : index
    %get3A_100 = arith.constant 0 : index
    %get3A_101 = vector.load %arg1[%get3A_97, %get3A_98, %get3A_99, %get3A_100] : memref<64x10x2x128xf32, #tpu.memory_space<vmem>>, vector<64x1x1x128xf32>
    %get3A_102 = vector.shape_cast %get3A_101 : vector<64x1x1x128xf32> to vector<64x128xf32>
    %slice3A_103 = vector.extract_strided_slice %get3A_1 {offsets = [0, 128], sizes = [64, 128], strides = [1, 1]} : vector<64x256xf32> to vector<64x128xf32>
    %sub3A_104 = arith.subf %get3A_102, %slice3A_103 : vector<64x128xf32>
    %swap3A_105 = arith.constant 0 : index
    %swap3A_106 = arith.constant 3 : index
    %swap3A_107 = arith.constant 128 : index
    %swap3A_108 = vector.load %arg3[%swap3A_105, %swap3A_106, %swap3A_107] : memref<64x10x256xf32, #tpu.memory_space<vmem>>, vector<64x1x128xf32>
    %swap3A_109 = vector.shape_cast %swap3A_108 : vector<64x1x128xf32> to vector<64x128xf32>
    %swap3A_110 = vector.shape_cast %sub3A_104 : vector<64x128xf32> to vector<64x1x128xf32>
    tpu.vector_store %arg3[%swap3A_105, %swap3A_106, %swap3A_107], %swap3A_110 {strides = array<i32>} : memref<64x10x256xf32, #tpu.memory_space<vmem>>, vector<64x1x128xf32>,
    %get3A_111 = arith.constant 0 : index
    %get3A_112 = arith.constant 4 : index
    %get3A_113 = arith.constant 0 : index
    %get3A_114 = arith.constant 0 : index
    %get3A_115 = vector.load %arg1[%get3A_111, %get3A_112, %get3A_113, %get3A_114] : memref<64x10x2x128xf32, #tpu.memory_space<vmem>>, vector<64x1x1x128xf32>
    %get3A_116 = vector.shape_cast %get3A_115 : vector<64x1x1x128xf32> to vector<64x128xf32>
    %slice3A_117 = vector.extract_strided_slice %get3A_1 {offsets = [0, 0], sizes = [64, 128], strides = [1, 1]} : vector<64x256xf32> to vector<64x128xf32>
    %sub3A_118 = arith.subf %get3A_116, %slice3A_117 : vector<64x128xf32>
    %swap3A_119 = arith.constant 0 : index
    %swap3A_120 = arith.constant 4 : index
    %swap3A_121 = arith.constant 0 : index
    %swap3A_122 = vector.load %arg3[%swap3A_119, %swap3A_120, %swap3A_121] : memref<64x10x256xf32, #tpu.memory_space<vmem>>, vector<64x1x128xf32>
    %swap3A_123 = vector.shape_cast %swap3A_122 : vector<64x1x128xf32> to vector<64x128xf32>
    %swap3A_124 = vector.shape_cast %sub3A_118 : vector<64x128xf32> to vector<64x1x128xf32>
    tpu.vector_store %arg3[%swap3A_119, %swap3A_120, %swap3A_121], %swap3A_124 {strides = array<i32>} : memref<64x10x256xf32, #tpu.memory_space<vmem>>, vector<64x1x128xf32>,
    %get3A_125 = arith.constant 0 : index
    %get3A_126 = arith.constant 4 : index
    %get3A_127 = arith.constant 1 : index
    %get3A_128 = arith.constant 0 : index
    %get3A_129 = vector.load %arg1[%get3A_125, %get3A_126, %get3A_127, %get3A_128] : memref<64x10x2x128xf32, #tpu.memory_space<vmem>>, vector<64x1x1x128xf32>
    %get3A_130 = vector.shape_cast %get3A_129 : vector<64x1x1x128xf32> to vector<64x128xf32>
    %slice3A_131 = vector.extract_strided_slice %get3A_1 {offsets = [0, 128], sizes = [64, 128], strides = [1, 1]} : vector<64x256xf32> to vector<64x128xf32>
    %sub3A_132 = arith.subf %get3A_130, %slice3A_131 : vector<64x128xf32>
    %swap3A_133 = arith.constant 0 : index
    %swap3A_134 = arith.constant 4 : index
    %swap3A_135 = arith.constant 128 : index
    %swap3A_136 = vector.load %arg3[%swap3A_133, %swap3A_134, %swap3A_135] : memref<64x10x256xf32, #tpu.memory_space<vmem>>, vector<64x1x128xf32>
    %swap3A_137 = vector.shape_cast %swap3A_136 : vector<64x1x128xf32> to vector<64x128xf32>
    %swap3A_138 = vector.shape_cast %sub3A_132 : vector<64x128xf32> to vector<64x1x128xf32>
    tpu.vector_store %arg3[%swap3A_133, %swap3A_134, %swap3A_135], %swap3A_138 {strides = array<i32>} : memref<64x10x256xf32, #tpu.memory_space<vmem>>, vector<64x1x128xf32>,
    %get3A_139 = arith.constant 0 : index
    %get3A_140 = arith.constant 5 : index
    %get3A_141 = arith.constant 0 : index
    %get3A_142 = arith.constant 0 : index
    %get3A_143 = vector.load %arg1[%get3A_139, %get3A_140, %get3A_141, %get3A_142] : memref<64x10x2x128xf32, #tpu.memory_space<vmem>>, vector<64x1x1x128xf32>
    %get3A_144 = vector.shape_cast %get3A_143 : vector<64x1x1x128xf32> to vector<64x128xf32>
    %slice3A_145 = vector.extract_strided_slice %get3A_1 {offsets = [0, 0], sizes = [64, 128], strides = [1, 1]} : vector<64x256xf32> to vector<64x128xf32>
    %sub3A_146 = arith.subf %get3A_144, %slice3A_145 : vector<64x128xf32>
    %swap3A_147 = arith.constant 0 : index
    %swap3A_148 = arith.constant 5 : index
    %swap3A_149 = arith.constant 0 : index
    %swap3A_150 = vector.load %arg3[%swap3A_147, %swap3A_148, %swap3A_149] : memref<64x10x256xf32, #tpu.memory_space<vmem>>, vector<64x1x128xf32>
    %swap3A_151 = vector.shape_cast %swap3A_150 : vector<64x1x128xf32> to vector<64x128xf32>
    %swap3A_152 = vector.shape_cast %sub3A_146 : vector<64x128xf32> to vector<64x1x128xf32>
    tpu.vector_store %arg3[%swap3A_147, %swap3A_148, %swap3A_149], %swap3A_152 {strides = array<i32>} : memref<64x10x256xf32, #tpu.memory_space<vmem>>, vector<64x1x128xf32>,
    %get3A_153 = arith.constant 0 : index
    %get3A_154 = arith.constant 5 : index
    %get3A_155 = arith.constant 1 : index
    %get3A_156 = arith.constant 0 : index
    %get3A_157 = vector.load %arg1[%get3A_153, %get3A_154, %get3A_155, %get3A_156] : memref<64x10x2x128xf32, #tpu.memory_space<vmem>>, vector<64x1x1x128xf32>
    %get3A_158 = vector.shape_cast %get3A_157 : vector<64x1x1x128xf32> to vector<64x128xf32>
    %slice3A_159 = vector.extract_strided_slice %get3A_1 {offsets = [0, 128], sizes = [64, 128], strides = [1, 1]} : vector<64x256xf32> to vector<64x128xf32>
    %sub3A_160 = arith.subf %get3A_158, %slice3A_159 : vector<64x128xf32>
    %swap3A_161 = arith.constant 0 : index
    %swap3A_162 = arith.constant 5 : index
    %swap3A_163 = arith.constant 128 : index
    %swap3A_164 = vector.load %arg3[%swap3A_161, %swap3A_162, %swap3A_163] : memref<64x10x256xf32, #tpu.memory_space<vmem>>, vector<64x1x128xf32>
    %swap3A_165 = vector.shape_cast %swap3A_164 : vector<64x1x128xf32> to vector<64x128xf32>
    %swap3A_166 = vector.shape_cast %sub3A_160 : vector<64x128xf32> to vector<64x1x128xf32>
    tpu.vector_store %arg3[%swap3A_161, %swap3A_162, %swap3A_163], %swap3A_166 {strides = array<i32>} : memref<64x10x256xf32, #tpu.memory_space<vmem>>, vector<64x1x128xf32>,
    %get3A_167 = arith.constant 0 : index
    %get3A_168 = arith.constant 6 : index
    %get3A_169 = arith.constant 0 : index
    %get3A_170 = arith.constant 0 : index
    %get3A_171 = vector.load %arg1[%get3A_167, %get3A_168, %get3A_169, %get3A_170] : memref<64x10x2x128xf32, #tpu.memory_space<vmem>>, vector<64x1x1x128xf32>
    %get3A_172 = vector.shape_cast %get3A_171 : vector<64x1x1x128xf32> to vector<64x128xf32>
    %slice3A_173 = vector.extract_strided_slice %get3A_1 {offsets = [0, 0], sizes = [64, 128], strides = [1, 1]} : vector<64x256xf32> to vector<64x128xf32>
    %sub3A_174 = arith.subf %get3A_172, %slice3A_173 : vector<64x128xf32>
    %swap3A_175 = arith.constant 0 : index
    %swap3A_176 = arith.constant 6 : index
    %swap3A_177 = arith.constant 0 : index
    %swap3A_178 = vector.load %arg3[%swap3A_175, %swap3A_176, %swap3A_177] : memref<64x10x256xf32, #tpu.memory_space<vmem>>, vector<64x1x128xf32>
    %swap3A_179 = vector.shape_cast %swap3A_178 : vector<64x1x128xf32> to vector<64x128xf32>
    %swap3A_180 = vector.shape_cast %sub3A_174 : vector<64x128xf32> to vector<64x1x128xf32>
    tpu.vector_store %arg3[%swap3A_175, %swap3A_176, %swap3A_177], %swap3A_180 {strides = array<i32>} : memref<64x10x256xf32, #tpu.memory_space<vmem>>, vector<64x1x128xf32>,
    %get3A_181 = arith.constant 0 : index
    %get3A_182 = arith.constant 6 : index
    %get3A_183 = arith.constant 1 : index
    %get3A_184 = arith.constant 0 : index
    %get3A_185 = vector.load %arg1[%get3A_181, %get3A_182, %get3A_183, %get3A_184] : memref<64x10x2x128xf32, #tpu.memory_space<vmem>>, vector<64x1x1x128xf32>
    %get3A_186 = vector.shape_cast %get3A_185 : vector<64x1x1x128xf32> to vector<64x128xf32>
    %slice3A_187 = vector.extract_strided_slice %get3A_1 {offsets = [0, 128], sizes = [64, 128], strides = [1, 1]} : vector<64x256xf32> to vector<64x128xf32>
    %sub3A_188 = arith.subf %get3A_186, %slice3A_187 : vector<64x128xf32>
    %swap3A_189 = arith.constant 0 : index
    %swap3A_190 = arith.constant 6 : index
    %swap3A_191 = arith.constant 128 : index
    %swap3A_192 = vector.load %arg3[%swap3A_189, %swap3A_190, %swap3A_191] : memref<64x10x256xf32, #tpu.memory_space<vmem>>, vector<64x1x128xf32>
    %swap3A_193 = vector.shape_cast %swap3A_192 : vector<64x1x128xf32> to vector<64x128xf32>
    %swap3A_194 = vector.shape_cast %sub3A_188 : vector<64x128xf32> to vector<64x1x128xf32>
    tpu.vector_store %arg3[%swap3A_189, %swap3A_190, %swap3A_191], %swap3A_194 {strides = array<i32>} : memref<64x10x256xf32, #tpu.memory_space<vmem>>, vector<64x1x128xf32>,
    %get3A_195 = arith.constant 0 : index
    %get3A_196 = arith.constant 7 : index
    %get3A_197 = arith.constant 0 : index
    %get3A_198 = arith.constant 0 : index
    %get3A_199 = vector.load %arg1[%get3A_195, %get3A_196, %get3A_197, %get3A_198] : memref<64x10x2x128xf32, #tpu.memory_space<vmem>>, vector<64x1x1x128xf32>
    %get3A_200 = vector.shape_cast %get3A_199 : vector<64x1x1x128xf32> to vector<64x128xf32>
    %slice3A_201 = vector.extract_strided_slice %get3A_1 {offsets = [0, 0], sizes = [64, 128], strides = [1, 1]} : vector<64x256xf32> to vector<64x128xf32>
    %sub3A_202 = arith.subf %get3A_200, %slice3A_201 : vector<64x128xf32>
    %swap3A_203 = arith.constant 0 : index
    %swap3A_204 = arith.constant 7 : index
    %swap3A_205 = arith.constant 0 : index
    %swap3A_206 = vector.load %arg3[%swap3A_203, %swap3A_204, %swap3A_205] : memref<64x10x256xf32, #tpu.memory_space<vmem>>, vector<64x1x128xf32>
    %swap3A_207 = vector.shape_cast %swap3A_206 : vector<64x1x128xf32> to vector<64x128xf32>
    %swap3A_208 = vector.shape_cast %sub3A_202 : vector<64x128xf32> to vector<64x1x128xf32>
    tpu.vector_store %arg3[%swap3A_203, %swap3A_204, %swap3A_205], %swap3A_208 {strides = array<i32>} : memref<64x10x256xf32, #tpu.memory_space<vmem>>, vector<64x1x128xf32>,
    %get3A_209 = arith.constant 0 : index
    %get3A_210 = arith.constant 7 : index
    %get3A_211 = arith.constant 1 : index
    %get3A_212 = arith.constant 0 : index
    %get3A_213 = vector.load %arg1[%get3A_209, %get3A_210, %get3A_211, %get3A_212] : memref<64x10x2x128xf32, #tpu.memory_space<vmem>>, vector<64x1x1x128xf32>
    %get3A_214 = vector.shape_cast %get3A_213 : vector<64x1x1x128xf32> to vector<64x128xf32>
    %slice3A_215 = vector.extract_strided_slice %get3A_1 {offsets = [0, 128], sizes = [64, 128], strides = [1, 1]} : vector<64x256xf32> to vector<64x128xf32>
    %sub3A_216 = arith.subf %get3A_214, %slice3A_215 : vector<64x128xf32>
    %swap3A_217 = arith.constant 0 : index
    %swap3A_218 = arith.constant 7 : index
    %swap3A_219 = arith.constant 128 : index
    %swap3A_220 = vector.load %arg3[%swap3A_217, %swap3A_218, %swap3A_219] : memref<64x10x256xf32, #tpu.memory_space<vmem>>, vector<64x1x128xf32>
    %swap3A_221 = vector.shape_cast %swap3A_220 : vector<64x1x128xf32> to vector<64x128xf32>
    %swap3A_222 = vector.shape_cast %sub3A_216 : vector<64x128xf32> to vector<64x1x128xf32>
    tpu.vector_store %arg3[%swap3A_217, %swap3A_218, %swap3A_219], %swap3A_222 {strides = array<i32>} : memref<64x10x256xf32, #tpu.memory_space<vmem>>, vector<64x1x128xf32>,
    %get3A_223 = arith.constant 0 : index
    %get3A_224 = arith.constant 8 : index
    %get3A_225 = arith.constant 0 : index
    %get3A_226 = arith.constant 0 : index
    %get3A_227 = vector.load %arg1[%get3A_223, %get3A_224, %get3A_225, %get3A_226] : memref<64x10x2x128xf32, #tpu.memory_space<vmem>>, vector<64x1x1x128xf32>
    %get3A_228 = vector.shape_cast %get3A_227 : vector<64x1x1x128xf32> to vector<64x128xf32>
    %slice3A_229 = vector.extract_strided_slice %get3A_1 {offsets = [0, 0], sizes = [64, 128], strides = [1, 1]} : vector<64x256xf32> to vector<64x128xf32>
    %sub3A_230 = arith.subf %get3A_228, %slice3A_229 : vector<64x128xf32>
    %swap3A_231 = arith.constant 0 : index
    %swap3A_232 = arith.constant 8 : index
    %swap3A_233 = arith.constant 0 : index
    %swap3A_234 = vector.load %arg3[%swap3A_231, %swap3A_232, %swap3A_233] : memref<64x10x256xf32, #tpu.memory_space<vmem>>, vector<64x1x128xf32>
    %swap3A_235 = vector.shape_cast %swap3A_234 : vector<64x1x128xf32> to vector<64x128xf32>
    %swap3A_236 = vector.shape_cast %sub3A_230 : vector<64x128xf32> to vector<64x1x128xf32>
    tpu.vector_store %arg3[%swap3A_231, %swap3A_232, %swap3A_233], %swap3A_236 {strides = array<i32>} : memref<64x10x256xf32, #tpu.memory_space<vmem>>, vector<64x1x128xf32>,
    %get3A_237 = arith.constant 0 : index
    %get3A_238 = arith.constant 8 : index
    %get3A_239 = arith.constant 1 : index
    %get3A_240 = arith.constant 0 : index
    %get3A_241 = vector.load %arg1[%get3A_237, %get3A_238, %get3A_239, %get3A_240] : memref<64x10x2x128xf32, #tpu.memory_space<vmem>>, vector<64x1x1x128xf32>
    %get3A_242 = vector.shape_cast %get3A_241 : vector<64x1x1x128xf32> to vector<64x128xf32>
    %slice3A_243 = vector.extract_strided_slice %get3A_1 {offsets = [0, 128], sizes = [64, 128], strides = [1, 1]} : vector<64x256xf32> to vector<64x128xf32>
    %sub3A_244 = arith.subf %get3A_242, %slice3A_243 : vector<64x128xf32>
    %swap3A_245 = arith.constant 0 : index
    %swap3A_246 = arith.constant 8 : index
    %swap3A_247 = arith.constant 128 : index
    %swap3A_248 = vector.load %arg3[%swap3A_245, %swap3A_246, %swap3A_247] : memref<64x10x256xf32, #tpu.memory_space<vmem>>, vector<64x1x128xf32>
    %swap3A_249 = vector.shape_cast %swap3A_248 : vector<64x1x128xf32> to vector<64x128xf32>
    %swap3A_250 = vector.shape_cast %sub3A_244 : vector<64x128xf32> to vector<64x1x128xf32>
    tpu.vector_store %arg3[%swap3A_245, %swap3A_246, %swap3A_247], %swap3A_250 {strides = array<i32>} : memref<64x10x256xf32, #tpu.memory_space<vmem>>, vector<64x1x128xf32>,
    %get3A_251 = arith.constant 0 : index
    %get3A_252 = arith.constant 9 : index
    %get3A_253 = arith.constant 0 : index
    %get3A_254 = arith.constant 0 : index
    %get3A_255 = vector.load %arg1[%get3A_251, %get3A_252, %get3A_253, %get3A_254] : memref<64x10x2x128xf32, #tpu.memory_space<vmem>>, vector<64x1x1x128xf32>
    %get3A_256 = vector.shape_cast %get3A_255 : vector<64x1x1x128xf32> to vector<64x128xf32>
    %slice3A_257 = vector.extract_strided_slice %get3A_1 {offsets = [0, 0], sizes = [64, 128], strides = [1, 1]} : vector<64x256xf32> to vector<64x128xf32>
    %sub3A_258 = arith.subf %get3A_256, %slice3A_257 : vector<64x128xf32>
    %swap3A_259 = arith.constant 0 : index
    %swap3A_260 = arith.constant 9 : index
    %swap3A_261 = arith.constant 0 : index
    %swap3A_262 = vector.load %arg3[%swap3A_259, %swap3A_260, %swap3A_261] : memref<64x10x256xf32, #tpu.memory_space<vmem>>, vector<64x1x128xf32>
    %swap3A_263 = vector.shape_cast %swap3A_262 : vector<64x1x128xf32> to vector<64x128xf32>
    %swap3A_264 = vector.shape_cast %sub3A_258 : vector<64x128xf32> to vector<64x1x128xf32>
    tpu.vector_store %arg3[%swap3A_259, %swap3A_260, %swap3A_261], %swap3A_264 {strides = array<i32>} : memref<64x10x256xf32, #tpu.memory_space<vmem>>, vector<64x1x128xf32>,
    %get3A_265 = arith.constant 0 : index
    %get3A_266 = arith.constant 9 : index
    %get3A_267 = arith.constant 1 : index
    %get3A_268 = arith.constant 0 : index
    %get3A_269 = vector.load %arg1[%get3A_265, %get3A_266, %get3A_267, %get3A_268] : memref<64x10x2x128xf32, #tpu.memory_space<vmem>>, vector<64x1x1x128xf32>
    %get3A_270 = vector.shape_cast %get3A_269 : vector<64x1x1x128xf32> to vector<64x128xf32>
    %slice3A_271 = vector.extract_strided_slice %get3A_1 {offsets = [0, 128], sizes = [64, 128], strides = [1, 1]} : vector<64x256xf32> to vector<64x128xf32>
    %sub3A_272 = arith.subf %get3A_270, %slice3A_271 : vector<64x128xf32>
    %swap3A_273 = arith.constant 0 : index
    %swap3A_274 = arith.constant 9 : index
    %swap3A_275 = arith.constant 128 : index
    %swap3A_276 = vector.load %arg3[%swap3A_273, %swap3A_274, %swap3A_275] : memref<64x10x256xf32, #tpu.memory_space<vmem>>, vector<64x1x128xf32>
    %swap3A_277 = vector.shape_cast %swap3A_276 : vector<64x1x128xf32> to vector<64x128xf32>
    %swap3A_278 = vector.shape_cast %sub3A_272 : vector<64x128xf32> to vector<64x1x128xf32>
    tpu.vector_store %arg3[%swap3A_273, %swap3A_274, %swap3A_275], %swap3A_278 {strides = array<i32>} : memref<64x10x256xf32, #tpu.memory_space<vmem>>, vector<64x1x128xf32>,
    return
  }
  func.func @transform_0(%arg0: i32) -> (i32, i32, i32, i32) {
    %c0_i32 = arith.constant 0 : i32
    %c0_i32_0 = arith.constant 0 : i32
    %c0_i32_1 = arith.constant 0 : i32
    %c0_i32_2 = arith.constant 0 : i32
    return %arg0, %c0_i32, %c0_i32_0, %c0_i32_1 : i32, i32, i32, i32
  }
  func.func @transform_1(%arg0: i32) -> (i32, i32) {
    %c0_i32 = arith.constant 0 : i32
    %c0_i32_0 = arith.constant 0 : i32
    return %arg0, %c0_i32 : i32, i32
  }
  func.func @transform_2(%arg0: i32) -> (i32, i32, i32) {
    %c0_i32 = arith.constant 0 : i32
    %c0_i32_0 = arith.constant 0 : i32
    %c0_i32_1 = arith.constant 0 : i32
    return %arg0, %c0_i32, %c0_i32_0 : i32, i32, i32
  }
}

</mosaic_0001>

<sc_bundles>
// kernel: kernel.11.cloned.1.call-start
scs
__scs_entry_jumppad:
0x0: {  	(pc) =	sbr.rel $0x88, $3  }
0x1: {  	(tag) =	ssettag $0x0;
	lr =	simm.s32 $0x1  }
0x2: {  	[smem:$0x3F9E] =	sst lr;
	_ =	strace $0xD0000000  }
0x3: {  	_ = 	snop  }
0x4: {  	_ = 	snop  }
0x5: {  	_ = 	snop  }
0x6: {  	_ = 	snop  }
0x7: {  	_ = 	snop  }
__scs_overlays_trampoline_lowered:
0x8: {  	[smem:$0x3FAD] =	sst s0  }
0x9: {  	[smem:$0x3FAE] =	sst s1  }
0xa: {  	[smem:$0x3FAF] =	sst s2  }
0xb: {  	[smem:$0x3FB0] =	sst s3  }
0xc: {  	[smem:$0x3FB1] =	sst s4  }
0xd: {  	[smem:$0x3FB2] =	sst s5  }
0xe: {  	[smem:$0x3FB3] =	sst s6  }
0xf: {  	[smem:$0x3FB4] =	sst s7  }
0x10: {  	[smem:$0x3FB5] =	sst s8  }
0x11: {  	[smem:$0x3FB6] =	sst s9;
	s0 =	simm.s32 @!p0 $0x0  }
0x12: {  	s1 =	sld [smem:$0x3F9C];
	s0 =	simm.s32 @p0 $0x1  }
0x13: {  	[smem:$0x3FB7] =	sst s0;
	s0 =	simm.s32 @!p1 $0x0  }
0x14: {  	s2 =	sld [smem:$0x3F9B];
	s0 =	simm.s32 @p1 $0x1  }
0x15: {  	[smem:$0x3FB8] =	sst s0;
	s0 =	simm.s32 @!p2 $0x0  }
0x16: {  	s3 =	sld [smem:$0x3FDB];
	s0 =	simm.s32 @p2 $0x1  }
0x17: {  	s4 =	simm.s32 $0x1BF5;
	[smem:$0x3FBA] =	sst s0  }
0x18: {  	s0 =	sld [smem:$0x3F9D];
	_ =	swait.ge [sflag:s4], $0x0  }
0x19: {  	s7 =	sld [smem:$0x3F9E]  }
0x1a: {  	s8 =	sadd.s32 $0xFFFFE003, lr  }
0x1b: {  	s9 =	sadd.s32 $0xFFFFFEF7, lr;
	s5 =	simm.s32 $0xFFFFFFFF;
	p2 =	slt.u32 s8, $0xFFFFF086  }
0x1c: {  	p1 =	slt.u32 s9, $0xF7A;
	s5 =	simm.s32 @!p2 $0x0  }
0x1d: {  	s5 =	simm.s32 @p1 $0x1;
	p0 =	seq.s32 s7, s2  }
0x1e: {  	s7 =	smul.u32 @!p0 $0xF7A, s2;
	p2 =	seq.s32 @!p0 s5, $0x0  }
0x1f: {  	s9 =	smul.u32 $0xF7A, s1;
	s8 =	simm.s32 @!p0 $0x1BF5;
	p2 =	por !p2, p0  }
0x20: {  	[sflag:s8] =	ssyncset.s32 @!p0 $0xFFFFF086;
	s6 =	sadd.s32 @!p0 s3, s7;
	s7 =	simm.s32 @!p0 $0x108  }
0x21: {  	s3 =	sadd.s32 s3, s9;
	s6 =	sadd.s32 @!p0 $0x88, s6;
	s7 =	simm.s32 @p2 $0x1082  }
0x22: {  	[simem:s7], [sflag:s8] =	dma.local @!p0 [hbm:s6], $0xF7A  }
0x23: {  	s9 =	sor.u32 $0xD0000000, s2;
	s6 =	simm.s32 $0x108;
	_ =	swait.ge @!p0 [sflag:s8], $0x0  }
0x24: {  	s3 =	sadd.s32 $0x88, s3;
	s6 =	simm.s32 @!p1 $0x1082;
	[sflag:s4] =	ssyncset.s32 $0xFFFFF086  }
0x25: {  	[simem:s6], [sflag:s4] =	dma.local [hbm:s3], $0xF7A  }
0x26: {  	[smem:$0x3F9E] =	sst s1;
	(tag) =	ssettag s2;
	_ =	strace s9  }
0x27: {  	s1 =	sld [smem:$0x3FAE]  }
0x28: {  	s2 =	sld [smem:$0x3FAF]  }
0x29: {  	s4 =	sld [smem:$0x3FB1]  }
0x2a: {  	p0 =	seq.s32 s5, $0x0;
	s5 =	sld [smem:$0x3FB2]  }
0x2b: {  	s6 =	sld [smem:$0x3FB3]  }
0x2c: {  	s7 =	sld [smem:$0x3FB4]  }
0x2d: {  	s3 =	simm.s32 $0x108;
	s8 =	sld [smem:$0x3FB5]  }
0x2e: {  	s3 =	simm.s32 @!p0 $0x1082;
	s9 =	sld [smem:$0x3FB6]  }
0x2f: {  	lr =	sadd.s32 s0, s3;
	s0 =	sld [smem:$0x3FAD]  }
0x30: {  	s3 =	sld [smem:$0x3FB0]  }
0x31: {  	[smem:$0x3FB9] =	sst s10  }
0x32: {  	s10 =	sld [smem:$0x3FB7];
	_ =	sdelay $0x3  }
0x33: {  	p0 =	seq.s32 s10, $0x1;
	s10 =	sld [smem:$0x3FB9];
	_ =	sdelay $0x3  }
0x34: {  	[smem:$0x3FB9] =	sst s10  }
0x35: {  	s10 =	sld [smem:$0x3FB8];
	_ =	sdelay $0x3  }
0x36: {  	p1 =	seq.s32 s10, $0x1;
	s10 =	sld [smem:$0x3FB9];
	_ =	sdelay $0x3  }
0x37: {  	[smem:$0x3FB9] =	sst s10  }
0x38: {  	s10 =	sld [smem:$0x3FBA]  }
0x39: {  	_ = 	snop;
	(pc) =	sbr.ind lr, $3  }
0x3a: {  	_ = 	snop  }
0x3b: {  	_ = 	snop  }
0x3c: {  	p2 =	seq.s32 s10, $0x1;
	s10 =	sld [smem:$0x3FB9]  }
0x3d: {  	_ =	shalt  }
0x3e: {  	_ =	shalt  }
0x3f: {  	_ =	shalt  }
0x40: {  	_ =	shalt  }
0x41: {  	_ =	shalt  }
0x42: {  	_ =	shalt  }
0x43: {  	_ =	shalt  }
0x44: {  	_ =	shalt  }
0x45: {  	_ =	shalt  }
0x46: {  	_ =	shalt  }
0x47: {  	_ =	shalt  }
0x48: {  	_ =	shalt  }
0x49: {  	_ =	shalt  }
0x4a: {  	_ =	shalt  }
0x4b: {  	_ =	shalt  }
0x4c: {  	_ =	shalt  }
0x4d: {  	_ =	shalt  }
0x4e: {  	_ =	shalt  }
0x4f: {  	_ =	shalt  }
0x50: {  	_ =	shalt  }
0x51: {  	_ =	shalt  }
0x52: {  	_ =	shalt  }
0x53: {  	_ =	shalt  }
0x54: {  	_ =	shalt  }
0x55: {  	_ =	shalt  }
0x56: {  	_ =	shalt  }
0x57: {  	_ =	shalt  }
0x58: {  	_ =	shalt  }
0x59: {  	_ =	shalt  }
0x5a: {  	_ =	shalt  }
0x5b: {  	_ =	shalt  }
0x5c: {  	_ =	shalt  }
0x5d: {  	_ =	shalt  }
0x5e: {  	_ =	shalt  }
0x5f: {  	_ =	shalt  }
0x60: {  	_ =	shalt  }
0x61: {  	_ =	shalt  }
0x62: {  	_ =	shalt  }
0x63: {  	_ =	shalt  }
0x64: {  	_ =	shalt  }
0x65: {  	_ =	shalt  }
0x66: {  	_ =	shalt  }
0x67: {  	_ =	shalt  }
0x68: {  	_ =	shalt  }
0x69: {  	_ =	shalt  }
0x6a: {  	_ =	shalt  }
0x6b: {  	_ =	shalt  }
0x6c: {  	_ =	shalt  }
0x6d: {  	_ =	shalt  }
0x6e: {  	_ =	shalt  }
0x6f: {  	_ =	shalt  }
0x70: {  	_ =	shalt  }
0x71: {  	_ =	shalt  }
0x72: {  	_ =	shalt  }
0x73: {  	_ =	shalt  }
0x74: {  	_ =	shalt  }
0x75: {  	_ =	shalt  }
0x76: {  	_ =	shalt  }
0x77: {  	_ =	shalt  }
0x78: {  	_ =	shalt  }
0x79: {  	_ =	shalt  }
0x7a: {  	_ =	shalt  }
0x7b: {  	_ =	shalt  }
0x7c: {  	_ =	shalt  }
0x7d: {  	_ =	shalt  }
0x7e: {  	_ =	shalt  }
0x7f: {  	_ =	shalt  }
0x80: {  	_ =	shalt  }
0x81: {  	_ =	shalt  }
0x82: {  	_ =	shalt  }
0x83: {  	_ =	shalt  }
0x84: {  	_ =	shalt  }
0x85: {  	_ =	shalt  }
0x86: {  	_ =	shalt  }
0x87: {  	_ =	shalt  }
.Lfunc_end0:
.L_simem_size_0:
called_computation.2_lowered:
.L_overlay_start_0:
0x88: {  	s2 =	sld [smem:$0x3FD9]  }
0x89: {  	s3 =	sld [smem:$0x3FFE];
	_ =	sdelay $0x1  }
0x8a: {  	s1 =	srdreg.scid  }
0x8b: {  	s0 =	sand.u32 $0x1, s1  }
0x8c: {  	s14 =	sshll.u32 s0, $0xA;
	s2 =	sadd.s32 s3, s2  }
0x8d: {  	s2 =	sadd.s32 s2, s14  }
0x8e: {  	[smem:$0x3FC5] =	sst s2  }
0x8f: {  	_ = 	snop  }
0x90: {  	s2 =	sld [smem:$0x3FD0];
	_ =	sdelay $0x2  }
0x91: {  	s15 =	simm.s32 $0xA;
	s4 =	simm.s32 $0x10  }
0x92: {  	[smem:s4], [sflag:s15] =	dma.local [hbm:s2], $0x1  }
0x93: {  	_ =	swait.eq [sflag:s15], $0x1  }
0x94: {  	[sflag:s15] =	ssyncset.done $0x0  }
0x95: {  	[sflag:s15] =	ssyncadd.s32 $0xFFFFFFFF  }
0x96: {  	s16 =	sld [smem:$0x12];
	(tm) =	ssettm $0x1  }
0x97: {  	s17 =	sld [smem:$0x3FFB];
	_ =	sdelay $0x3  }
0x98: {  	_ =	strace s17  }
0x99: {  	s3 =	sld [smem:$0x3FFC];
	_ =	sdelay $0x3  }
0x9a: {  	_ =	strace s3  }
0x9b: {  	s3 =	sld [smem:$0x3FFD];
	_ =	sdelay $0x3  }
0x9c: {  	_ =	strace s3  }
0x9d: {  	_ =	strace $0x8FFFFFFF  }
0x9e: {  	s18 =	sld [smem:$0x3FDB];
	_ =	sdelay $0x1  }
0x9f: {  	s19 =	simm.s32 $_scs_section_size  }
0xa0: {  	s5 =	simm.s32 $_size__tile_overlayer_lowered;
	s6 =	simm.s32 $_tile_overlayer_lowered  }
0xa1: {  	s22 =	simm.s32 $0x1BFF;
	s21 =	sshll.u32 s6, $0x1;
	s3 =	sadd.s32 s19, s18  }
0xa2: {  	s7 =	simm.s32 $0x0;
	s20 =	sshll.u32 s5, $0x1;
	s5 =	sadd.s32 s21, s3  }
0xa3: {  	[timem:s7], [sflag:s22] =	dma.local [hbm:s5], s20  }
0xa4: {  	_ =	swait.ge [sflag:s22], s20  }
0xa5: {  	s4 =	ssub.s32 $0x0, s20;
	[sflag:s22] =	ssyncset.done $0x0  }
0xa6: {  	[sflag:s22] =	ssyncadd.s32 s4;
	_ =	sdelay $0x1  }
0xa7: {  	s23 =	simm.s32 $0x1B8B  }
0xa8: {  	_ =	swait.ge [sflag:s23], $0x1  }
0xa9: {  	[sflag:s23] =	ssyncset.done $0x0  }
0xaa: {  	s25 =	simm.s32 $0x1B8E;
	s24 =	sld [smem:$0x3FFE];
	[sflag:s23] =	ssyncadd.s32 $0xFFFFFFFF  }
0xab: {  	s26 =	simm.s32 $execute0_lowered;
	[smem:$0x3FD2] =	sst s25  }
0xac: {  	s5 =	sshll.u32 s26, $0x1;
	_ =	strace $0x80000049;
	[dreg:$0x1] =	wrdreg $0xFFFFFFFF  }
0xad: {  	s28 =	simm.s32 $_size_execute0_lowered;
	s3 =	sadd.s32 s3, s5;
	[dreg:$0x0] =	wrdreg $0x0  }
0xae: {  	s5 =	sshll.u32 s28, $0x1;
	[dreg:$0x2] =	wrdreg s3  }
0xaf: {  	[dreg:$0x3] =	wrdreg s5  }
0xb0: {  	[dreg:$0x4] =	wrdreg $0xC0  }
0xb1: {  	_ =	task [dreg:s7], $0x5FFFF  }
0xb2: {  	[dreg:$0x1] =	wrdreg $0xFFFFFFFF  }
0xb3: {  	[dreg:$0x0] =	wrdreg $0x60  }
0xb4: {  	[dreg:$0x2] =	wrdreg s24  }
0xb5: {  	[dreg:$0x3] =	wrdreg s16  }
0xb6: {  	[dreg:$0x4] =	wrdreg $0x9  }
0xb7: {  	_ =	task.clear_ibuf [dreg:s7], $0x5FFFF;
	_ =	strace $0x90000049  }
0xb8: {  	s29 =	simm.s32 $0x9;
	_ =	strace $0x8000004B  }
0xb9: {  	_ =	swait.ge [sflag:s29], $0x1  }
0xba: {  	[sflag:s29] =	ssyncadd.s32 $0xFFFFFFFF  }
0xbb: {  	_ =	strace $0x9000004B  }
0xbc: {  	_ =	sfence  }
0xbd: {  	s30 =	sld [smem:$0x0];
	_ =	sdelay $0x2  }
0xbe: {  	s31 =	sshll.u32 s1, $0xD;
	s1 =	sshrl.u32 s1, $0x2  }
0xbf: {  	s3 =	sand.u32 $0x4000, s31;
	s1 =	sadd.s32 s1, s30  }
0xc0: {  	s0 =	sor.u32 s3, s0;
	s1 =	sshll.u32 s1, $0x11  }
0xc1: {  	s0 =	sor.u32 s1, s0  }
0xc2: {  	s0 =	sadd.s32 $0x8F2B, s0  }
0xc3: {  	[sflag:s0] =	ssyncadd.remote.s32 $0x1  }
0xc4: {  	_ =	sfence.sel $0xFFFF  }
0xc5: {  	[dreg:$0x0] =	wrdreg $0xFFFFFFFF;
	(pc) =	sbr.abs _section_cstart, $3  }
0xc6: {  	[dreg:$0x1] =	wrdreg $0xFFFFFFFF  }
0xc7: {  	_ =	task.clear_ibuf [dreg:s7], $0x2FFFF;
	_ =	strace $0x9FFFFFFF  }
0xc8: {  	(tm) =	ssettm $0x7FFFFFFF  }
0xc9: {  	_ =	shalt  }
tec
execute0_lowered:
.L_overlay_start_1:
0x0: {  	(tag) =	ssettag $0x1  }
0x1: {  	s0 =	srdreg.scid;
	s2 =	stileid.u32  }
0x2: {  	s1 =	rddreg [dreg:$0x0];
	s0 =	sand.u32 $0x1, s0;
	s2 =	sshll.u32 s2, $0x1  }
0x3: {  	s3 =	rddreg [dreg:$0x1];
	s31 =	simm.s32 $0x200;
	s4 =	sor.u32 s0, s2  }
0x4: {  	s8 =	simm.s32 $0x2;
	s30 =	simm.s32 $0x300;
	s5 =	smul.u32 $0x280, s4  }
0x5: {  	s29 =	simm.s32 $0x400;
	s2 =	simm.s32 $0x0;
	s6 =	smul.u32 $0x14000, s4  }
0x6: {  	s28 =	simm.s32 $0x500;
	[smem:$0x7FF] =	sst s2;
	s5 =	sadd.s32 s5, s1  }
0x7: {  	s4 =	smul.u32 $0xA0000, s4;
	s23 =	sadd.s32 s3, s6;
	s5 =	sadd.s32 $0x42A00, s5  }
0x8: {  	_ =	strace $0x8000004A;
	s9 =	sadd.s32 $0x1000, s23;
	[dreg:$0x3] =	wrdreg s5  }
0x9: {  	s4 =	sshrl.u32 s4, $0x3;
	s10 =	sadd.s32 $0x2000, s23;
	[dreg:$0x4] =	wrdreg s9  }
0xa: {  	s11 =	sadd.s32 $0x3000, s23;
	s4 =	sadd.s32 s3, s4;
	[dreg:$0x5] =	wrdreg s10  }
0xb: {  	p0 =	por $0x0, $0x0;
	[dreg:$0x6] =	wrdreg s11;
	s3 =	sadd.s32 $0x4000, s4  }
0xc: {  	s0 =	ssub.s32 $0x2, s0;
	s12 =	sadd.s32 $0x5000, s4;
	[dreg:$0x7] =	wrdreg s3  }
0xd: {  	s25 =	sshrl.u32 s0, $0x1;
	s13 =	sadd.s32 $0x6000, s4;
	[dreg:$0x8] =	wrdreg s12  }
0xe: {  	s0 =	ssub.s32 s0, s25;
	s14 =	sadd.s32 $0x7000, s4;
	[dreg:$0x9] =	wrdreg s13  }
0xf: {  	s25 =	simm.s32 $0x700;
	s15 =	sadd.s32 $0x8000, s4;
	[dreg:$0xa] =	wrdreg s14  }
0x10: {  	s0 =	smax.u32 s0, $0x1;
	s16 =	sadd.s32 $0x9000, s4;
	[dreg:$0xb] =	wrdreg s15  }
0x11: {  	s6 =	simm.s32 $0x9400;
	s17 =	sadd.s32 $0xA000, s4;
	[dreg:$0xc] =	wrdreg s16  }
0x12: {  	p1 =	sne.s32 s0, $0x1;
	s18 =	sadd.s32 $0xB000, s4;
	[dreg:$0xd] =	wrdreg s17  }
0x13: {  	s19 =	sadd.s32 $0xC000, s4;
	s20 =	sadd.s32 $0xD000, s4;
	[dreg:$0xe] =	wrdreg s18  }
0x14: {  	s21 =	sadd.s32 $0xE000, s4;
	s22 =	sadd.s32 $0xF000, s4;
	[dreg:$0xf] =	wrdreg s19  }
0x15: {  	s24 =	sadd.s32 $0x10000, s4;
	s26 =	sadd.s32 $0x11000, s4;
	[dreg:$0x10] =	wrdreg s20  }
0x16: {  	s7 =	sadd.s32 $0x12000, s4;
	s5 =	sadd.s32 $0x13000, s4;
	[dreg:$0x11] =	wrdreg s21  }
0x17: {  	s4 =	simm.s32 $0x3;
	s10 =	simm.s32 $0x100;
	[dreg:$0x12] =	wrdreg s22  }
0x18: {  	s9 =	simm.s32 $0x1400;
	s11 =	simm.s32 $0x1;
	[dreg:$0x13] =	wrdreg s24  }
0x19: {  	s3 =	sadd.s32 $0x825A00, s1;
	[dreg:$0x14] =	wrdreg s26;
	s26 =	simm.s32 $0x600  }
.Ltmp0:
0x1a: {  	s24 =	simm.s32 $0x800;
	s22 =	simm.s32 $0x900;
	(pc) =	sbr.rel @!p1 .LBB2_3-.Ltmp0, $4  }
0x1b: {  	s21 =	simm.s32 $0xA00;
	s20 =	simm.s32 $0xB00;
	s19 =	simm.s32 $0xC00  }
0x1c: {  	s18 =	simm.s32 $0xD00;
	s1 =	sadd.s32 $0xFFFFFFFF, s0;
	s17 =	simm.s32 $0xE00  }
0x1d: {  	s16 =	simm.s32 $0xF00;
	s15 =	simm.s32 $0x1000;
	s14 =	simm.s32 $0x1100  }
0x1e: {  	s13 =	simm.s32 $0x1200;
	s12 =	simm.s32 $0x1300;
	s0 =	rddreg [dreg:$0x3]  }
0x1f: {  	[tilespmem:s2], [sflag:$0x3] =	stream.linear.gather [hbm4b:s0+s2], $0x1400, $0x38;
	[tilespmem:$0x11400] =	vst v63  }
0x20: {  	_ =	swait.ge [sflag:s4], $0x1400  }
0x21: {  	[sflag:s4] =	ssyncset.done $0x0  }
0x22: {  	[sflag:s4] =	ssyncadd.s32 $0xFFFFEC00  }
0x23: {  	[tilespmem:s9], [sflag:$0x1] =	stream.indirect.gather [hbm4b:s3+s10], $0x80, s2, s10, $0xb8;
	[tilespmem:$0x11400] =	vst v63  }
0x24: {  	_ = 	snop  }
0x25: {  	[tilespmem:s6], [sflag:$0x2] =	stream.indirect.gather [hbm4b:s3+s10], $0x80, s10, s10, $0xb8;
	[tilespmem:$0x11400] =	vst v63  }
0x26: {  	_ =	swait.ge [sflag:s11], $0x8000  }
0x27: {  	[sflag:s11] =	ssyncset.done $0x0  }
0x28: {  	[sflag:s11] =	ssyncadd.s32 $0xFFFF8000  }
0x29: {  	[hbm4b:s23+s2] =	stream.linear.scatter [tilespmem:s9], [sflag:$0x3], $0x8000, $0x38;
	[tilespmem:$0x11400] =	vst v63  }
0x2a: {  	_ =	swait.ge [sflag:s4], $0x8000  }
0x2b: {  	[sflag:s4] =	ssyncset.done $0x0  }
0x2c: {  	[sflag:s4] =	ssyncadd.s32 $0xFFFF8000  }
0x2d: {  	[tilespmem:s9], [sflag:$0x1] =	stream.indirect.gather [hbm4b:s3+s10], $0x80, s31, s10, $0xb8;
	[tilespmem:$0x11400] =	vst v63  }
0x2e: {  	_ =	swait.ge [sflag:s8], $0x8000  }
0x2f: {  	[sflag:s8] =	ssyncset.done $0x0  }
0x30: {  	s0 =	rddreg [dreg:$0x4];
	[sflag:s8] =	ssyncadd.s32 $0xFFFF8000  }
0x31: {  	[hbm4b:s0+s2] =	stream.linear.scatter [tilespmem:s6], [sflag:$0x3], $0x8000, $0x38;
	[tilespmem:$0x11400] =	vst v63  }
0x32: {  	_ =	swait.ge [sflag:s4], $0x8000  }
0x33: {  	[sflag:s4] =	ssyncset.done $0x0  }
0x34: {  	[sflag:s4] =	ssyncadd.s32 $0xFFFF8000  }
0x35: {  	[tilespmem:s6], [sflag:$0x2] =	stream.indirect.gather [hbm4b:s3+s10], $0x80, s30, s10, $0xb8;
	[tilespmem:$0x11400] =	vst v63  }
0x36: {  	_ =	swait.ge [sflag:s11], $0x8000  }
0x37: {  	[sflag:s11] =	ssyncset.done $0x0  }
0x38: {  	s0 =	rddreg [dreg:$0x5];
	[sflag:s11] =	ssyncadd.s32 $0xFFFF8000  }
0x39: {  	[hbm4b:s0+s2] =	stream.linear.scatter [tilespmem:s9], [sflag:$0x3], $0x8000, $0x38;
	[tilespmem:$0x11400] =	vst v63  }
0x3a: {  	_ =	swait.ge [sflag:s4], $0x8000  }
0x3b: {  	[sflag:s4] =	ssyncset.done $0x0  }
0x3c: {  	[sflag:s4] =	ssyncadd.s32 $0xFFFF8000  }
0x3d: {  	[tilespmem:s9], [sflag:$0x1] =	stream.indirect.gather [hbm4b:s3+s10], $0x80, s29, s10, $0xb8;
	[tilespmem:$0x11400] =	vst v63  }
0x3e: {  	_ =	swait.ge [sflag:s8], $0x8000  }
0x3f: {  	[sflag:s8] =	ssyncset.done $0x0  }
0x40: {  	s0 =	rddreg [dreg:$0x6];
	[sflag:s8] =	ssyncadd.s32 $0xFFFF8000  }
0x41: {  	[hbm4b:s0+s2] =	stream.linear.scatter [tilespmem:s6], [sflag:$0x3], $0x8000, $0x38;
	[tilespmem:$0x11400] =	vst v63  }
0x42: {  	_ =	swait.ge [sflag:s4], $0x8000  }
0x43: {  	[sflag:s4] =	ssyncset.done $0x0  }
0x44: {  	[sflag:s4] =	ssyncadd.s32 $0xFFFF8000  }
0x45: {  	[tilespmem:s6], [sflag:$0x2] =	stream.indirect.gather [hbm4b:s3+s10], $0x80, s28, s10, $0xb8;
	[tilespmem:$0x11400] =	vst v63  }
0x46: {  	_ =	swait.ge [sflag:s11], $0x8000  }
0x47: {  	[sflag:s11] =	ssyncset.done $0x0  }
0x48: {  	s0 =	rddreg [dreg:$0x7];
	[sflag:s11] =	ssyncadd.s32 $0xFFFF8000  }
0x49: {  	[hbm4b:s0+s2] =	stream.linear.scatter [tilespmem:s9], [sflag:$0x3], $0x8000, $0x38;
	[tilespmem:$0x11400] =	vst v63  }
0x4a: {  	_ =	swait.ge [sflag:s4], $0x8000  }
0x4b: {  	[sflag:s4] =	ssyncset.done $0x0  }
0x4c: {  	[sflag:s4] =	ssyncadd.s32 $0xFFFF8000  }
0x4d: {  	[tilespmem:s9], [sflag:$0x1] =	stream.indirect.gather [hbm4b:s3+s10], $0x80, s26, s10, $0xb8;
	[tilespmem:$0x11400] =	vst v63  }
0x4e: {  	_ =	swait.ge [sflag:s8], $0x8000  }
0x4f: {  	[sflag:s8] =	ssyncset.done $0x0  }
0x50: {  	s0 =	rddreg [dreg:$0x8];
	[sflag:s8] =	ssyncadd.s32 $0xFFFF8000  }
0x51: {  	[hbm4b:s0+s2] =	stream.linear.scatter [tilespmem:s6], [sflag:$0x3], $0x8000, $0x38;
	[tilespmem:$0x11400] =	vst v63  }
0x52: {  	_ =	swait.ge [sflag:s4], $0x8000  }
0x53: {  	[sflag:s4] =	ssyncset.done $0x0  }
0x54: {  	[sflag:s4] =	ssyncadd.s32 $0xFFFF8000  }
0x55: {  	[tilespmem:s6], [sflag:$0x2] =	stream.indirect.gather [hbm4b:s3+s10], $0x80, s25, s10, $0xb8;
	[tilespmem:$0x11400] =	vst v63  }
0x56: {  	_ =	swait.ge [sflag:s11], $0x8000  }
0x57: {  	[sflag:s11] =	ssyncset.done $0x0  }
0x58: {  	s0 =	rddreg [dreg:$0x9];
	[sflag:s11] =	ssyncadd.s32 $0xFFFF8000  }
0x59: {  	[hbm4b:s0+s2] =	stream.linear.scatter [tilespmem:s9], [sflag:$0x3], $0x8000, $0x38;
	[tilespmem:$0x11400] =	vst v63  }
0x5a: {  	_ =	swait.ge [sflag:s4], $0x8000  }
0x5b: {  	[sflag:s4] =	ssyncset.done $0x0  }
0x5c: {  	[sflag:s4] =	ssyncadd.s32 $0xFFFF8000  }
0x5d: {  	[tilespmem:s9], [sflag:$0x1] =	stream.indirect.gather [hbm4b:s3+s10], $0x80, s24, s10, $0xb8;
	[tilespmem:$0x11400] =	vst v63  }
0x5e: {  	_ =	swait.ge [sflag:s8], $0x8000  }
0x5f: {  	[sflag:s8] =	ssyncset.done $0x0  }
0x60: {  	s0 =	rddreg [dreg:$0xa];
	[sflag:s8] =	ssyncadd.s32 $0xFFFF8000  }
0x61: {  	[hbm4b:s0+s2] =	stream.linear.scatter [tilespmem:s6], [sflag:$0x3], $0x8000, $0x38;
	[tilespmem:$0x11400] =	vst v63  }
0x62: {  	_ =	swait.ge [sflag:s4], $0x8000  }
0x63: {  	[sflag:s4] =	ssyncset.done $0x0  }
0x64: {  	[sflag:s4] =	ssyncadd.s32 $0xFFFF8000  }
0x65: {  	[tilespmem:s6], [sflag:$0x2] =	stream.indirect.gather [hbm4b:s3+s10], $0x80, s22, s10, $0xb8;
	[tilespmem:$0x11400] =	vst v63  }
0x66: {  	_ =	swait.ge [sflag:s11], $0x8000  }
0x67: {  	[sflag:s11] =	ssyncset.done $0x0  }
0x68: {  	s0 =	rddreg [dreg:$0xb];
	[sflag:s11] =	ssyncadd.s32 $0xFFFF8000  }
0x69: {  	[hbm4b:s0+s2] =	stream.linear.scatter [tilespmem:s9], [sflag:$0x3], $0x8000, $0x38;
	[tilespmem:$0x11400] =	vst v63  }
0x6a: {  	_ =	swait.ge [sflag:s4], $0x8000  }
0x6b: {  	[sflag:s4] =	ssyncset.done $0x0  }
0x6c: {  	[sflag:s4] =	ssyncadd.s32 $0xFFFF8000  }
0x6d: {  	[tilespmem:s9], [sflag:$0x1] =	stream.indirect.gather [hbm4b:s3+s10], $0x80, s21, s10, $0xb8;
	[tilespmem:$0x11400] =	vst v63  }
0x6e: {  	_ =	swait.ge [sflag:s8], $0x8000  }
0x6f: {  	[sflag:s8] =	ssyncset.done $0x0  }
0x70: {  	s0 =	rddreg [dreg:$0xc];
	[sflag:s8] =	ssyncadd.s32 $0xFFFF8000  }
0x71: {  	[hbm4b:s0+s2] =	stream.linear.scatter [tilespmem:s6], [sflag:$0x3], $0x8000, $0x38;
	[tilespmem:$0x11400] =	vst v63  }
0x72: {  	_ =	swait.ge [sflag:s4], $0x8000  }
0x73: {  	[sflag:s4] =	ssyncset.done $0x0  }
0x74: {  	[sflag:s4] =	ssyncadd.s32 $0xFFFF8000  }
0x75: {  	[tilespmem:s6], [sflag:$0x2] =	stream.indirect.gather [hbm4b:s3+s10], $0x80, s20, s10, $0xb8;
	[tilespmem:$0x11400] =	vst v63  }
0x76: {  	_ =	swait.ge [sflag:s11], $0x8000  }
0x77: {  	[sflag:s11] =	ssyncset.done $0x0  }
0x78: {  	s0 =	rddreg [dreg:$0xd];
	[sflag:s11] =	ssyncadd.s32 $0xFFFF8000  }
0x79: {  	[hbm4b:s0+s2] =	stream.linear.scatter [tilespmem:s9], [sflag:$0x3], $0x8000, $0x38;
	[tilespmem:$0x11400] =	vst v63  }
0x7a: {  	_ =	swait.ge [sflag:s4], $0x8000  }
0x7b: {  	[sflag:s4] =	ssyncset.done $0x0  }
0x7c: {  	[sflag:s4] =	ssyncadd.s32 $0xFFFF8000  }
0x7d: {  	[tilespmem:s9], [sflag:$0x1] =	stream.indirect.gather [hbm4b:s3+s10], $0x80, s19, s10, $0xb8;
	[tilespmem:$0x11400] =	vst v63  }
0x7e: {  	_ =	swait.ge [sflag:s8], $0x8000  }
0x7f: {  	[sflag:s8] =	ssyncset.done $0x0  }
0x80: {  	s0 =	rddreg [dreg:$0xe];
	[sflag:s8] =	ssyncadd.s32 $0xFFFF8000  }
0x81: {  	[hbm4b:s0+s2] =	stream.linear.scatter [tilespmem:s6], [sflag:$0x3], $0x8000, $0x38;
	[tilespmem:$0x11400] =	vst v63  }
0x82: {  	_ =	swait.ge [sflag:s4], $0x8000  }
0x83: {  	[sflag:s4] =	ssyncset.done $0x0  }
0x84: {  	[sflag:s4] =	ssyncadd.s32 $0xFFFF8000  }
0x85: {  	[tilespmem:s6], [sflag:$0x2] =	stream.indirect.gather [hbm4b:s3+s10], $0x80, s18, s10, $0xb8;
	[tilespmem:$0x11400] =	vst v63  }
0x86: {  	_ =	swait.ge [sflag:s11], $0x8000  }
0x87: {  	[sflag:s11] =	ssyncset.done $0x0  }
0x88: {  	s0 =	rddreg [dreg:$0xf];
	[sflag:s11] =	ssyncadd.s32 $0xFFFF8000  }
0x89: {  	[hbm4b:s0+s2] =	stream.linear.scatter [tilespmem:s9], [sflag:$0x3], $0x8000, $0x38;
	[tilespmem:$0x11400] =	vst v63  }
0x8a: {  	_ =	swait.ge [sflag:s4], $0x8000  }
0x8b: {  	[sflag:s4] =	ssyncset.done $0x0  }
0x8c: {  	[sflag:s4] =	ssyncadd.s32 $0xFFFF8000  }
0x8d: {  	[tilespmem:s9], [sflag:$0x1] =	stream.indirect.gather [hbm4b:s3+s10], $0x80, s17, s10, $0xb8;
	[tilespmem:$0x11400] =	vst v63  }
0x8e: {  	_ =	swait.ge [sflag:s8], $0x8000  }
0x8f: {  	[sflag:s8] =	ssyncset.done $0x0  }
0x90: {  	s0 =	rddreg [dreg:$0x10];
	[sflag:s8] =	ssyncadd.s32 $0xFFFF8000  }
0x91: {  	[hbm4b:s0+s2] =	stream.linear.scatter [tilespmem:s6], [sflag:$0x3], $0x8000, $0x38;
	[tilespmem:$0x11400] =	vst v63  }
0x92: {  	_ =	swait.ge [sflag:s4], $0x8000  }
0x93: {  	[sflag:s4] =	ssyncset.done $0x0  }
0x94: {  	[sflag:s4] =	ssyncadd.s32 $0xFFFF8000  }
0x95: {  	[tilespmem:s6], [sflag:$0x2] =	stream.indirect.gather [hbm4b:s3+s10], $0x80, s16, s10, $0xb8;
	[tilespmem:$0x11400] =	vst v63  }
0x96: {  	_ =	swait.ge [sflag:s11], $0x8000  }
0x97: {  	[sflag:s11] =	ssyncset.done $0x0  }
0x98: {  	s0 =	rddreg [dreg:$0x11];
	[sflag:s11] =	ssyncadd.s32 $0xFFFF8000  }
0x99: {  	[hbm4b:s0+s2] =	stream.linear.scatter [tilespmem:s9], [sflag:$0x3], $0x8000, $0x38;
	[tilespmem:$0x11400] =	vst v63  }
0x9a: {  	_ =	swait.ge [sflag:s4], $0x8000  }
0x9b: {  	[sflag:s4] =	ssyncset.done $0x0  }
0x9c: {  	[sflag:s4] =	ssyncadd.s32 $0xFFFF8000  }
0x9d: {  	[tilespmem:s9], [sflag:$0x1] =	stream.indirect.gather [hbm4b:s3+s10], $0x80, s15, s10, $0xb8;
	[tilespmem:$0x11400] =	vst v63  }
0x9e: {  	_ =	swait.ge [sflag:s8], $0x8000  }
0x9f: {  	[sflag:s8] =	ssyncset.done $0x0  }
0xa0: {  	s0 =	rddreg [dreg:$0x12];
	[sflag:s8] =	ssyncadd.s32 $0xFFFF8000  }
0xa1: {  	[hbm4b:s0+s2] =	stream.linear.scatter [tilespmem:s6], [sflag:$0x3], $0x8000, $0x38;
	[tilespmem:$0x11400] =	vst v63  }
0xa2: {  	_ =	swait.ge [sflag:s4], $0x8000  }
0xa3: {  	[sflag:s4] =	ssyncset.done $0x0  }
0xa4: {  	[sflag:s4] =	ssyncadd.s32 $0xFFFF8000  }
0xa5: {  	[tilespmem:s6], [sflag:$0x2] =	stream.indirect.gather [hbm4b:s3+s10], $0x80, s14, s10, $0xb8;
	[tilespmem:$0x11400] =	vst v63  }
0xa6: {  	_ =	swait.ge [sflag:s11], $0x8000  }
0xa7: {  	[sflag:s11] =	ssyncset.done $0x0  }
0xa8: {  	s0 =	rddreg [dreg:$0x13];
	[sflag:s11] =	ssyncadd.s32 $0xFFFF8000  }
0xa9: {  	[hbm4b:s0+s2] =	stream.linear.scatter [tilespmem:s9], [sflag:$0x3], $0x8000, $0x38;
	[tilespmem:$0x11400] =	vst v63  }
0xaa: {  	_ =	swait.ge [sflag:s4], $0x8000  }
0xab: {  	[sflag:s4] =	ssyncset.done $0x0  }
0xac: {  	[sflag:s4] =	ssyncadd.s32 $0xFFFF8000  }
0xad: {  	[tilespmem:s9], [sflag:$0x1] =	stream.indirect.gather [hbm4b:s3+s10], $0x80, s13, s10, $0xb8;
	[tilespmem:$0x11400] =	vst v63  }
0xae: {  	_ =	swait.ge [sflag:s8], $0x8000  }
0xaf: {  	[sflag:s8] =	ssyncset.done $0x0  }
0xb0: {  	s0 =	rddreg [dreg:$0x14];
	[sflag:s8] =	ssyncadd.s32 $0xFFFF8000  }
0xb1: {  	[hbm4b:s0+s2] =	stream.linear.scatter [tilespmem:s6], [sflag:$0x3], $0x8000, $0x38;
	[tilespmem:$0x11400] =	vst v63  }
0xb2: {  	_ =	swait.ge [sflag:s4], $0x8000  }
0xb3: {  	[sflag:s4] =	ssyncset.done $0x0  }
0xb4: {  	[sflag:s4] =	ssyncadd.s32 $0xFFFF8000  }
0xb5: {  	[tilespmem:s6], [sflag:$0x2] =	stream.indirect.gather [hbm4b:s3+s10], $0x80, s12, s10, $0xb8;
	[tilespmem:$0x11400] =	vst v63  }
0xb6: {  	_ =	swait.ge [sflag:s11], $0x8000  }
0xb7: {  	[sflag:s11] =	ssyncset.done $0x0  }
0xb8: {  	[sflag:s11] =	ssyncadd.s32 $0xFFFF8000  }
0xb9: {  	[hbm4b:s7+s2] =	stream.linear.scatter [tilespmem:s9], [sflag:$0x3], $0x8000, $0x38;
	[tilespmem:$0x11400] =	vst v63  }
0xba: {  	_ =	swait.ge [sflag:s4], $0x8000  }
0xbb: {  	[sflag:s4] =	ssyncset.done $0x0  }
0xbc: {  	[sflag:s4] =	ssyncadd.s32 $0xFFFF8000  }
0xbd: {  	p1 =	sne.s32 s1, $0x1;
	_ =	swait.ge [sflag:s8], $0x8000  }
.Ltmp1:
0xbe: {  	[sflag:s8] =	ssyncset.done $0x0;
	(pc) =	sbr.rel @!p1 .LBB2_3-.Ltmp1, $4  }
0xbf: {  	[sflag:s8] =	ssyncadd.s32 $0xFFFF8000  }
0xc0: {  	[hbm4b:s5+s2] =	stream.linear.scatter [tilespmem:s6], [sflag:$0x3], $0x8000, $0x38;
	[tilespmem:$0x11400] =	vst v63  }
0xc1: {  	s1 =	sadd.s32 $0xFFFFFFFF, s1;
	_ =	swait.ge [sflag:s4], $0x8000  }
0xc2: {  	p0 =	por $0x1, $0x1;
	s0 =	rddreg [dreg:$0x3];
	[sflag:s4] =	ssyncset.done $0x0  }
.LBB2_2:
0xc3: {  	[sflag:s4] =	ssyncadd.s32 $0xFFFF8000  }
0xc4: {  	[tilespmem:s2], [sflag:$0x3] =	stream.linear.gather [hbm4b:s0+s2], $0x1400, $0x38;
	[tilespmem:$0x11400] =	vst v63  }
0xc5: {  	_ =	swait.ge [sflag:s4], $0x1400  }
0xc6: {  	[sflag:s4] =	ssyncset.done $0x0  }
0xc7: {  	[sflag:s4] =	ssyncadd.s32 $0xFFFFEC00  }
0xc8: {  	[tilespmem:s9], [sflag:$0x1] =	stream.indirect.gather [hbm4b:s3+s10], $0x80, s2, s10, $0xb8;
	[tilespmem:$0x11400] =	vst v63  }
0xc9: {  	_ = 	snop  }
0xca: {  	[tilespmem:s6], [sflag:$0x2] =	stream.indirect.gather [hbm4b:s3+s10], $0x80, s10, s10, $0xb8;
	[tilespmem:$0x11400] =	vst v63  }
0xcb: {  	_ =	swait.ge [sflag:s11], $0x8000  }
0xcc: {  	[sflag:s11] =	ssyncset.done $0x0  }
0xcd: {  	[sflag:s11] =	ssyncadd.s32 $0xFFFF8000  }
0xce: {  	[hbm4b:s23+s2] =	stream.linear.scatter [tilespmem:s9], [sflag:$0x3], $0x8000, $0x38;
	[tilespmem:$0x11400] =	vst v63  }
0xcf: {  	_ =	swait.ge [sflag:s4], $0x8000  }
0xd0: {  	[sflag:s4] =	ssyncset.done $0x0  }
0xd1: {  	[sflag:s4] =	ssyncadd.s32 $0xFFFF8000  }
0xd2: {  	[tilespmem:s9], [sflag:$0x1] =	stream.indirect.gather [hbm4b:s3+s10], $0x80, s31, s10, $0xb8;
	[tilespmem:$0x11400] =	vst v63  }
0xd3: {  	_ =	swait.ge [sflag:s8], $0x8000  }
0xd4: {  	[sflag:s8] =	ssyncset.done $0x0  }
0xd5: {  	s0 =	rddreg [dreg:$0x4];
	[sflag:s8] =	ssyncadd.s32 $0xFFFF8000  }
0xd6: {  	[hbm4b:s0+s2] =	stream.linear.scatter [tilespmem:s6], [sflag:$0x3], $0x8000, $0x38;
	[tilespmem:$0x11400] =	vst v63  }
0xd7: {  	_ =	swait.ge [sflag:s4], $0x8000  }
0xd8: {  	[sflag:s4] =	ssyncset.done $0x0  }
0xd9: {  	[sflag:s4] =	ssyncadd.s32 $0xFFFF8000  }
0xda: {  	[tilespmem:s6], [sflag:$0x2] =	stream.indirect.gather [hbm4b:s3+s10], $0x80, s30, s10, $0xb8;
	[tilespmem:$0x11400] =	vst v63  }
0xdb: {  	_ =	swait.ge [sflag:s11], $0x8000  }
0xdc: {  	[sflag:s11] =	ssyncset.done $0x0  }
0xdd: {  	s0 =	rddreg [dreg:$0x5];
	[sflag:s11] =	ssyncadd.s32 $0xFFFF8000  }
0xde: {  	[hbm4b:s0+s2] =	stream.linear.scatter [tilespmem:s9], [sflag:$0x3], $0x8000, $0x38;
	[tilespmem:$0x11400] =	vst v63  }
0xdf: {  	_ =	swait.ge [sflag:s4], $0x8000  }
0xe0: {  	[sflag:s4] =	ssyncset.done $0x0  }
0xe1: {  	[sflag:s4] =	ssyncadd.s32 $0xFFFF8000  }
0xe2: {  	[tilespmem:s9], [sflag:$0x1] =	stream.indirect.gather [hbm4b:s3+s10], $0x80, s29, s10, $0xb8;
	[tilespmem:$0x11400] =	vst v63  }
0xe3: {  	_ =	swait.ge [sflag:s8], $0x8000  }
0xe4: {  	[sflag:s8] =	ssyncset.done $0x0  }
0xe5: {  	s0 =	rddreg [dreg:$0x6];
	[sflag:s8] =	ssyncadd.s32 $0xFFFF8000  }
0xe6: {  	[hbm4b:s0+s2] =	stream.linear.scatter [tilespmem:s6], [sflag:$0x3], $0x8000, $0x38;
	[tilespmem:$0x11400] =	vst v63  }
0xe7: {  	_ =	swait.ge [sflag:s4], $0x8000  }
0xe8: {  	[sflag:s4] =	ssyncset.done $0x0  }
0xe9: {  	[sflag:s4] =	ssyncadd.s32 $0xFFFF8000  }
0xea: {  	[tilespmem:s6], [sflag:$0x2] =	stream.indirect.gather [hbm4b:s3+s10], $0x80, s28, s10, $0xb8;
	[tilespmem:$0x11400] =	vst v63  }
0xeb: {  	_ =	swait.ge [sflag:s11], $0x8000  }
0xec: {  	[sflag:s11] =	ssyncset.done $0x0  }
0xed: {  	s0 =	rddreg [dreg:$0x7];
	[sflag:s11] =	ssyncadd.s32 $0xFFFF8000  }
0xee: {  	[hbm4b:s0+s2] =	stream.linear.scatter [tilespmem:s9], [sflag:$0x3], $0x8000, $0x38;
	[tilespmem:$0x11400] =	vst v63  }
0xef: {  	_ =	swait.ge [sflag:s4], $0x8000  }
0xf0: {  	[sflag:s4] =	ssyncset.done $0x0  }
0xf1: {  	[sflag:s4] =	ssyncadd.s32 $0xFFFF8000  }
0xf2: {  	[tilespmem:s9], [sflag:$0x1] =	stream.indirect.gather [hbm4b:s3+s10], $0x80, s26, s10, $0xb8;
	[tilespmem:$0x11400] =	vst v63  }
0xf3: {  	_ =	swait.ge [sflag:s8], $0x8000  }
0xf4: {  	[sflag:s8] =	ssyncset.done $0x0  }
0xf5: {  	s0 =	rddreg [dreg:$0x8];
	[sflag:s8] =	ssyncadd.s32 $0xFFFF8000  }
0xf6: {  	[hbm4b:s0+s2] =	stream.linear.scatter [tilespmem:s6], [sflag:$0x3], $0x8000, $0x38;
	[tilespmem:$0x11400] =	vst v63  }
0xf7: {  	_ =	swait.ge [sflag:s4], $0x8000  }
0xf8: {  	[sflag:s4] =	ssyncset.done $0x0  }
0xf9: {  	[sflag:s4] =	ssyncadd.s32 $0xFFFF8000  }
0xfa: {  	[tilespmem:s6], [sflag:$0x2] =	stream.indirect.gather [hbm4b:s3+s10], $0x80, s25, s10, $0xb8;
	[tilespmem:$0x11400] =	vst v63  }
0xfb: {  	_ =	swait.ge [sflag:s11], $0x8000  }
0xfc: {  	[sflag:s11] =	ssyncset.done $0x0  }
0xfd: {  	s0 =	rddreg [dreg:$0x9];
	[sflag:s11] =	ssyncadd.s32 $0xFFFF8000  }
0xfe: {  	[hbm4b:s0+s2] =	stream.linear.scatter [tilespmem:s9], [sflag:$0x3], $0x8000, $0x38;
	[tilespmem:$0x11400] =	vst v63  }
0xff: {  	_ =	swait.ge [sflag:s4], $0x8000  }
0x100: {  	[sflag:s4] =	ssyncset.done $0x0  }
0x101: {  	[sflag:s4] =	ssyncadd.s32 $0xFFFF8000  }
0x102: {  	[tilespmem:s9], [sflag:$0x1] =	stream.indirect.gather [hbm4b:s3+s10], $0x80, s24, s10, $0xb8;
	[tilespmem:$0x11400] =	vst v63  }
0x103: {  	_ =	swait.ge [sflag:s8], $0x8000  }
0x104: {  	[sflag:s8] =	ssyncset.done $0x0  }
0x105: {  	s0 =	rddreg [dreg:$0xa];
	[sflag:s8] =	ssyncadd.s32 $0xFFFF8000  }
0x106: {  	[hbm4b:s0+s2] =	stream.linear.scatter [tilespmem:s6], [sflag:$0x3], $0x8000, $0x38;
	[tilespmem:$0x11400] =	vst v63  }
0x107: {  	_ =	swait.ge [sflag:s4], $0x8000  }
0x108: {  	[sflag:s4] =	ssyncset.done $0x0  }
0x109: {  	[sflag:s4] =	ssyncadd.s32 $0xFFFF8000  }
0x10a: {  	[tilespmem:s6], [sflag:$0x2] =	stream.indirect.gather [hbm4b:s3+s10], $0x80, s22, s10, $0xb8;
	[tilespmem:$0x11400] =	vst v63  }
0x10b: {  	_ =	swait.ge [sflag:s11], $0x8000  }
0x10c: {  	[sflag:s11] =	ssyncset.done $0x0  }
0x10d: {  	s0 =	rddreg [dreg:$0xb];
	[sflag:s11] =	ssyncadd.s32 $0xFFFF8000  }
0x10e: {  	[hbm4b:s0+s2] =	stream.linear.scatter [tilespmem:s9], [sflag:$0x3], $0x8000, $0x38;
	[tilespmem:$0x11400] =	vst v63  }
0x10f: {  	_ =	swait.ge [sflag:s4], $0x8000  }
0x110: {  	[sflag:s4] =	ssyncset.done $0x0  }
0x111: {  	[sflag:s4] =	ssyncadd.s32 $0xFFFF8000  }
0x112: {  	[tilespmem:s9], [sflag:$0x1] =	stream.indirect.gather [hbm4b:s3+s10], $0x80, s21, s10, $0xb8;
	[tilespmem:$0x11400] =	vst v63  }
0x113: {  	_ =	swait.ge [sflag:s8], $0x8000  }
0x114: {  	[sflag:s8] =	ssyncset.done $0x0  }
0x115: {  	s0 =	rddreg [dreg:$0xc];
	[sflag:s8] =	ssyncadd.s32 $0xFFFF8000  }
0x116: {  	[hbm4b:s0+s2] =	stream.linear.scatter [tilespmem:s6], [sflag:$0x3], $0x8000, $0x38;
	[tilespmem:$0x11400] =	vst v63  }
0x117: {  	_ =	swait.ge [sflag:s4], $0x8000  }
0x118: {  	[sflag:s4] =	ssyncset.done $0x0  }
0x119: {  	[sflag:s4] =	ssyncadd.s32 $0xFFFF8000  }
0x11a: {  	[tilespmem:s6], [sflag:$0x2] =	stream.indirect.gather [hbm4b:s3+s10], $0x80, s20, s10, $0xb8;
	[tilespmem:$0x11400] =	vst v63  }
0x11b: {  	_ =	swait.ge [sflag:s11], $0x8000  }
0x11c: {  	[sflag:s11] =	ssyncset.done $0x0  }
0x11d: {  	s0 =	rddreg [dreg:$0xd];
	[sflag:s11] =	ssyncadd.s32 $0xFFFF8000  }
0x11e: {  	[hbm4b:s0+s2] =	stream.linear.scatter [tilespmem:s9], [sflag:$0x3], $0x8000, $0x38;
	[tilespmem:$0x11400] =	vst v63  }
0x11f: {  	_ =	swait.ge [sflag:s4], $0x8000  }
0x120: {  	[sflag:s4] =	ssyncset.done $0x0  }
0x121: {  	[sflag:s4] =	ssyncadd.s32 $0xFFFF8000  }
0x122: {  	[tilespmem:s9], [sflag:$0x1] =	stream.indirect.gather [hbm4b:s3+s10], $0x80, s19, s10, $0xb8;
	[tilespmem:$0x11400] =	vst v63  }
0x123: {  	_ =	swait.ge [sflag:s8], $0x8000  }
0x124: {  	[sflag:s8] =	ssyncset.done $0x0  }
0x125: {  	s0 =	rddreg [dreg:$0xe];
	[sflag:s8] =	ssyncadd.s32 $0xFFFF8000  }
0x126: {  	[hbm4b:s0+s2] =	stream.linear.scatter [tilespmem:s6], [sflag:$0x3], $0x8000, $0x38;
	[tilespmem:$0x11400] =	vst v63  }
0x127: {  	_ =	swait.ge [sflag:s4], $0x8000  }
0x128: {  	[sflag:s4] =	ssyncset.done $0x0  }
0x129: {  	[sflag:s4] =	ssyncadd.s32 $0xFFFF8000  }
0x12a: {  	[tilespmem:s6], [sflag:$0x2] =	stream.indirect.gather [hbm4b:s3+s10], $0x80, s18, s10, $0xb8;
	[tilespmem:$0x11400] =	vst v63  }
0x12b: {  	_ =	swait.ge [sflag:s11], $0x8000  }
0x12c: {  	[sflag:s11] =	ssyncset.done $0x0  }
0x12d: {  	s0 =	rddreg [dreg:$0xf];
	[sflag:s11] =	ssyncadd.s32 $0xFFFF8000  }
0x12e: {  	[hbm4b:s0+s2] =	stream.linear.scatter [tilespmem:s9], [sflag:$0x3], $0x8000, $0x38;
	[tilespmem:$0x11400] =	vst v63  }
0x12f: {  	_ =	swait.ge [sflag:s4], $0x8000  }
0x130: {  	[sflag:s4] =	ssyncset.done $0x0  }
0x131: {  	[sflag:s4] =	ssyncadd.s32 $0xFFFF8000  }
0x132: {  	[tilespmem:s9], [sflag:$0x1] =	stream.indirect.gather [hbm4b:s3+s10], $0x80, s17, s10, $0xb8;
	[tilespmem:$0x11400] =	vst v63  }
0x133: {  	_ =	swait.ge [sflag:s8], $0x8000  }
0x134: {  	[sflag:s8] =	ssyncset.done $0x0  }
0x135: {  	s0 =	rddreg [dreg:$0x10];
	[sflag:s8] =	ssyncadd.s32 $0xFFFF8000  }
0x136: {  	[hbm4b:s0+s2] =	stream.linear.scatter [tilespmem:s6], [sflag:$0x3], $0x8000, $0x38;
	[tilespmem:$0x11400] =	vst v63  }
0x137: {  	_ =	swait.ge [sflag:s4], $0x8000  }
0x138: {  	[sflag:s4] =	ssyncset.done $0x0  }
0x139: {  	[sflag:s4] =	ssyncadd.s32 $0xFFFF8000  }
0x13a: {  	[tilespmem:s6], [sflag:$0x2] =	stream.indirect.gather [hbm4b:s3+s10], $0x80, s16, s10, $0xb8;
	[tilespmem:$0x11400] =	vst v63  }
0x13b: {  	_ =	swait.ge [sflag:s11], $0x8000  }
0x13c: {  	[sflag:s11] =	ssyncset.done $0x0  }
0x13d: {  	s0 =	rddreg [dreg:$0x11];
	[sflag:s11] =	ssyncadd.s32 $0xFFFF8000  }
0x13e: {  	[hbm4b:s0+s2] =	stream.linear.scatter [tilespmem:s9], [sflag:$0x3], $0x8000, $0x38;
	[tilespmem:$0x11400] =	vst v63  }
0x13f: {  	_ =	swait.ge [sflag:s4], $0x8000  }
0x140: {  	[sflag:s4] =	ssyncset.done $0x0  }
0x141: {  	[sflag:s4] =	ssyncadd.s32 $0xFFFF8000  }
0x142: {  	[tilespmem:s9], [sflag:$0x1] =	stream.indirect.gather [hbm4b:s3+s10], $0x80, s15, s10, $0xb8;
	[tilespmem:$0x11400] =	vst v63  }
0x143: {  	_ =	swait.ge [sflag:s8], $0x8000  }
0x144: {  	[sflag:s8] =	ssyncset.done $0x0  }
0x145: {  	s0 =	rddreg [dreg:$0x12];
	[sflag:s8] =	ssyncadd.s32 $0xFFFF8000  }
0x146: {  	[hbm4b:s0+s2] =	stream.linear.scatter [tilespmem:s6], [sflag:$0x3], $0x8000, $0x38;
	[tilespmem:$0x11400] =	vst v63  }
0x147: {  	_ =	swait.ge [sflag:s4], $0x8000  }
0x148: {  	[sflag:s4] =	ssyncset.done $0x0  }
0x149: {  	[sflag:s4] =	ssyncadd.s32 $0xFFFF8000  }
0x14a: {  	[tilespmem:s6], [sflag:$0x2] =	stream.indirect.gather [hbm4b:s3+s10], $0x80, s14, s10, $0xb8;
	[tilespmem:$0x11400] =	vst v63  }
0x14b: {  	_ =	swait.ge [sflag:s11], $0x8000  }
0x14c: {  	[sflag:s11] =	ssyncset.done $0x0  }
0x14d: {  	s0 =	rddreg [dreg:$0x13];
	[sflag:s11] =	ssyncadd.s32 $0xFFFF8000  }
0x14e: {  	[hbm4b:s0+s2] =	stream.linear.scatter [tilespmem:s9], [sflag:$0x3], $0x8000, $0x38;
	[tilespmem:$0x11400] =	vst v63  }
0x14f: {  	_ =	swait.ge [sflag:s4], $0x8000  }
0x150: {  	[sflag:s4] =	ssyncset.done $0x0  }
0x151: {  	[sflag:s4] =	ssyncadd.s32 $0xFFFF8000  }
0x152: {  	[tilespmem:s9], [sflag:$0x1] =	stream.indirect.gather [hbm4b:s3+s10], $0x80, s13, s10, $0xb8;
	[tilespmem:$0x11400] =	vst v63  }
0x153: {  	_ =	swait.ge [sflag:s8], $0x8000  }
0x154: {  	[sflag:s8] =	ssyncset.done $0x0  }
0x155: {  	s0 =	rddreg [dreg:$0x14];
	[sflag:s8] =	ssyncadd.s32 $0xFFFF8000  }
0x156: {  	[hbm4b:s0+s2] =	stream.linear.scatter [tilespmem:s6], [sflag:$0x3], $0x8000, $0x38;
	[tilespmem:$0x11400] =	vst v63  }
0x157: {  	_ =	swait.ge [sflag:s4], $0x8000  }
0x158: {  	[sflag:s4] =	ssyncset.done $0x0  }
0x159: {  	[sflag:s4] =	ssyncadd.s32 $0xFFFF8000  }
0x15a: {  	[tilespmem:s6], [sflag:$0x2] =	stream.indirect.gather [hbm4b:s3+s10], $0x80, s12, s10, $0xb8;
	[tilespmem:$0x11400] =	vst v63  }
0x15b: {  	_ =	swait.ge [sflag:s11], $0x8000  }
0x15c: {  	[sflag:s11] =	ssyncset.done $0x0  }
0x15d: {  	[sflag:s11] =	ssyncadd.s32 $0xFFFF8000  }
0x15e: {  	[hbm4b:s7+s2] =	stream.linear.scatter [tilespmem:s9], [sflag:$0x3], $0x8000, $0x38;
	[tilespmem:$0x11400] =	vst v63  }
0x15f: {  	_ =	swait.ge [sflag:s4], $0x8000  }
0x160: {  	[sflag:s4] =	ssyncset.done $0x0  }
0x161: {  	[sflag:s4] =	ssyncadd.s32 $0xFFFF8000  }
0x162: {  	p1 =	sne.s32 s1, $0x1;
	_ =	swait.ge [sflag:s8], $0x8000  }
.Ltmp2:
0x163: {  	[sflag:s8] =	ssyncset.done $0x0;
	(pc) =	sbr.rel @p1 .LBB2_2-.Ltmp2, $4  }
0x164: {  	[sflag:s8] =	ssyncadd.s32 $0xFFFF8000  }
0x165: {  	[hbm4b:s5+s2] =	stream.linear.scatter [tilespmem:s6], [sflag:$0x3], $0x8000, $0x38;
	[tilespmem:$0x11400] =	vst v63  }
0x166: {  	_ =	swait.ge [sflag:s4], $0x8000  }
0x167: {  	s1 =	sadd.s32 $0xFFFFFFFF, s1;
	s0 =	rddreg [dreg:$0x3];
	[sflag:s4] =	ssyncset.done $0x0  }
.LBB2_3:
0x168: {  	[sflag:s4] =	ssyncadd.s32 @p0 $0xFFFF8000  }
0x169: {  	[tilespmem:s2], [sflag:$0x3] =	stream.linear.gather [hbm4b:s0+s2], $0x1400, $0x38;
	[tilespmem:$0x11400] =	vst v63  }
0x16a: {  	_ =	swait.ge [sflag:s4], $0x1400  }
0x16b: {  	[sflag:s4] =	ssyncset.done $0x0  }
0x16c: {  	[sflag:s4] =	ssyncadd.s32 $0xFFFFEC00  }
0x16d: {  	[tilespmem:s9], [sflag:$0x1] =	stream.indirect.gather [hbm4b:s3+s10], $0x80, s2, s10, $0xb8;
	[tilespmem:$0x11400] =	vst v63  }
0x16e: {  	_ = 	snop  }
0x16f: {  	[tilespmem:s6], [sflag:$0x2] =	stream.indirect.gather [hbm4b:s3+s10], $0x80, s10, s10, $0xb8;
	[tilespmem:$0x11400] =	vst v63  }
0x170: {  	_ =	swait.ge [sflag:s11], $0x8000  }
0x171: {  	[sflag:s11] =	ssyncset.done $0x0  }
0x172: {  	[sflag:s11] =	ssyncadd.s32 $0xFFFF8000  }
0x173: {  	[hbm4b:s23+s2] =	stream.linear.scatter [tilespmem:s9], [sflag:$0x3], $0x8000, $0x38;
	[tilespmem:$0x11400] =	vst v63  }
0x174: {  	_ =	swait.ge [sflag:s4], $0x8000  }
0x175: {  	[sflag:s4] =	ssyncset.done $0x0  }
0x176: {  	[sflag:s4] =	ssyncadd.s32 $0xFFFF8000  }
0x177: {  	[tilespmem:s9], [sflag:$0x1] =	stream.indirect.gather [hbm4b:s3+s10], $0x80, s31, s10, $0xb8;
	[tilespmem:$0x11400] =	vst v63  }
0x178: {  	_ =	swait.ge [sflag:s8], $0x8000  }
0x179: {  	[sflag:s8] =	ssyncset.done $0x0  }
0x17a: {  	s31 =	rddreg [dreg:$0x4];
	[sflag:s8] =	ssyncadd.s32 $0xFFFF8000  }
0x17b: {  	[hbm4b:s31+s2] =	stream.linear.scatter [tilespmem:s6], [sflag:$0x3], $0x8000, $0x38;
	[tilespmem:$0x11400] =	vst v63  }
0x17c: {  	_ =	swait.ge [sflag:s4], $0x8000  }
0x17d: {  	[sflag:s4] =	ssyncset.done $0x0  }
0x17e: {  	[sflag:s4] =	ssyncadd.s32 $0xFFFF8000  }
0x17f: {  	[tilespmem:s6], [sflag:$0x2] =	stream.indirect.gather [hbm4b:s3+s10], $0x80, s30, s10, $0xb8;
	[tilespmem:$0x11400] =	vst v63  }
0x180: {  	_ =	swait.ge [sflag:s11], $0x8000  }
0x181: {  	[sflag:s11] =	ssyncset.done $0x0  }
0x182: {  	s1 =	rddreg [dreg:$0x5];
	[sflag:s11] =	ssyncadd.s32 $0xFFFF8000  }
0x183: {  	[hbm4b:s1+s2] =	stream.linear.scatter [tilespmem:s9], [sflag:$0x3], $0x8000, $0x38;
	[tilespmem:$0x11400] =	vst v63  }
0x184: {  	_ =	swait.ge [sflag:s4], $0x8000  }
0x185: {  	[sflag:s4] =	ssyncset.done $0x0  }
0x186: {  	[sflag:s4] =	ssyncadd.s32 $0xFFFF8000  }
0x187: {  	[tilespmem:s9], [sflag:$0x1] =	stream.indirect.gather [hbm4b:s3+s10], $0x80, s29, s10, $0xb8;
	[tilespmem:$0x11400] =	vst v63  }
0x188: {  	_ =	swait.ge [sflag:s8], $0x8000  }
0x189: {  	[sflag:s8] =	ssyncset.done $0x0  }
0x18a: {  	s23 =	rddreg [dreg:$0x6];
	[sflag:s8] =	ssyncadd.s32 $0xFFFF8000  }
0x18b: {  	[hbm4b:s23+s2] =	stream.linear.scatter [tilespmem:s6], [sflag:$0x3], $0x8000, $0x38;
	[tilespmem:$0x11400] =	vst v63  }
0x18c: {  	_ =	swait.ge [sflag:s4], $0x8000  }
0x18d: {  	[sflag:s4] =	ssyncset.done $0x0  }
0x18e: {  	[sflag:s4] =	ssyncadd.s32 $0xFFFF8000  }
0x18f: {  	[tilespmem:s6], [sflag:$0x2] =	stream.indirect.gather [hbm4b:s3+s10], $0x80, s28, s10, $0xb8;
	[tilespmem:$0x11400] =	vst v63  }
0x190: {  	_ =	swait.ge [sflag:s11], $0x8000  }
0x191: {  	[sflag:s11] =	ssyncset.done $0x0  }
0x192: {  	s28 =	rddreg [dreg:$0x7];
	[sflag:s11] =	ssyncadd.s32 $0xFFFF8000  }
0x193: {  	[hbm4b:s28+s2] =	stream.linear.scatter [tilespmem:s9], [sflag:$0x3], $0x8000, $0x38;
	[tilespmem:$0x11400] =	vst v63  }
0x194: {  	_ =	swait.ge [sflag:s4], $0x8000  }
0x195: {  	[sflag:s4] =	ssyncset.done $0x0  }
0x196: {  	[sflag:s4] =	ssyncadd.s32 $0xFFFF8000  }
0x197: {  	[tilespmem:s9], [sflag:$0x1] =	stream.indirect.gather [hbm4b:s3+s10], $0x80, s26, s10, $0xb8;
	[tilespmem:$0x11400] =	vst v63  }
0x198: {  	_ =	swait.ge [sflag:s8], $0x8000  }
0x199: {  	[sflag:s8] =	ssyncset.done $0x0  }
0x19a: {  	s29 =	rddreg [dreg:$0x8];
	[sflag:s8] =	ssyncadd.s32 $0xFFFF8000  }
0x19b: {  	[hbm4b:s29+s2] =	stream.linear.scatter [tilespmem:s6], [sflag:$0x3], $0x8000, $0x38;
	[tilespmem:$0x11400] =	vst v63  }
0x19c: {  	_ =	swait.ge [sflag:s4], $0x8000  }
0x19d: {  	[sflag:s4] =	ssyncset.done $0x0  }
0x19e: {  	[sflag:s4] =	ssyncadd.s32 $0xFFFF8000  }
0x19f: {  	[tilespmem:s6], [sflag:$0x2] =	stream.indirect.gather [hbm4b:s3+s10], $0x80, s25, s10, $0xb8;
	[tilespmem:$0x11400] =	vst v63  }
0x1a0: {  	_ =	swait.ge [sflag:s11], $0x8000  }
0x1a1: {  	[sflag:s11] =	ssyncset.done $0x0  }
0x1a2: {  	s30 =	rddreg [dreg:$0x9];
	[sflag:s11] =	ssyncadd.s32 $0xFFFF8000  }
0x1a3: {  	[hbm4b:s30+s2] =	stream.linear.scatter [tilespmem:s9], [sflag:$0x3], $0x8000, $0x38;
	[tilespmem:$0x11400] =	vst v63  }
0x1a4: {  	_ =	swait.ge [sflag:s4], $0x8000  }
0x1a5: {  	[sflag:s4] =	ssyncset.done $0x0  }
0x1a6: {  	[sflag:s4] =	ssyncadd.s32 $0xFFFF8000  }
0x1a7: {  	[tilespmem:s9], [sflag:$0x1] =	stream.indirect.gather [hbm4b:s3+s10], $0x80, s24, s10, $0xb8;
	[tilespmem:$0x11400] =	vst v63  }
0x1a8: {  	_ =	swait.ge [sflag:s8], $0x8000  }
0x1a9: {  	[sflag:s8] =	ssyncset.done $0x0  }
0x1aa: {  	s31 =	rddreg [dreg:$0xa];
	[sflag:s8] =	ssyncadd.s32 $0xFFFF8000  }
0x1ab: {  	[hbm4b:s31+s2] =	stream.linear.scatter [tilespmem:s6], [sflag:$0x3], $0x8000, $0x38;
	[tilespmem:$0x11400] =	vst v63  }
0x1ac: {  	_ =	swait.ge [sflag:s4], $0x8000  }
0x1ad: {  	[sflag:s4] =	ssyncset.done $0x0  }
0x1ae: {  	[sflag:s4] =	ssyncadd.s32 $0xFFFF8000  }
0x1af: {  	[tilespmem:s6], [sflag:$0x2] =	stream.indirect.gather [hbm4b:s3+s10], $0x80, s22, s10, $0xb8;
	[tilespmem:$0x11400] =	vst v63  }
0x1b0: {  	_ =	swait.ge [sflag:s11], $0x8000  }
0x1b1: {  	[sflag:s11] =	ssyncset.done $0x0  }
0x1b2: {  	s1 =	rddreg [dreg:$0xb];
	[sflag:s11] =	ssyncadd.s32 $0xFFFF8000  }
0x1b3: {  	[hbm4b:s1+s2] =	stream.linear.scatter [tilespmem:s9], [sflag:$0x3], $0x8000, $0x38;
	[tilespmem:$0x11400] =	vst v63  }
0x1b4: {  	_ =	swait.ge [sflag:s4], $0x8000  }
0x1b5: {  	[sflag:s4] =	ssyncset.done $0x0  }
0x1b6: {  	[sflag:s4] =	ssyncadd.s32 $0xFFFF8000  }
0x1b7: {  	[tilespmem:s9], [sflag:$0x1] =	stream.indirect.gather [hbm4b:s3+s10], $0x80, s21, s10, $0xb8;
	[tilespmem:$0x11400] =	vst v63  }
0x1b8: {  	_ =	swait.ge [sflag:s8], $0x8000  }
0x1b9: {  	[sflag:s8] =	ssyncset.done $0x0  }
0x1ba: {  	s21 =	rddreg [dreg:$0xc];
	[sflag:s8] =	ssyncadd.s32 $0xFFFF8000  }
0x1bb: {  	[hbm4b:s21+s2] =	stream.linear.scatter [tilespmem:s6], [sflag:$0x3], $0x8000, $0x38;
	[tilespmem:$0x11400] =	vst v63  }
0x1bc: {  	_ =	swait.ge [sflag:s4], $0x8000  }
0x1bd: {  	[sflag:s4] =	ssyncset.done $0x0  }
0x1be: {  	[sflag:s4] =	ssyncadd.s32 $0xFFFF8000  }
0x1bf: {  	[tilespmem:s6], [sflag:$0x2] =	stream.indirect.gather [hbm4b:s3+s10], $0x80, s20, s10, $0xb8;
	[tilespmem:$0x11400] =	vst v63  }
0x1c0: {  	_ =	swait.ge [sflag:s11], $0x8000  }
0x1c1: {  	[sflag:s11] =	ssyncset.done $0x0  }
0x1c2: {  	s22 =	rddreg [dreg:$0xd];
	[sflag:s11] =	ssyncadd.s32 $0xFFFF8000  }
0x1c3: {  	[hbm4b:s22+s2] =	stream.linear.scatter [tilespmem:s9], [sflag:$0x3], $0x8000, $0x38;
	[tilespmem:$0x11400] =	vst v63  }
0x1c4: {  	_ =	swait.ge [sflag:s4], $0x8000  }
0x1c5: {  	[sflag:s4] =	ssyncset.done $0x0  }
0x1c6: {  	[sflag:s4] =	ssyncadd.s32 $0xFFFF8000  }
0x1c7: {  	[tilespmem:s9], [sflag:$0x1] =	stream.indirect.gather [hbm4b:s3+s10], $0x80, s19, s10, $0xb8;
	[tilespmem:$0x11400] =	vst v63  }
0x1c8: {  	_ =	swait.ge [sflag:s8], $0x8000  }
0x1c9: {  	[sflag:s8] =	ssyncset.done $0x0  }
0x1ca: {  	s23 =	rddreg [dreg:$0xe];
	[sflag:s8] =	ssyncadd.s32 $0xFFFF8000  }
0x1cb: {  	[hbm4b:s23+s2] =	stream.linear.scatter [tilespmem:s6], [sflag:$0x3], $0x8000, $0x38;
	[tilespmem:$0x11400] =	vst v63  }
0x1cc: {  	_ =	swait.ge [sflag:s4], $0x8000  }
0x1cd: {  	[sflag:s4] =	ssyncset.done $0x0  }
0x1ce: {  	[sflag:s4] =	ssyncadd.s32 $0xFFFF8000  }
0x1cf: {  	[tilespmem:s6], [sflag:$0x2] =	stream.indirect.gather [hbm4b:s3+s10], $0x80, s18, s10, $0xb8;
	[tilespmem:$0x11400] =	vst v63  }
0x1d0: {  	_ =	swait.ge [sflag:s11], $0x8000  }
0x1d1: {  	[sflag:s11] =	ssyncset.done $0x0  }
0x1d2: {  	s24 =	rddreg [dreg:$0xf];
	[sflag:s11] =	ssyncadd.s32 $0xFFFF8000  }
0x1d3: {  	[hbm4b:s24+s2] =	stream.linear.scatter [tilespmem:s9], [sflag:$0x3], $0x8000, $0x38;
	[tilespmem:$0x11400] =	vst v63  }
0x1d4: {  	_ =	swait.ge [sflag:s4], $0x8000  }
0x1d5: {  	[sflag:s4] =	ssyncset.done $0x0  }
0x1d6: {  	[sflag:s4] =	ssyncadd.s32 $0xFFFF8000  }
0x1d7: {  	[tilespmem:s9], [sflag:$0x1] =	stream.indirect.gather [hbm4b:s3+s10], $0x80, s17, s10, $0xb8;
	[tilespmem:$0x11400] =	vst v63  }
0x1d8: {  	_ =	swait.ge [sflag:s8], $0x8000  }
0x1d9: {  	[sflag:s8] =	ssyncset.done $0x0  }
0x1da: {  	s25 =	rddreg [dreg:$0x10];
	[sflag:s8] =	ssyncadd.s32 $0xFFFF8000  }
0x1db: {  	[hbm4b:s25+s2] =	stream.linear.scatter [tilespmem:s6], [sflag:$0x3], $0x8000, $0x38;
	[tilespmem:$0x11400] =	vst v63  }
0x1dc: {  	_ =	swait.ge [sflag:s4], $0x8000  }
0x1dd: {  	[sflag:s4] =	ssyncset.done $0x0  }
0x1de: {  	[sflag:s4] =	ssyncadd.s32 $0xFFFF8000  }
0x1df: {  	[tilespmem:s6], [sflag:$0x2] =	stream.indirect.gather [hbm4b:s3+s10], $0x80, s16, s10, $0xb8;
	[tilespmem:$0x11400] =	vst v63  }
0x1e0: {  	_ =	swait.ge [sflag:s11], $0x8000  }
0x1e1: {  	[sflag:s11] =	ssyncset.done $0x0  }
0x1e2: {  	s26 =	rddreg [dreg:$0x11];
	[sflag:s11] =	ssyncadd.s32 $0xFFFF8000  }
0x1e3: {  	[hbm4b:s26+s2] =	stream.linear.scatter [tilespmem:s9], [sflag:$0x3], $0x8000, $0x38;
	[tilespmem:$0x11400] =	vst v63  }
0x1e4: {  	_ =	swait.ge [sflag:s4], $0x8000  }
0x1e5: {  	[sflag:s4] =	ssyncset.done $0x0  }
0x1e6: {  	[sflag:s4] =	ssyncadd.s32 $0xFFFF8000  }
0x1e7: {  	[tilespmem:s9], [sflag:$0x1] =	stream.indirect.gather [hbm4b:s3+s10], $0x80, s15, s10, $0xb8;
	[tilespmem:$0x11400] =	vst v63  }
0x1e8: {  	_ =	swait.ge [sflag:s8], $0x8000  }
0x1e9: {  	[sflag:s8] =	ssyncset.done $0x0  }
0x1ea: {  	s28 =	rddreg [dreg:$0x12];
	[sflag:s8] =	ssyncadd.s32 $0xFFFF8000  }
0x1eb: {  	[hbm4b:s28+s2] =	stream.linear.scatter [tilespmem:s6], [sflag:$0x3], $0x8000, $0x38;
	[tilespmem:$0x11400] =	vst v63  }
0x1ec: {  	_ =	swait.ge [sflag:s4], $0x8000  }
0x1ed: {  	[sflag:s4] =	ssyncset.done $0x0  }
0x1ee: {  	[sflag:s4] =	ssyncadd.s32 $0xFFFF8000  }
0x1ef: {  	[tilespmem:s6], [sflag:$0x2] =	stream.indirect.gather [hbm4b:s3+s10], $0x80, s14, s10, $0xb8;
	[tilespmem:$0x11400] =	vst v63  }
0x1f0: {  	_ =	swait.ge [sflag:s11], $0x8000  }
0x1f1: {  	[sflag:s11] =	ssyncset.done $0x0  }
0x1f2: {  	s29 =	rddreg [dreg:$0x13];
	[sflag:s11] =	ssyncadd.s32 $0xFFFF8000  }
0x1f3: {  	[hbm4b:s29+s2] =	stream.linear.scatter [tilespmem:s9], [sflag:$0x3], $0x8000, $0x38;
	[tilespmem:$0x11400] =	vst v63  }
0x1f4: {  	_ =	swait.ge [sflag:s4], $0x8000  }
0x1f5: {  	[sflag:s4] =	ssyncset.done $0x0  }
0x1f6: {  	[sflag:s4] =	ssyncadd.s32 $0xFFFF8000  }
0x1f7: {  	[tilespmem:s9], [sflag:$0x1] =	stream.indirect.gather [hbm4b:s3+s10], $0x80, s13, s10, $0xb8;
	[tilespmem:$0x11400] =	vst v63  }
0x1f8: {  	_ =	swait.ge [sflag:s8], $0x8000  }
0x1f9: {  	[sflag:s8] =	ssyncset.done $0x0  }
0x1fa: {  	s30 =	rddreg [dreg:$0x14];
	[sflag:s8] =	ssyncadd.s32 $0xFFFF8000  }
0x1fb: {  	[hbm4b:s30+s2] =	stream.linear.scatter [tilespmem:s6], [sflag:$0x3], $0x8000, $0x38;
	[tilespmem:$0x11400] =	vst v63  }
0x1fc: {  	_ =	swait.ge [sflag:s4], $0x8000  }
0x1fd: {  	[sflag:s4] =	ssyncset.done $0x0  }
0x1fe: {  	[sflag:s4] =	ssyncadd.s32 $0xFFFF8000  }
0x1ff: {  	[tilespmem:s6], [sflag:$0x2] =	stream.indirect.gather [hbm4b:s3+s10], $0x80, s12, s10, $0xb8;
	[tilespmem:$0x11400] =	vst v63  }
0x200: {  	_ =	swait.ge [sflag:s11], $0x8000  }
0x201: {  	[sflag:s11] =	ssyncset.done $0x0  }
0x202: {  	[sflag:s11] =	ssyncadd.s32 $0xFFFF8000  }
0x203: {  	[hbm4b:s7+s2] =	stream.linear.scatter [tilespmem:s9], [sflag:$0x3], $0x8000, $0x38;
	[tilespmem:$0x11400] =	vst v63  }
0x204: {  	_ =	swait.ge [sflag:s4], $0x8000  }
0x205: {  	[sflag:s4] =	ssyncset.done $0x0  }
0x206: {  	[sflag:s4] =	ssyncadd.s32 $0xFFFF8000  }
0x207: {  	_ =	swait.ge [sflag:s8], $0x8000  }
0x208: {  	[sflag:s8] =	ssyncset.done $0x0  }
0x209: {  	[sflag:s8] =	ssyncadd.s32 $0xFFFF8000  }
0x20a: {  	[hbm4b:s5+s2] =	stream.linear.scatter [tilespmem:s6], [sflag:$0x3], $0x8000, $0x38;
	[tilespmem:$0x11400] =	vst v63  }
0x20b: {  	_ =	swait.ge [sflag:s4], $0x8000  }
0x20c: {  	[sflag:s4] =	ssyncset.done $0x0  }
0x20d: {  	[sflag:s4] =	ssyncadd.s32 $0xFFFF8000  }
0x20e: {  	_ =	sfence.sel $0x180000  }
0x20f: {  	[bflag:$0x0] =	sbarrier.arrive $0xFFFF  }
0x210: {  	_ =	strace $0x9000004A  }
0x211: {  	s31 =	stileid.u32;
	[bflag:$0x2] =	sbarrier.arrive $0xFFFF  }
0x212: {  	p0 =	sne.s32 s31, $0x0;
	s0 =	rddreg [dreg:$0x2]  }
0x213: {  	s0 =	sadd.s32 @!p0 $0x100000, s0  }
0x214: {  	[sflag:s0] =	ssyncadd.tile.s32 @!p0 $0x1;
	_ =	shalt  }
.Lfunc_end2:
_tile_overlayer_lowered:
.L_overlay_start_2:
0x215: {  	(tag) =	ssettag $0x2  }
0x216: {  	s0 =	rddreg [dreg:$0x0];
	s2 =	stileid.u32  }
0x217: {  	s1 =	rddreg [dreg:$0x1];
	p0 =	sne.s32 s2, $0x0  }
0x218: {  	s3 =	rddreg [dreg:$0x2];
	[bflag:$0x3] =	sbarrier.arrive $0xFFFF;
	s2 =	simm.s32 @!p0 $0x1C03  }
0x219: {  	[timem:s3], [sflag:s2] =	dma.local @!p0 [hbm:s0], s1  }
0x21a: {  	s0 =	simm.s32 @!p0 $0x3  }
0x21b: {  	_ =	swait.ge @!p0 [sflag:s0], s1  }
0x21c: {  	s1 =	ssub.s32 @!p0 $0x0, s1;
	[sflag:s0] =	ssyncset.done @!p0 $0x0  }
0x21d: {  	[sflag:s0] =	ssyncadd.s32 @!p0 s1  }
0x21e: {  	[bflag:$0x3] =	sbarrier.arrive $0xFFFF  }
0x21f: {  	_ =	shalt  }

// kernel: kernel.8.cloned.1.call-start
scs
__scs_entry_jumppad:
0x0: {  	(pc) =	sbr.rel $0x88, $3  }
0x1: {  	(tag) =	ssettag $0x0;
	lr =	simm.s32 $0x1  }
0x2: {  	[smem:$0x3F9E] =	sst lr;
	_ =	strace $0xD0000000  }
0x3: {  	_ = 	snop  }
0x4: {  	_ = 	snop  }
0x5: {  	_ = 	snop  }
0x6: {  	_ = 	snop  }
0x7: {  	_ = 	snop  }
__scs_overlays_trampoline_lowered:
0x8: {  	[smem:$0x3FAD] =	sst s0  }
0x9: {  	[smem:$0x3FAE] =	sst s1  }
0xa: {  	[smem:$0x3FAF] =	sst s2  }
0xb: {  	[smem:$0x3FB0] =	sst s3  }
0xc: {  	[smem:$0x3FB1] =	sst s4  }
0xd: {  	[smem:$0x3FB2] =	sst s5  }
0xe: {  	[smem:$0x3FB3] =	sst s6  }
0xf: {  	[smem:$0x3FB4] =	sst s7  }
0x10: {  	[smem:$0x3FB5] =	sst s8  }
0x11: {  	[smem:$0x3FB6] =	sst s9;
	s0 =	simm.s32 @!p0 $0x0  }
0x12: {  	s1 =	sld [smem:$0x3F9C];
	s0 =	simm.s32 @p0 $0x1  }
0x13: {  	[smem:$0x3FB7] =	sst s0;
	s0 =	simm.s32 @!p1 $0x0  }
0x14: {  	s2 =	sld [smem:$0x3F9B];
	s0 =	simm.s32 @p1 $0x1  }
0x15: {  	[smem:$0x3FB8] =	sst s0;
	s0 =	simm.s32 @!p2 $0x0  }
0x16: {  	s3 =	sld [smem:$0x3FDB];
	s0 =	simm.s32 @p2 $0x1  }
0x17: {  	s4 =	simm.s32 $0x1BF5;
	[smem:$0x3FBA] =	sst s0  }
0x18: {  	s0 =	sld [smem:$0x3F9D];
	_ =	swait.ge [sflag:s4], $0x0  }
0x19: {  	s7 =	sld [smem:$0x3F9E]  }
0x1a: {  	s8 =	sadd.s32 $0xFFFFE003, lr  }
0x1b: {  	s9 =	sadd.s32 $0xFFFFFEF7, lr;
	s5 =	simm.s32 $0xFFFFFFFF;
	p2 =	slt.u32 s8, $0xFFFFF086  }
0x1c: {  	p1 =	slt.u32 s9, $0xF7A;
	s5 =	simm.s32 @!p2 $0x0  }
0x1d: {  	s5 =	simm.s32 @p1 $0x1;
	p0 =	seq.s32 s7, s2  }
0x1e: {  	s7 =	smul.u32 @!p0 $0xF7A, s2;
	p2 =	seq.s32 @!p0 s5, $0x0  }
0x1f: {  	s9 =	smul.u32 $0xF7A, s1;
	s8 =	simm.s32 @!p0 $0x1BF5;
	p2 =	por !p2, p0  }
0x20: {  	[sflag:s8] =	ssyncset.s32 @!p0 $0xFFFFF086;
	s6 =	sadd.s32 @!p0 s3, s7;
	s7 =	simm.s32 @!p0 $0x108  }
0x21: {  	s3 =	sadd.s32 s3, s9;
	s6 =	sadd.s32 @!p0 $0x88, s6;
	s7 =	simm.s32 @p2 $0x1082  }
0x22: {  	[simem:s7], [sflag:s8] =	dma.local @!p0 [hbm:s6], $0xF7A  }
0x23: {  	s9 =	sor.u32 $0xD0000000, s2;
	s6 =	simm.s32 $0x108;
	_ =	swait.ge @!p0 [sflag:s8], $0x0  }
0x24: {  	s3 =	sadd.s32 $0x88, s3;
	s6 =	simm.s32 @!p1 $0x1082;
	[sflag:s4] =	ssyncset.s32 $0xFFFFF086  }
0x25: {  	[simem:s6], [sflag:s4] =	dma.local [hbm:s3], $0xF7A  }
0x26: {  	[smem:$0x3F9E] =	sst s1;
	(tag) =	ssettag s2;
	_ =	strace s9  }
0x27: {  	s1 =	sld [smem:$0x3FAE]  }
0x28: {  	s2 =	sld [smem:$0x3FAF]  }
0x29: {  	s4 =	sld [smem:$0x3FB1]  }
0x2a: {  	p0 =	seq.s32 s5, $0x0;
	s5 =	sld [smem:$0x3FB2]  }
0x2b: {  	s6 =	sld [smem:$0x3FB3]  }
0x2c: {  	s7 =	sld [smem:$0x3FB4]  }
0x2d: {  	s3 =	simm.s32 $0x108;
	s8 =	sld [smem:$0x3FB5]  }
0x2e: {  	s3 =	simm.s32 @!p0 $0x1082;
	s9 =	sld [smem:$0x3FB6]  }
0x2f: {  	lr =	sadd.s32 s0, s3;
	s0 =	sld [smem:$0x3FAD]  }
0x30: {  	s3 =	sld [smem:$0x3FB0]  }
0x31: {  	[smem:$0x3FB9] =	sst s10  }
0x32: {  	s10 =	sld [smem:$0x3FB7];
	_ =	sdelay $0x3  }
0x33: {  	p0 =	seq.s32 s10, $0x1;
	s10 =	sld [smem:$0x3FB9];
	_ =	sdelay $0x3  }
0x34: {  	[smem:$0x3FB9] =	sst s10  }
0x35: {  	s10 =	sld [smem:$0x3FB8];
	_ =	sdelay $0x3  }
0x36: {  	p1 =	seq.s32 s10, $0x1;
	s10 =	sld [smem:$0x3FB9];
	_ =	sdelay $0x3  }
0x37: {  	[smem:$0x3FB9] =	sst s10  }
0x38: {  	s10 =	sld [smem:$0x3FBA]  }
0x39: {  	_ = 	snop;
	(pc) =	sbr.ind lr, $3  }
0x3a: {  	_ = 	snop  }
0x3b: {  	_ = 	snop  }
0x3c: {  	p2 =	seq.s32 s10, $0x1;
	s10 =	sld [smem:$0x3FB9]  }
0x3d: {  	_ =	shalt  }
0x3e: {  	_ =	shalt  }
0x3f: {  	_ =	shalt  }
0x40: {  	_ =	shalt  }
0x41: {  	_ =	shalt  }
0x42: {  	_ =	shalt  }
0x43: {  	_ =	shalt  }
0x44: {  	_ =	shalt  }
0x45: {  	_ =	shalt  }
0x46: {  	_ =	shalt  }
0x47: {  	_ =	shalt  }
0x48: {  	_ =	shalt  }
0x49: {  	_ =	shalt  }
0x4a: {  	_ =	shalt  }
0x4b: {  	_ =	shalt  }
0x4c: {  	_ =	shalt  }
0x4d: {  	_ =	shalt  }
0x4e: {  	_ =	shalt  }
0x4f: {  	_ =	shalt  }
0x50: {  	_ =	shalt  }
0x51: {  	_ =	shalt  }
0x52: {  	_ =	shalt  }
0x53: {  	_ =	shalt  }
0x54: {  	_ =	shalt  }
0x55: {  	_ =	shalt  }
0x56: {  	_ =	shalt  }
0x57: {  	_ =	shalt  }
0x58: {  	_ =	shalt  }
0x59: {  	_ =	shalt  }
0x5a: {  	_ =	shalt  }
0x5b: {  	_ =	shalt  }
0x5c: {  	_ =	shalt  }
0x5d: {  	_ =	shalt  }
0x5e: {  	_ =	shalt  }
0x5f: {  	_ =	shalt  }
0x60: {  	_ =	shalt  }
0x61: {  	_ =	shalt  }
0x62: {  	_ =	shalt  }
0x63: {  	_ =	shalt  }
0x64: {  	_ =	shalt  }
0x65: {  	_ =	shalt  }
0x66: {  	_ =	shalt  }
0x67: {  	_ =	shalt  }
0x68: {  	_ =	shalt  }
0x69: {  	_ =	shalt  }
0x6a: {  	_ =	shalt  }
0x6b: {  	_ =	shalt  }
0x6c: {  	_ =	shalt  }
0x6d: {  	_ =	shalt  }
0x6e: {  	_ =	shalt  }
0x6f: {  	_ =	shalt  }
0x70: {  	_ =	shalt  }
0x71: {  	_ =	shalt  }
0x72: {  	_ =	shalt  }
0x73: {  	_ =	shalt  }
0x74: {  	_ =	shalt  }
0x75: {  	_ =	shalt  }
0x76: {  	_ =	shalt  }
0x77: {  	_ =	shalt  }
0x78: {  	_ =	shalt  }
0x79: {  	_ =	shalt  }
0x7a: {  	_ =	shalt  }
0x7b: {  	_ =	shalt  }
0x7c: {  	_ =	shalt  }
0x7d: {  	_ =	shalt  }
0x7e: {  	_ =	shalt  }
0x7f: {  	_ =	shalt  }
0x80: {  	_ =	shalt  }
0x81: {  	_ =	shalt  }
0x82: {  	_ =	shalt  }
0x83: {  	_ =	shalt  }
0x84: {  	_ =	shalt  }
0x85: {  	_ =	shalt  }
0x86: {  	_ =	shalt  }
0x87: {  	_ =	shalt  }
.Lfunc_end0:
.L_simem_size_0:
called_computation.1_lowered:
.L_overlay_start_0:
0x88: {  	s2 =	sld [smem:$0x3FD9]  }
0x89: {  	s3 =	sld [smem:$0x3FFE];
	_ =	sdelay $0x1  }
0x8a: {  	s1 =	srdreg.scid  }
0x8b: {  	s0 =	sand.u32 $0x1, s1  }
0x8c: {  	s14 =	sshll.u32 s0, $0xA;
	s2 =	sadd.s32 s3, s2  }
0x8d: {  	s2 =	sadd.s32 s2, s14  }
0x8e: {  	[smem:$0x3FC5] =	sst s2  }
0x8f: {  	_ = 	snop  }
0x90: {  	s2 =	sld [smem:$0x3FD0];
	_ =	sdelay $0x2  }
0x91: {  	s15 =	simm.s32 $0xA;
	s4 =	simm.s32 $0x10  }
0x92: {  	[smem:s4], [sflag:s15] =	dma.local [hbm:s2], $0x1  }
0x93: {  	_ =	swait.eq [sflag:s15], $0x1  }
0x94: {  	[sflag:s15] =	ssyncset.done $0x0  }
0x95: {  	s16 =	sld [smem:$0x11];
	[sflag:s15] =	ssyncadd.s32 $0xFFFFFFFF  }
0x96: {  	s17 =	sld [smem:$0x12];
	(tm) =	ssettm $0x1  }
0x97: {  	s18 =	sld [smem:$0x3FFB];
	_ =	sdelay $0x3  }
0x98: {  	_ =	strace s18  }
0x99: {  	s4 =	sld [smem:$0x3FFC];
	_ =	sdelay $0x3  }
0x9a: {  	_ =	strace s4  }
0x9b: {  	s4 =	sld [smem:$0x3FFD];
	_ =	sdelay $0x3  }
0x9c: {  	_ =	strace s4  }
0x9d: {  	_ =	strace $0x8FFFFFFF  }
0x9e: {  	s19 =	sld [smem:$0x3FDB];
	_ =	sdelay $0x1  }
0x9f: {  	s5 =	simm.s32 $_scs_section_size  }
0xa0: {  	s6 =	simm.s32 $_size__tile_overlayer_lowered;
	s7 =	simm.s32 $_tile_overlayer_lowered  }
0xa1: {  	s22 =	simm.s32 $0x1BFF;
	s21 =	sshll.u32 s7, $0x1;
	s4 =	sadd.s32 s5, s19  }
0xa2: {  	s8 =	simm.s32 $0x0;
	s20 =	sshll.u32 s6, $0x1;
	s6 =	sadd.s32 s21, s4  }
0xa3: {  	[timem:s8], [sflag:s22] =	dma.local [hbm:s6], s20  }
0xa4: {  	_ =	swait.ge [sflag:s22], s20  }
0xa5: {  	s5 =	ssub.s32 $0x0, s20;
	[sflag:s22] =	ssyncset.done $0x0  }
0xa6: {  	[sflag:s22] =	ssyncadd.s32 s5;
	_ =	sdelay $0x1  }
0xa7: {  	s23 =	simm.s32 $0x1B8B  }
0xa8: {  	_ =	swait.ge [sflag:s23], $0x1  }
0xa9: {  	[sflag:s23] =	ssyncset.done $0x0  }
0xaa: {  	s25 =	simm.s32 $0x1B8E;
	s24 =	sld [smem:$0x3FFE];
	[sflag:s23] =	ssyncadd.s32 $0xFFFFFFFF  }
0xab: {  	s26 =	simm.s32 $execute0_lowered;
	[smem:$0x3FD2] =	sst s25  }
0xac: {  	s6 =	sshll.u32 s26, $0x1;
	_ =	strace $0x80000046;
	[dreg:$0x1] =	wrdreg $0xFFFFFFFF  }
0xad: {  	s28 =	simm.s32 $_size_execute0_lowered;
	s4 =	sadd.s32 s4, s6;
	[dreg:$0x0] =	wrdreg $0x0  }
0xae: {  	s6 =	sshll.u32 s28, $0x1;
	[dreg:$0x2] =	wrdreg s4  }
0xaf: {  	[dreg:$0x3] =	wrdreg s6  }
0xb0: {  	[dreg:$0x4] =	wrdreg $0xC0  }
0xb1: {  	_ =	task [dreg:s8], $0x5FFFF  }
0xb2: {  	[dreg:$0x1] =	wrdreg $0xFFFFFFFF  }
0xb3: {  	[dreg:$0x0] =	wrdreg $0x60  }
0xb4: {  	[dreg:$0x2] =	wrdreg s24  }
0xb5: {  	[dreg:$0x3] =	wrdreg s16  }
0xb6: {  	[dreg:$0x4] =	wrdreg s17  }
0xb7: {  	[dreg:$0x5] =	wrdreg $0x9  }
0xb8: {  	_ =	task.clear_ibuf [dreg:s8], $0x6FFFF;
	_ =	strace $0x90000046  }
0xb9: {  	s29 =	simm.s32 $0x9;
	_ =	strace $0x80000048  }
0xba: {  	_ =	swait.ge [sflag:s29], $0x1  }
0xbb: {  	[sflag:s29] =	ssyncadd.s32 $0xFFFFFFFF  }
0xbc: {  	_ =	strace $0x90000048  }
0xbd: {  	_ =	sfence  }
0xbe: {  	s30 =	sld [smem:$0x0];
	_ =	sdelay $0x2  }
0xbf: {  	s31 =	sshll.u32 s1, $0xD;
	s1 =	sshrl.u32 s1, $0x2  }
0xc0: {  	s3 =	sand.u32 $0x4000, s31;
	s1 =	sadd.s32 s1, s30  }
0xc1: {  	s0 =	sor.u32 s3, s0;
	s1 =	sshll.u32 s1, $0x11  }
0xc2: {  	s0 =	sor.u32 s1, s0  }
0xc3: {  	s0 =	sadd.s32 $0x8F2B, s0  }
0xc4: {  	[sflag:s0] =	ssyncadd.remote.s32 $0x1  }
0xc5: {  	_ =	sfence.sel $0xFFFF  }
0xc6: {  	[dreg:$0x0] =	wrdreg $0xFFFFFFFF;
	(pc) =	sbr.abs _section_cstart, $3  }
0xc7: {  	[dreg:$0x1] =	wrdreg $0xFFFFFFFF  }
0xc8: {  	_ =	task.clear_ibuf [dreg:s8], $0x2FFFF;
	_ =	strace $0x9FFFFFFF  }
0xc9: {  	(tm) =	ssettm $0x7FFFFFFF  }
tec
execute0_lowered:
.L_overlay_start_1:
0x0: {  	(tag) =	ssettag $0x1  }
0x1: {  	s0 =	srdreg.scid;
	s1 =	rddreg [dreg:$0x0]  }
0x2: {  	s2 =	stileid.u32;
	s3 =	rddreg [dreg:$0x1];
	s22 =	simm.s32 $0x0  }
0x3: {  	s0 =	sand.u32 $0x1, s0;
	s2 =	sshll.u32 s2, $0x1;
	[smem:$0x7FF] =	sst s22  }
0x4: {  	s12 =	simm.s32 $0x100;
	s4 =	sor.u32 s0, s2;
	s2 =	rddreg [dreg:$0x2]  }
0x5: {  	s13 =	simm.s32 $0x180;
	_ =	strace $0x80000047;
	[dreg:$0x19] =	wrdreg s12  }
0x6: {  	s14 =	simm.s32 $0x200;
	[dreg:$0x1a] =	wrdreg s13;
	s5 =	smul.u32 $0xC00, s4  }
0x7: {  	s15 =	simm.s32 $0x280;
	[dreg:$0x1b] =	wrdreg s14;
	s4 =	smul.u32 $0x140, s4  }
0x8: {  	s16 =	simm.s32 $0x300;
	[dreg:$0x1c] =	wrdreg s15;
	s5 =	sshrl.u32 s5, $0x3  }
0x9: {  	[dreg:$0x1d] =	wrdreg s16;
	s3 =	sadd.s32 s3, s4;
	s5 =	sadd.s32 s5, s1  }
0xa: {  	[dreg:$0x4] =	wrdreg s3;
	s17 =	sadd.s32 $0x2A00, s5  }
0xb: {  	s18 =	sadd.s32 $0x2A10, s5;
	[dreg:$0x5] =	wrdreg s17  }
0xc: {  	s19 =	sadd.s32 $0x2A20, s5;
	[dreg:$0x6] =	wrdreg s18  }
0xd: {  	s20 =	sadd.s32 $0x2A30, s5;
	[dreg:$0x7] =	wrdreg s19  }
0xe: {  	s21 =	sadd.s32 $0x2A40, s5;
	[dreg:$0x8] =	wrdreg s20  }
0xf: {  	s23 =	sadd.s32 $0x2A50, s5;
	[dreg:$0x9] =	wrdreg s21  }
0x10: {  	s24 =	sadd.s32 $0x2A60, s5;
	[dreg:$0xa] =	wrdreg s23  }
0x11: {  	s25 =	sadd.s32 $0x2A70, s5;
	[dreg:$0xb] =	wrdreg s24  }
0x12: {  	s26 =	sadd.s32 $0x2A80, s5;
	[dreg:$0xc] =	wrdreg s25  }
0x13: {  	s28 =	sadd.s32 $0x2A90, s5;
	[dreg:$0xd] =	wrdreg s26  }
0x14: {  	s29 =	sadd.s32 $0x2AA0, s5;
	[dreg:$0xe] =	wrdreg s28  }
0x15: {  	s30 =	sadd.s32 $0x2AB0, s5;
	[dreg:$0xf] =	wrdreg s29  }
0x16: {  	s31 =	sadd.s32 $0x2AC0, s5;
	[dreg:$0x10] =	wrdreg s30  }
0x17: {  	s4 =	sadd.s32 $0x2AD0, s5;
	[dreg:$0x11] =	wrdreg s31  }
0x18: {  	s6 =	sadd.s32 $0x2AE0, s5;
	[dreg:$0x12] =	wrdreg s4  }
0x19: {  	s7 =	sadd.s32 $0x2AF0, s5;
	[dreg:$0x13] =	wrdreg s6  }
0x1a: {  	s8 =	sadd.s32 $0x2B00, s5;
	[dreg:$0x14] =	wrdreg s7  }
0x1b: {  	s9 =	sadd.s32 $0x2B10, s5;
	[dreg:$0x15] =	wrdreg s8  }
0x1c: {  	s10 =	sadd.s32 $0x2B20, s5;
	[dreg:$0x16] =	wrdreg s9  }
0x1d: {  	s5 =	sadd.s32 $0x2B30, s5;
	[dreg:$0x17] =	wrdreg s10  }
0x1e: {  	p0 =	por $0x0, $0x0;
	s0 =	ssub.s32 $0x2, s0;
	[dreg:$0x18] =	wrdreg s5  }
0x1f: {  	s13 =	simm.s32 $0x1;
	s17 =	simm.s32 $0x380;
	s5 =	rddreg [dreg:$0x4]  }
0x20: {  	s12 =	simm.s32 $0x2;
	s18 =	simm.s32 $0x400;
	[dreg:$0x1e] =	wrdreg s17  }
0x21: {  	s11 =	sshrl.u32 s0, $0x1;
	s19 =	simm.s32 $0x480;
	[dreg:$0x1f] =	wrdreg s18  }
0x22: {  	s0 =	ssub.s32 s0, s11;
	s20 =	simm.s32 $0x500;
	[smem:$0x7F3] =	sst s19  }
0x23: {  	s3 =	sadd.s32 $0x5A00, s1;
	s21 =	simm.s32 $0x580;
	[smem:$0x7F4] =	sst s20  }
0x24: {  	s4 =	smax.u32 s0, $0x1;
	s23 =	simm.s32 $0x600;
	[smem:$0x7F5] =	sst s21  }
0x25: {  	s0 =	simm.s32 $0x5;
	s24 =	simm.s32 $0x680;
	[smem:$0x7F6] =	sst s23  }
0x26: {  	s25 =	simm.s32 $0x700;
	s26 =	simm.s32 $0x780;
	[smem:$0x7F7] =	sst s24  }
0x27: {  	s28 =	simm.s32 $0x800;
	[smem:$0x7F8] =	sst s25;
	p1 =	sne.s32 s4, $0x1  }
.Ltmp0:
0x28: {  	s29 =	simm.s32 $0x880;
	[smem:$0x7F9] =	sst s26;
	(pc) =	sbr.rel @!p1 .LBB2_4-.Ltmp0, $4  }
0x29: {  	s30 =	simm.s32 $0x900;
	s31 =	simm.s32 $0x980;
	[smem:$0x7FA] =	sst s28  }
0x2a: {  	s6 =	simm.s32 $0x80;
	s10 =	simm.s32 $0x1400;
	[smem:$0x7FB] =	sst s29  }
0x2b: {  	s9 =	simm.s32 $0x5400;
	s8 =	simm.s32 $0x3;
	[smem:$0x7FC] =	sst s30  }
0x2c: {  	s7 =	simm.s32 $0x4;
	[smem:$0x7FD] =	sst s31;
	s4 =	sadd.s32 $0xFFFFFFFF, s4  }
0x2d: {  	[tilespmem:s22], [sflag:$0x5] =	stream.linear.gather [hbm4b:s5+s22], $0xA00, $0x38;
	[tilespmem:$0x9400] =	vst v63  }
0x2e: {  	_ =	swait.ge [sflag:s0], $0xA00  }
0x2f: {  	[sflag:s0] =	ssyncset.done $0x0  }
0x30: {  	s1 =	simm.s32 $0xA00;
	s19 =	rddreg [dreg:$0x5];
	[sflag:s0] =	ssyncadd.s32 $0xFFFFF600  }
0x31: {  	[tilespmem:s1], [sflag:$0x5] =	stream.linear.gather [hbm4b:s19+s22], $0x80, $0x38;
	[tilespmem:$0x9400] =	vst v63  }
0x32: {  	_ =	swait.ge [sflag:s0], $0x80  }
0x33: {  	[sflag:s0] =	ssyncset.done $0x0  }
0x34: {  	s31 =	simm.s32 $0xA80;
	s20 =	rddreg [dreg:$0x6];
	[sflag:s0] =	ssyncadd.s32 $0xFFFFFF80  }
0x35: {  	[tilespmem:s31], [sflag:$0x5] =	stream.linear.gather [hbm4b:s20+s22], $0x80, $0x38;
	[tilespmem:$0x9400] =	vst v63  }
0x36: {  	_ =	swait.ge [sflag:s0], $0x80  }
0x37: {  	[sflag:s0] =	ssyncset.done $0x0  }
0x38: {  	s30 =	simm.s32 $0xB00;
	s21 =	rddreg [dreg:$0x7];
	[sflag:s0] =	ssyncadd.s32 $0xFFFFFF80  }
0x39: {  	[tilespmem:s30], [sflag:$0x5] =	stream.linear.gather [hbm4b:s21+s22], $0x80, $0x38;
	[tilespmem:$0x9400] =	vst v63  }
0x3a: {  	_ =	swait.ge [sflag:s0], $0x80  }
0x3b: {  	[sflag:s0] =	ssyncset.done $0x0  }
0x3c: {  	s29 =	simm.s32 $0xB80;
	s23 =	rddreg [dreg:$0x8];
	[sflag:s0] =	ssyncadd.s32 $0xFFFFFF80  }
0x3d: {  	[tilespmem:s29], [sflag:$0x5] =	stream.linear.gather [hbm4b:s23+s22], $0x80, $0x38;
	[tilespmem:$0x9400] =	vst v63  }
0x3e: {  	_ =	swait.ge [sflag:s0], $0x80  }
0x3f: {  	[sflag:s0] =	ssyncset.done $0x0  }
0x40: {  	s28 =	simm.s32 $0xC00;
	s24 =	rddreg [dreg:$0x9];
	[sflag:s0] =	ssyncadd.s32 $0xFFFFFF80  }
0x41: {  	[tilespmem:s28], [sflag:$0x5] =	stream.linear.gather [hbm4b:s24+s22], $0x80, $0x38;
	[tilespmem:$0x9400] =	vst v63  }
0x42: {  	_ =	swait.ge [sflag:s0], $0x80  }
0x43: {  	[sflag:s0] =	ssyncset.done $0x0  }
0x44: {  	s26 =	simm.s32 $0xC80;
	s25 =	rddreg [dreg:$0xa];
	[sflag:s0] =	ssyncadd.s32 $0xFFFFFF80  }
0x45: {  	[tilespmem:s26], [sflag:$0x5] =	stream.linear.gather [hbm4b:s25+s22], $0x80, $0x38;
	[tilespmem:$0x9400] =	vst v63  }
0x46: {  	_ =	swait.ge [sflag:s0], $0x80  }
0x47: {  	[sflag:s0] =	ssyncset.done $0x0  }
0x48: {  	s25 =	simm.s32 $0xD00;
	s11 =	rddreg [dreg:$0xb];
	[sflag:s0] =	ssyncadd.s32 $0xFFFFFF80  }
0x49: {  	[tilespmem:s25], [sflag:$0x5] =	stream.linear.gather [hbm4b:s11+s22], $0x80, $0x38;
	[tilespmem:$0x9400] =	vst v63  }
0x4a: {  	_ =	swait.ge [sflag:s0], $0x80  }
0x4b: {  	[sflag:s0] =	ssyncset.done $0x0  }
0x4c: {  	s24 =	simm.s32 $0xD80;
	s14 =	rddreg [dreg:$0xc];
	[sflag:s0] =	ssyncadd.s32 $0xFFFFFF80  }
0x4d: {  	[tilespmem:s24], [sflag:$0x5] =	stream.linear.gather [hbm4b:s14+s22], $0x80, $0x38;
	[tilespmem:$0x9400] =	vst v63  }
0x4e: {  	_ =	swait.ge [sflag:s0], $0x80  }
0x4f: {  	[sflag:s0] =	ssyncset.done $0x0  }
0x50: {  	s23 =	simm.s32 $0xE00;
	s15 =	rddreg [dreg:$0xd];
	[sflag:s0] =	ssyncadd.s32 $0xFFFFFF80  }
0x51: {  	[tilespmem:s23], [sflag:$0x5] =	stream.linear.gather [hbm4b:s15+s22], $0x80, $0x38;
	[tilespmem:$0x9400] =	vst v63  }
0x52: {  	_ =	swait.ge [sflag:s0], $0x80  }
0x53: {  	[sflag:s0] =	ssyncset.done $0x0  }
0x54: {  	s21 =	simm.s32 $0xE80;
	s16 =	rddreg [dreg:$0xe];
	[sflag:s0] =	ssyncadd.s32 $0xFFFFFF80  }
0x55: {  	[tilespmem:s21], [sflag:$0x5] =	stream.linear.gather [hbm4b:s16+s22], $0x80, $0x38;
	[tilespmem:$0x9400] =	vst v63  }
0x56: {  	_ =	swait.ge [sflag:s0], $0x80  }
0x57: {  	[sflag:s0] =	ssyncset.done $0x0  }
0x58: {  	s20 =	simm.s32 $0xF00;
	s17 =	rddreg [dreg:$0xf];
	[sflag:s0] =	ssyncadd.s32 $0xFFFFFF80  }
0x59: {  	[tilespmem:s20], [sflag:$0x5] =	stream.linear.gather [hbm4b:s17+s22], $0x80, $0x38;
	[tilespmem:$0x9400] =	vst v63  }
0x5a: {  	_ =	swait.ge [sflag:s0], $0x80  }
0x5b: {  	[sflag:s0] =	ssyncset.done $0x0  }
0x5c: {  	s19 =	simm.s32 $0xF80;
	s18 =	rddreg [dreg:$0x10];
	[sflag:s0] =	ssyncadd.s32 $0xFFFFFF80  }
0x5d: {  	[tilespmem:s19], [sflag:$0x5] =	stream.linear.gather [hbm4b:s18+s22], $0x80, $0x38;
	[tilespmem:$0x9400] =	vst v63  }
0x5e: {  	_ =	swait.ge [sflag:s0], $0x80  }
0x5f: {  	[sflag:s0] =	ssyncset.done $0x0  }
0x60: {  	s18 =	simm.s32 $0x1000;
	s11 =	rddreg [dreg:$0x11];
	[sflag:s0] =	ssyncadd.s32 $0xFFFFFF80  }
0x61: {  	[tilespmem:s18], [sflag:$0x5] =	stream.linear.gather [hbm4b:s11+s22], $0x80, $0x38;
	[tilespmem:$0x9400] =	vst v63  }
0x62: {  	_ =	swait.ge [sflag:s0], $0x80  }
0x63: {  	[sflag:s0] =	ssyncset.done $0x0  }
0x64: {  	s17 =	simm.s32 $0x1080;
	s14 =	rddreg [dreg:$0x12];
	[sflag:s0] =	ssyncadd.s32 $0xFFFFFF80  }
0x65: {  	[tilespmem:s17], [sflag:$0x5] =	stream.linear.gather [hbm4b:s14+s22], $0x80, $0x38;
	[tilespmem:$0x9400] =	vst v63  }
0x66: {  	_ =	swait.ge [sflag:s0], $0x80  }
0x67: {  	[sflag:s0] =	ssyncset.done $0x0  }
0x68: {  	s16 =	simm.s32 $0x1100;
	s15 =	rddreg [dreg:$0x13];
	[sflag:s0] =	ssyncadd.s32 $0xFFFFFF80  }
0x69: {  	[tilespmem:s16], [sflag:$0x5] =	stream.linear.gather [hbm4b:s15+s22], $0x80, $0x38;
	[tilespmem:$0x9400] =	vst v63  }
0x6a: {  	_ =	swait.ge [sflag:s0], $0x80  }
0x6b: {  	[sflag:s0] =	ssyncset.done $0x0  }
0x6c: {  	s15 =	simm.s32 $0x1180;
	s11 =	rddreg [dreg:$0x14];
	[sflag:s0] =	ssyncadd.s32 $0xFFFFFF80  }
0x6d: {  	[tilespmem:s15], [sflag:$0x5] =	stream.linear.gather [hbm4b:s11+s22], $0x80, $0x38;
	[tilespmem:$0x9400] =	vst v63  }
0x6e: {  	_ =	swait.ge [sflag:s0], $0x80  }
0x6f: {  	[sflag:s0] =	ssyncset.done $0x0  }
0x70: {  	s11 =	simm.s32 $0x1200;
	s14 =	rddreg [dreg:$0x15];
	[sflag:s0] =	ssyncadd.s32 $0xFFFFFF80  }
0x71: {  	[tilespmem:s11], [sflag:$0x5] =	stream.linear.gather [hbm4b:s14+s22], $0x80, $0x38;
	[tilespmem:$0x9400] =	vst v63  }
0x72: {  	_ =	swait.ge [sflag:s0], $0x80  }
0x73: {  	[sflag:s0] =	ssyncset.done $0x0  }
0x74: {  	s14 =	simm.s32 $0x1280;
	s5 =	rddreg [dreg:$0x16];
	[sflag:s0] =	ssyncadd.s32 $0xFFFFFF80  }
0x75: {  	[tilespmem:s14], [sflag:$0x5] =	stream.linear.gather [hbm4b:s5+s22], $0x80, $0x38;
	[tilespmem:$0x9400] =	vst v63  }
0x76: {  	_ =	swait.ge [sflag:s0], $0x80  }
0x77: {  	[sflag:s0] =	ssyncset.done $0x0  }
0x78: {  	s14 =	simm.s32 $0x1300;
	s5 =	rddreg [dreg:$0x17];
	[sflag:s0] =	ssyncadd.s32 $0xFFFFFF80  }
0x79: {  	[tilespmem:s14], [sflag:$0x5] =	stream.linear.gather [hbm4b:s5+s22], $0x80, $0x38;
	[tilespmem:$0x9400] =	vst v63  }
0x7a: {  	_ =	swait.ge [sflag:s0], $0x80  }
0x7b: {  	[sflag:s0] =	ssyncset.done $0x0  }
0x7c: {  	s14 =	simm.s32 $0x1380;
	s5 =	rddreg [dreg:$0x18];
	[sflag:s0] =	ssyncadd.s32 $0xFFFFFF80  }
0x7d: {  	[tilespmem:s14], [sflag:$0x5] =	stream.linear.gather [hbm4b:s5+s22], $0x80, $0x38;
	[tilespmem:$0x9400] =	vst v63  }
0x7e: {  	_ =	swait.ge [sflag:s0], $0x80  }
0x7f: {  	[sflag:s0] =	ssyncset.done $0x0  }
0x80: {  	[sflag:s0] =	ssyncadd.s32 $0xFFFFFF80  }
0x81: {  	[tilespmem:s10], [sflag:$0x1] =	stream.indirect.gather [hbm4b:s3+s6], $0x80, s22, s6, $0xb8;
	[tilespmem:$0x9400] =	vst v63  }
0x82: {  	_ = 	snop  }
0x83: {  	[tilespmem:s9], [sflag:$0x2] =	stream.indirect.gather [hbm4b:s3+s6], $0x80, s6, s6, $0xb8;
	[tilespmem:$0x9400] =	vst v63  }
0x84: {  	_ =	swait.ge [sflag:s13], $0x4000  }
0x85: {  	[sflag:s13] =	ssyncset.done $0x0  }
0x86: {  	[sflag:s13] =	ssyncadd.s32 $0xFFFFC000  }
0x87: {  	[hbm4b:s2+s6] =	stream.indirect.scatter [tilespmem:s10], [sflag:$0x3], $0x80, s1, s6, $0xb8;
	[tilespmem:$0x9400] =	vst v63  }
0x88: {  	_ =	swait.ge [sflag:s8], $0x4000  }
0x89: {  	[sflag:s8] =	ssyncset.done $0x0  }
0x8a: {  	s1 =	rddreg [dreg:$0x19];
	[sflag:s8] =	ssyncadd.s32 $0xFFFFC000  }
0x8b: {  	[tilespmem:s10], [sflag:$0x1] =	stream.indirect.gather [hbm4b:s3+s6], $0x80, s1, s6, $0xb8;
	[tilespmem:$0x9400] =	vst v63  }
0x8c: {  	_ =	swait.ge [sflag:s12], $0x4000  }
0x8d: {  	[sflag:s12] =	ssyncset.done $0x0  }
0x8e: {  	[sflag:s12] =	ssyncadd.s32 $0xFFFFC000  }
0x8f: {  	[hbm4b:s2+s6] =	stream.indirect.scatter [tilespmem:s9], [sflag:$0x4], $0x80, s31, s6, $0xb8;
	[tilespmem:$0x9400] =	vst v63  }
0x90: {  	_ =	swait.ge [sflag:s7], $0x4000  }
0x91: {  	[sflag:s7] =	ssyncset.done $0x0  }
0x92: {  	s1 =	rddreg [dreg:$0x1a];
	[sflag:s7] =	ssyncadd.s32 $0xFFFFC000  }
0x93: {  	[tilespmem:s9], [sflag:$0x2] =	stream.indirect.gather [hbm4b:s3+s6], $0x80, s1, s6, $0xb8;
	[tilespmem:$0x9400] =	vst v63  }
0x94: {  	_ =	swait.ge [sflag:s13], $0x4000  }
0x95: {  	[sflag:s13] =	ssyncset.done $0x0  }
0x96: {  	[sflag:s13] =	ssyncadd.s32 $0xFFFFC000  }
0x97: {  	[hbm4b:s2+s6] =	stream.indirect.scatter [tilespmem:s10], [sflag:$0x3], $0x80, s30, s6, $0xb8;
	[tilespmem:$0x9400] =	vst v63  }
0x98: {  	_ =	swait.ge [sflag:s8], $0x4000  }
0x99: {  	[sflag:s8] =	ssyncset.done $0x0  }
0x9a: {  	s30 =	rddreg [dreg:$0x1b];
	[sflag:s8] =	ssyncadd.s32 $0xFFFFC000  }
0x9b: {  	[tilespmem:s10], [sflag:$0x1] =	stream.indirect.gather [hbm4b:s3+s6], $0x80, s30, s6, $0xb8;
	[tilespmem:$0x9400] =	vst v63  }
0x9c: {  	_ =	swait.ge [sflag:s12], $0x4000  }
0x9d: {  	[sflag:s12] =	ssyncset.done $0x0  }
0x9e: {  	[sflag:s12] =	ssyncadd.s32 $0xFFFFC000  }
0x9f: {  	[hbm4b:s2+s6] =	stream.indirect.scatter [tilespmem:s9], [sflag:$0x4], $0x80, s29, s6, $0xb8;
	[tilespmem:$0x9400] =	vst v63  }
0xa0: {  	_ =	swait.ge [sflag:s7], $0x4000  }
0xa1: {  	[sflag:s7] =	ssyncset.done $0x0  }
0xa2: {  	s31 =	rddreg [dreg:$0x1c];
	[sflag:s7] =	ssyncadd.s32 $0xFFFFC000  }
0xa3: {  	[tilespmem:s9], [sflag:$0x2] =	stream.indirect.gather [hbm4b:s3+s6], $0x80, s31, s6, $0xb8;
	[tilespmem:$0x9400] =	vst v63  }
0xa4: {  	_ =	swait.ge [sflag:s13], $0x4000  }
0xa5: {  	[sflag:s13] =	ssyncset.done $0x0  }
0xa6: {  	[sflag:s13] =	ssyncadd.s32 $0xFFFFC000  }
0xa7: {  	[hbm4b:s2+s6] =	stream.indirect.scatter [tilespmem:s10], [sflag:$0x3], $0x80, s28, s6, $0xb8;
	[tilespmem:$0x9400] =	vst v63  }
0xa8: {  	_ =	swait.ge [sflag:s8], $0x4000  }
0xa9: {  	[sflag:s8] =	ssyncset.done $0x0  }
0xaa: {  	s1 =	rddreg [dreg:$0x1d];
	[sflag:s8] =	ssyncadd.s32 $0xFFFFC000  }
0xab: {  	[tilespmem:s10], [sflag:$0x1] =	stream.indirect.gather [hbm4b:s3+s6], $0x80, s1, s6, $0xb8;
	[tilespmem:$0x9400] =	vst v63  }
0xac: {  	_ =	swait.ge [sflag:s12], $0x4000  }
0xad: {  	[sflag:s12] =	ssyncset.done $0x0  }
0xae: {  	[sflag:s12] =	ssyncadd.s32 $0xFFFFC000  }
0xaf: {  	[hbm4b:s2+s6] =	stream.indirect.scatter [tilespmem:s9], [sflag:$0x4], $0x80, s26, s6, $0xb8;
	[tilespmem:$0x9400] =	vst v63  }
0xb0: {  	_ =	swait.ge [sflag:s7], $0x4000  }
0xb1: {  	[sflag:s7] =	ssyncset.done $0x0  }
0xb2: {  	s28 =	rddreg [dreg:$0x1e];
	[sflag:s7] =	ssyncadd.s32 $0xFFFFC000  }
0xb3: {  	[tilespmem:s9], [sflag:$0x2] =	stream.indirect.gather [hbm4b:s3+s6], $0x80, s28, s6, $0xb8;
	[tilespmem:$0x9400] =	vst v63  }
0xb4: {  	_ =	swait.ge [sflag:s13], $0x4000  }
0xb5: {  	[sflag:s13] =	ssyncset.done $0x0  }
0xb6: {  	[sflag:s13] =	ssyncadd.s32 $0xFFFFC000  }
0xb7: {  	[hbm4b:s2+s6] =	stream.indirect.scatter [tilespmem:s10], [sflag:$0x3], $0x80, s25, s6, $0xb8;
	[tilespmem:$0x9400] =	vst v63  }
0xb8: {  	_ =	swait.ge [sflag:s8], $0x4000  }
0xb9: {  	[sflag:s8] =	ssyncset.done $0x0  }
0xba: {  	s29 =	rddreg [dreg:$0x1f];
	[sflag:s8] =	ssyncadd.s32 $0xFFFFC000  }
0xbb: {  	[tilespmem:s10], [sflag:$0x1] =	stream.indirect.gather [hbm4b:s3+s6], $0x80, s29, s6, $0xb8;
	[tilespmem:$0x9400] =	vst v63  }
0xbc: {  	_ =	swait.ge [sflag:s12], $0x4000  }
0xbd: {  	[sflag:s12] =	ssyncset.done $0x0  }
0xbe: {  	[sflag:s12] =	ssyncadd.s32 $0xFFFFC000  }
0xbf: {  	[hbm4b:s2+s6] =	stream.indirect.scatter [tilespmem:s9], [sflag:$0x4], $0x80, s24, s6, $0xb8;
	[tilespmem:$0x9400] =	vst v63  }
0xc0: {  	_ =	swait.ge [sflag:s7], $0x4000  }
0xc1: {  	s30 =	sld [smem:$0x7F3]  }
0xc2: {  	[sflag:s7] =	ssyncset.done $0x0  }
0xc3: {  	[sflag:s7] =	ssyncadd.s32 $0xFFFFC000  }
0xc4: {  	[tilespmem:s9], [sflag:$0x2] =	stream.indirect.gather [hbm4b:s3+s6], $0x80, s30, s6, $0xb8;
	[tilespmem:$0x9400] =	vst v63  }
0xc5: {  	_ =	swait.ge [sflag:s13], $0x4000  }
0xc6: {  	[sflag:s13] =	ssyncset.done $0x0  }
0xc7: {  	[sflag:s13] =	ssyncadd.s32 $0xFFFFC000  }
0xc8: {  	[hbm4b:s2+s6] =	stream.indirect.scatter [tilespmem:s10], [sflag:$0x3], $0x80, s23, s6, $0xb8;
	[tilespmem:$0x9400] =	vst v63  }
0xc9: {  	_ =	swait.ge [sflag:s8], $0x4000  }
0xca: {  	s31 =	sld [smem:$0x7F4]  }
0xcb: {  	[sflag:s8] =	ssyncset.done $0x0  }
0xcc: {  	[sflag:s8] =	ssyncadd.s32 $0xFFFFC000  }
0xcd: {  	[tilespmem:s10], [sflag:$0x1] =	stream.indirect.gather [hbm4b:s3+s6], $0x80, s31, s6, $0xb8;
	[tilespmem:$0x9400] =	vst v63  }
0xce: {  	_ =	swait.ge [sflag:s12], $0x4000  }
0xcf: {  	[sflag:s12] =	ssyncset.done $0x0  }
0xd0: {  	[sflag:s12] =	ssyncadd.s32 $0xFFFFC000  }
0xd1: {  	[hbm4b:s2+s6] =	stream.indirect.scatter [tilespmem:s9], [sflag:$0x4], $0x80, s21, s6, $0xb8;
	[tilespmem:$0x9400] =	vst v63  }
0xd2: {  	_ =	swait.ge [sflag:s7], $0x4000  }
0xd3: {  	s1 =	sld [smem:$0x7F5]  }
0xd4: {  	[sflag:s7] =	ssyncset.done $0x0  }
0xd5: {  	[sflag:s7] =	ssyncadd.s32 $0xFFFFC000  }
0xd6: {  	[tilespmem:s9], [sflag:$0x2] =	stream.indirect.gather [hbm4b:s3+s6], $0x80, s1, s6, $0xb8;
	[tilespmem:$0x9400] =	vst v63  }
0xd7: {  	_ =	swait.ge [sflag:s13], $0x4000  }
0xd8: {  	[sflag:s13] =	ssyncset.done $0x0  }
0xd9: {  	[sflag:s13] =	ssyncadd.s32 $0xFFFFC000  }
0xda: {  	[hbm4b:s2+s6] =	stream.indirect.scatter [tilespmem:s10], [sflag:$0x3], $0x80, s20, s6, $0xb8;
	[tilespmem:$0x9400] =	vst v63  }
0xdb: {  	_ =	swait.ge [sflag:s8], $0x4000  }
0xdc: {  	s20 =	sld [smem:$0x7F6]  }
0xdd: {  	[sflag:s8] =	ssyncset.done $0x0  }
0xde: {  	[sflag:s8] =	ssyncadd.s32 $0xFFFFC000  }
0xdf: {  	[tilespmem:s10], [sflag:$0x1] =	stream.indirect.gather [hbm4b:s3+s6], $0x80, s20, s6, $0xb8;
	[tilespmem:$0x9400] =	vst v63  }
0xe0: {  	_ =	swait.ge [sflag:s12], $0x4000  }
0xe1: {  	[sflag:s12] =	ssyncset.done $0x0  }
0xe2: {  	[sflag:s12] =	ssyncadd.s32 $0xFFFFC000  }
0xe3: {  	[hbm4b:s2+s6] =	stream.indirect.scatter [tilespmem:s9], [sflag:$0x4], $0x80, s19, s6, $0xb8;
	[tilespmem:$0x9400] =	vst v63  }
0xe4: {  	_ =	swait.ge [sflag:s7], $0x4000  }
0xe5: {  	s21 =	sld [smem:$0x7F7]  }
0xe6: {  	[sflag:s7] =	ssyncset.done $0x0  }
0xe7: {  	[sflag:s7] =	ssyncadd.s32 $0xFFFFC000  }
0xe8: {  	[tilespmem:s9], [sflag:$0x2] =	stream.indirect.gather [hbm4b:s3+s6], $0x80, s21, s6, $0xb8;
	[tilespmem:$0x9400] =	vst v63  }
0xe9: {  	_ =	swait.ge [sflag:s13], $0x4000  }
0xea: {  	[sflag:s13] =	ssyncset.done $0x0  }
0xeb: {  	[sflag:s13] =	ssyncadd.s32 $0xFFFFC000  }
0xec: {  	[hbm4b:s2+s6] =	stream.indirect.scatter [tilespmem:s10], [sflag:$0x3], $0x80, s18, s6, $0xb8;
	[tilespmem:$0x9400] =	vst v63  }
0xed: {  	_ =	swait.ge [sflag:s8], $0x4000  }
0xee: {  	s23 =	sld [smem:$0x7F8]  }
0xef: {  	[sflag:s8] =	ssyncset.done $0x0  }
0xf0: {  	[sflag:s8] =	ssyncadd.s32 $0xFFFFC000  }
0xf1: {  	[tilespmem:s10], [sflag:$0x1] =	stream.indirect.gather [hbm4b:s3+s6], $0x80, s23, s6, $0xb8;
	[tilespmem:$0x9400] =	vst v63  }
0xf2: {  	_ =	swait.ge [sflag:s12], $0x4000  }
0xf3: {  	[sflag:s12] =	ssyncset.done $0x0  }
0xf4: {  	[sflag:s12] =	ssyncadd.s32 $0xFFFFC000  }
0xf5: {  	[hbm4b:s2+s6] =	stream.indirect.scatter [tilespmem:s9], [sflag:$0x4], $0x80, s17, s6, $0xb8;
	[tilespmem:$0x9400] =	vst v63  }
0xf6: {  	_ =	swait.ge [sflag:s7], $0x4000  }
0xf7: {  	s24 =	sld [smem:$0x7F9]  }
0xf8: {  	[sflag:s7] =	ssyncset.done $0x0  }
0xf9: {  	[sflag:s7] =	ssyncadd.s32 $0xFFFFC000  }
0xfa: {  	[tilespmem:s9], [sflag:$0x2] =	stream.indirect.gather [hbm4b:s3+s6], $0x80, s24, s6, $0xb8;
	[tilespmem:$0x9400] =	vst v63  }
0xfb: {  	_ =	swait.ge [sflag:s13], $0x4000  }
0xfc: {  	[sflag:s13] =	ssyncset.done $0x0  }
0xfd: {  	[sflag:s13] =	ssyncadd.s32 $0xFFFFC000  }
0xfe: {  	[hbm4b:s2+s6] =	stream.indirect.scatter [tilespmem:s10], [sflag:$0x3], $0x80, s16, s6, $0xb8;
	[tilespmem:$0x9400] =	vst v63  }
0xff: {  	_ =	swait.ge [sflag:s8], $0x4000  }
0x100: {  	s25 =	sld [smem:$0x7FA]  }
0x101: {  	[sflag:s8] =	ssyncset.done $0x0  }
0x102: {  	[sflag:s8] =	ssyncadd.s32 $0xFFFFC000  }
0x103: {  	[tilespmem:s10], [sflag:$0x1] =	stream.indirect.gather [hbm4b:s3+s6], $0x80, s25, s6, $0xb8;
	[tilespmem:$0x9400] =	vst v63  }
0x104: {  	_ =	swait.ge [sflag:s12], $0x4000  }
0x105: {  	[sflag:s12] =	ssyncset.done $0x0  }
0x106: {  	[sflag:s12] =	ssyncadd.s32 $0xFFFFC000  }
0x107: {  	[hbm4b:s2+s6] =	stream.indirect.scatter [tilespmem:s9], [sflag:$0x4], $0x80, s15, s6, $0xb8;
	[tilespmem:$0x9400] =	vst v63  }
0x108: {  	_ =	swait.ge [sflag:s7], $0x4000  }
0x109: {  	s26 =	sld [smem:$0x7FB]  }
0x10a: {  	[sflag:s7] =	ssyncset.done $0x0  }
0x10b: {  	[sflag:s7] =	ssyncadd.s32 $0xFFFFC000  }
0x10c: {  	[tilespmem:s9], [sflag:$0x2] =	stream.indirect.gather [hbm4b:s3+s6], $0x80, s26, s6, $0xb8;
	[tilespmem:$0x9400] =	vst v63  }
0x10d: {  	_ =	swait.ge [sflag:s13], $0x4000  }
0x10e: {  	[sflag:s13] =	ssyncset.done $0x0  }
0x10f: {  	[sflag:s13] =	ssyncadd.s32 $0xFFFFC000  }
0x110: {  	[hbm4b:s2+s6] =	stream.indirect.scatter [tilespmem:s10], [sflag:$0x3], $0x80, s11, s6, $0xb8;
	[tilespmem:$0x9400] =	vst v63  }
0x111: {  	_ =	swait.ge [sflag:s8], $0x4000  }
0x112: {  	s28 =	sld [smem:$0x7FC]  }
0x113: {  	[sflag:s8] =	ssyncset.done $0x0  }
0x114: {  	[sflag:s8] =	ssyncadd.s32 $0xFFFFC000  }
0x115: {  	[tilespmem:s10], [sflag:$0x1] =	stream.indirect.gather [hbm4b:s3+s6], $0x80, s28, s6, $0xb8;
	[tilespmem:$0x9400] =	vst v63  }
0x116: {  	_ =	swait.ge [sflag:s12], $0x4000  }
0x117: {  	[sflag:s12] =	ssyncset.done $0x0  }
0x118: {  	s29 =	simm.s32 $0x1280;
	[sflag:s12] =	ssyncadd.s32 $0xFFFFC000  }
0x119: {  	[hbm4b:s2+s6] =	stream.indirect.scatter [tilespmem:s9], [sflag:$0x4], $0x80, s29, s6, $0xb8;
	[tilespmem:$0x9400] =	vst v63  }
0x11a: {  	_ =	swait.ge [sflag:s7], $0x4000  }
0x11b: {  	s30 =	sld [smem:$0x7FD]  }
0x11c: {  	[sflag:s7] =	ssyncset.done $0x0  }
0x11d: {  	[sflag:s7] =	ssyncadd.s32 $0xFFFFC000  }
0x11e: {  	[tilespmem:s9], [sflag:$0x2] =	stream.indirect.gather [hbm4b:s3+s6], $0x80, s30, s6, $0xb8;
	[tilespmem:$0x9400] =	vst v63  }
0x11f: {  	_ =	swait.ge [sflag:s13], $0x4000  }
0x120: {  	[sflag:s13] =	ssyncset.done $0x0  }
0x121: {  	s31 =	simm.s32 $0x1300;
	[sflag:s13] =	ssyncadd.s32 $0xFFFFC000  }
0x122: {  	[hbm4b:s2+s6] =	stream.indirect.scatter [tilespmem:s10], [sflag:$0x3], $0x80, s31, s6, $0xb8;
	[tilespmem:$0x9400] =	vst v63  }
0x123: {  	_ =	swait.ge [sflag:s12], $0x4000  }
0x124: {  	[sflag:s12] =	ssyncset.done $0x0  }
0x125: {  	p1 =	sne.s32 s4, $0x1;
	[sflag:s12] =	ssyncadd.s32 $0xFFFFC000  }
0x126: {  	[hbm4b:s2+s6] =	stream.indirect.scatter [tilespmem:s9], [sflag:$0x4], $0x80, s14, s6, $0xb8;
	[tilespmem:$0x9400] =	vst v63  }
.Ltmp1:
0x127: {  	_ =	swait.ge [sflag:s8], $0x4000;
	(pc) =	sbr.rel @!p1 .LBB2_4-.Ltmp1, $4  }
0x128: {  	[sflag:s8] =	ssyncset.done $0x0  }
0x129: {  	[sflag:s8] =	ssyncadd.s32 $0xFFFFC000  }
0x12a: {  	s4 =	sadd.s32 $0xFFFFFFFF, s4;
	_ =	swait.ge [sflag:s7], $0x4000  }
0x12b: {  	p0 =	por $0x1, $0x1;
	s5 =	rddreg [dreg:$0x4];
	[sflag:s7] =	ssyncset.done $0x0  }
0x12c: {  	s31 =	simm.s32 $0xA80  }
0x12d: {  	s30 =	simm.s32 $0xB00;
	s29 =	simm.s32 $0xB80;
	s28 =	simm.s32 $0xC00  }
0x12e: {  	s26 =	simm.s32 $0xC80;
	s25 =	simm.s32 $0xD00;
	s24 =	simm.s32 $0xD80  }
0x12f: {  	s23 =	simm.s32 $0xE00;
	s21 =	simm.s32 $0xE80;
	s20 =	simm.s32 $0xF00  }
0x130: {  	s19 =	simm.s32 $0xF80;
	s18 =	simm.s32 $0x1000;
	s17 =	simm.s32 $0x1080  }
0x131: {  	s16 =	simm.s32 $0x1100;
	s15 =	simm.s32 $0x1180;
	s11 =	simm.s32 $0x1200  }
.LBB2_3:
0x132: {  	[sflag:s7] =	ssyncadd.s32 $0xFFFFC000  }
0x133: {  	[tilespmem:s22], [sflag:$0x5] =	stream.linear.gather [hbm4b:s5+s22], $0xA00, $0x38;
	[tilespmem:$0x9400] =	vst v63  }
0x134: {  	_ =	swait.ge [sflag:s0], $0xA00  }
0x135: {  	[sflag:s0] =	ssyncset.done $0x0  }
0x136: {  	s1 =	simm.s32 $0xA00;
	s14 =	rddreg [dreg:$0x5];
	[sflag:s0] =	ssyncadd.s32 $0xFFFFF600  }
0x137: {  	[tilespmem:s1], [sflag:$0x5] =	stream.linear.gather [hbm4b:s14+s22], $0x80, $0x38;
	[tilespmem:$0x9400] =	vst v63  }
0x138: {  	_ =	swait.ge [sflag:s0], $0x80  }
0x139: {  	[sflag:s0] =	ssyncset.done $0x0  }
0x13a: {  	s14 =	rddreg [dreg:$0x6];
	[sflag:s0] =	ssyncadd.s32 $0xFFFFFF80  }
0x13b: {  	[tilespmem:s31], [sflag:$0x5] =	stream.linear.gather [hbm4b:s14+s22], $0x80, $0x38;
	[tilespmem:$0x9400] =	vst v63  }
0x13c: {  	_ =	swait.ge [sflag:s0], $0x80  }
0x13d: {  	[sflag:s0] =	ssyncset.done $0x0  }
0x13e: {  	s14 =	rddreg [dreg:$0x7];
	[sflag:s0] =	ssyncadd.s32 $0xFFFFFF80  }
0x13f: {  	[tilespmem:s30], [sflag:$0x5] =	stream.linear.gather [hbm4b:s14+s22], $0x80, $0x38;
	[tilespmem:$0x9400] =	vst v63  }
0x140: {  	_ =	swait.ge [sflag:s0], $0x80  }
0x141: {  	[sflag:s0] =	ssyncset.done $0x0  }
0x142: {  	s14 =	rddreg [dreg:$0x8];
	[sflag:s0] =	ssyncadd.s32 $0xFFFFFF80  }
0x143: {  	[tilespmem:s29], [sflag:$0x5] =	stream.linear.gather [hbm4b:s14+s22], $0x80, $0x38;
	[tilespmem:$0x9400] =	vst v63  }
0x144: {  	_ =	swait.ge [sflag:s0], $0x80  }
0x145: {  	[sflag:s0] =	ssyncset.done $0x0  }
0x146: {  	s14 =	rddreg [dreg:$0x9];
	[sflag:s0] =	ssyncadd.s32 $0xFFFFFF80  }
0x147: {  	[tilespmem:s28], [sflag:$0x5] =	stream.linear.gather [hbm4b:s14+s22], $0x80, $0x38;
	[tilespmem:$0x9400] =	vst v63  }
0x148: {  	_ =	swait.ge [sflag:s0], $0x80  }
0x149: {  	[sflag:s0] =	ssyncset.done $0x0  }
0x14a: {  	s14 =	rddreg [dreg:$0xa];
	[sflag:s0] =	ssyncadd.s32 $0xFFFFFF80  }
0x14b: {  	[tilespmem:s26], [sflag:$0x5] =	stream.linear.gather [hbm4b:s14+s22], $0x80, $0x38;
	[tilespmem:$0x9400] =	vst v63  }
0x14c: {  	_ =	swait.ge [sflag:s0], $0x80  }
0x14d: {  	[sflag:s0] =	ssyncset.done $0x0  }
0x14e: {  	s14 =	rddreg [dreg:$0xb];
	[sflag:s0] =	ssyncadd.s32 $0xFFFFFF80  }
0x14f: {  	[tilespmem:s25], [sflag:$0x5] =	stream.linear.gather [hbm4b:s14+s22], $0x80, $0x38;
	[tilespmem:$0x9400] =	vst v63  }
0x150: {  	_ =	swait.ge [sflag:s0], $0x80  }
0x151: {  	[sflag:s0] =	ssyncset.done $0x0  }
0x152: {  	s14 =	rddreg [dreg:$0xc];
	[sflag:s0] =	ssyncadd.s32 $0xFFFFFF80  }
0x153: {  	[tilespmem:s24], [sflag:$0x5] =	stream.linear.gather [hbm4b:s14+s22], $0x80, $0x38;
	[tilespmem:$0x9400] =	vst v63  }
0x154: {  	_ =	swait.ge [sflag:s0], $0x80  }
0x155: {  	[sflag:s0] =	ssyncset.done $0x0  }
0x156: {  	s14 =	rddreg [dreg:$0xd];
	[sflag:s0] =	ssyncadd.s32 $0xFFFFFF80  }
0x157: {  	[tilespmem:s23], [sflag:$0x5] =	stream.linear.gather [hbm4b:s14+s22], $0x80, $0x38;
	[tilespmem:$0x9400] =	vst v63  }
0x158: {  	_ =	swait.ge [sflag:s0], $0x80  }
0x159: {  	[sflag:s0] =	ssyncset.done $0x0  }
0x15a: {  	s14 =	rddreg [dreg:$0xe];
	[sflag:s0] =	ssyncadd.s32 $0xFFFFFF80  }
0x15b: {  	[tilespmem:s21], [sflag:$0x5] =	stream.linear.gather [hbm4b:s14+s22], $0x80, $0x38;
	[tilespmem:$0x9400] =	vst v63  }
0x15c: {  	_ =	swait.ge [sflag:s0], $0x80  }
0x15d: {  	[sflag:s0] =	ssyncset.done $0x0  }
0x15e: {  	s14 =	rddreg [dreg:$0xf];
	[sflag:s0] =	ssyncadd.s32 $0xFFFFFF80  }
0x15f: {  	[tilespmem:s20], [sflag:$0x5] =	stream.linear.gather [hbm4b:s14+s22], $0x80, $0x38;
	[tilespmem:$0x9400] =	vst v63  }
0x160: {  	_ =	swait.ge [sflag:s0], $0x80  }
0x161: {  	[sflag:s0] =	ssyncset.done $0x0  }
0x162: {  	s14 =	rddreg [dreg:$0x10];
	[sflag:s0] =	ssyncadd.s32 $0xFFFFFF80  }
0x163: {  	[tilespmem:s19], [sflag:$0x5] =	stream.linear.gather [hbm4b:s14+s22], $0x80, $0x38;
	[tilespmem:$0x9400] =	vst v63  }
0x164: {  	_ =	swait.ge [sflag:s0], $0x80  }
0x165: {  	[sflag:s0] =	ssyncset.done $0x0  }
0x166: {  	s14 =	rddreg [dreg:$0x11];
	[sflag:s0] =	ssyncadd.s32 $0xFFFFFF80  }
0x167: {  	[tilespmem:s18], [sflag:$0x5] =	stream.linear.gather [hbm4b:s14+s22], $0x80, $0x38;
	[tilespmem:$0x9400] =	vst v63  }
0x168: {  	_ =	swait.ge [sflag:s0], $0x80  }
0x169: {  	[sflag:s0] =	ssyncset.done $0x0  }
0x16a: {  	s14 =	rddreg [dreg:$0x12];
	[sflag:s0] =	ssyncadd.s32 $0xFFFFFF80  }
0x16b: {  	[tilespmem:s17], [sflag:$0x5] =	stream.linear.gather [hbm4b:s14+s22], $0x80, $0x38;
	[tilespmem:$0x9400] =	vst v63  }
0x16c: {  	_ =	swait.ge [sflag:s0], $0x80  }
0x16d: {  	[sflag:s0] =	ssyncset.done $0x0  }
0x16e: {  	s14 =	rddreg [dreg:$0x13];
	[sflag:s0] =	ssyncadd.s32 $0xFFFFFF80  }
0x16f: {  	[tilespmem:s16], [sflag:$0x5] =	stream.linear.gather [hbm4b:s14+s22], $0x80, $0x38;
	[tilespmem:$0x9400] =	vst v63  }
0x170: {  	_ =	swait.ge [sflag:s0], $0x80  }
0x171: {  	[sflag:s0] =	ssyncset.done $0x0  }
0x172: {  	s14 =	rddreg [dreg:$0x14];
	[sflag:s0] =	ssyncadd.s32 $0xFFFFFF80  }
0x173: {  	[tilespmem:s15], [sflag:$0x5] =	stream.linear.gather [hbm4b:s14+s22], $0x80, $0x38;
	[tilespmem:$0x9400] =	vst v63  }
0x174: {  	_ =	swait.ge [sflag:s0], $0x80  }
0x175: {  	[sflag:s0] =	ssyncset.done $0x0  }
0x176: {  	s14 =	rddreg [dreg:$0x15];
	[sflag:s0] =	ssyncadd.s32 $0xFFFFFF80  }
0x177: {  	[tilespmem:s11], [sflag:$0x5] =	stream.linear.gather [hbm4b:s14+s22], $0x80, $0x38;
	[tilespmem:$0x9400] =	vst v63  }
0x178: {  	_ =	swait.ge [sflag:s0], $0x80  }
0x179: {  	[sflag:s0] =	ssyncset.done $0x0  }
0x17a: {  	s14 =	simm.s32 $0x1280;
	s5 =	rddreg [dreg:$0x16];
	[sflag:s0] =	ssyncadd.s32 $0xFFFFFF80  }
0x17b: {  	[tilespmem:s14], [sflag:$0x5] =	stream.linear.gather [hbm4b:s5+s22], $0x80, $0x38;
	[tilespmem:$0x9400] =	vst v63  }
0x17c: {  	_ =	swait.ge [sflag:s0], $0x80  }
0x17d: {  	[sflag:s0] =	ssyncset.done $0x0  }
0x17e: {  	s14 =	simm.s32 $0x1300;
	s5 =	rddreg [dreg:$0x17];
	[sflag:s0] =	ssyncadd.s32 $0xFFFFFF80  }
0x17f: {  	[tilespmem:s14], [sflag:$0x5] =	stream.linear.gather [hbm4b:s5+s22], $0x80, $0x38;
	[tilespmem:$0x9400] =	vst v63  }
0x180: {  	_ =	swait.ge [sflag:s0], $0x80  }
0x181: {  	[sflag:s0] =	ssyncset.done $0x0  }
0x182: {  	s14 =	simm.s32 $0x1380;
	s5 =	rddreg [dreg:$0x18];
	[sflag:s0] =	ssyncadd.s32 $0xFFFFFF80  }
0x183: {  	[tilespmem:s14], [sflag:$0x5] =	stream.linear.gather [hbm4b:s5+s22], $0x80, $0x38;
	[tilespmem:$0x9400] =	vst v63  }
0x184: {  	_ =	swait.ge [sflag:s0], $0x80  }
0x185: {  	[sflag:s0] =	ssyncset.done $0x0  }
0x186: {  	[sflag:s0] =	ssyncadd.s32 $0xFFFFFF80  }
0x187: {  	[tilespmem:s10], [sflag:$0x1] =	stream.indirect.gather [hbm4b:s3+s6], $0x80, s22, s6, $0xb8;
	[tilespmem:$0x9400] =	vst v63  }
0x188: {  	_ = 	snop  }
0x189: {  	[tilespmem:s9], [sflag:$0x2] =	stream.indirect.gather [hbm4b:s3+s6], $0x80, s6, s6, $0xb8;
	[tilespmem:$0x9400] =	vst v63  }
0x18a: {  	_ =	swait.ge [sflag:s13], $0x4000  }
0x18b: {  	[sflag:s13] =	ssyncset.done $0x0  }
0x18c: {  	[sflag:s13] =	ssyncadd.s32 $0xFFFFC000  }
0x18d: {  	[hbm4b:s2+s6] =	stream.indirect.scatter [tilespmem:s10], [sflag:$0x3], $0x80, s1, s6, $0xb8;
	[tilespmem:$0x9400] =	vst v63  }
0x18e: {  	_ =	swait.ge [sflag:s8], $0x4000  }
0x18f: {  	[sflag:s8] =	ssyncset.done $0x0  }
0x190: {  	s1 =	rddreg [dreg:$0x19];
	[sflag:s8] =	ssyncadd.s32 $0xFFFFC000  }
0x191: {  	[tilespmem:s10], [sflag:$0x1] =	stream.indirect.gather [hbm4b:s3+s6], $0x80, s1, s6, $0xb8;
	[tilespmem:$0x9400] =	vst v63  }
0x192: {  	_ =	swait.ge [sflag:s12], $0x4000  }
0x193: {  	[sflag:s12] =	ssyncset.done $0x0  }
0x194: {  	[sflag:s12] =	ssyncadd.s32 $0xFFFFC000  }
0x195: {  	[hbm4b:s2+s6] =	stream.indirect.scatter [tilespmem:s9], [sflag:$0x4], $0x80, s31, s6, $0xb8;
	[tilespmem:$0x9400] =	vst v63  }
0x196: {  	_ =	swait.ge [sflag:s7], $0x4000  }
0x197: {  	[sflag:s7] =	ssyncset.done $0x0  }
0x198: {  	s1 =	rddreg [dreg:$0x1a];
	[sflag:s7] =	ssyncadd.s32 $0xFFFFC000  }
0x199: {  	[tilespmem:s9], [sflag:$0x2] =	stream.indirect.gather [hbm4b:s3+s6], $0x80, s1, s6, $0xb8;
	[tilespmem:$0x9400] =	vst v63  }
0x19a: {  	_ =	swait.ge [sflag:s13], $0x4000  }
0x19b: {  	[sflag:s13] =	ssyncset.done $0x0  }
0x19c: {  	[sflag:s13] =	ssyncadd.s32 $0xFFFFC000  }
0x19d: {  	[hbm4b:s2+s6] =	stream.indirect.scatter [tilespmem:s10], [sflag:$0x3], $0x80, s30, s6, $0xb8;
	[tilespmem:$0x9400] =	vst v63  }
0x19e: {  	_ =	swait.ge [sflag:s8], $0x4000  }
0x19f: {  	[sflag:s8] =	ssyncset.done $0x0  }
0x1a0: {  	s1 =	rddreg [dreg:$0x1b];
	[sflag:s8] =	ssyncadd.s32 $0xFFFFC000  }
0x1a1: {  	[tilespmem:s10], [sflag:$0x1] =	stream.indirect.gather [hbm4b:s3+s6], $0x80, s1, s6, $0xb8;
	[tilespmem:$0x9400] =	vst v63  }
0x1a2: {  	_ =	swait.ge [sflag:s12], $0x4000  }
0x1a3: {  	[sflag:s12] =	ssyncset.done $0x0  }
0x1a4: {  	[sflag:s12] =	ssyncadd.s32 $0xFFFFC000  }
0x1a5: {  	[hbm4b:s2+s6] =	stream.indirect.scatter [tilespmem:s9], [sflag:$0x4], $0x80, s29, s6, $0xb8;
	[tilespmem:$0x9400] =	vst v63  }
0x1a6: {  	_ =	swait.ge [sflag:s7], $0x4000  }
0x1a7: {  	[sflag:s7] =	ssyncset.done $0x0  }
0x1a8: {  	s1 =	rddreg [dreg:$0x1c];
	[sflag:s7] =	ssyncadd.s32 $0xFFFFC000  }
0x1a9: {  	[tilespmem:s9], [sflag:$0x2] =	stream.indirect.gather [hbm4b:s3+s6], $0x80, s1, s6, $0xb8;
	[tilespmem:$0x9400] =	vst v63  }
0x1aa: {  	_ =	swait.ge [sflag:s13], $0x4000  }
0x1ab: {  	[sflag:s13] =	ssyncset.done $0x0  }
0x1ac: {  	[sflag:s13] =	ssyncadd.s32 $0xFFFFC000  }
0x1ad: {  	[hbm4b:s2+s6] =	stream.indirect.scatter [tilespmem:s10], [sflag:$0x3], $0x80, s28, s6, $0xb8;
	[tilespmem:$0x9400] =	vst v63  }
0x1ae: {  	_ =	swait.ge [sflag:s8], $0x4000  }
0x1af: {  	[sflag:s8] =	ssyncset.done $0x0  }
0x1b0: {  	s1 =	rddreg [dreg:$0x1d];
	[sflag:s8] =	ssyncadd.s32 $0xFFFFC000  }
0x1b1: {  	[tilespmem:s10], [sflag:$0x1] =	stream.indirect.gather [hbm4b:s3+s6], $0x80, s1, s6, $0xb8;
	[tilespmem:$0x9400] =	vst v63  }
0x1b2: {  	_ =	swait.ge [sflag:s12], $0x4000  }
0x1b3: {  	[sflag:s12] =	ssyncset.done $0x0  }
0x1b4: {  	[sflag:s12] =	ssyncadd.s32 $0xFFFFC000  }
0x1b5: {  	[hbm4b:s2+s6] =	stream.indirect.scatter [tilespmem:s9], [sflag:$0x4], $0x80, s26, s6, $0xb8;
	[tilespmem:$0x9400] =	vst v63  }
0x1b6: {  	_ =	swait.ge [sflag:s7], $0x4000  }
0x1b7: {  	[sflag:s7] =	ssyncset.done $0x0  }
0x1b8: {  	s1 =	rddreg [dreg:$0x1e];
	[sflag:s7] =	ssyncadd.s32 $0xFFFFC000  }
0x1b9: {  	[tilespmem:s9], [sflag:$0x2] =	stream.indirect.gather [hbm4b:s3+s6], $0x80, s1, s6, $0xb8;
	[tilespmem:$0x9400] =	vst v63  }
0x1ba: {  	_ =	swait.ge [sflag:s13], $0x4000  }
0x1bb: {  	[sflag:s13] =	ssyncset.done $0x0  }
0x1bc: {  	[sflag:s13] =	ssyncadd.s32 $0xFFFFC000  }
0x1bd: {  	[hbm4b:s2+s6] =	stream.indirect.scatter [tilespmem:s10], [sflag:$0x3], $0x80, s25, s6, $0xb8;
	[tilespmem:$0x9400] =	vst v63  }
0x1be: {  	_ =	swait.ge [sflag:s8], $0x4000  }
0x1bf: {  	[sflag:s8] =	ssyncset.done $0x0  }
0x1c0: {  	s1 =	rddreg [dreg:$0x1f];
	[sflag:s8] =	ssyncadd.s32 $0xFFFFC000  }
0x1c1: {  	[tilespmem:s10], [sflag:$0x1] =	stream.indirect.gather [hbm4b:s3+s6], $0x80, s1, s6, $0xb8;
	[tilespmem:$0x9400] =	vst v63  }
0x1c2: {  	_ =	swait.ge [sflag:s12], $0x4000  }
0x1c3: {  	[sflag:s12] =	ssyncset.done $0x0  }
0x1c4: {  	[sflag:s12] =	ssyncadd.s32 $0xFFFFC000  }
0x1c5: {  	[hbm4b:s2+s6] =	stream.indirect.scatter [tilespmem:s9], [sflag:$0x4], $0x80, s24, s6, $0xb8;
	[tilespmem:$0x9400] =	vst v63  }
0x1c6: {  	_ =	swait.ge [sflag:s7], $0x4000  }
0x1c7: {  	s1 =	sld [smem:$0x7F3]  }
0x1c8: {  	[sflag:s7] =	ssyncset.done $0x0  }
0x1c9: {  	[sflag:s7] =	ssyncadd.s32 $0xFFFFC000  }
0x1ca: {  	[tilespmem:s9], [sflag:$0x2] =	stream.indirect.gather [hbm4b:s3+s6], $0x80, s1, s6, $0xb8;
	[tilespmem:$0x9400] =	vst v63  }
0x1cb: {  	_ =	swait.ge [sflag:s13], $0x4000  }
0x1cc: {  	[sflag:s13] =	ssyncset.done $0x0  }
0x1cd: {  	[sflag:s13] =	ssyncadd.s32 $0xFFFFC000  }
0x1ce: {  	[hbm4b:s2+s6] =	stream.indirect.scatter [tilespmem:s10], [sflag:$0x3], $0x80, s23, s6, $0xb8;
	[tilespmem:$0x9400] =	vst v63  }
0x1cf: {  	_ =	swait.ge [sflag:s8], $0x4000  }
0x1d0: {  	s1 =	sld [smem:$0x7F4]  }
0x1d1: {  	[sflag:s8] =	ssyncset.done $0x0  }
0x1d2: {  	[sflag:s8] =	ssyncadd.s32 $0xFFFFC000  }
0x1d3: {  	[tilespmem:s10], [sflag:$0x1] =	stream.indirect.gather [hbm4b:s3+s6], $0x80, s1, s6, $0xb8;
	[tilespmem:$0x9400] =	vst v63  }
0x1d4: {  	_ =	swait.ge [sflag:s12], $0x4000  }
0x1d5: {  	[sflag:s12] =	ssyncset.done $0x0  }
0x1d6: {  	[sflag:s12] =	ssyncadd.s32 $0xFFFFC000  }
0x1d7: {  	[hbm4b:s2+s6] =	stream.indirect.scatter [tilespmem:s9], [sflag:$0x4], $0x80, s21, s6, $0xb8;
	[tilespmem:$0x9400] =	vst v63  }
0x1d8: {  	_ =	swait.ge [sflag:s7], $0x4000  }
0x1d9: {  	s1 =	sld [smem:$0x7F5]  }
0x1da: {  	[sflag:s7] =	ssyncset.done $0x0  }
0x1db: {  	[sflag:s7] =	ssyncadd.s32 $0xFFFFC000  }
0x1dc: {  	[tilespmem:s9], [sflag:$0x2] =	stream.indirect.gather [hbm4b:s3+s6], $0x80, s1, s6, $0xb8;
	[tilespmem:$0x9400] =	vst v63  }
0x1dd: {  	_ =	swait.ge [sflag:s13], $0x4000  }
0x1de: {  	[sflag:s13] =	ssyncset.done $0x0  }
0x1df: {  	[sflag:s13] =	ssyncadd.s32 $0xFFFFC000  }
0x1e0: {  	[hbm4b:s2+s6] =	stream.indirect.scatter [tilespmem:s10], [sflag:$0x3], $0x80, s20, s6, $0xb8;
	[tilespmem:$0x9400] =	vst v63  }
0x1e1: {  	_ =	swait.ge [sflag:s8], $0x4000  }
0x1e2: {  	s1 =	sld [smem:$0x7F6]  }
0x1e3: {  	[sflag:s8] =	ssyncset.done $0x0  }
0x1e4: {  	[sflag:s8] =	ssyncadd.s32 $0xFFFFC000  }
0x1e5: {  	[tilespmem:s10], [sflag:$0x1] =	stream.indirect.gather [hbm4b:s3+s6], $0x80, s1, s6, $0xb8;
	[tilespmem:$0x9400] =	vst v63  }
0x1e6: {  	_ =	swait.ge [sflag:s12], $0x4000  }
0x1e7: {  	[sflag:s12] =	ssyncset.done $0x0  }
0x1e8: {  	[sflag:s12] =	ssyncadd.s32 $0xFFFFC000  }
0x1e9: {  	[hbm4b:s2+s6] =	stream.indirect.scatter [tilespmem:s9], [sflag:$0x4], $0x80, s19, s6, $0xb8;
	[tilespmem:$0x9400] =	vst v63  }
0x1ea: {  	_ =	swait.ge [sflag:s7], $0x4000  }
0x1eb: {  	s1 =	sld [smem:$0x7F7]  }
0x1ec: {  	[sflag:s7] =	ssyncset.done $0x0  }
0x1ed: {  	[sflag:s7] =	ssyncadd.s32 $0xFFFFC000  }
0x1ee: {  	[tilespmem:s9], [sflag:$0x2] =	stream.indirect.gather [hbm4b:s3+s6], $0x80, s1, s6, $0xb8;
	[tilespmem:$0x9400] =	vst v63  }
0x1ef: {  	_ =	swait.ge [sflag:s13], $0x4000  }
0x1f0: {  	[sflag:s13] =	ssyncset.done $0x0  }
0x1f1: {  	[sflag:s13] =	ssyncadd.s32 $0xFFFFC000  }
0x1f2: {  	[hbm4b:s2+s6] =	stream.indirect.scatter [tilespmem:s10], [sflag:$0x3], $0x80, s18, s6, $0xb8;
	[tilespmem:$0x9400] =	vst v63  }
0x1f3: {  	_ =	swait.ge [sflag:s8], $0x4000  }
0x1f4: {  	s1 =	sld [smem:$0x7F8]  }
0x1f5: {  	[sflag:s8] =	ssyncset.done $0x0  }
0x1f6: {  	[sflag:s8] =	ssyncadd.s32 $0xFFFFC000  }
0x1f7: {  	[tilespmem:s10], [sflag:$0x1] =	stream.indirect.gather [hbm4b:s3+s6], $0x80, s1, s6, $0xb8;
	[tilespmem:$0x9400] =	vst v63  }
0x1f8: {  	_ =	swait.ge [sflag:s12], $0x4000  }
0x1f9: {  	[sflag:s12] =	ssyncset.done $0x0  }
0x1fa: {  	[sflag:s12] =	ssyncadd.s32 $0xFFFFC000  }
0x1fb: {  	[hbm4b:s2+s6] =	stream.indirect.scatter [tilespmem:s9], [sflag:$0x4], $0x80, s17, s6, $0xb8;
	[tilespmem:$0x9400] =	vst v63  }
0x1fc: {  	_ =	swait.ge [sflag:s7], $0x4000  }
0x1fd: {  	s1 =	sld [smem:$0x7F9]  }
0x1fe: {  	[sflag:s7] =	ssyncset.done $0x0  }
0x1ff: {  	[sflag:s7] =	ssyncadd.s32 $0xFFFFC000  }
0x200: {  	[tilespmem:s9], [sflag:$0x2] =	stream.indirect.gather [hbm4b:s3+s6], $0x80, s1, s6, $0xb8;
	[tilespmem:$0x9400] =	vst v63  }
0x201: {  	_ =	swait.ge [sflag:s13], $0x4000  }
0x202: {  	[sflag:s13] =	ssyncset.done $0x0  }
0x203: {  	[sflag:s13] =	ssyncadd.s32 $0xFFFFC000  }
0x204: {  	[hbm4b:s2+s6] =	stream.indirect.scatter [tilespmem:s10], [sflag:$0x3], $0x80, s16, s6, $0xb8;
	[tilespmem:$0x9400] =	vst v63  }
0x205: {  	_ =	swait.ge [sflag:s8], $0x4000  }
0x206: {  	s1 =	sld [smem:$0x7FA]  }
0x207: {  	[sflag:s8] =	ssyncset.done $0x0  }
0x208: {  	[sflag:s8] =	ssyncadd.s32 $0xFFFFC000  }
0x209: {  	[tilespmem:s10], [sflag:$0x1] =	stream.indirect.gather [hbm4b:s3+s6], $0x80, s1, s6, $0xb8;
	[tilespmem:$0x9400] =	vst v63  }
0x20a: {  	_ =	swait.ge [sflag:s12], $0x4000  }
0x20b: {  	[sflag:s12] =	ssyncset.done $0x0  }
0x20c: {  	[sflag:s12] =	ssyncadd.s32 $0xFFFFC000  }
0x20d: {  	[hbm4b:s2+s6] =	stream.indirect.scatter [tilespmem:s9], [sflag:$0x4], $0x80, s15, s6, $0xb8;
	[tilespmem:$0x9400] =	vst v63  }
0x20e: {  	_ =	swait.ge [sflag:s7], $0x4000  }
0x20f: {  	s1 =	sld [smem:$0x7FB]  }
0x210: {  	[sflag:s7] =	ssyncset.done $0x0  }
0x211: {  	[sflag:s7] =	ssyncadd.s32 $0xFFFFC000  }
0x212: {  	[tilespmem:s9], [sflag:$0x2] =	stream.indirect.gather [hbm4b:s3+s6], $0x80, s1, s6, $0xb8;
	[tilespmem:$0x9400] =	vst v63  }
0x213: {  	_ =	swait.ge [sflag:s13], $0x4000  }
0x214: {  	[sflag:s13] =	ssyncset.done $0x0  }
0x215: {  	[sflag:s13] =	ssyncadd.s32 $0xFFFFC000  }
0x216: {  	[hbm4b:s2+s6] =	stream.indirect.scatter [tilespmem:s10], [sflag:$0x3], $0x80, s11, s6, $0xb8;
	[tilespmem:$0x9400] =	vst v63  }
0x217: {  	_ =	swait.ge [sflag:s8], $0x4000  }
0x218: {  	s1 =	sld [smem:$0x7FC]  }
0x219: {  	[sflag:s8] =	ssyncset.done $0x0  }
0x21a: {  	[sflag:s8] =	ssyncadd.s32 $0xFFFFC000  }
0x21b: {  	[tilespmem:s10], [sflag:$0x1] =	stream.indirect.gather [hbm4b:s3+s6], $0x80, s1, s6, $0xb8;
	[tilespmem:$0x9400] =	vst v63  }
0x21c: {  	_ =	swait.ge [sflag:s12], $0x4000  }
0x21d: {  	[sflag:s12] =	ssyncset.done $0x0  }
0x21e: {  	s5 =	simm.s32 $0x1280;
	[sflag:s12] =	ssyncadd.s32 $0xFFFFC000  }
0x21f: {  	[hbm4b:s2+s6] =	stream.indirect.scatter [tilespmem:s9], [sflag:$0x4], $0x80, s5, s6, $0xb8;
	[tilespmem:$0x9400] =	vst v63  }
0x220: {  	_ =	swait.ge [sflag:s7], $0x4000  }
0x221: {  	s1 =	sld [smem:$0x7FD]  }
0x222: {  	[sflag:s7] =	ssyncset.done $0x0  }
0x223: {  	[sflag:s7] =	ssyncadd.s32 $0xFFFFC000  }
0x224: {  	[tilespmem:s9], [sflag:$0x2] =	stream.indirect.gather [hbm4b:s3+s6], $0x80, s1, s6, $0xb8;
	[tilespmem:$0x9400] =	vst v63  }
0x225: {  	_ =	swait.ge [sflag:s13], $0x4000  }
0x226: {  	[sflag:s13] =	ssyncset.done $0x0  }
0x227: {  	s5 =	simm.s32 $0x1300;
	[sflag:s13] =	ssyncadd.s32 $0xFFFFC000  }
0x228: {  	[hbm4b:s2+s6] =	stream.indirect.scatter [tilespmem:s10], [sflag:$0x3], $0x80, s5, s6, $0xb8;
	[tilespmem:$0x9400] =	vst v63  }
0x229: {  	_ =	swait.ge [sflag:s12], $0x4000  }
0x22a: {  	[sflag:s12] =	ssyncset.done $0x0  }
0x22b: {  	p1 =	sne.s32 s4, $0x1;
	s14 =	simm.s32 $0x1380;
	[sflag:s12] =	ssyncadd.s32 $0xFFFFC000  }
0x22c: {  	[hbm4b:s2+s6] =	stream.indirect.scatter [tilespmem:s9], [sflag:$0x4], $0x80, s14, s6, $0xb8;
	[tilespmem:$0x9400] =	vst v63  }
.Ltmp2:
0x22d: {  	_ =	swait.ge [sflag:s8], $0x4000;
	(pc) =	sbr.rel @p1 .LBB2_3-.Ltmp2, $4  }
0x22e: {  	[sflag:s8] =	ssyncset.done $0x0  }
0x22f: {  	[sflag:s8] =	ssyncadd.s32 $0xFFFFC000  }
0x230: {  	_ =	swait.ge [sflag:s7], $0x4000  }
0x231: {  	s4 =	sadd.s32 $0xFFFFFFFF, s4;
	s5 =	rddreg [dreg:$0x4];
	[sflag:s7] =	ssyncset.done $0x0  }
.LBB2_4:
0x232: {  	[sflag:s7] =	ssyncadd.s32 @p0 $0xFFFFC000  }
0x233: {  	[tilespmem:s22], [sflag:$0x5] =	stream.linear.gather [hbm4b:s5+s22], $0xA00, $0x38;
	[tilespmem:$0x9400] =	vst v63  }
0x234: {  	_ =	swait.ge [sflag:s0], $0xA00  }
0x235: {  	[sflag:s0] =	ssyncset.done $0x0  }
0x236: {  	s1 =	simm.s32 $0xA00;
	s4 =	rddreg [dreg:$0x5];
	[sflag:s0] =	ssyncadd.s32 $0xFFFFF600  }
0x237: {  	[tilespmem:s1], [sflag:$0x5] =	stream.linear.gather [hbm4b:s4+s22], $0x80, $0x38;
	[tilespmem:$0x9400] =	vst v63  }
0x238: {  	_ =	swait.ge [sflag:s0], $0x80  }
0x239: {  	[sflag:s0] =	ssyncset.done $0x0  }
0x23a: {  	s31 =	simm.s32 $0xA80;
	s29 =	rddreg [dreg:$0x6];
	[sflag:s0] =	ssyncadd.s32 $0xFFFFFF80  }
0x23b: {  	[tilespmem:s31], [sflag:$0x5] =	stream.linear.gather [hbm4b:s29+s22], $0x80, $0x38;
	[tilespmem:$0x9400] =	vst v63  }
0x23c: {  	_ =	swait.ge [sflag:s0], $0x80  }
0x23d: {  	[sflag:s0] =	ssyncset.done $0x0  }
0x23e: {  	s5 =	simm.s32 $0xB00;
	s30 =	rddreg [dreg:$0x7];
	[sflag:s0] =	ssyncadd.s32 $0xFFFFFF80  }
0x23f: {  	[tilespmem:s5], [sflag:$0x5] =	stream.linear.gather [hbm4b:s30+s22], $0x80, $0x38;
	[tilespmem:$0x9400] =	vst v63  }
0x240: {  	_ =	swait.ge [sflag:s0], $0x80  }
0x241: {  	[sflag:s0] =	ssyncset.done $0x0  }
0x242: {  	s30 =	simm.s32 $0xB80;
	s11 =	rddreg [dreg:$0x8];
	[sflag:s0] =	ssyncadd.s32 $0xFFFFFF80  }
0x243: {  	[tilespmem:s30], [sflag:$0x5] =	stream.linear.gather [hbm4b:s11+s22], $0x80, $0x38;
	[tilespmem:$0x9400] =	vst v63  }
0x244: {  	_ =	swait.ge [sflag:s0], $0x80  }
0x245: {  	[sflag:s0] =	ssyncset.done $0x0  }
0x246: {  	s29 =	simm.s32 $0xC00;
	s14 =	rddreg [dreg:$0x9];
	[sflag:s0] =	ssyncadd.s32 $0xFFFFFF80  }
0x247: {  	[tilespmem:s29], [sflag:$0x5] =	stream.linear.gather [hbm4b:s14+s22], $0x80, $0x38;
	[tilespmem:$0x9400] =	vst v63  }
0x248: {  	_ =	swait.ge [sflag:s0], $0x80  }
0x249: {  	[sflag:s0] =	ssyncset.done $0x0  }
0x24a: {  	s28 =	simm.s32 $0xC80;
	s15 =	rddreg [dreg:$0xa];
	[sflag:s0] =	ssyncadd.s32 $0xFFFFFF80  }
0x24b: {  	[tilespmem:s28], [sflag:$0x5] =	stream.linear.gather [hbm4b:s15+s22], $0x80, $0x38;
	[tilespmem:$0x9400] =	vst v63  }
0x24c: {  	_ =	swait.ge [sflag:s0], $0x80  }
0x24d: {  	[sflag:s0] =	ssyncset.done $0x0  }
0x24e: {  	s26 =	simm.s32 $0xD00;
	s16 =	rddreg [dreg:$0xb];
	[sflag:s0] =	ssyncadd.s32 $0xFFFFFF80  }
0x24f: {  	[tilespmem:s26], [sflag:$0x5] =	stream.linear.gather [hbm4b:s16+s22], $0x80, $0x38;
	[tilespmem:$0x9400] =	vst v63  }
0x250: {  	_ =	swait.ge [sflag:s0], $0x80  }
0x251: {  	[sflag:s0] =	ssyncset.done $0x0  }
0x252: {  	s25 =	simm.s32 $0xD80;
	s17 =	rddreg [dreg:$0xc];
	[sflag:s0] =	ssyncadd.s32 $0xFFFFFF80  }
0x253: {  	[tilespmem:s25], [sflag:$0x5] =	stream.linear.gather [hbm4b:s17+s22], $0x80, $0x38;
	[tilespmem:$0x9400] =	vst v63  }
0x254: {  	_ =	swait.ge [sflag:s0], $0x80  }
0x255: {  	[sflag:s0] =	ssyncset.done $0x0  }
0x256: {  	s24 =	simm.s32 $0xE00;
	s18 =	rddreg [dreg:$0xd];
	[sflag:s0] =	ssyncadd.s32 $0xFFFFFF80  }
0x257: {  	[tilespmem:s24], [sflag:$0x5] =	stream.linear.gather [hbm4b:s18+s22], $0x80, $0x38;
	[tilespmem:$0x9400] =	vst v63  }
0x258: {  	_ =	swait.ge [sflag:s0], $0x80  }
0x259: {  	[sflag:s0] =	ssyncset.done $0x0  }
0x25a: {  	s23 =	simm.s32 $0xE80;
	s19 =	rddreg [dreg:$0xe];
	[sflag:s0] =	ssyncadd.s32 $0xFFFFFF80  }
0x25b: {  	[tilespmem:s23], [sflag:$0x5] =	stream.linear.gather [hbm4b:s19+s22], $0x80, $0x38;
	[tilespmem:$0x9400] =	vst v63  }
0x25c: {  	_ =	swait.ge [sflag:s0], $0x80  }
0x25d: {  	[sflag:s0] =	ssyncset.done $0x0  }
0x25e: {  	s21 =	simm.s32 $0xF00;
	s20 =	rddreg [dreg:$0xf];
	[sflag:s0] =	ssyncadd.s32 $0xFFFFFF80  }
0x25f: {  	[tilespmem:s21], [sflag:$0x5] =	stream.linear.gather [hbm4b:s20+s22], $0x80, $0x38;
	[tilespmem:$0x9400] =	vst v63  }
0x260: {  	_ =	swait.ge [sflag:s0], $0x80  }
0x261: {  	[sflag:s0] =	ssyncset.done $0x0  }
0x262: {  	s20 =	simm.s32 $0xF80;
	s11 =	rddreg [dreg:$0x10];
	[sflag:s0] =	ssyncadd.s32 $0xFFFFFF80  }
0x263: {  	[tilespmem:s20], [sflag:$0x5] =	stream.linear.gather [hbm4b:s11+s22], $0x80, $0x38;
	[tilespmem:$0x9400] =	vst v63  }
0x264: {  	_ =	swait.ge [sflag:s0], $0x80  }
0x265: {  	[sflag:s0] =	ssyncset.done $0x0  }
0x266: {  	s19 =	simm.s32 $0x1000;
	s14 =	rddreg [dreg:$0x11];
	[sflag:s0] =	ssyncadd.s32 $0xFFFFFF80  }
0x267: {  	[tilespmem:s19], [sflag:$0x5] =	stream.linear.gather [hbm4b:s14+s22], $0x80, $0x38;
	[tilespmem:$0x9400] =	vst v63  }
0x268: {  	_ =	swait.ge [sflag:s0], $0x80  }
0x269: {  	[sflag:s0] =	ssyncset.done $0x0  }
0x26a: {  	s18 =	simm.s32 $0x1080;
	s15 =	rddreg [dreg:$0x12];
	[sflag:s0] =	ssyncadd.s32 $0xFFFFFF80  }
0x26b: {  	[tilespmem:s18], [sflag:$0x5] =	stream.linear.gather [hbm4b:s15+s22], $0x80, $0x38;
	[tilespmem:$0x9400] =	vst v63  }
0x26c: {  	_ =	swait.ge [sflag:s0], $0x80  }
0x26d: {  	[sflag:s0] =	ssyncset.done $0x0  }
0x26e: {  	s17 =	simm.s32 $0x1100;
	s16 =	rddreg [dreg:$0x13];
	[sflag:s0] =	ssyncadd.s32 $0xFFFFFF80  }
0x26f: {  	[tilespmem:s17], [sflag:$0x5] =	stream.linear.gather [hbm4b:s16+s22], $0x80, $0x38;
	[tilespmem:$0x9400] =	vst v63  }
0x270: {  	_ =	swait.ge [sflag:s0], $0x80  }
0x271: {  	[sflag:s0] =	ssyncset.done $0x0  }
0x272: {  	s16 =	simm.s32 $0x1180;
	s11 =	rddreg [dreg:$0x14];
	[sflag:s0] =	ssyncadd.s32 $0xFFFFFF80  }
0x273: {  	[tilespmem:s16], [sflag:$0x5] =	stream.linear.gather [hbm4b:s11+s22], $0x80, $0x38;
	[tilespmem:$0x9400] =	vst v63  }
0x274: {  	_ =	swait.ge [sflag:s0], $0x80  }
0x275: {  	[sflag:s0] =	ssyncset.done $0x0  }
0x276: {  	s15 =	simm.s32 $0x1200;
	s14 =	rddreg [dreg:$0x15];
	[sflag:s0] =	ssyncadd.s32 $0xFFFFFF80  }
0x277: {  	[tilespmem:s15], [sflag:$0x5] =	stream.linear.gather [hbm4b:s14+s22], $0x80, $0x38;
	[tilespmem:$0x9400] =	vst v63  }
0x278: {  	_ =	swait.ge [sflag:s0], $0x80  }
0x279: {  	[sflag:s0] =	ssyncset.done $0x0  }
0x27a: {  	s14 =	simm.s32 $0x1280;
	s11 =	rddreg [dreg:$0x16];
	[sflag:s0] =	ssyncadd.s32 $0xFFFFFF80  }
0x27b: {  	[tilespmem:s14], [sflag:$0x5] =	stream.linear.gather [hbm4b:s11+s22], $0x80, $0x38;
	[tilespmem:$0x9400] =	vst v63  }
0x27c: {  	_ =	swait.ge [sflag:s0], $0x80  }
0x27d: {  	[sflag:s0] =	ssyncset.done $0x0  }
0x27e: {  	s11 =	simm.s32 $0x1300;
	s4 =	rddreg [dreg:$0x17];
	[sflag:s0] =	ssyncadd.s32 $0xFFFFFF80  }
0x27f: {  	[tilespmem:s11], [sflag:$0x5] =	stream.linear.gather [hbm4b:s4+s22], $0x80, $0x38;
	[tilespmem:$0x9400] =	vst v63  }
0x280: {  	_ =	swait.ge [sflag:s0], $0x80  }
0x281: {  	[sflag:s0] =	ssyncset.done $0x0  }
0x282: {  	s11 =	simm.s32 $0x1380;
	s4 =	rddreg [dreg:$0x18];
	[sflag:s0] =	ssyncadd.s32 $0xFFFFFF80  }
0x283: {  	[tilespmem:s11], [sflag:$0x5] =	stream.linear.gather [hbm4b:s4+s22], $0x80, $0x38;
	[tilespmem:$0x9400] =	vst v63  }
0x284: {  	_ =	swait.ge [sflag:s0], $0x80  }
0x285: {  	[sflag:s0] =	ssyncset.done $0x0  }
0x286: {  	[sflag:s0] =	ssyncadd.s32 $0xFFFFFF80  }
0x287: {  	[tilespmem:s10], [sflag:$0x1] =	stream.indirect.gather [hbm4b:s3+s6], $0x80, s22, s6, $0xb8;
	[tilespmem:$0x9400] =	vst v63  }
0x288: {  	_ = 	snop  }
0x289: {  	[tilespmem:s9], [sflag:$0x2] =	stream.indirect.gather [hbm4b:s3+s6], $0x80, s6, s6, $0xb8;
	[tilespmem:$0x9400] =	vst v63  }
0x28a: {  	_ =	swait.ge [sflag:s13], $0x4000  }
0x28b: {  	[sflag:s13] =	ssyncset.done $0x0  }
0x28c: {  	[sflag:s13] =	ssyncadd.s32 $0xFFFFC000  }
0x28d: {  	[hbm4b:s2+s6] =	stream.indirect.scatter [tilespmem:s10], [sflag:$0x3], $0x80, s1, s6, $0xb8;
	[tilespmem:$0x9400] =	vst v63  }
0x28e: {  	_ =	swait.ge [sflag:s8], $0x4000  }
0x28f: {  	[sflag:s8] =	ssyncset.done $0x0  }
0x290: {  	s1 =	rddreg [dreg:$0x19];
	[sflag:s8] =	ssyncadd.s32 $0xFFFFC000  }
0x291: {  	[tilespmem:s10], [sflag:$0x1] =	stream.indirect.gather [hbm4b:s3+s6], $0x80, s1, s6, $0xb8;
	[tilespmem:$0x9400] =	vst v63  }
0x292: {  	_ =	swait.ge [sflag:s12], $0x4000  }
0x293: {  	[sflag:s12] =	ssyncset.done $0x0  }
0x294: {  	[sflag:s12] =	ssyncadd.s32 $0xFFFFC000  }
0x295: {  	[hbm4b:s2+s6] =	stream.indirect.scatter [tilespmem:s9], [sflag:$0x4], $0x80, s31, s6, $0xb8;
	[tilespmem:$0x9400] =	vst v63  }
0x296: {  	_ =	swait.ge [sflag:s7], $0x4000  }
0x297: {  	[sflag:s7] =	ssyncset.done $0x0  }
0x298: {  	s4 =	rddreg [dreg:$0x1a];
	[sflag:s7] =	ssyncadd.s32 $0xFFFFC000  }
0x299: {  	[tilespmem:s9], [sflag:$0x2] =	stream.indirect.gather [hbm4b:s3+s6], $0x80, s4, s6, $0xb8;
	[tilespmem:$0x9400] =	vst v63  }
0x29a: {  	_ =	swait.ge [sflag:s13], $0x4000  }
0x29b: {  	[sflag:s13] =	ssyncset.done $0x0  }
0x29c: {  	[sflag:s13] =	ssyncadd.s32 $0xFFFFC000  }
0x29d: {  	[hbm4b:s2+s6] =	stream.indirect.scatter [tilespmem:s10], [sflag:$0x3], $0x80, s5, s6, $0xb8;
	[tilespmem:$0x9400] =	vst v63  }
0x29e: {  	_ =	swait.ge [sflag:s8], $0x4000  }
0x29f: {  	[sflag:s8] =	ssyncset.done $0x0  }
0x2a0: {  	s5 =	rddreg [dreg:$0x1b];
	[sflag:s8] =	ssyncadd.s32 $0xFFFFC000  }
0x2a1: {  	[tilespmem:s10], [sflag:$0x1] =	stream.indirect.gather [hbm4b:s3+s6], $0x80, s5, s6, $0xb8;
	[tilespmem:$0x9400] =	vst v63  }
0x2a2: {  	_ =	swait.ge [sflag:s12], $0x4000  }
0x2a3: {  	[sflag:s12] =	ssyncset.done $0x0  }
0x2a4: {  	[sflag:s12] =	ssyncadd.s32 $0xFFFFC000  }
0x2a5: {  	[hbm4b:s2+s6] =	stream.indirect.scatter [tilespmem:s9], [sflag:$0x4], $0x80, s30, s6, $0xb8;
	[tilespmem:$0x9400] =	vst v63  }
0x2a6: {  	_ =	swait.ge [sflag:s7], $0x4000  }
0x2a7: {  	[sflag:s7] =	ssyncset.done $0x0  }
0x2a8: {  	s22 =	rddreg [dreg:$0x1c];
	[sflag:s7] =	ssyncadd.s32 $0xFFFFC000  }
0x2a9: {  	[tilespmem:s9], [sflag:$0x2] =	stream.indirect.gather [hbm4b:s3+s6], $0x80, s22, s6, $0xb8;
	[tilespmem:$0x9400] =	vst v63  }
0x2aa: {  	_ =	swait.ge [sflag:s13], $0x4000  }
0x2ab: {  	[sflag:s13] =	ssyncset.done $0x0  }
0x2ac: {  	[sflag:s13] =	ssyncadd.s32 $0xFFFFC000  }
0x2ad: {  	[hbm4b:s2+s6] =	stream.indirect.scatter [tilespmem:s10], [sflag:$0x3], $0x80, s29, s6, $0xb8;
	[tilespmem:$0x9400] =	vst v63  }
0x2ae: {  	_ =	swait.ge [sflag:s8], $0x4000  }
0x2af: {  	[sflag:s8] =	ssyncset.done $0x0  }
0x2b0: {  	s29 =	rddreg [dreg:$0x1d];
	[sflag:s8] =	ssyncadd.s32 $0xFFFFC000  }
0x2b1: {  	[tilespmem:s10], [sflag:$0x1] =	stream.indirect.gather [hbm4b:s3+s6], $0x80, s29, s6, $0xb8;
	[tilespmem:$0x9400] =	vst v63  }
0x2b2: {  	_ =	swait.ge [sflag:s12], $0x4000  }
0x2b3: {  	[sflag:s12] =	ssyncset.done $0x0  }
0x2b4: {  	[sflag:s12] =	ssyncadd.s32 $0xFFFFC000  }
0x2b5: {  	[hbm4b:s2+s6] =	stream.indirect.scatter [tilespmem:s9], [sflag:$0x4], $0x80, s28, s6, $0xb8;
	[tilespmem:$0x9400] =	vst v63  }
0x2b6: {  	_ =	swait.ge [sflag:s7], $0x4000  }
0x2b7: {  	[sflag:s7] =	ssyncset.done $0x0  }
0x2b8: {  	s30 =	rddreg [dreg:$0x1e];
	[sflag:s7] =	ssyncadd.s32 $0xFFFFC000  }
0x2b9: {  	[tilespmem:s9], [sflag:$0x2] =	stream.indirect.gather [hbm4b:s3+s6], $0x80, s30, s6, $0xb8;
	[tilespmem:$0x9400] =	vst v63  }
0x2ba: {  	_ =	swait.ge [sflag:s13], $0x4000  }
0x2bb: {  	[sflag:s13] =	ssyncset.done $0x0  }
0x2bc: {  	[sflag:s13] =	ssyncadd.s32 $0xFFFFC000  }
0x2bd: {  	[hbm4b:s2+s6] =	stream.indirect.scatter [tilespmem:s10], [sflag:$0x3], $0x80, s26, s6, $0xb8;
	[tilespmem:$0x9400] =	vst v63  }
0x2be: {  	_ =	swait.ge [sflag:s8], $0x4000  }
0x2bf: {  	[sflag:s8] =	ssyncset.done $0x0  }
0x2c0: {  	s31 =	rddreg [dreg:$0x1f];
	[sflag:s8] =	ssyncadd.s32 $0xFFFFC000  }
0x2c1: {  	[tilespmem:s10], [sflag:$0x1] =	stream.indirect.gather [hbm4b:s3+s6], $0x80, s31, s6, $0xb8;
	[tilespmem:$0x9400] =	vst v63  }
0x2c2: {  	_ =	swait.ge [sflag:s12], $0x4000  }
0x2c3: {  	[sflag:s12] =	ssyncset.done $0x0  }
0x2c4: {  	[sflag:s12] =	ssyncadd.s32 $0xFFFFC000  }
0x2c5: {  	[hbm4b:s2+s6] =	stream.indirect.scatter [tilespmem:s9], [sflag:$0x4], $0x80, s25, s6, $0xb8;
	[tilespmem:$0x9400] =	vst v63  }
0x2c6: {  	_ =	swait.ge [sflag:s7], $0x4000  }
0x2c7: {  	s1 =	sld [smem:$0x7F3]  }
0x2c8: {  	[sflag:s7] =	ssyncset.done $0x0  }
0x2c9: {  	[sflag:s7] =	ssyncadd.s32 $0xFFFFC000  }
0x2ca: {  	[tilespmem:s9], [sflag:$0x2] =	stream.indirect.gather [hbm4b:s3+s6], $0x80, s1, s6, $0xb8;
	[tilespmem:$0x9400] =	vst v63  }
0x2cb: {  	_ =	swait.ge [sflag:s13], $0x4000  }
0x2cc: {  	[sflag:s13] =	ssyncset.done $0x0  }
0x2cd: {  	[sflag:s13] =	ssyncadd.s32 $0xFFFFC000  }
0x2ce: {  	[hbm4b:s2+s6] =	stream.indirect.scatter [tilespmem:s10], [sflag:$0x3], $0x80, s24, s6, $0xb8;
	[tilespmem:$0x9400] =	vst v63  }
0x2cf: {  	_ =	swait.ge [sflag:s8], $0x4000  }
0x2d0: {  	s4 =	sld [smem:$0x7F4]  }
0x2d1: {  	[sflag:s8] =	ssyncset.done $0x0  }
0x2d2: {  	[sflag:s8] =	ssyncadd.s32 $0xFFFFC000  }
0x2d3: {  	[tilespmem:s10], [sflag:$0x1] =	stream.indirect.gather [hbm4b:s3+s6], $0x80, s4, s6, $0xb8;
	[tilespmem:$0x9400] =	vst v63  }
0x2d4: {  	_ =	swait.ge [sflag:s12], $0x4000  }
0x2d5: {  	[sflag:s12] =	ssyncset.done $0x0  }
0x2d6: {  	[sflag:s12] =	ssyncadd.s32 $0xFFFFC000  }
0x2d7: {  	[hbm4b:s2+s6] =	stream.indirect.scatter [tilespmem:s9], [sflag:$0x4], $0x80, s23, s6, $0xb8;
	[tilespmem:$0x9400] =	vst v63  }
0x2d8: {  	_ =	swait.ge [sflag:s7], $0x4000  }
0x2d9: {  	s5 =	sld [smem:$0x7F5]  }
0x2da: {  	[sflag:s7] =	ssyncset.done $0x0  }
0x2db: {  	[sflag:s7] =	ssyncadd.s32 $0xFFFFC000  }
0x2dc: {  	[tilespmem:s9], [sflag:$0x2] =	stream.indirect.gather [hbm4b:s3+s6], $0x80, s5, s6, $0xb8;
	[tilespmem:$0x9400] =	vst v63  }
0x2dd: {  	_ =	swait.ge [sflag:s13], $0x4000  }
0x2de: {  	[sflag:s13] =	ssyncset.done $0x0  }
0x2df: {  	[sflag:s13] =	ssyncadd.s32 $0xFFFFC000  }
0x2e0: {  	[hbm4b:s2+s6] =	stream.indirect.scatter [tilespmem:s10], [sflag:$0x3], $0x80, s21, s6, $0xb8;
	[tilespmem:$0x9400] =	vst v63  }
0x2e1: {  	_ =	swait.ge [sflag:s8], $0x4000  }
0x2e2: {  	s21 =	sld [smem:$0x7F6]  }
0x2e3: {  	[sflag:s8] =	ssyncset.done $0x0  }
0x2e4: {  	[sflag:s8] =	ssyncadd.s32 $0xFFFFC000  }
0x2e5: {  	[tilespmem:s10], [sflag:$0x1] =	stream.indirect.gather [hbm4b:s3+s6], $0x80, s21, s6, $0xb8;
	[tilespmem:$0x9400] =	vst v63  }
0x2e6: {  	_ =	swait.ge [sflag:s12], $0x4000  }
0x2e7: {  	[sflag:s12] =	ssyncset.done $0x0  }
0x2e8: {  	[sflag:s12] =	ssyncadd.s32 $0xFFFFC000  }
0x2e9: {  	[hbm4b:s2+s6] =	stream.indirect.scatter [tilespmem:s9], [sflag:$0x4], $0x80, s20, s6, $0xb8;
	[tilespmem:$0x9400] =	vst v63  }
0x2ea: {  	_ =	swait.ge [sflag:s7], $0x4000  }
0x2eb: {  	s22 =	sld [smem:$0x7F7]  }
0x2ec: {  	[sflag:s7] =	ssyncset.done $0x0  }
0x2ed: {  	[sflag:s7] =	ssyncadd.s32 $0xFFFFC000  }
0x2ee: {  	[tilespmem:s9], [sflag:$0x2] =	stream.indirect.gather [hbm4b:s3+s6], $0x80, s22, s6, $0xb8;
	[tilespmem:$0x9400] =	vst v63  }
0x2ef: {  	_ =	swait.ge [sflag:s13], $0x4000  }
0x2f0: {  	[sflag:s13] =	ssyncset.done $0x0  }
0x2f1: {  	[sflag:s13] =	ssyncadd.s32 $0xFFFFC000  }
0x2f2: {  	[hbm4b:s2+s6] =	stream.indirect.scatter [tilespmem:s10], [sflag:$0x3], $0x80, s19, s6, $0xb8;
	[tilespmem:$0x9400] =	vst v63  }
0x2f3: {  	_ =	swait.ge [sflag:s8], $0x4000  }
0x2f4: {  	s23 =	sld [smem:$0x7F8]  }
0x2f5: {  	[sflag:s8] =	ssyncset.done $0x0  }
0x2f6: {  	[sflag:s8] =	ssyncadd.s32 $0xFFFFC000  }
0x2f7: {  	[tilespmem:s10], [sflag:$0x1] =	stream.indirect.gather [hbm4b:s3+s6], $0x80, s23, s6, $0xb8;
	[tilespmem:$0x9400] =	vst v63  }
0x2f8: {  	_ =	swait.ge [sflag:s12], $0x4000  }
0x2f9: {  	[sflag:s12] =	ssyncset.done $0x0  }
0x2fa: {  	[sflag:s12] =	ssyncadd.s32 $0xFFFFC000  }
0x2fb: {  	[hbm4b:s2+s6] =	stream.indirect.scatter [tilespmem:s9], [sflag:$0x4], $0x80, s18, s6, $0xb8;
	[tilespmem:$0x9400] =	vst v63  }
0x2fc: {  	_ =	swait.ge [sflag:s7], $0x4000  }
0x2fd: {  	s24 =	sld [smem:$0x7F9]  }
0x2fe: {  	[sflag:s7] =	ssyncset.done $0x0  }
0x2ff: {  	[sflag:s7] =	ssyncadd.s32 $0xFFFFC000  }
0x300: {  	[tilespmem:s9], [sflag:$0x2] =	stream.indirect.gather [hbm4b:s3+s6], $0x80, s24, s6, $0xb8;
	[tilespmem:$0x9400] =	vst v63  }
0x301: {  	_ =	swait.ge [sflag:s13], $0x4000  }
0x302: {  	[sflag:s13] =	ssyncset.done $0x0  }
0x303: {  	[sflag:s13] =	ssyncadd.s32 $0xFFFFC000  }
0x304: {  	[hbm4b:s2+s6] =	stream.indirect.scatter [tilespmem:s10], [sflag:$0x3], $0x80, s17, s6, $0xb8;
	[tilespmem:$0x9400] =	vst v63  }
0x305: {  	_ =	swait.ge [sflag:s8], $0x4000  }
0x306: {  	s25 =	sld [smem:$0x7FA]  }
0x307: {  	[sflag:s8] =	ssyncset.done $0x0  }
0x308: {  	[sflag:s8] =	ssyncadd.s32 $0xFFFFC000  }
0x309: {  	[tilespmem:s10], [sflag:$0x1] =	stream.indirect.gather [hbm4b:s3+s6], $0x80, s25, s6, $0xb8;
	[tilespmem:$0x9400] =	vst v63  }
0x30a: {  	_ =	swait.ge [sflag:s12], $0x4000  }
0x30b: {  	[sflag:s12] =	ssyncset.done $0x0  }
0x30c: {  	[sflag:s12] =	ssyncadd.s32 $0xFFFFC000  }
0x30d: {  	[hbm4b:s2+s6] =	stream.indirect.scatter [tilespmem:s9], [sflag:$0x4], $0x80, s16, s6, $0xb8;
	[tilespmem:$0x9400] =	vst v63  }
0x30e: {  	_ =	swait.ge [sflag:s7], $0x4000  }
0x30f: {  	s26 =	sld [smem:$0x7FB]  }
0x310: {  	[sflag:s7] =	ssyncset.done $0x0  }
0x311: {  	[sflag:s7] =	ssyncadd.s32 $0xFFFFC000  }
0x312: {  	[tilespmem:s9], [sflag:$0x2] =	stream.indirect.gather [hbm4b:s3+s6], $0x80, s26, s6, $0xb8;
	[tilespmem:$0x9400] =	vst v63  }
0x313: {  	_ =	swait.ge [sflag:s13], $0x4000  }
0x314: {  	[sflag:s13] =	ssyncset.done $0x0  }
0x315: {  	[sflag:s13] =	ssyncadd.s32 $0xFFFFC000  }
0x316: {  	[hbm4b:s2+s6] =	stream.indirect.scatter [tilespmem:s10], [sflag:$0x3], $0x80, s15, s6, $0xb8;
	[tilespmem:$0x9400] =	vst v63  }
0x317: {  	_ =	swait.ge [sflag:s8], $0x4000  }
0x318: {  	s28 =	sld [smem:$0x7FC]  }
0x319: {  	[sflag:s8] =	ssyncset.done $0x0  }
0x31a: {  	[sflag:s8] =	ssyncadd.s32 $0xFFFFC000  }
0x31b: {  	[tilespmem:s10], [sflag:$0x1] =	stream.indirect.gather [hbm4b:s3+s6], $0x80, s28, s6, $0xb8;
	[tilespmem:$0x9400] =	vst v63  }
0x31c: {  	_ =	swait.ge [sflag:s12], $0x4000  }
0x31d: {  	[sflag:s12] =	ssyncset.done $0x0  }
0x31e: {  	[sflag:s12] =	ssyncadd.s32 $0xFFFFC000  }
0x31f: {  	[hbm4b:s2+s6] =	stream.indirect.scatter [tilespmem:s9], [sflag:$0x4], $0x80, s14, s6, $0xb8;
	[tilespmem:$0x9400] =	vst v63  }
0x320: {  	_ =	swait.ge [sflag:s7], $0x4000  }
0x321: {  	s29 =	sld [smem:$0x7FD]  }
0x322: {  	[sflag:s7] =	ssyncset.done $0x0  }
0x323: {  	[sflag:s7] =	ssyncadd.s32 $0xFFFFC000  }
0x324: {  	[tilespmem:s9], [sflag:$0x2] =	stream.indirect.gather [hbm4b:s3+s6], $0x80, s29, s6, $0xb8;
	[tilespmem:$0x9400] =	vst v63  }
0x325: {  	_ =	swait.ge [sflag:s13], $0x4000  }
0x326: {  	[sflag:s13] =	ssyncset.done $0x0  }
0x327: {  	s30 =	simm.s32 $0x1300;
	[sflag:s13] =	ssyncadd.s32 $0xFFFFC000  }
0x328: {  	[hbm4b:s2+s6] =	stream.indirect.scatter [tilespmem:s10], [sflag:$0x3], $0x80, s30, s6, $0xb8;
	[tilespmem:$0x9400] =	vst v63  }
0x329: {  	_ =	swait.ge [sflag:s12], $0x4000  }
0x32a: {  	[sflag:s12] =	ssyncset.done $0x0  }
0x32b: {  	[sflag:s12] =	ssyncadd.s32 $0xFFFFC000  }
0x32c: {  	[hbm4b:s2+s6] =	stream.indirect.scatter [tilespmem:s9], [sflag:$0x4], $0x80, s11, s6, $0xb8;
	[tilespmem:$0x9400] =	vst v63  }
0x32d: {  	_ =	swait.ge [sflag:s8], $0x4000  }
0x32e: {  	[sflag:s8] =	ssyncset.done $0x0  }
0x32f: {  	[sflag:s8] =	ssyncadd.s32 $0xFFFFC000  }
0x330: {  	_ =	swait.ge [sflag:s7], $0x4000  }
0x331: {  	[sflag:s7] =	ssyncset.done $0x0  }
0x332: {  	[sflag:s7] =	ssyncadd.s32 $0xFFFFC000  }
0x333: {  	_ =	sfence.sel $0x180000  }
0x334: {  	[bflag:$0x0] =	sbarrier.arrive $0xFFFF  }
0x335: {  	_ =	strace $0x90000047  }
0x336: {  	s31 =	stileid.u32;
	[bflag:$0x2] =	sbarrier.arrive $0xFFFF  }
0x337: {  	p0 =	sne.s32 s31, $0x0;
	s0 =	rddreg [dreg:$0x3]  }
0x338: {  	s0 =	sadd.s32 @!p0 $0x100000, s0  }
0x339: {  	[sflag:s0] =	ssyncadd.tile.s32 @!p0 $0x1;
	_ =	shalt  }
.Lfunc_end2:
_tile_overlayer_lowered:
.L_overlay_start_2:
0x33a: {  	(tag) =	ssettag $0x2  }
0x33b: {  	s0 =	rddreg [dreg:$0x0];
	s2 =	stileid.u32  }
0x33c: {  	s1 =	rddreg [dreg:$0x1];
	p0 =	sne.s32 s2, $0x0  }
0x33d: {  	s3 =	rddreg [dreg:$0x2];
	[bflag:$0x3] =	sbarrier.arrive $0xFFFF;
	s2 =	simm.s32 @!p0 $0x1C05  }
0x33e: {  	[timem:s3], [sflag:s2] =	dma.local @!p0 [hbm:s0], s1  }
0x33f: {  	s0 =	simm.s32 @!p0 $0x5  }
0x340: {  	_ =	swait.ge @!p0 [sflag:s0], s1  }
0x341: {  	s1 =	ssub.s32 @!p0 $0x0, s1;
	[sflag:s0] =	ssyncset.done @!p0 $0x0  }
0x342: {  	[sflag:s0] =	ssyncadd.s32 @!p0 s1  }
0x343: {  	[bflag:$0x3] =	sbarrier.arrive $0xFFFF  }
0x344: {  	_ =	shalt  }

// kernel: sparse-core-data-format-call.cloned.1.call-start
scs
called_computation_lowered:
.L_overlay_start_0:
0x0: {  	s2 =	sld [smem:$0x3FD9]  }
0x1: {  	s3 =	sld [smem:$0x3FFE];
	_ =	sdelay $0x1  }
0x2: {  	s1 =	srdreg.scid  }
0x3: {  	s0 =	sand.u32 $0x1, s1  }
0x4: {  	s15 =	sshll.u32 s0, $0xA;
	s2 =	sadd.s32 s3, s2  }
0x5: {  	s2 =	sadd.s32 s2, s15  }
0x6: {  	[smem:$0x3FC5] =	sst s2  }
0x7: {  	_ = 	snop  }
0x8: {  	s2 =	sld [smem:$0x3FD0];
	_ =	sdelay $0x2  }
0x9: {  	s16 =	simm.s32 $0xA;
	s4 =	simm.s32 $0x10  }
0xa: {  	[smem:s4], [sflag:s16] =	dma.local [hbm:s2], $0x1  }
0xb: {  	_ =	swait.eq [sflag:s16], $0x1  }
0xc: {  	[sflag:s16] =	ssyncset.done $0x0  }
0xd: {  	[sflag:s16] =	ssyncadd.s32 $0xFFFFFFFF  }
0xe: {  	s17 =	sld [smem:$0x12];
	(tm) =	ssettm $0x1  }
0xf: {  	s18 =	sld [smem:$0x3FFB];
	_ =	sdelay $0x3  }
0x10: {  	_ =	strace s18  }
0x11: {  	s3 =	sld [smem:$0x3FFC];
	_ =	sdelay $0x3  }
0x12: {  	_ =	strace s3  }
0x13: {  	s3 =	sld [smem:$0x3FFD];
	_ =	sdelay $0x3  }
0x14: {  	_ =	strace s3  }
0x15: {  	_ =	strace $0x8FFFFFFF  }
0x16: {  	s19 =	sld [smem:$0x3FDB];
	_ =	sdelay $0x1  }
0x17: {  	s20 =	simm.s32 $_scs_section_size  }
0x18: {  	s5 =	simm.s32 $_size__tile_overlayer_lowered;
	s6 =	simm.s32 $_tile_overlayer_lowered  }
0x19: {  	s23 =	simm.s32 $0x1BFF;
	s22 =	sshll.u32 s6, $0x1;
	s3 =	sadd.s32 s20, s19  }
0x1a: {  	s7 =	simm.s32 $0x0;
	s21 =	sshll.u32 s5, $0x1;
	s5 =	sadd.s32 s22, s3  }
0x1b: {  	[timem:s7], [sflag:s23] =	dma.local [hbm:s5], s21  }
0x1c: {  	_ =	swait.ge [sflag:s23], s21  }
0x1d: {  	s4 =	ssub.s32 $0x0, s21;
	[sflag:s23] =	ssyncset.done $0x0  }
0x1e: {  	[sflag:s23] =	ssyncadd.s32 s4;
	_ =	sdelay $0x1  }
0x1f: {  	s24 =	simm.s32 $0x1B8B  }
0x20: {  	_ =	swait.ge [sflag:s24], $0x1  }
0x21: {  	[sflag:s24] =	ssyncset.done $0x0  }
0x22: {  	s26 =	simm.s32 $0x1B8E;
	s25 =	sld [smem:$0x3FFE];
	[sflag:s24] =	ssyncadd.s32 $0xFFFFFFFF  }
0x23: {  	s27 =	simm.s32 $execute0_lowered;
	[smem:$0x3FD2] =	sst s26  }
0x24: {  	s5 =	sshll.u32 s27, $0x1;
	_ =	strace $0x8000004C;
	[dreg:$0x1] =	wrdreg $0xFFFFFFFF  }
0x25: {  	s28 =	simm.s32 $_size_execute0_lowered;
	s3 =	sadd.s32 s3, s5;
	[dreg:$0x0] =	wrdreg $0x0  }
0x26: {  	s5 =	sshll.u32 s28, $0x1;
	[dreg:$0x2] =	wrdreg s3  }
0x27: {  	[dreg:$0x3] =	wrdreg s5  }
0x28: {  	[dreg:$0x4] =	wrdreg $0xC0  }
0x29: {  	_ =	task [dreg:s7], $0x5FFFF  }
0x2a: {  	[dreg:$0x1] =	wrdreg $0xFFFFFFFF  }
0x2b: {  	[dreg:$0x0] =	wrdreg $0x60  }
0x2c: {  	[dreg:$0x2] =	wrdreg s25  }
0x2d: {  	[dreg:$0x3] =	wrdreg s17  }
0x2e: {  	[dreg:$0x4] =	wrdreg $0x9  }
0x2f: {  	_ =	task.clear_ibuf [dreg:s7], $0x5FFFF;
	_ =	strace $0x9000004C  }
0x30: {  	s29 =	simm.s32 $0x9;
	_ =	strace $0x8000004E  }
0x31: {  	_ =	swait.ge [sflag:s29], $0x1  }
0x32: {  	[sflag:s29] =	ssyncadd.s32 $0xFFFFFFFF  }
0x33: {  	_ =	strace $0x9000004E  }
0x34: {  	_ =	sfence  }
0x35: {  	s30 =	sld [smem:$0x0];
	_ =	sdelay $0x2  }
0x36: {  	s31 =	sshll.u32 s1, $0xD;
	s1 =	sshrl.u32 s1, $0x2  }
0x37: {  	s3 =	sand.u32 $0x4000, s31;
	s1 =	sadd.s32 s1, s30  }
0x38: {  	s0 =	sor.u32 s3, s0;
	s1 =	sshll.u32 s1, $0x11  }
0x39: {  	s0 =	sor.u32 s1, s0  }
0x3a: {  	s0 =	sadd.s32 $0x8F2B, s0  }
0x3b: {  	[sflag:s0] =	ssyncadd.remote.s32 $0x1  }
0x3c: {  	_ =	sfence.sel $0xFFFF  }
0x3d: {  	[dreg:$0x0] =	wrdreg $0xFFFFFFFF;
	(pc) =	sbr.abs _section_cstart, $3  }
0x3e: {  	[dreg:$0x1] =	wrdreg $0xFFFFFFFF  }
0x3f: {  	_ =	task.clear_ibuf [dreg:s7], $0x2FFFF;
	_ =	strace $0x9FFFFFFF  }
0x40: {  	(tm) =	ssettm $0x7FFFFFFF  }
0x41: {  	_ =	shalt  }
tec
execute0_lowered:
.L_overlay_start_1:
0x0: {  	(tag) =	ssettag $0x1  }
0x1: {  	s0 =	srdreg.scid  }
0x2: {  	s1 =	sshll.u32 s0, $0x4  }
0x3: {  	s6 =	rddreg [dreg:$0x0];
	s0 =	stileid.u32;
	s1 =	sand.u32 $0x10, s1  }
0x4: {  	s3 =	rddreg [dreg:$0x1];
	s1 =	sor.u32 s0, s1  }
0x5: {  	s5 =	simm.s32 $0x1;
	s31 =	simm.s32 $0x2;
	s2 =	sshll.u32 s1, $0x7  }
0x6: {  	s14 =	simm.s32 $0x0;
	s8 =	simm.s32 $0x800;
	s4 =	ssub.s32 $0x2000, s2  }
0x7: {  	s9 =	simm.s32 $0x0;
	s15 =	simm.s32 $0x0;
	s30 =	sand.u32 $0xF80, s4  }
0x8: {  	s16 =	simm.s32 $0x0;
	s10 =	simm.s32 $0x0;
	p0 =	sne.s32 s30, $0x0  }
.Ltmp0:
0x9: {  	s7 =	sshrl.u32 s4, $0xC;
	s5 =	simm.s32 @!p0 $0x0;
	(pc) =	sbr.rel .LBB1_1-.Ltmp0, $4  }
0xa: {  	s11 =	simm.s32 $0x0;
	s1 =	rddreg [dreg:$0x2];
	s5 =	sadd.s32 s5, s7  }
0xb: {  	_ =	strace $0x8000004D;
	s4 =	simm.s32 $0x1;
	s5 =	smul.u32 $0x14, s5  }
0xc: {  	s13 =	simm.s32 $0x0;
	s6 =	sadd.s32 $0x42A00, s6;
	[sflag:s4] =	ssyncpa.u1 $0x0  }
0xd: {  	s12 =	smov.u32 s2;
	[sflag:s31] =	ssyncpa.u1 $0x0;
	s7 =	sor.u32 $0x1, s5  }
.LBB1_4:
0xe: {  	_ =	sdelay $0x3  }
0xf: {  	[tilespmem:v0+s19+$0xFFFFFFD0 ss:$0x1] =	vst.idx.msk $0xffff, v6  }
0x10: {  	v56 =	vld.idx.msk [tilespmem:v1+s18+$0x0 ss:$0x1], $0xffff;
	[tilespmem:v0+s19+$0xFFFFFFE0 ss:$0x1] =	vst.idx.msk $0xffff, v4  }
0x11: {  	v57 =	vld.idx.msk [tilespmem:v1+s18+$0xFFFFFF90 ss:$0x1], $0xffff;
	[tilespmem:v0+s19+$0xFFFFFFF0 ss:$0x1] =	vst.idx.msk $0xffff, v2  }
0x12: {  	v58 =	vld.idx.msk [tilespmem:v1+s18+$0xFFFFFFA0 ss:$0x1], $0xffff;
	[tilespmem:v0+s19+$0x0 ss:$0x1] =	vst.idx.msk $0xffff, v3  }
0x13: {  	v59 =	vld.idx.msk [tilespmem:v1+s18+$0xFFFFFFB0 ss:$0x1], $0xffff;
	[tilespmem:v0+s19+$0x10 ss:$0x1] =	vst.idx.msk $0xffff, v5  }
0x14: {  	v60 =	vld.idx.msk [tilespmem:v1+s18+$0xFFFFFFC0 ss:$0x1], $0xffff;
	[tilespmem:v0+s19+$0x20 ss:$0x1] =	vst.idx.msk $0xffff, v7  }
0x15: {  	v61 =	vld.idx.msk [tilespmem:v1+s18+$0xFFFFFFD0 ss:$0x1], $0xffff;
	s27 =	sshll.u32 s16, $0x8;
	[tilespmem:v0+s18+$0x30 ss:$0x1] =	vst.idx.msk $0xffff, v56  }
0x16: {  	s20 =	sshll.u32 s14, $0x3;
	v62 =	vld.idx.msk [tilespmem:v1+s18+$0xFFFFFFE0 ss:$0x1], $0xffff;
	s30 =	sand.u32 $0x78, s14;
	s15 =	sshll.u32 s15, $0x12;
	[tilespmem:v0+s18+$0xFFFFFFC0 ss:$0x1] =	vst.idx.msk $0xffff, v57  }
0x17: {  	s28 =	sshll.u32 s16, $0x7;
	v63 =	vld.idx.msk [tilespmem:v1+s18+$0xFFFFFFF0 ss:$0x1], $0xffff;
	s19 =	sand.u32 $0x1FF800, s27;
	s20 =	sand.u32 $0x1FFC00, s20;
	[tilespmem:v0+s18+$0xFFFFFFD0 ss:$0x1] =	vst.idx.msk $0xffff, v58  }
0x18: {  	s29 =	sand.u32 $0x300, s28;
	s16 =	sand.u32 $0x80, s28;
	s19 =	sadd.s32 s19, s20;
	[tilespmem:v0+s18+$0xFFFFFFE0 ss:$0x1] =	vst.idx.msk $0xffff, v59  }
0x19: {  	s31 =	sand.u32 $0x7, s14;
	s16 =	sor.u32 s16, s30;
	s19 =	sor.u32 s29, s19;
	[tilespmem:v0+s18+$0xFFFFFFF0 ss:$0x1] =	vst.idx.msk $0xffff, v60  }
0x1a: {  	s15 =	sadd.s32 s3, s15;
	s16 =	sshrl.u32 s16, $0x3;
	s19 =	sshrl.u32 s19, $0x3;
	[tilespmem:v0+s18+$0x0 ss:$0x1] =	vst.idx.msk $0xffff, v61  }
0x1b: {  	s14 =	sshll.u32 s31, $0x12;
	s15 =	sadd.s32 s16, s15;
	[tilespmem:v0+s18+$0x10 ss:$0x1] =	vst.idx.msk $0xffff, v62;
	s19 =	sand.u32 $0x3FFE0, s19  }
0x1c: {  	s14 =	sor.u32 $0x400, s14;
	[tilespmem:v0+s18+$0x20 ss:$0x1] =	vst.idx.msk $0xffff, v63;
	s15 =	sadd.s32 s19, s15  }
0x1d: {  	[hbm4b:s15+s14] =	stream.strided.scatter [tilespmem:s17], [sflag:$0x2], $0x4000, s8, s14, $0x38;
	[tilespmem:$0x10000] =	vst v63  }
.LBB1_5:
0x1e: {  	s17 =	sadd.s32 $0x80, s10  }
0x1f: {  	s14 =	simm.s32 $0x1;
	p1 =	sgt.s32 s17, $0xFF  }
0x20: {  	s14 =	simm.s32 @!p1 $0x0  }
0x21: {  	s18 =	sadd.s32 s14, s11  }
0x22: {  	s20 =	smov.u32 s12;
	s14 =	sadd.s32 $0x1000, s12;
	p2 =	sgt.s32 s18, $0x9  }
0x23: {  	s20 =	smov.u32 @p2 s14  }
0x24: {  	p0 =	slt.u32 s13, $0x2;
	s17 =	simm.s32 @p1 $0x0;
	p1 =	sgt.s32 s20, $0x1FFF  }
0x25: {  	s19 =	simm.s32 @!p0 $0x2;
	s20 =	smov.u32 @p1 s2;
	p1 =	sne.s32 s13, s7  }
.Ltmp1:
0x26: {  	_ =	swait.ge @!p0 [sflag:s19], $0x4000;
	(pc) =	sbr.rel @!p1 .LBB1_6-.Ltmp1, $4  }
0x27: {  	s15 =	smov.u32 s11;
	[sflag:s19] =	ssyncset.done @!p0 $0x0  }
0x28: {  	s16 =	smov.u32 s12;
	s9 =	sadd.s32 $0x4000, s9;
	[sflag:s19] =	ssyncadd.s32 @!p0 $0xFFFFC000  }
0x29: {  	s18 =	simm.s32 @p2 $0x0;
	s14 =	smov.u32 s10;
	s10 =	smov.u32 s17  }
0x2a: {  	s11 =	smov.u32 s18;
	s13 =	sadd.s32 $0x1, s13;
	s12 =	smov.u32 s20  }
.LBB1_1:
0x2b: {  	p0 =	sge.u32 s13, s5  }
0x2c: {  	s31 =	sadd.s32 $0xFFFFFFFF, s13;
	s17 =	sxor.u32 @!p0 $0xFFFFFFFF, s13  }
0x2d: {  	s18 =	sshll.u32 @!p0 s11, $0x8;
	s19 =	sshll.u32 @!p0 s10, $0x3;
	s20 =	sshll.u32 @!p0 s11, $0x7  }
0x2e: {  	s21 =	sand.u32 @!p0 $0x78, s10;
	s18 =	sand.u32 @!p0 $0x800, s18;
	s19 =	sand.u32 @!p0 $0xC00, s19  }
0x2f: {  	s17 =	sshll.u32 @!p0 s17, $0xE;
	s18 =	sadd.s32 @!p0 s18, s19;
	s19 =	sand.u32 @!p0 $0x300, s20  }
0x30: {  	s17 =	sand.u32 @!p0 $0x4000, s17;
	s18 =	sor.u32 @!p0 s19, s18;
	s19 =	sand.u32 @!p0 $0x80, s20  }
0x31: {  	s20 =	sshll.u32 @!p0 s12, $0x9;
	s19 =	sor.u32 @!p0 s21, s19;
	s18 =	sshrl.u32 @!p0 s18, $0x3  }
0x32: {  	s20 =	sadd.s32 @!p0 s6, s20;
	s21 =	sand.u32 @!p0 $0x7, s10;
	s19 =	sshrl.u32 @!p0 s19, $0x3  }
0x33: {  	s18 =	sand.u32 @!p0 $0x1E0, s18;
	s19 =	sadd.s32 @!p0 s19, s20;
	s20 =	sshll.u32 @!p0 s21, $0x12  }
0x34: {  	s18 =	sadd.s32 @!p0 s18, s19;
	s19 =	sor.u32 @!p0 $0x80, s20;
	s20 =	simm.s32 @!p0 $0x1000  }
0x35: {  	[tilespmem:s17], [sflag:$0x1] =	stream.strided.gather @!p0 [hbm4b:s18+s19], $0x4000, s20, s19, $0x38;
	[tilespmem:$0x10000] =	vst v63  }
0x36: {  	p0 =	sge.u32 s31, s5  }
.Ltmp2:
0x37: {  	_ = 	snop;
	(pc) =	sbr.rel @p0 .LBB1_5-.Ltmp2, $1  }
0x38: {  	_ =	sdelay $0x3  }
0x39: {  	s17 =	sand.u32 $0x4000, s9  }
0x3a: {  	s18 =	sor.u32 $0x70, s17  }
0x3b: {  	v1 =	vmov s18;
	_ =	sdelay $0x1  }
0x3c: {  	_ =	swait.ge [sflag:s4], $0x4000  }
0x3d: {  	[sflag:s4] =	ssyncset.done $0x0  }
0x3e: {  	s19 =	simm.s32 $0x0;
	[sflag:s4] =	ssyncadd.s32 $0xFFFFC000  }
0x3f: {  	s17 =	sor.u32 $0x8040, s17;
	v7 =	vld.idx.msk [tilespmem:v1+s19+$0x0 ss:$0x1], $0xffff  }
0x40: {  	v0 =	vmov s17;
	v8 =	vld.idx.msk [tilespmem:v1+s19+$0xFFFFFF90 ss:$0x1], $0xffff  }
0x41: {  	v6 =	vld.idx.msk [tilespmem:v1+s19+$0xFFFFFFA0 ss:$0x1], $0xffff  }
0x42: {  	v4 =	vld.idx.msk [tilespmem:v1+s19+$0xFFFFFFB0 ss:$0x1], $0xffff  }
0x43: {  	v2 =	vld.idx.msk [tilespmem:v1+s19+$0xFFFFFFC0 ss:$0x1], $0xffff  }
0x44: {  	s31 =	sshll.u32 s13, $0xE;
	v3 =	vld.idx.msk [tilespmem:v1+s19+$0xFFFFFFD0 ss:$0x1], $0xffff  }
0x45: {  	s17 =	sand.u32 $0x4000, s31;
	v5 =	vld.idx.msk [tilespmem:v1+s19+$0xFFFFFFE0 ss:$0x1], $0xffff;
	[tilespmem:v0+s19+$0x30 ss:$0x1] =	vst.idx.msk $0xffff, v7  }
0x46: {  	s20 =	simm.s32 $0x400;
	s18 =	simm.s32 $0x80;
	s17 =	sor.u32 $0x8000, s17;
	[tilespmem:v0+s19+$0xFFFFFFC0 ss:$0x1] =	vst.idx.msk $0xffff, v8;
	v7 =	vld.idx.msk [tilespmem:v1+s19+$0xFFFFFFF0 ss:$0x1], $0xffff  }
.LBB1_3:
0x47: {  	p0 =	sne.s32 s20, $0xFE00;
	v8 =	vld.idx.msk [tilespmem:v1+s18+$0x0 ss:$0x1], $0xffff;
	[tilespmem:v0+s19+$0xFFFFFFD0 ss:$0x1] =	vst.idx.msk $0xffff, v6  }
0x48: {  	v9 =	vld.idx.msk [tilespmem:v1+s18+$0xFFFFFF90 ss:$0x1], $0xffff;
	[tilespmem:v0+s19+$0xFFFFFFE0 ss:$0x1] =	vst.idx.msk $0xffff, v4  }
0x49: {  	v6 =	vld.idx.msk [tilespmem:v1+s18+$0xFFFFFFA0 ss:$0x1], $0xffff;
	[tilespmem:v0+s19+$0xFFFFFFF0 ss:$0x1] =	vst.idx.msk $0xffff, v2  }
.Ltmp3:
0x4a: {  	v4 =	vld.idx.msk [tilespmem:v1+s18+$0xFFFFFFB0 ss:$0x1], $0xffff;
	[tilespmem:v0+s19+$0x0 ss:$0x1] =	vst.idx.msk $0xffff, v3;
	(pc) =	sbr.rel @p0 .LBB1_3-.Ltmp3, $4  }
0x4b: {  	v2 =	vld.idx.msk [tilespmem:v1+s18+$0xFFFFFFC0 ss:$0x1], $0xffff;
	[tilespmem:v0+s19+$0x10 ss:$0x1] =	vst.idx.msk $0xffff, v5  }
0x4c: {  	v3 =	vld.idx.msk [tilespmem:v1+s18+$0xFFFFFFD0 ss:$0x1], $0xffff;
	[tilespmem:v0+s19+$0x20 ss:$0x1] =	vst.idx.msk $0xffff, v7;
	s19 =	smov.u32 s18  }
0x4d: {  	v5 =	vld.idx.msk [tilespmem:v1+s19+$0xFFFFFFE0 ss:$0x1], $0xffff;
	[tilespmem:v0+s19+$0x30 ss:$0x1] =	vst.idx.msk $0xffff, v8  }
0x4e: {  	s18 =	sshra.s32 s20, $0x2;
	s20 =	sadd.s32 $0x200, s20;
	[tilespmem:v0+s19+$0xFFFFFFC0 ss:$0x1] =	vst.idx.msk $0xffff, v9;
	v7 =	vld.idx.msk [tilespmem:v1+s19+$0xFFFFFFF0 ss:$0x1], $0xffff  }
.Ltmp4:
0x4f: {  	_ = 	snop;
	(pc) =	sbr.rel .LBB1_4-.Ltmp4, $1  }
0x50: {  	_ =	sdelay $0x3  }
.LBB1_6:
0x51: {  	_ =	sfence.sel $0x180000  }
0x52: {  	s2 =	simm.s32 $0x1;
	[bflag:$0x0] =	sbarrier.arrive $0xFFFF  }
0x53: {  	s31 =	simm.s32 $0x2;
	[sflag:s2] =	ssyncpa.u1 $0x1  }
0x54: {  	[sflag:s31] =	ssyncpa.u1 $0x1  }
0x55: {  	p0 =	sne.s32 s0, $0x0;
	_ =	strace $0x9000004D  }
0x56: {  	s0 =	sadd.s32 @!p0 $0x100000, s1;
	[bflag:$0x2] =	sbarrier.arrive $0xFFFF  }
0x57: {  	[sflag:s0] =	ssyncadd.tile.s32 @!p0 $0x1;
	_ =	shalt  }
.Lfunc_end1:
_tile_overlayer_lowered:
.L_overlay_start_2:
0x58: {  	(tag) =	ssettag $0x2  }
0x59: {  	s0 =	rddreg [dreg:$0x0];
	s2 =	stileid.u32  }
0x5a: {  	s1 =	rddreg [dreg:$0x1];
	p0 =	sne.s32 s2, $0x0  }
0x5b: {  	s3 =	rddreg [dreg:$0x2];
	[bflag:$0x3] =	sbarrier.arrive $0xFFFF;
	s2 =	simm.s32 @!p0 $0x1C01  }
0x5c: {  	[timem:s3], [sflag:s2] =	dma.local @!p0 [hbm:s0], s1  }
0x5d: {  	s0 =	simm.s32 @!p0 $0x1  }
0x5e: {  	_ =	swait.ge @!p0 [sflag:s0], s1  }
0x5f: {  	s1 =	ssub.s32 @!p0 $0x0, s1;
	[sflag:s0] =	ssyncset.done @!p0 $0x0  }
0x60: {  	[sflag:s0] =	ssyncadd.s32 @!p0 s1  }
0x61: {  	[bflag:$0x3] =	sbarrier.arrive $0xFFFF  }
0x62: {  	_ =	shalt  }

</sc_bundles>
